<compile_context>
chip_gen: v7x
topology: tpu7x:2x2x1
jax: 0.10.2.dev20260603
libtpu: 0.0.44.dev20260713+nightly
codegen_flags: <defaults>
</compile_context>

<pallas_src>
import functools

import jax
import jax.numpy as jnp
from jax import lax
from jax.experimental import pallas as pl
from jax.experimental.pallas import tpu as pltpu
from jax.experimental.pallas import tpu_sc as plsc

N = 10000
E = 160000
D_IN = 256
D_H = 512
D_OUT = 128
G = 64
EPS = 1e-5

NPAD = 10240
BLK = 256
NBLK = NPAD // BLK
NSUB = 16
NCORE = 2
EB = 80
ET = EB * 128
EPAD = NSUB * ET
ROWS_PER_SUB = NPAD // NSUB



def _make_segsum(cw):
    C = NCORE

    mesh = plsc.VectorSubcoreMesh(core_axis_name="c", subcore_axis_name="s",
                                  num_cores=NCORE, num_subcores=NSUB)
    out_type = [jax.ShapeDtypeStruct((NPAD, cw), jnp.bfloat16)] * C
    scratch = [
        pltpu.VMEM((EB, 128), jnp.int32),
        pltpu.VMEM((EB, 128), jnp.int32),
        pltpu.VMEM((128, cw), jnp.bfloat16),
        pltpu.VMEM((64, cw), jnp.bfloat16),
        pltpu.VMEM_SHARED((NPAD, cw), jnp.bfloat16),
        pltpu.SemaphoreType.DMA,
    ]

    @functools.partial(pl.kernel, out_type=out_type, mesh=mesh,
                       scratch_types=scratch,
                       compiler_params=pltpu.CompilerParams(
                           use_tc_tiling_on_sc=False))
    def seg(*refs):
        h_refs = refs[:C]
        src_hbm = refs[C]
        dst_hbm = refs[C + 1]
        zeros_hbm = refs[C + 2]
        out_refs = refs[C + 3:C + 3 + C]
        src_v, dst_v, rows_v, zbuf, acc, sem = refs[C + 3 + C:]

        cid = lax.axis_index("c")
        sid = lax.axis_index("s")
        row0 = sid * ROWS_PER_SUB

        pltpu.sync_copy(src_hbm.at[sid], src_v)
        pltpu.sync_copy(dst_hbm.at[sid], dst_v)
        pltpu.sync_copy(zeros_hbm, zbuf)

        for cc in range(NCORE):
            @pl.when(cid == cc)
            def _():
                h_hbm = h_refs[cc]
                out_hbm = out_refs[cc]

                for k in range(ROWS_PER_SUB // 64):
                    pltpu.sync_copy(
                        zbuf, acc.at[pl.ds(row0 + k * 64, 64)])
                plsc.subcore_barrier()

                def body(j, carry):
                    pltpu.async_copy(
                        h_hbm.at[src_v.at[j]], rows_v, sem).wait()
                    pltpu.sync_copy(
                        rows_v, acc.at[dst_v.at[j]], add=True)
                    return carry

                lax.fori_loop(0, EB, body, 0)
                plsc.subcore_barrier()

                for k in range(ROWS_PER_SUB // 128):
                    pltpu.sync_copy(
                        acc.at[pl.ds(row0 + k * 128, 128)], rows_v)
                    pltpu.sync_copy(
                        rows_v, out_hbm.at[pl.ds(row0 + k * 128, 128)])

    return seg


@functools.lru_cache(maxsize=None)
def _get_segsum(cw):
    return _make_segsum(cw)



OCW = D_H // NCORE


def _dense_layer(agg_chunks, h_chunks, W_rel, Wf, bf, gamma, beta):
    cw_in = agg_chunks[0].shape[1]
    Din = cw_in * NCORE

    def body(*refs):
        aggs = refs[:NCORE]
        hs = refs[NCORE:2 * NCORE]
        w_rel, wf, bfr, gr, br = refs[2 * NCORE:2 * NCORE + 5]
        outs = refs[2 * NCORE + 5:]
        a = jnp.concatenate(
            [r[...] for r in aggs], axis=1).astype(jnp.float32)
        x = jnp.concatenate(
            [r[...] for r in hs], axis=1).astype(jnp.float32)
        h = (jnp.dot(a, w_rel[...], preferred_element_type=jnp.float32)
             + jnp.dot(x, wf[...], preferred_element_type=jnp.float32)
             + bfr[...])
        mu = jnp.mean(h, axis=1, keepdims=True)
        hc = h - mu
        var = jnp.mean(hc * hc, axis=1, keepdims=True)
        h = hc * lax.rsqrt(var + EPS) * gr[...] + br[...]
        h = jnp.maximum(h, 0.0).astype(jnp.bfloat16)
        for c in range(NCORE):
            outs[c][...] = h[:, c * OCW:(c + 1) * OCW]

    in_specs = (
        [pl.BlockSpec((BLK, cw_in), lambda i: (i, 0))] * (2 * NCORE)
        + [pl.BlockSpec((Din, D_H), lambda i: (0, 0))] * 2
        + [pl.BlockSpec((1, D_H), lambda i: (0, 0))] * 3
    )
    out_specs = [pl.BlockSpec((BLK, OCW), lambda i: (i, 0))] * NCORE
    out_shape = [jax.ShapeDtypeStruct((NPAD, OCW), jnp.bfloat16)] * NCORE
    fn = pl.pallas_call(
        body,
        grid=(NBLK,),
        in_specs=in_specs,
        out_specs=out_specs,
        out_shape=out_shape,
        compiler_params=pltpu.CompilerParams(
            dimension_semantics=("parallel",)),
    )
    return fn(*agg_chunks, *h_chunks, W_rel, Wf,
              bf.reshape(1, D_H), gamma.reshape(1, D_H), beta.reshape(1, D_H))


def _final_layer(agg_chunks, h_chunks, W_rel, Wf, bf, gamma, beta,
                 batch3d, W_final):
    cw_in = agg_chunks[0].shape[1]
    Din = cw_in * NCORE

    def body(*refs):
        aggs = refs[:NCORE]
        hs = refs[NCORE:2 * NCORE]
        w_rel, wf, bfr, gr, br, batch_r, w_fin = refs[2 * NCORE:2 * NCORE + 7]
        out_r = refs[2 * NCORE + 7]
        sums, counts = refs[2 * NCORE + 8:]

        i = pl.program_id(0)

        a = jnp.concatenate(
            [r[...] for r in aggs], axis=1).astype(jnp.float32)
        x = jnp.concatenate(
            [r[...] for r in hs], axis=1).astype(jnp.float32)
        h = (jnp.dot(a, w_rel[...], preferred_element_type=jnp.float32)
             + jnp.dot(x, wf[...], preferred_element_type=jnp.float32)
             + bfr[...])
        mu = jnp.mean(h, axis=1, keepdims=True)
        hc = h - mu
        var = jnp.mean(hc * hc, axis=1, keepdims=True)
        h = hc * lax.rsqrt(var + EPS) * gr[...] + br[...]
        h = jnp.maximum(h, 0.0)

        b = batch_r[...].reshape(1, BLK)
        gi = lax.broadcasted_iota(jnp.int32, (G, BLK), 0)
        P = (gi == b).astype(jnp.float32)
        psum = jnp.dot(P, h, preferred_element_type=jnp.float32)
        pcnt = jnp.sum(P, axis=1, keepdims=True)

        @pl.when(i == 0)
        def _():
            sums[...] = jnp.zeros_like(sums)
            counts[...] = jnp.zeros_like(counts)

        sums[...] += psum
        counts[...] += jnp.broadcast_to(pcnt, (G, 128))

        @pl.when(i == NBLK - 1)
        def _():
            pooled = sums[...] / jnp.maximum(counts[...][:, 0:1], 1.0)
            out_r[...] = jnp.dot(pooled, w_fin[...],
                                 preferred_element_type=jnp.float32)

    in_specs = (
        [pl.BlockSpec((BLK, cw_in), lambda i: (i, 0))] * (2 * NCORE)
        + [pl.BlockSpec((Din, D_H), lambda i: (0, 0))] * 2
        + [pl.BlockSpec((1, D_H), lambda i: (0, 0))] * 3
        + [pl.BlockSpec((1, 1, BLK), lambda i: (i, 0, 0)),
           pl.BlockSpec((D_H, D_OUT), lambda i: (0, 0))]
    )
    fn = pl.pallas_call(
        body,
        grid=(NBLK,),
        in_specs=in_specs,
        out_specs=pl.BlockSpec((G, D_OUT), lambda i: (0, 0)),
        out_shape=jax.ShapeDtypeStruct((G, D_OUT), jnp.float32),
        scratch_shapes=[pltpu.VMEM((G, D_H), jnp.float32),
                        pltpu.VMEM((G, 128), jnp.float32)],
        compiler_params=pltpu.CompilerParams(
            dimension_semantics=("arbitrary",)),
    )
    return fn(*agg_chunks, *h_chunks, W_rel, Wf,
              bf.reshape(1, D_H), gamma.reshape(1, D_H), beta.reshape(1, D_H),
              batch3d, W_final)



@jax.jit
def kernel(x, edge_index, batch,
           W_rel0, b_rel0, W_root0, W_res0, b_res0, gamma0, beta0,
           W_rel1, b_rel1, W_root1, W_res1, b_res1, gamma1, beta1,
           W_rel2, b_rel2, W_root2, W_res2, b_res2, gamma2, beta2,
           W_final):
    src = edge_index[0]
    dst = edge_index[1]
    srcp = jnp.concatenate(
        [src, jnp.zeros((EPAD - E,), jnp.int32)]).reshape(NSUB, EB, 128)
    dstp = jnp.concatenate(
        [dst, jnp.full((EPAD - E,), NPAD - 1, jnp.int32)]).reshape(NSUB, EB, 128)
    zeros128 = jnp.zeros((64, 128), jnp.bfloat16)
    zeros256 = jnp.zeros((64, OCW), jnp.bfloat16)

    xp = jnp.pad(x, ((0, NPAD - N), (0, 0))).astype(jnp.bfloat16)
    h_chunks = [xp[:, :128], xp[:, 128:]]
    batch3d = jnp.concatenate(
        [batch, jnp.full((NPAD - N,), G, jnp.int32)]).reshape(NBLK, 1, BLK)

    params = [
        (W_rel0, W_root0 + W_res0, b_rel0 + b_res0, gamma0, beta0),
        (W_rel1, W_root1 + W_res1, b_rel1 + b_res1, gamma1, beta1),
        (W_rel2, W_root2 + W_res2, b_rel2 + b_res2, gamma2, beta2),
    ]

    aggs = _get_segsum(128)(*h_chunks, srcp, dstp, zeros128)
    h_chunks = _dense_layer(aggs, h_chunks, *params[0])

    aggs = _get_segsum(OCW)(*h_chunks, srcp, dstp, zeros256)
    h_chunks = _dense_layer(aggs, h_chunks, *params[1])

    aggs = _get_segsum(OCW)(*h_chunks, srcp, dstp, zeros256)
    return _final_layer(aggs, h_chunks, *params[2], batch3d, W_final)

# --- scband reference (transcript-rebuilt; emitter-appended) ---
"""Pipeline reference for scband-graph-conv-network-76828374991624 (READ-ONLY COPY).

The authoritative reference and input builder live on the scoring server;
editing this copy changes nothing except your own understanding.
"""

import jax, jax.numpy as jnp
import numpy as np

N = 10000
E = 160000
D_IN = 256
D_H = 512
D_OUT = 128
G = 64
EPS = 1e-5


def _glorot(key, shape):
    fan_in = shape[0]
    return jax.random.normal(key, shape, dtype=jnp.float32) * (1.0 / np.sqrt(fan_in))


def setup_inputs(seed: int = 0):
    key = jax.random.key(seed)
    ks = jax.random.split(key, 30)
    inp = {}
    inp["x"] = jax.random.normal(ks[0], (N, D_IN), dtype=jnp.float32)
    inp["edge_index"] = jax.random.randint(ks[1], (2, E), 0, N, dtype=jnp.int32)
    inp["batch"] = jnp.sort(jax.random.randint(ks[2], (N,), 0, G, dtype=jnp.int32))
    dims = [(D_IN, D_H), (D_H, D_H), (D_H, D_H)]
    k = 3
    for i, (di, do) in enumerate(dims):
        inp[f"W_rel{i}"] = _glorot(ks[k], (di, do)); k += 1
        inp[f"b_rel{i}"] = jnp.zeros((do,), dtype=jnp.float32)
        inp[f"W_root{i}"] = _glorot(ks[k], (di, do)); k += 1
        inp[f"W_res{i}"] = _glorot(ks[k], (di, do)); k += 1
        inp[f"b_res{i}"] = jnp.zeros((do,), dtype=jnp.float32)
        inp[f"gamma{i}"] = jnp.ones((do,), dtype=jnp.float32)
        inp[f"beta{i}"] = jnp.zeros((do,), dtype=jnp.float32)
    inp["W_final"] = _glorot(ks[k], (D_H, D_OUT))
    return inp


def _layer(x, src, dst, W_rel, b_rel, W_root, W_res, b_res, gamma, beta):
    # GraphConv: lin_rel(sum_{j->i} x_j) + lin_root(x_i)
    agg = jax.ops.segment_sum(x[src], dst, num_segments=N)
    h = agg @ W_rel + b_rel + x @ W_root
    # residual connection (Linear with bias) added to conv output
    h = h + x @ W_res + b_res
    # LayerNorm
    mu = jnp.mean(h, axis=-1, keepdims=True)
    var = jnp.var(h, axis=-1, keepdims=True)
    h = (h - mu) / jnp.sqrt(var + EPS) * gamma + beta
    # ReLU (dropout is identity in eval)
    return jax.nn.relu(h)


def reference(x, edge_index, batch,
              W_rel0, b_rel0, W_root0, W_res0, b_res0, gamma0, beta0,
              W_rel1, b_rel1, W_root1, W_res1, b_res1, gamma1, beta1,
              W_rel2, b_rel2, W_root2, W_res2, b_res2, gamma2, beta2,
              W_final):
    src = edge_index[0]
    dst = edge_index[1]
    h = _layer(x, src, dst, W_rel0, b_rel0, W_root0, W_res0, b_res0, gamma0, beta0)
    h = _layer(h, src, dst, W_rel1, b_rel1, W_root1, W_res1, b_res1, gamma1, beta1)
    h = _layer(h, src, dst, W_rel2, b_rel2, W_root2, W_res2, b_res2, gamma2, beta2)
    # global_mean_pool
    sums = jax.ops.segment_sum(h, batch, num_segments=G)
    counts = jax.ops.segment_sum(jnp.ones((N, 1), dtype=h.dtype), batch, num_segments=G)
    pooled = sums / jnp.clip(counts, 1.0)
    # final dense (no bias), type==1
    return pooled @ W_final

if __name__ == "__main__":
    import jax
    _d = setup_inputs()
    print(jax.jit(kernel)(*tuple(_d.values())))

</pallas_src>

<mosaic_0001>
#map = affine_map<(d0, d1) -> (0, 0)>
#map1 = affine_map<(d0, d1) -> (0, 0, 0)>
module attributes {stable_mosaic.version = 14 : i64} {
  func.func @seg(%arg0: i32, %arg1: i32, %arg2: memref<10240x256xbf16, #tpu.memory_space<hbm>>, %arg3: memref<10240x256xbf16, #tpu.memory_space<hbm>>, %arg4: memref<16x80x128xi32, #tpu.memory_space<hbm>>, %arg5: memref<16x80x128xi32, #tpu.memory_space<hbm>>, %arg6: memref<64x256xbf16, #tpu.memory_space<hbm>>, %arg7: memref<10240x256xbf16, #tpu.memory_space<hbm>>, %arg8: memref<10240x256xbf16, #tpu.memory_space<hbm>>, %arg9: memref<80x128xi32, #tpu.memory_space<vmem>>, %arg10: memref<80x128xi32, #tpu.memory_space<vmem>>, %arg11: memref<128x256xbf16, #tpu.memory_space<vmem>>, %arg12: memref<64x256xbf16, #tpu.memory_space<vmem>>, %arg13: memref<10240x256xbf16, #tpu.memory_space<vmem_shared>>, %arg14: memref<!tpu.dma_semaphore, #tpu.memory_space<semaphore_mem>>) attributes {dimension_semantics = [#tpu.dimension_semantics<core_parallel>, #tpu.dimension_semantics<subcore_parallel>], iteration_bounds = array<i64: 2, 16>, scalar_prefetch = 0 : i64, scratch_operands = 6 : i64, tpu.core_type = #tpu.core_type<sc_vector_subcore>, window_params = [{transform_indices = #map}, {transform_indices = #map}, {transform_indices = #map1}, {transform_indices = #map1}, {transform_indices = #map}, {transform_indices = #map}, {transform_indices = #map}]} {
    %mul3A = arith.constant 640 : i32
    %mul3A_0 = arith.muli %arg1, %mul3A : i32
    "tpu.region"() ({
      %run_scoped3A = tpu.sem_alloc : memref<!tpu.dma_semaphore, #tpu.memory_space<semaphore_mem>>
      %dma_start3A = arith.constant 0 : i32
      %dma_start3A_8 = arith.constant 0 : i32
      %dma_start3A_9 = tpu.memref_slice %arg4[%arg1, %dma_start3A, %dma_start3A_8] : memref<16x80x128xi32, #tpu.memory_space<hbm>> -> memref<1x80x128xi32, #tpu.memory_space<hbm>>
      %dma_start3A_10 = tpu.memref_squeeze %dma_start3A_9 : memref<1x80x128xi32, #tpu.memory_space<hbm>> -> memref<80x128xi32, #tpu.memory_space<hbm>>
      %dma_start3A_11 = arith.constant 0 : i32
      %dma_start3A_12 = arith.constant 0 : i32
      %dma_start3A_13 = tpu.memref_slice %arg4[%arg1, %dma_start3A_11, %dma_start3A_12] : memref<16x80x128xi32, #tpu.memory_space<hbm>> -> memref<1x80x128xi32, #tpu.memory_space<hbm>>
      %dma_start3A_14 = tpu.memref_squeeze %dma_start3A_13 : memref<1x80x128xi32, #tpu.memory_space<hbm>> -> memref<80x128xi32, #tpu.memory_space<hbm>>
      tpu.enqueue_dma source(%dma_start3A_14 : memref<80x128xi32, #tpu.memory_space<hbm>>) target(%arg9 : memref<80x128xi32, #tpu.memory_space<vmem>>) target_semaphore(%run_scoped3A : memref<!tpu.dma_semaphore, #tpu.memory_space<semaphore_mem>>)
      %dma_wait3A = arith.constant 0 : i32
      %dma_wait3A_15 = arith.constant 0 : i32
      %dma_wait3A_16 = tpu.memref_slice %arg4[%arg1, %dma_wait3A, %dma_wait3A_15] : memref<16x80x128xi32, #tpu.memory_space<hbm>> -> memref<1x80x128xi32, #tpu.memory_space<hbm>>
      %dma_wait3A_17 = tpu.memref_squeeze %dma_wait3A_16 : memref<1x80x128xi32, #tpu.memory_space<hbm>> -> memref<80x128xi32, #tpu.memory_space<hbm>>
      %dma_wait3A_18 = arith.constant 0 : i32
      %dma_wait3A_19 = arith.constant 0 : i32
      %dma_wait3A_20 = tpu.memref_slice %arg4[%arg1, %dma_wait3A_18, %dma_wait3A_19] : memref<16x80x128xi32, #tpu.memory_space<hbm>> -> memref<1x80x128xi32, #tpu.memory_space<hbm>>
      %dma_wait3A_21 = tpu.memref_squeeze %dma_wait3A_20 : memref<1x80x128xi32, #tpu.memory_space<hbm>> -> memref<80x128xi32, #tpu.memory_space<hbm>>
      tpu.wait_dma2 semaphore(%run_scoped3A : memref<!tpu.dma_semaphore, #tpu.memory_space<semaphore_mem>>) src(%dma_wait3A_21 : memref<80x128xi32, #tpu.memory_space<hbm>>) dst(%arg9 : memref<80x128xi32, #tpu.memory_space<vmem>>)
      tpu.yield
    }) : () -> ()
    "tpu.region"() ({
      %run_scoped3A = tpu.sem_alloc : memref<!tpu.dma_semaphore, #tpu.memory_space<semaphore_mem>>
      %dma_start3A = arith.constant 0 : i32
      %dma_start3A_8 = arith.constant 0 : i32
      %dma_start3A_9 = tpu.memref_slice %arg5[%arg1, %dma_start3A, %dma_start3A_8] : memref<16x80x128xi32, #tpu.memory_space<hbm>> -> memref<1x80x128xi32, #tpu.memory_space<hbm>>
      %dma_start3A_10 = tpu.memref_squeeze %dma_start3A_9 : memref<1x80x128xi32, #tpu.memory_space<hbm>> -> memref<80x128xi32, #tpu.memory_space<hbm>>
      %dma_start3A_11 = arith.constant 0 : i32
      %dma_start3A_12 = arith.constant 0 : i32
      %dma_start3A_13 = tpu.memref_slice %arg5[%arg1, %dma_start3A_11, %dma_start3A_12] : memref<16x80x128xi32, #tpu.memory_space<hbm>> -> memref<1x80x128xi32, #tpu.memory_space<hbm>>
      %dma_start3A_14 = tpu.memref_squeeze %dma_start3A_13 : memref<1x80x128xi32, #tpu.memory_space<hbm>> -> memref<80x128xi32, #tpu.memory_space<hbm>>
      tpu.enqueue_dma source(%dma_start3A_14 : memref<80x128xi32, #tpu.memory_space<hbm>>) target(%arg10 : memref<80x128xi32, #tpu.memory_space<vmem>>) target_semaphore(%run_scoped3A : memref<!tpu.dma_semaphore, #tpu.memory_space<semaphore_mem>>)
      %dma_wait3A = arith.constant 0 : i32
      %dma_wait3A_15 = arith.constant 0 : i32
      %dma_wait3A_16 = tpu.memref_slice %arg5[%arg1, %dma_wait3A, %dma_wait3A_15] : memref<16x80x128xi32, #tpu.memory_space<hbm>> -> memref<1x80x128xi32, #tpu.memory_space<hbm>>
      %dma_wait3A_17 = tpu.memref_squeeze %dma_wait3A_16 : memref<1x80x128xi32, #tpu.memory_space<hbm>> -> memref<80x128xi32, #tpu.memory_space<hbm>>
      %dma_wait3A_18 = arith.constant 0 : i32
      %dma_wait3A_19 = arith.constant 0 : i32
      %dma_wait3A_20 = tpu.memref_slice %arg5[%arg1, %dma_wait3A_18, %dma_wait3A_19] : memref<16x80x128xi32, #tpu.memory_space<hbm>> -> memref<1x80x128xi32, #tpu.memory_space<hbm>>
      %dma_wait3A_21 = tpu.memref_squeeze %dma_wait3A_20 : memref<1x80x128xi32, #tpu.memory_space<hbm>> -> memref<80x128xi32, #tpu.memory_space<hbm>>
      tpu.wait_dma2 semaphore(%run_scoped3A : memref<!tpu.dma_semaphore, #tpu.memory_space<semaphore_mem>>) src(%dma_wait3A_21 : memref<80x128xi32, #tpu.memory_space<hbm>>) dst(%arg10 : memref<80x128xi32, #tpu.memory_space<vmem>>)
      tpu.yield
    }) : () -> ()
    "tpu.region"() ({
      %run_scoped3A = tpu.sem_alloc : memref<!tpu.dma_semaphore, #tpu.memory_space<semaphore_mem>>
      tpu.enqueue_dma source(%arg6 : memref<64x256xbf16, #tpu.memory_space<hbm>>) target(%arg12 : memref<64x256xbf16, #tpu.memory_space<vmem>>) target_semaphore(%run_scoped3A : memref<!tpu.dma_semaphore, #tpu.memory_space<semaphore_mem>>)
      tpu.wait_dma2 semaphore(%run_scoped3A : memref<!tpu.dma_semaphore, #tpu.memory_space<semaphore_mem>>) src(%arg6 : memref<64x256xbf16, #tpu.memory_space<hbm>>) dst(%arg12 : memref<64x256xbf16, #tpu.memory_space<vmem>>)
      tpu.yield
    }) : () -> ()
    %eq3A = arith.constant 0 : i32
    %eq3A_1 = arith.cmpi eq, %arg0, %eq3A : i32
    %convert_element_type3A = arith.extui %eq3A_1 : i1 to i32
    %cond3A = arith.constant 0 : i32
    %cond3A_2 = arith.cmpi ne, %convert_element_type3A, %cond3A : i32
    scf.if %cond3A_2 {
      %add3A = arith.constant 0 : i32
      %add3A_8 = arith.addi %mul3A_0, %add3A : i32
      "tpu.region"() ({
        %run_scoped3A = tpu.sem_alloc : memref<!tpu.dma_semaphore, #tpu.memory_space<semaphore_mem>>
        %dma_start3A = arith.constant 0 : i32
        %dma_start3A_53 = tpu.memref_slice %arg13[%add3A_8, %dma_start3A] : memref<10240x256xbf16, #tpu.memory_space<vmem_shared>> -> memref<64x256xbf16, #tpu.memory_space<vmem_shared>>
        %dma_start3A_54 = arith.constant 0 : i32
        %dma_start3A_55 = tpu.memref_slice %arg13[%add3A_8, %dma_start3A_54] : memref<10240x256xbf16, #tpu.memory_space<vmem_shared>> -> memref<64x256xbf16, #tpu.memory_space<vmem_shared>>
        tpu.enqueue_dma source(%arg12 : memref<64x256xbf16, #tpu.memory_space<vmem>>) target(%dma_start3A_55 : memref<64x256xbf16, #tpu.memory_space<vmem_shared>>) target_semaphore(%run_scoped3A : memref<!tpu.dma_semaphore, #tpu.memory_space<semaphore_mem>>)
        %dma_wait3A = arith.constant 0 : i32
        %dma_wait3A_56 = tpu.memref_slice %arg13[%add3A_8, %dma_wait3A] : memref<10240x256xbf16, #tpu.memory_space<vmem_shared>> -> memref<64x256xbf16, #tpu.memory_space<vmem_shared>>
        %dma_wait3A_57 = arith.constant 0 : i32
        %dma_wait3A_58 = tpu.memref_slice %arg13[%add3A_8, %dma_wait3A_57] : memref<10240x256xbf16, #tpu.memory_space<vmem_shared>> -> memref<64x256xbf16, #tpu.memory_space<vmem_shared>>
        tpu.wait_dma2 semaphore(%run_scoped3A : memref<!tpu.dma_semaphore, #tpu.memory_space<semaphore_mem>>) src(%arg12 : memref<64x256xbf16, #tpu.memory_space<vmem>>) dst(%dma_wait3A_58 : memref<64x256xbf16, #tpu.memory_space<vmem_shared>>)
        tpu.yield
      }) : () -> ()
      %add3A_9 = arith.constant 64 : i32
      %add3A_10 = arith.addi %mul3A_0, %add3A_9 : i32
      "tpu.region"() ({
        %run_scoped3A = tpu.sem_alloc : memref<!tpu.dma_semaphore, #tpu.memory_space<semaphore_mem>>
        %dma_start3A = arith.constant 0 : i32
        %dma_start3A_53 = tpu.memref_slice %arg13[%add3A_10, %dma_start3A] : memref<10240x256xbf16, #tpu.memory_space<vmem_shared>> -> memref<64x256xbf16, #tpu.memory_space<vmem_shared>>
        %dma_start3A_54 = arith.constant 0 : i32
        %dma_start3A_55 = tpu.memref_slice %arg13[%add3A_10, %dma_start3A_54] : memref<10240x256xbf16, #tpu.memory_space<vmem_shared>> -> memref<64x256xbf16, #tpu.memory_space<vmem_shared>>
        tpu.enqueue_dma source(%arg12 : memref<64x256xbf16, #tpu.memory_space<vmem>>) target(%dma_start3A_55 : memref<64x256xbf16, #tpu.memory_space<vmem_shared>>) target_semaphore(%run_scoped3A : memref<!tpu.dma_semaphore, #tpu.memory_space<semaphore_mem>>)
        %dma_wait3A = arith.constant 0 : i32
        %dma_wait3A_56 = tpu.memref_slice %arg13[%add3A_10, %dma_wait3A] : memref<10240x256xbf16, #tpu.memory_space<vmem_shared>> -> memref<64x256xbf16, #tpu.memory_space<vmem_shared>>
        %dma_wait3A_57 = arith.constant 0 : i32
        %dma_wait3A_58 = tpu.memref_slice %arg13[%add3A_10, %dma_wait3A_57] : memref<10240x256xbf16, #tpu.memory_space<vmem_shared>> -> memref<64x256xbf16, #tpu.memory_space<vmem_shared>>
        tpu.wait_dma2 semaphore(%run_scoped3A : memref<!tpu.dma_semaphore, #tpu.memory_space<semaphore_mem>>) src(%arg12 : memref<64x256xbf16, #tpu.memory_space<vmem>>) dst(%dma_wait3A_58 : memref<64x256xbf16, #tpu.memory_space<vmem_shared>>)
        tpu.yield
      }) : () -> ()
      %add3A_11 = arith.constant 128 : i32
      %add3A_12 = arith.addi %mul3A_0, %add3A_11 : i32
      "tpu.region"() ({
        %run_scoped3A = tpu.sem_alloc : memref<!tpu.dma_semaphore, #tpu.memory_space<semaphore_mem>>
        %dma_start3A = arith.constant 0 : i32
        %dma_start3A_53 = tpu.memref_slice %arg13[%add3A_12, %dma_start3A] : memref<10240x256xbf16, #tpu.memory_space<vmem_shared>> -> memref<64x256xbf16, #tpu.memory_space<vmem_shared>>
        %dma_start3A_54 = arith.constant 0 : i32
        %dma_start3A_55 = tpu.memref_slice %arg13[%add3A_12, %dma_start3A_54] : memref<10240x256xbf16, #tpu.memory_space<vmem_shared>> -> memref<64x256xbf16, #tpu.memory_space<vmem_shared>>
        tpu.enqueue_dma source(%arg12 : memref<64x256xbf16, #tpu.memory_space<vmem>>) target(%dma_start3A_55 : memref<64x256xbf16, #tpu.memory_space<vmem_shared>>) target_semaphore(%run_scoped3A : memref<!tpu.dma_semaphore, #tpu.memory_space<semaphore_mem>>)
        %dma_wait3A = arith.constant 0 : i32
        %dma_wait3A_56 = tpu.memref_slice %arg13[%add3A_12, %dma_wait3A] : memref<10240x256xbf16, #tpu.memory_space<vmem_shared>> -> memref<64x256xbf16, #tpu.memory_space<vmem_shared>>
        %dma_wait3A_57 = arith.constant 0 : i32
        %dma_wait3A_58 = tpu.memref_slice %arg13[%add3A_12, %dma_wait3A_57] : memref<10240x256xbf16, #tpu.memory_space<vmem_shared>> -> memref<64x256xbf16, #tpu.memory_space<vmem_shared>>
        tpu.wait_dma2 semaphore(%run_scoped3A : memref<!tpu.dma_semaphore, #tpu.memory_space<semaphore_mem>>) src(%arg12 : memref<64x256xbf16, #tpu.memory_space<vmem>>) dst(%dma_wait3A_58 : memref<64x256xbf16, #tpu.memory_space<vmem_shared>>)
        tpu.yield
      }) : () -> ()
      %add3A_13 = arith.constant 192 : i32
      %add3A_14 = arith.addi %mul3A_0, %add3A_13 : i32
      "tpu.region"() ({
        %run_scoped3A = tpu.sem_alloc : memref<!tpu.dma_semaphore, #tpu.memory_space<semaphore_mem>>
        %dma_start3A = arith.constant 0 : i32
        %dma_start3A_53 = tpu.memref_slice %arg13[%add3A_14, %dma_start3A] : memref<10240x256xbf16, #tpu.memory_space<vmem_shared>> -> memref<64x256xbf16, #tpu.memory_space<vmem_shared>>
        %dma_start3A_54 = arith.constant 0 : i32
        %dma_start3A_55 = tpu.memref_slice %arg13[%add3A_14, %dma_start3A_54] : memref<10240x256xbf16, #tpu.memory_space<vmem_shared>> -> memref<64x256xbf16, #tpu.memory_space<vmem_shared>>
        tpu.enqueue_dma source(%arg12 : memref<64x256xbf16, #tpu.memory_space<vmem>>) target(%dma_start3A_55 : memref<64x256xbf16, #tpu.memory_space<vmem_shared>>) target_semaphore(%run_scoped3A : memref<!tpu.dma_semaphore, #tpu.memory_space<semaphore_mem>>)
        %dma_wait3A = arith.constant 0 : i32
        %dma_wait3A_56 = tpu.memref_slice %arg13[%add3A_14, %dma_wait3A] : memref<10240x256xbf16, #tpu.memory_space<vmem_shared>> -> memref<64x256xbf16, #tpu.memory_space<vmem_shared>>
        %dma_wait3A_57 = arith.constant 0 : i32
        %dma_wait3A_58 = tpu.memref_slice %arg13[%add3A_14, %dma_wait3A_57] : memref<10240x256xbf16, #tpu.memory_space<vmem_shared>> -> memref<64x256xbf16, #tpu.memory_space<vmem_shared>>
        tpu.wait_dma2 semaphore(%run_scoped3A : memref<!tpu.dma_semaphore, #tpu.memory_space<semaphore_mem>>) src(%arg12 : memref<64x256xbf16, #tpu.memory_space<vmem>>) dst(%dma_wait3A_58 : memref<64x256xbf16, #tpu.memory_space<vmem_shared>>)
        tpu.yield
      }) : () -> ()
      %add3A_15 = arith.constant 256 : i32
      %add3A_16 = arith.addi %mul3A_0, %add3A_15 : i32
      "tpu.region"() ({
        %run_scoped3A = tpu.sem_alloc : memref<!tpu.dma_semaphore, #tpu.memory_space<semaphore_mem>>
        %dma_start3A = arith.constant 0 : i32
        %dma_start3A_53 = tpu.memref_slice %arg13[%add3A_16, %dma_start3A] : memref<10240x256xbf16, #tpu.memory_space<vmem_shared>> -> memref<64x256xbf16, #tpu.memory_space<vmem_shared>>
        %dma_start3A_54 = arith.constant 0 : i32
        %dma_start3A_55 = tpu.memref_slice %arg13[%add3A_16, %dma_start3A_54] : memref<10240x256xbf16, #tpu.memory_space<vmem_shared>> -> memref<64x256xbf16, #tpu.memory_space<vmem_shared>>
        tpu.enqueue_dma source(%arg12 : memref<64x256xbf16, #tpu.memory_space<vmem>>) target(%dma_start3A_55 : memref<64x256xbf16, #tpu.memory_space<vmem_shared>>) target_semaphore(%run_scoped3A : memref<!tpu.dma_semaphore, #tpu.memory_space<semaphore_mem>>)
        %dma_wait3A = arith.constant 0 : i32
        %dma_wait3A_56 = tpu.memref_slice %arg13[%add3A_16, %dma_wait3A] : memref<10240x256xbf16, #tpu.memory_space<vmem_shared>> -> memref<64x256xbf16, #tpu.memory_space<vmem_shared>>
        %dma_wait3A_57 = arith.constant 0 : i32
        %dma_wait3A_58 = tpu.memref_slice %arg13[%add3A_16, %dma_wait3A_57] : memref<10240x256xbf16, #tpu.memory_space<vmem_shared>> -> memref<64x256xbf16, #tpu.memory_space<vmem_shared>>
        tpu.wait_dma2 semaphore(%run_scoped3A : memref<!tpu.dma_semaphore, #tpu.memory_space<semaphore_mem>>) src(%arg12 : memref<64x256xbf16, #tpu.memory_space<vmem>>) dst(%dma_wait3A_58 : memref<64x256xbf16, #tpu.memory_space<vmem_shared>>)
        tpu.yield
      }) : () -> ()
      %add3A_17 = arith.constant 320 : i32
      %add3A_18 = arith.addi %mul3A_0, %add3A_17 : i32
      "tpu.region"() ({
        %run_scoped3A = tpu.sem_alloc : memref<!tpu.dma_semaphore, #tpu.memory_space<semaphore_mem>>
        %dma_start3A = arith.constant 0 : i32
        %dma_start3A_53 = tpu.memref_slice %arg13[%add3A_18, %dma_start3A] : memref<10240x256xbf16, #tpu.memory_space<vmem_shared>> -> memref<64x256xbf16, #tpu.memory_space<vmem_shared>>
        %dma_start3A_54 = arith.constant 0 : i32
        %dma_start3A_55 = tpu.memref_slice %arg13[%add3A_18, %dma_start3A_54] : memref<10240x256xbf16, #tpu.memory_space<vmem_shared>> -> memref<64x256xbf16, #tpu.memory_space<vmem_shared>>
        tpu.enqueue_dma source(%arg12 : memref<64x256xbf16, #tpu.memory_space<vmem>>) target(%dma_start3A_55 : memref<64x256xbf16, #tpu.memory_space<vmem_shared>>) target_semaphore(%run_scoped3A : memref<!tpu.dma_semaphore, #tpu.memory_space<semaphore_mem>>)
        %dma_wait3A = arith.constant 0 : i32
        %dma_wait3A_56 = tpu.memref_slice %arg13[%add3A_18, %dma_wait3A] : memref<10240x256xbf16, #tpu.memory_space<vmem_shared>> -> memref<64x256xbf16, #tpu.memory_space<vmem_shared>>
        %dma_wait3A_57 = arith.constant 0 : i32
        %dma_wait3A_58 = tpu.memref_slice %arg13[%add3A_18, %dma_wait3A_57] : memref<10240x256xbf16, #tpu.memory_space<vmem_shared>> -> memref<64x256xbf16, #tpu.memory_space<vmem_shared>>
        tpu.wait_dma2 semaphore(%run_scoped3A : memref<!tpu.dma_semaphore, #tpu.memory_space<semaphore_mem>>) src(%arg12 : memref<64x256xbf16, #tpu.memory_space<vmem>>) dst(%dma_wait3A_58 : memref<64x256xbf16, #tpu.memory_space<vmem_shared>>)
        tpu.yield
      }) : () -> ()
      %add3A_19 = arith.constant 384 : i32
      %add3A_20 = arith.addi %mul3A_0, %add3A_19 : i32
      "tpu.region"() ({
        %run_scoped3A = tpu.sem_alloc : memref<!tpu.dma_semaphore, #tpu.memory_space<semaphore_mem>>
        %dma_start3A = arith.constant 0 : i32
        %dma_start3A_53 = tpu.memref_slice %arg13[%add3A_20, %dma_start3A] : memref<10240x256xbf16, #tpu.memory_space<vmem_shared>> -> memref<64x256xbf16, #tpu.memory_space<vmem_shared>>
        %dma_start3A_54 = arith.constant 0 : i32
        %dma_start3A_55 = tpu.memref_slice %arg13[%add3A_20, %dma_start3A_54] : memref<10240x256xbf16, #tpu.memory_space<vmem_shared>> -> memref<64x256xbf16, #tpu.memory_space<vmem_shared>>
        tpu.enqueue_dma source(%arg12 : memref<64x256xbf16, #tpu.memory_space<vmem>>) target(%dma_start3A_55 : memref<64x256xbf16, #tpu.memory_space<vmem_shared>>) target_semaphore(%run_scoped3A : memref<!tpu.dma_semaphore, #tpu.memory_space<semaphore_mem>>)
        %dma_wait3A = arith.constant 0 : i32
        %dma_wait3A_56 = tpu.memref_slice %arg13[%add3A_20, %dma_wait3A] : memref<10240x256xbf16, #tpu.memory_space<vmem_shared>> -> memref<64x256xbf16, #tpu.memory_space<vmem_shared>>
        %dma_wait3A_57 = arith.constant 0 : i32
        %dma_wait3A_58 = tpu.memref_slice %arg13[%add3A_20, %dma_wait3A_57] : memref<10240x256xbf16, #tpu.memory_space<vmem_shared>> -> memref<64x256xbf16, #tpu.memory_space<vmem_shared>>
        tpu.wait_dma2 semaphore(%run_scoped3A : memref<!tpu.dma_semaphore, #tpu.memory_space<semaphore_mem>>) src(%arg12 : memref<64x256xbf16, #tpu.memory_space<vmem>>) dst(%dma_wait3A_58 : memref<64x256xbf16, #tpu.memory_space<vmem_shared>>)
        tpu.yield
      }) : () -> ()
      %add3A_21 = arith.constant 448 : i32
      %add3A_22 = arith.addi %mul3A_0, %add3A_21 : i32
      "tpu.region"() ({
        %run_scoped3A = tpu.sem_alloc : memref<!tpu.dma_semaphore, #tpu.memory_space<semaphore_mem>>
        %dma_start3A = arith.constant 0 : i32
        %dma_start3A_53 = tpu.memref_slice %arg13[%add3A_22, %dma_start3A] : memref<10240x256xbf16, #tpu.memory_space<vmem_shared>> -> memref<64x256xbf16, #tpu.memory_space<vmem_shared>>
        %dma_start3A_54 = arith.constant 0 : i32
        %dma_start3A_55 = tpu.memref_slice %arg13[%add3A_22, %dma_start3A_54] : memref<10240x256xbf16, #tpu.memory_space<vmem_shared>> -> memref<64x256xbf16, #tpu.memory_space<vmem_shared>>
        tpu.enqueue_dma source(%arg12 : memref<64x256xbf16, #tpu.memory_space<vmem>>) target(%dma_start3A_55 : memref<64x256xbf16, #tpu.memory_space<vmem_shared>>) target_semaphore(%run_scoped3A : memref<!tpu.dma_semaphore, #tpu.memory_space<semaphore_mem>>)
        %dma_wait3A = arith.constant 0 : i32
        %dma_wait3A_56 = tpu.memref_slice %arg13[%add3A_22, %dma_wait3A] : memref<10240x256xbf16, #tpu.memory_space<vmem_shared>> -> memref<64x256xbf16, #tpu.memory_space<vmem_shared>>
        %dma_wait3A_57 = arith.constant 0 : i32
        %dma_wait3A_58 = tpu.memref_slice %arg13[%add3A_22, %dma_wait3A_57] : memref<10240x256xbf16, #tpu.memory_space<vmem_shared>> -> memref<64x256xbf16, #tpu.memory_space<vmem_shared>>
        tpu.wait_dma2 semaphore(%run_scoped3A : memref<!tpu.dma_semaphore, #tpu.memory_space<semaphore_mem>>) src(%arg12 : memref<64x256xbf16, #tpu.memory_space<vmem>>) dst(%dma_wait3A_58 : memref<64x256xbf16, #tpu.memory_space<vmem_shared>>)
        tpu.yield
      }) : () -> ()
      %add3A_23 = arith.constant 512 : i32
      %add3A_24 = arith.addi %mul3A_0, %add3A_23 : i32
      "tpu.region"() ({
        %run_scoped3A = tpu.sem_alloc : memref<!tpu.dma_semaphore, #tpu.memory_space<semaphore_mem>>
        %dma_start3A = arith.constant 0 : i32
        %dma_start3A_53 = tpu.memref_slice %arg13[%add3A_24, %dma_start3A] : memref<10240x256xbf16, #tpu.memory_space<vmem_shared>> -> memref<64x256xbf16, #tpu.memory_space<vmem_shared>>
        %dma_start3A_54 = arith.constant 0 : i32
        %dma_start3A_55 = tpu.memref_slice %arg13[%add3A_24, %dma_start3A_54] : memref<10240x256xbf16, #tpu.memory_space<vmem_shared>> -> memref<64x256xbf16, #tpu.memory_space<vmem_shared>>
        tpu.enqueue_dma source(%arg12 : memref<64x256xbf16, #tpu.memory_space<vmem>>) target(%dma_start3A_55 : memref<64x256xbf16, #tpu.memory_space<vmem_shared>>) target_semaphore(%run_scoped3A : memref<!tpu.dma_semaphore, #tpu.memory_space<semaphore_mem>>)
        %dma_wait3A = arith.constant 0 : i32
        %dma_wait3A_56 = tpu.memref_slice %arg13[%add3A_24, %dma_wait3A] : memref<10240x256xbf16, #tpu.memory_space<vmem_shared>> -> memref<64x256xbf16, #tpu.memory_space<vmem_shared>>
        %dma_wait3A_57 = arith.constant 0 : i32
        %dma_wait3A_58 = tpu.memref_slice %arg13[%add3A_24, %dma_wait3A_57] : memref<10240x256xbf16, #tpu.memory_space<vmem_shared>> -> memref<64x256xbf16, #tpu.memory_space<vmem_shared>>
        tpu.wait_dma2 semaphore(%run_scoped3A : memref<!tpu.dma_semaphore, #tpu.memory_space<semaphore_mem>>) src(%arg12 : memref<64x256xbf16, #tpu.memory_space<vmem>>) dst(%dma_wait3A_58 : memref<64x256xbf16, #tpu.memory_space<vmem_shared>>)
        tpu.yield
      }) : () -> ()
      %add3A_25 = arith.constant 576 : i32
      %add3A_26 = arith.addi %mul3A_0, %add3A_25 : i32
      "tpu.region"() ({
        %run_scoped3A = tpu.sem_alloc : memref<!tpu.dma_semaphore, #tpu.memory_space<semaphore_mem>>
        %dma_start3A = arith.constant 0 : i32
        %dma_start3A_53 = tpu.memref_slice %arg13[%add3A_26, %dma_start3A] : memref<10240x256xbf16, #tpu.memory_space<vmem_shared>> -> memref<64x256xbf16, #tpu.memory_space<vmem_shared>>
        %dma_start3A_54 = arith.constant 0 : i32
        %dma_start3A_55 = tpu.memref_slice %arg13[%add3A_26, %dma_start3A_54] : memref<10240x256xbf16, #tpu.memory_space<vmem_shared>> -> memref<64x256xbf16, #tpu.memory_space<vmem_shared>>
        tpu.enqueue_dma source(%arg12 : memref<64x256xbf16, #tpu.memory_space<vmem>>) target(%dma_start3A_55 : memref<64x256xbf16, #tpu.memory_space<vmem_shared>>) target_semaphore(%run_scoped3A : memref<!tpu.dma_semaphore, #tpu.memory_space<semaphore_mem>>)
        %dma_wait3A = arith.constant 0 : i32
        %dma_wait3A_56 = tpu.memref_slice %arg13[%add3A_26, %dma_wait3A] : memref<10240x256xbf16, #tpu.memory_space<vmem_shared>> -> memref<64x256xbf16, #tpu.memory_space<vmem_shared>>
        %dma_wait3A_57 = arith.constant 0 : i32
        %dma_wait3A_58 = tpu.memref_slice %arg13[%add3A_26, %dma_wait3A_57] : memref<10240x256xbf16, #tpu.memory_space<vmem_shared>> -> memref<64x256xbf16, #tpu.memory_space<vmem_shared>>
        tpu.wait_dma2 semaphore(%run_scoped3A : memref<!tpu.dma_semaphore, #tpu.memory_space<semaphore_mem>>) src(%arg12 : memref<64x256xbf16, #tpu.memory_space<vmem>>) dst(%dma_wait3A_58 : memref<64x256xbf16, #tpu.memory_space<vmem_shared>>)
        tpu.yield
      }) : () -> ()
      %barrier3A = arith.constant 0 : index
      tpu.barrier barrier_id(%barrier3A)
      %scan3A = arith.constant 0 : i32
      %scan3A_27 = arith.constant 0 : i32
      %scan3A_28 = arith.constant 80 : i32
      %scan3A_29 = arith.addi %scan3A_27, %scan3A_28 : i32
      %scan3A_30 = arith.constant 1 : i32
      scf.for %scan3A_53 = %scan3A_27 to %scan3A_29 step %scan3A_30  : i32 {
        %dma_start3A = arith.constant 0 : i32
        %dma_start3A_54 = tpu.memref_slice %arg9[%scan3A_53, %dma_start3A] : memref<80x128xi32, #tpu.memory_space<vmem>> -> memref<1x128xi32, #tpu.memory_space<vmem>>
        %dma_start3A_55 = tpu.memref_squeeze %dma_start3A_54 : memref<1x128xi32, #tpu.memory_space<vmem>> -> memref<128xi32, #tpu.memory_space<vmem>>
        %dma_start3A_56 = arith.constant 0 : i32
        %dma_start3A_57 = arith.constant 0 : i32
        %dma_start3A_58 = tpu.memref_slice %arg2[%dma_start3A_56, %dma_start3A_57] : memref<10240x256xbf16, #tpu.memory_space<hbm>> -> memref<10240x256xbf16, #tpu.memory_space<hbm>>
        tpu.enqueue_indirect_dma source(%dma_start3A_58 : memref<10240x256xbf16, #tpu.memory_space<hbm>>) target(%arg11 : memref<128x256xbf16, #tpu.memory_space<vmem>>) offsets(%dma_start3A_55 : memref<128xi32, #tpu.memory_space<vmem>>) semaphore(%arg14 : memref<!tpu.dma_semaphore, #tpu.memory_space<semaphore_mem>>)
        %dma_wait3A = arith.constant 0 : i32
        %dma_wait3A_59 = tpu.memref_slice %arg9[%scan3A_53, %dma_wait3A] : memref<80x128xi32, #tpu.memory_space<vmem>> -> memref<1x128xi32, #tpu.memory_space<vmem>>
        %dma_wait3A_60 = tpu.memref_squeeze %dma_wait3A_59 : memref<1x128xi32, #tpu.memory_space<vmem>> -> memref<128xi32, #tpu.memory_space<vmem>>
        %dma_wait3A_61 = arith.constant 0 : i32
        %dma_wait3A_62 = arith.constant 0 : i32
        %dma_wait3A_63 = tpu.memref_slice %arg2[%dma_wait3A_61, %dma_wait3A_62] : memref<10240x256xbf16, #tpu.memory_space<hbm>> -> memref<10240x256xbf16, #tpu.memory_space<hbm>>
        tpu.wait_indirect_dma semaphore(%arg14 : memref<!tpu.dma_semaphore, #tpu.memory_space<semaphore_mem>>) src(%dma_wait3A_63 : memref<10240x256xbf16, #tpu.memory_space<hbm>>) dst(%arg11 : memref<128x256xbf16, #tpu.memory_space<vmem>>)
        "tpu.region"() ({
          %run_scoped3A = tpu.sem_alloc : memref<!tpu.dma_semaphore, #tpu.memory_space<semaphore_mem>>
          %dma_start3A_64 = arith.constant 0 : i32
          %dma_start3A_65 = tpu.memref_slice %arg10[%scan3A_53, %dma_start3A_64] : memref<80x128xi32, #tpu.memory_space<vmem>> -> memref<1x128xi32, #tpu.memory_space<vmem>>
          %dma_start3A_66 = tpu.memref_squeeze %dma_start3A_65 : memref<1x128xi32, #tpu.memory_space<vmem>> -> memref<128xi32, #tpu.memory_space<vmem>>
          %dma_start3A_67 = arith.constant 0 : i32
          %dma_start3A_68 = arith.constant 0 : i32
          %dma_start3A_69 = tpu.memref_slice %arg13[%dma_start3A_67, %dma_start3A_68] : memref<10240x256xbf16, #tpu.memory_space<vmem_shared>> -> memref<10240x256xbf16, #tpu.memory_space<vmem_shared>>
          tpu.enqueue_indirect_dma source(%arg11 : memref<128x256xbf16, #tpu.memory_space<vmem>>) target(%dma_start3A_69 : memref<10240x256xbf16, #tpu.memory_space<vmem_shared>>) offsets(%dma_start3A_66 : memref<128xi32, #tpu.memory_space<vmem>>) semaphore(%run_scoped3A : memref<!tpu.dma_semaphore, #tpu.memory_space<semaphore_mem>>) {add = true}
          %dma_wait3A_70 = arith.constant 0 : i32
          %dma_wait3A_71 = tpu.memref_slice %arg10[%scan3A_53, %dma_wait3A_70] : memref<80x128xi32, #tpu.memory_space<vmem>> -> memref<1x128xi32, #tpu.memory_space<vmem>>
          %dma_wait3A_72 = tpu.memref_squeeze %dma_wait3A_71 : memref<1x128xi32, #tpu.memory_space<vmem>> -> memref<128xi32, #tpu.memory_space<vmem>>
          %dma_wait3A_73 = arith.constant 0 : i32
          %dma_wait3A_74 = arith.constant 0 : i32
          %dma_wait3A_75 = tpu.memref_slice %arg13[%dma_wait3A_73, %dma_wait3A_74] : memref<10240x256xbf16, #tpu.memory_space<vmem_shared>> -> memref<10240x256xbf16, #tpu.memory_space<vmem_shared>>
          tpu.wait_indirect_dma semaphore(%run_scoped3A : memref<!tpu.dma_semaphore, #tpu.memory_space<semaphore_mem>>) src(%arg11 : memref<128x256xbf16, #tpu.memory_space<vmem>>) dst(%dma_wait3A_75 : memref<10240x256xbf16, #tpu.memory_space<vmem_shared>>)
          tpu.yield
        }) : () -> ()
      }
      %scan3A_31 = arith.constant 80 : i32
      %barrier3A_32 = arith.constant 0 : index
      tpu.barrier barrier_id(%barrier3A_32)
      %add3A_33 = arith.constant 0 : i32
      %add3A_34 = arith.addi %mul3A_0, %add3A_33 : i32
      "tpu.region"() ({
        %run_scoped3A = tpu.sem_alloc : memref<!tpu.dma_semaphore, #tpu.memory_space<semaphore_mem>>
        %dma_start3A = arith.constant 0 : i32
        %dma_start3A_53 = tpu.memref_slice %arg13[%add3A_34, %dma_start3A] : memref<10240x256xbf16, #tpu.memory_space<vmem_shared>> -> memref<128x256xbf16, #tpu.memory_space<vmem_shared>>
        %dma_start3A_54 = arith.constant 0 : i32
        %dma_start3A_55 = tpu.memref_slice %arg13[%add3A_34, %dma_start3A_54] : memref<10240x256xbf16, #tpu.memory_space<vmem_shared>> -> memref<128x256xbf16, #tpu.memory_space<vmem_shared>>
        tpu.enqueue_dma source(%dma_start3A_55 : memref<128x256xbf16, #tpu.memory_space<vmem_shared>>) target(%arg11 : memref<128x256xbf16, #tpu.memory_space<vmem>>) target_semaphore(%run_scoped3A : memref<!tpu.dma_semaphore, #tpu.memory_space<semaphore_mem>>)
        %dma_wait3A = arith.constant 0 : i32
        %dma_wait3A_56 = tpu.memref_slice %arg13[%add3A_34, %dma_wait3A] : memref<10240x256xbf16, #tpu.memory_space<vmem_shared>> -> memref<128x256xbf16, #tpu.memory_space<vmem_shared>>
        %dma_wait3A_57 = arith.constant 0 : i32
        %dma_wait3A_58 = tpu.memref_slice %arg13[%add3A_34, %dma_wait3A_57] : memref<10240x256xbf16, #tpu.memory_space<vmem_shared>> -> memref<128x256xbf16, #tpu.memory_space<vmem_shared>>
        tpu.wait_dma2 semaphore(%run_scoped3A : memref<!tpu.dma_semaphore, #tpu.memory_space<semaphore_mem>>) src(%dma_wait3A_58 : memref<128x256xbf16, #tpu.memory_space<vmem_shared>>) dst(%arg11 : memref<128x256xbf16, #tpu.memory_space<vmem>>)
        tpu.yield
      }) : () -> ()
      %add3A_35 = arith.constant 0 : i32
      %add3A_36 = arith.addi %mul3A_0, %add3A_35 : i32
      "tpu.region"() ({
        %run_scoped3A = tpu.sem_alloc : memref<!tpu.dma_semaphore, #tpu.memory_space<semaphore_mem>>
        %dma_start3A = arith.constant 0 : i32
        %dma_start3A_53 = tpu.memref_slice %arg7[%add3A_36, %dma_start3A] : memref<10240x256xbf16, #tpu.memory_space<hbm>> -> memref<128x256xbf16, #tpu.memory_space<hbm>>
        %dma_start3A_54 = arith.constant 0 : i32
        %dma_start3A_55 = tpu.memref_slice %arg7[%add3A_36, %dma_start3A_54] : memref<10240x256xbf16, #tpu.memory_space<hbm>> -> memref<128x256xbf16, #tpu.memory_space<hbm>>
        tpu.enqueue_dma source(%arg11 : memref<128x256xbf16, #tpu.memory_space<vmem>>) target(%dma_start3A_55 : memref<128x256xbf16, #tpu.memory_space<hbm>>) target_semaphore(%run_scoped3A : memref<!tpu.dma_semaphore, #tpu.memory_space<semaphore_mem>>)
        %dma_wait3A = arith.constant 0 : i32
        %dma_wait3A_56 = tpu.memref_slice %arg7[%add3A_36, %dma_wait3A] : memref<10240x256xbf16, #tpu.memory_space<hbm>> -> memref<128x256xbf16, #tpu.memory_space<hbm>>
        %dma_wait3A_57 = arith.constant 0 : i32
        %dma_wait3A_58 = tpu.memref_slice %arg7[%add3A_36, %dma_wait3A_57] : memref<10240x256xbf16, #tpu.memory_space<hbm>> -> memref<128x256xbf16, #tpu.memory_space<hbm>>
        tpu.wait_dma2 semaphore(%run_scoped3A : memref<!tpu.dma_semaphore, #tpu.memory_space<semaphore_mem>>) src(%arg11 : memref<128x256xbf16, #tpu.memory_space<vmem>>) dst(%dma_wait3A_58 : memref<128x256xbf16, #tpu.memory_space<hbm>>)
        tpu.yield
      }) : () -> ()
      %add3A_37 = arith.constant 128 : i32
      %add3A_38 = arith.addi %mul3A_0, %add3A_37 : i32
      "tpu.region"() ({
        %run_scoped3A = tpu.sem_alloc : memref<!tpu.dma_semaphore, #tpu.memory_space<semaphore_mem>>
        %dma_start3A = arith.constant 0 : i32
        %dma_start3A_53 = tpu.memref_slice %arg13[%add3A_38, %dma_start3A] : memref<10240x256xbf16, #tpu.memory_space<vmem_shared>> -> memref<128x256xbf16, #tpu.memory_space<vmem_shared>>
        %dma_start3A_54 = arith.constant 0 : i32
        %dma_start3A_55 = tpu.memref_slice %arg13[%add3A_38, %dma_start3A_54] : memref<10240x256xbf16, #tpu.memory_space<vmem_shared>> -> memref<128x256xbf16, #tpu.memory_space<vmem_shared>>
        tpu.enqueue_dma source(%dma_start3A_55 : memref<128x256xbf16, #tpu.memory_space<vmem_shared>>) target(%arg11 : memref<128x256xbf16, #tpu.memory_space<vmem>>) target_semaphore(%run_scoped3A : memref<!tpu.dma_semaphore, #tpu.memory_space<semaphore_mem>>)
        %dma_wait3A = arith.constant 0 : i32
        %dma_wait3A_56 = tpu.memref_slice %arg13[%add3A_38, %dma_wait3A] : memref<10240x256xbf16, #tpu.memory_space<vmem_shared>> -> memref<128x256xbf16, #tpu.memory_space<vmem_shared>>
        %dma_wait3A_57 = arith.constant 0 : i32
        %dma_wait3A_58 = tpu.memref_slice %arg13[%add3A_38, %dma_wait3A_57] : memref<10240x256xbf16, #tpu.memory_space<vmem_shared>> -> memref<128x256xbf16, #tpu.memory_space<vmem_shared>>
        tpu.wait_dma2 semaphore(%run_scoped3A : memref<!tpu.dma_semaphore, #tpu.memory_space<semaphore_mem>>) src(%dma_wait3A_58 : memref<128x256xbf16, #tpu.memory_space<vmem_shared>>) dst(%arg11 : memref<128x256xbf16, #tpu.memory_space<vmem>>)
        tpu.yield
      }) : () -> ()
      %add3A_39 = arith.constant 128 : i32
      %add3A_40 = arith.addi %mul3A_0, %add3A_39 : i32
      "tpu.region"() ({
        %run_scoped3A = tpu.sem_alloc : memref<!tpu.dma_semaphore, #tpu.memory_space<semaphore_mem>>
        %dma_start3A = arith.constant 0 : i32
        %dma_start3A_53 = tpu.memref_slice %arg7[%add3A_40, %dma_start3A] : memref<10240x256xbf16, #tpu.memory_space<hbm>> -> memref<128x256xbf16, #tpu.memory_space<hbm>>
        %dma_start3A_54 = arith.constant 0 : i32
        %dma_start3A_55 = tpu.memref_slice %arg7[%add3A_40, %dma_start3A_54] : memref<10240x256xbf16, #tpu.memory_space<hbm>> -> memref<128x256xbf16, #tpu.memory_space<hbm>>
        tpu.enqueue_dma source(%arg11 : memref<128x256xbf16, #tpu.memory_space<vmem>>) target(%dma_start3A_55 : memref<128x256xbf16, #tpu.memory_space<hbm>>) target_semaphore(%run_scoped3A : memref<!tpu.dma_semaphore, #tpu.memory_space<semaphore_mem>>)
        %dma_wait3A = arith.constant 0 : i32
        %dma_wait3A_56 = tpu.memref_slice %arg7[%add3A_40, %dma_wait3A] : memref<10240x256xbf16, #tpu.memory_space<hbm>> -> memref<128x256xbf16, #tpu.memory_space<hbm>>
        %dma_wait3A_57 = arith.constant 0 : i32
        %dma_wait3A_58 = tpu.memref_slice %arg7[%add3A_40, %dma_wait3A_57] : memref<10240x256xbf16, #tpu.memory_space<hbm>> -> memref<128x256xbf16, #tpu.memory_space<hbm>>
        tpu.wait_dma2 semaphore(%run_scoped3A : memref<!tpu.dma_semaphore, #tpu.memory_space<semaphore_mem>>) src(%arg11 : memref<128x256xbf16, #tpu.memory_space<vmem>>) dst(%dma_wait3A_58 : memref<128x256xbf16, #tpu.memory_space<hbm>>)
        tpu.yield
      }) : () -> ()
      %add3A_41 = arith.constant 256 : i32
      %add3A_42 = arith.addi %mul3A_0, %add3A_41 : i32
      "tpu.region"() ({
        %run_scoped3A = tpu.sem_alloc : memref<!tpu.dma_semaphore, #tpu.memory_space<semaphore_mem>>
        %dma_start3A = arith.constant 0 : i32
        %dma_start3A_53 = tpu.memref_slice %arg13[%add3A_42, %dma_start3A] : memref<10240x256xbf16, #tpu.memory_space<vmem_shared>> -> memref<128x256xbf16, #tpu.memory_space<vmem_shared>>
        %dma_start3A_54 = arith.constant 0 : i32
        %dma_start3A_55 = tpu.memref_slice %arg13[%add3A_42, %dma_start3A_54] : memref<10240x256xbf16, #tpu.memory_space<vmem_shared>> -> memref<128x256xbf16, #tpu.memory_space<vmem_shared>>
        tpu.enqueue_dma source(%dma_start3A_55 : memref<128x256xbf16, #tpu.memory_space<vmem_shared>>) target(%arg11 : memref<128x256xbf16, #tpu.memory_space<vmem>>) target_semaphore(%run_scoped3A : memref<!tpu.dma_semaphore, #tpu.memory_space<semaphore_mem>>)
        %dma_wait3A = arith.constant 0 : i32
        %dma_wait3A_56 = tpu.memref_slice %arg13[%add3A_42, %dma_wait3A] : memref<10240x256xbf16, #tpu.memory_space<vmem_shared>> -> memref<128x256xbf16, #tpu.memory_space<vmem_shared>>
        %dma_wait3A_57 = arith.constant 0 : i32
        %dma_wait3A_58 = tpu.memref_slice %arg13[%add3A_42, %dma_wait3A_57] : memref<10240x256xbf16, #tpu.memory_space<vmem_shared>> -> memref<128x256xbf16, #tpu.memory_space<vmem_shared>>
        tpu.wait_dma2 semaphore(%run_scoped3A : memref<!tpu.dma_semaphore, #tpu.memory_space<semaphore_mem>>) src(%dma_wait3A_58 : memref<128x256xbf16, #tpu.memory_space<vmem_shared>>) dst(%arg11 : memref<128x256xbf16, #tpu.memory_space<vmem>>)
        tpu.yield
      }) : () -> ()
      %add3A_43 = arith.constant 256 : i32
      %add3A_44 = arith.addi %mul3A_0, %add3A_43 : i32
      "tpu.region"() ({
        %run_scoped3A = tpu.sem_alloc : memref<!tpu.dma_semaphore, #tpu.memory_space<semaphore_mem>>
        %dma_start3A = arith.constant 0 : i32
        %dma_start3A_53 = tpu.memref_slice %arg7[%add3A_44, %dma_start3A] : memref<10240x256xbf16, #tpu.memory_space<hbm>> -> memref<128x256xbf16, #tpu.memory_space<hbm>>
        %dma_start3A_54 = arith.constant 0 : i32
        %dma_start3A_55 = tpu.memref_slice %arg7[%add3A_44, %dma_start3A_54] : memref<10240x256xbf16, #tpu.memory_space<hbm>> -> memref<128x256xbf16, #tpu.memory_space<hbm>>
        tpu.enqueue_dma source(%arg11 : memref<128x256xbf16, #tpu.memory_space<vmem>>) target(%dma_start3A_55 : memref<128x256xbf16, #tpu.memory_space<hbm>>) target_semaphore(%run_scoped3A : memref<!tpu.dma_semaphore, #tpu.memory_space<semaphore_mem>>)
        %dma_wait3A = arith.constant 0 : i32
        %dma_wait3A_56 = tpu.memref_slice %arg7[%add3A_44, %dma_wait3A] : memref<10240x256xbf16, #tpu.memory_space<hbm>> -> memref<128x256xbf16, #tpu.memory_space<hbm>>
        %dma_wait3A_57 = arith.constant 0 : i32
        %dma_wait3A_58 = tpu.memref_slice %arg7[%add3A_44, %dma_wait3A_57] : memref<10240x256xbf16, #tpu.memory_space<hbm>> -> memref<128x256xbf16, #tpu.memory_space<hbm>>
        tpu.wait_dma2 semaphore(%run_scoped3A : memref<!tpu.dma_semaphore, #tpu.memory_space<semaphore_mem>>) src(%arg11 : memref<128x256xbf16, #tpu.memory_space<vmem>>) dst(%dma_wait3A_58 : memref<128x256xbf16, #tpu.memory_space<hbm>>)
        tpu.yield
      }) : () -> ()
      %add3A_45 = arith.constant 384 : i32
      %add3A_46 = arith.addi %mul3A_0, %add3A_45 : i32
      "tpu.region"() ({
        %run_scoped3A = tpu.sem_alloc : memref<!tpu.dma_semaphore, #tpu.memory_space<semaphore_mem>>
        %dma_start3A = arith.constant 0 : i32
        %dma_start3A_53 = tpu.memref_slice %arg13[%add3A_46, %dma_start3A] : memref<10240x256xbf16, #tpu.memory_space<vmem_shared>> -> memref<128x256xbf16, #tpu.memory_space<vmem_shared>>
        %dma_start3A_54 = arith.constant 0 : i32
        %dma_start3A_55 = tpu.memref_slice %arg13[%add3A_46, %dma_start3A_54] : memref<10240x256xbf16, #tpu.memory_space<vmem_shared>> -> memref<128x256xbf16, #tpu.memory_space<vmem_shared>>
        tpu.enqueue_dma source(%dma_start3A_55 : memref<128x256xbf16, #tpu.memory_space<vmem_shared>>) target(%arg11 : memref<128x256xbf16, #tpu.memory_space<vmem>>) target_semaphore(%run_scoped3A : memref<!tpu.dma_semaphore, #tpu.memory_space<semaphore_mem>>)
        %dma_wait3A = arith.constant 0 : i32
        %dma_wait3A_56 = tpu.memref_slice %arg13[%add3A_46, %dma_wait3A] : memref<10240x256xbf16, #tpu.memory_space<vmem_shared>> -> memref<128x256xbf16, #tpu.memory_space<vmem_shared>>
        %dma_wait3A_57 = arith.constant 0 : i32
        %dma_wait3A_58 = tpu.memref_slice %arg13[%add3A_46, %dma_wait3A_57] : memref<10240x256xbf16, #tpu.memory_space<vmem_shared>> -> memref<128x256xbf16, #tpu.memory_space<vmem_shared>>
        tpu.wait_dma2 semaphore(%run_scoped3A : memref<!tpu.dma_semaphore, #tpu.memory_space<semaphore_mem>>) src(%dma_wait3A_58 : memref<128x256xbf16, #tpu.memory_space<vmem_shared>>) dst(%arg11 : memref<128x256xbf16, #tpu.memory_space<vmem>>)
        tpu.yield
      }) : () -> ()
      %add3A_47 = arith.constant 384 : i32
      %add3A_48 = arith.addi %mul3A_0, %add3A_47 : i32
      "tpu.region"() ({
        %run_scoped3A = tpu.sem_alloc : memref<!tpu.dma_semaphore, #tpu.memory_space<semaphore_mem>>
        %dma_start3A = arith.constant 0 : i32
        %dma_start3A_53 = tpu.memref_slice %arg7[%add3A_48, %dma_start3A] : memref<10240x256xbf16, #tpu.memory_space<hbm>> -> memref<128x256xbf16, #tpu.memory_space<hbm>>
        %dma_start3A_54 = arith.constant 0 : i32
        %dma_start3A_55 = tpu.memref_slice %arg7[%add3A_48, %dma_start3A_54] : memref<10240x256xbf16, #tpu.memory_space<hbm>> -> memref<128x256xbf16, #tpu.memory_space<hbm>>
        tpu.enqueue_dma source(%arg11 : memref<128x256xbf16, #tpu.memory_space<vmem>>) target(%dma_start3A_55 : memref<128x256xbf16, #tpu.memory_space<hbm>>) target_semaphore(%run_scoped3A : memref<!tpu.dma_semaphore, #tpu.memory_space<semaphore_mem>>)
        %dma_wait3A = arith.constant 0 : i32
        %dma_wait3A_56 = tpu.memref_slice %arg7[%add3A_48, %dma_wait3A] : memref<10240x256xbf16, #tpu.memory_space<hbm>> -> memref<128x256xbf16, #tpu.memory_space<hbm>>
        %dma_wait3A_57 = arith.constant 0 : i32
        %dma_wait3A_58 = tpu.memref_slice %arg7[%add3A_48, %dma_wait3A_57] : memref<10240x256xbf16, #tpu.memory_space<hbm>> -> memref<128x256xbf16, #tpu.memory_space<hbm>>
        tpu.wait_dma2 semaphore(%run_scoped3A : memref<!tpu.dma_semaphore, #tpu.memory_space<semaphore_mem>>) src(%arg11 : memref<128x256xbf16, #tpu.memory_space<vmem>>) dst(%dma_wait3A_58 : memref<128x256xbf16, #tpu.memory_space<hbm>>)
        tpu.yield
      }) : () -> ()
      %add3A_49 = arith.constant 512 : i32
      %add3A_50 = arith.addi %mul3A_0, %add3A_49 : i32
      "tpu.region"() ({
        %run_scoped3A = tpu.sem_alloc : memref<!tpu.dma_semaphore, #tpu.memory_space<semaphore_mem>>
        %dma_start3A = arith.constant 0 : i32
        %dma_start3A_53 = tpu.memref_slice %arg13[%add3A_50, %dma_start3A] : memref<10240x256xbf16, #tpu.memory_space<vmem_shared>> -> memref<128x256xbf16, #tpu.memory_space<vmem_shared>>
        %dma_start3A_54 = arith.constant 0 : i32
        %dma_start3A_55 = tpu.memref_slice %arg13[%add3A_50, %dma_start3A_54] : memref<10240x256xbf16, #tpu.memory_space<vmem_shared>> -> memref<128x256xbf16, #tpu.memory_space<vmem_shared>>
        tpu.enqueue_dma source(%dma_start3A_55 : memref<128x256xbf16, #tpu.memory_space<vmem_shared>>) target(%arg11 : memref<128x256xbf16, #tpu.memory_space<vmem>>) target_semaphore(%run_scoped3A : memref<!tpu.dma_semaphore, #tpu.memory_space<semaphore_mem>>)
        %dma_wait3A = arith.constant 0 : i32
        %dma_wait3A_56 = tpu.memref_slice %arg13[%add3A_50, %dma_wait3A] : memref<10240x256xbf16, #tpu.memory_space<vmem_shared>> -> memref<128x256xbf16, #tpu.memory_space<vmem_shared>>
        %dma_wait3A_57 = arith.constant 0 : i32
        %dma_wait3A_58 = tpu.memref_slice %arg13[%add3A_50, %dma_wait3A_57] : memref<10240x256xbf16, #tpu.memory_space<vmem_shared>> -> memref<128x256xbf16, #tpu.memory_space<vmem_shared>>
        tpu.wait_dma2 semaphore(%run_scoped3A : memref<!tpu.dma_semaphore, #tpu.memory_space<semaphore_mem>>) src(%dma_wait3A_58 : memref<128x256xbf16, #tpu.memory_space<vmem_shared>>) dst(%arg11 : memref<128x256xbf16, #tpu.memory_space<vmem>>)
        tpu.yield
      }) : () -> ()
      %add3A_51 = arith.constant 512 : i32
      %add3A_52 = arith.addi %mul3A_0, %add3A_51 : i32
      "tpu.region"() ({
        %run_scoped3A = tpu.sem_alloc : memref<!tpu.dma_semaphore, #tpu.memory_space<semaphore_mem>>
        %dma_start3A = arith.constant 0 : i32
        %dma_start3A_53 = tpu.memref_slice %arg7[%add3A_52, %dma_start3A] : memref<10240x256xbf16, #tpu.memory_space<hbm>> -> memref<128x256xbf16, #tpu.memory_space<hbm>>
        %dma_start3A_54 = arith.constant 0 : i32
        %dma_start3A_55 = tpu.memref_slice %arg7[%add3A_52, %dma_start3A_54] : memref<10240x256xbf16, #tpu.memory_space<hbm>> -> memref<128x256xbf16, #tpu.memory_space<hbm>>
        tpu.enqueue_dma source(%arg11 : memref<128x256xbf16, #tpu.memory_space<vmem>>) target(%dma_start3A_55 : memref<128x256xbf16, #tpu.memory_space<hbm>>) target_semaphore(%run_scoped3A : memref<!tpu.dma_semaphore, #tpu.memory_space<semaphore_mem>>)
        %dma_wait3A = arith.constant 0 : i32
        %dma_wait3A_56 = tpu.memref_slice %arg7[%add3A_52, %dma_wait3A] : memref<10240x256xbf16, #tpu.memory_space<hbm>> -> memref<128x256xbf16, #tpu.memory_space<hbm>>
        %dma_wait3A_57 = arith.constant 0 : i32
        %dma_wait3A_58 = tpu.memref_slice %arg7[%add3A_52, %dma_wait3A_57] : memref<10240x256xbf16, #tpu.memory_space<hbm>> -> memref<128x256xbf16, #tpu.memory_space<hbm>>
        tpu.wait_dma2 semaphore(%run_scoped3A : memref<!tpu.dma_semaphore, #tpu.memory_space<semaphore_mem>>) src(%arg11 : memref<128x256xbf16, #tpu.memory_space<vmem>>) dst(%dma_wait3A_58 : memref<128x256xbf16, #tpu.memory_space<hbm>>)
        tpu.yield
      }) : () -> ()
    } else {
    }
    %eq3A_3 = arith.constant 1 : i32
    %eq3A_4 = arith.cmpi eq, %arg0, %eq3A_3 : i32
    %convert_element_type3A_5 = arith.extui %eq3A_4 : i1 to i32
    %cond3A_6 = arith.constant 0 : i32
    %cond3A_7 = arith.cmpi ne, %convert_element_type3A_5, %cond3A_6 : i32
    scf.if %cond3A_7 {
      %add3A = arith.constant 0 : i32
      %add3A_8 = arith.addi %mul3A_0, %add3A : i32
      "tpu.region"() ({
        %run_scoped3A = tpu.sem_alloc : memref<!tpu.dma_semaphore, #tpu.memory_space<semaphore_mem>>
        %dma_start3A = arith.constant 0 : i32
        %dma_start3A_53 = tpu.memref_slice %arg13[%add3A_8, %dma_start3A] : memref<10240x256xbf16, #tpu.memory_space<vmem_shared>> -> memref<64x256xbf16, #tpu.memory_space<vmem_shared>>
        %dma_start3A_54 = arith.constant 0 : i32
        %dma_start3A_55 = tpu.memref_slice %arg13[%add3A_8, %dma_start3A_54] : memref<10240x256xbf16, #tpu.memory_space<vmem_shared>> -> memref<64x256xbf16, #tpu.memory_space<vmem_shared>>
        tpu.enqueue_dma source(%arg12 : memref<64x256xbf16, #tpu.memory_space<vmem>>) target(%dma_start3A_55 : memref<64x256xbf16, #tpu.memory_space<vmem_shared>>) target_semaphore(%run_scoped3A : memref<!tpu.dma_semaphore, #tpu.memory_space<semaphore_mem>>)
        %dma_wait3A = arith.constant 0 : i32
        %dma_wait3A_56 = tpu.memref_slice %arg13[%add3A_8, %dma_wait3A] : memref<10240x256xbf16, #tpu.memory_space<vmem_shared>> -> memref<64x256xbf16, #tpu.memory_space<vmem_shared>>
        %dma_wait3A_57 = arith.constant 0 : i32
        %dma_wait3A_58 = tpu.memref_slice %arg13[%add3A_8, %dma_wait3A_57] : memref<10240x256xbf16, #tpu.memory_space<vmem_shared>> -> memref<64x256xbf16, #tpu.memory_space<vmem_shared>>
        tpu.wait_dma2 semaphore(%run_scoped3A : memref<!tpu.dma_semaphore, #tpu.memory_space<semaphore_mem>>) src(%arg12 : memref<64x256xbf16, #tpu.memory_space<vmem>>) dst(%dma_wait3A_58 : memref<64x256xbf16, #tpu.memory_space<vmem_shared>>)
        tpu.yield
      }) : () -> ()
      %add3A_9 = arith.constant 64 : i32
      %add3A_10 = arith.addi %mul3A_0, %add3A_9 : i32
      "tpu.region"() ({
        %run_scoped3A = tpu.sem_alloc : memref<!tpu.dma_semaphore, #tpu.memory_space<semaphore_mem>>
        %dma_start3A = arith.constant 0 : i32
        %dma_start3A_53 = tpu.memref_slice %arg13[%add3A_10, %dma_start3A] : memref<10240x256xbf16, #tpu.memory_space<vmem_shared>> -> memref<64x256xbf16, #tpu.memory_space<vmem_shared>>
        %dma_start3A_54 = arith.constant 0 : i32
        %dma_start3A_55 = tpu.memref_slice %arg13[%add3A_10, %dma_start3A_54] : memref<10240x256xbf16, #tpu.memory_space<vmem_shared>> -> memref<64x256xbf16, #tpu.memory_space<vmem_shared>>
        tpu.enqueue_dma source(%arg12 : memref<64x256xbf16, #tpu.memory_space<vmem>>) target(%dma_start3A_55 : memref<64x256xbf16, #tpu.memory_space<vmem_shared>>) target_semaphore(%run_scoped3A : memref<!tpu.dma_semaphore, #tpu.memory_space<semaphore_mem>>)
        %dma_wait3A = arith.constant 0 : i32
        %dma_wait3A_56 = tpu.memref_slice %arg13[%add3A_10, %dma_wait3A] : memref<10240x256xbf16, #tpu.memory_space<vmem_shared>> -> memref<64x256xbf16, #tpu.memory_space<vmem_shared>>
        %dma_wait3A_57 = arith.constant 0 : i32
        %dma_wait3A_58 = tpu.memref_slice %arg13[%add3A_10, %dma_wait3A_57] : memref<10240x256xbf16, #tpu.memory_space<vmem_shared>> -> memref<64x256xbf16, #tpu.memory_space<vmem_shared>>
        tpu.wait_dma2 semaphore(%run_scoped3A : memref<!tpu.dma_semaphore, #tpu.memory_space<semaphore_mem>>) src(%arg12 : memref<64x256xbf16, #tpu.memory_space<vmem>>) dst(%dma_wait3A_58 : memref<64x256xbf16, #tpu.memory_space<vmem_shared>>)
        tpu.yield
      }) : () -> ()
      %add3A_11 = arith.constant 128 : i32
      %add3A_12 = arith.addi %mul3A_0, %add3A_11 : i32
      "tpu.region"() ({
        %run_scoped3A = tpu.sem_alloc : memref<!tpu.dma_semaphore, #tpu.memory_space<semaphore_mem>>
        %dma_start3A = arith.constant 0 : i32
        %dma_start3A_53 = tpu.memref_slice %arg13[%add3A_12, %dma_start3A] : memref<10240x256xbf16, #tpu.memory_space<vmem_shared>> -> memref<64x256xbf16, #tpu.memory_space<vmem_shared>>
        %dma_start3A_54 = arith.constant 0 : i32
        %dma_start3A_55 = tpu.memref_slice %arg13[%add3A_12, %dma_start3A_54] : memref<10240x256xbf16, #tpu.memory_space<vmem_shared>> -> memref<64x256xbf16, #tpu.memory_space<vmem_shared>>
        tpu.enqueue_dma source(%arg12 : memref<64x256xbf16, #tpu.memory_space<vmem>>) target(%dma_start3A_55 : memref<64x256xbf16, #tpu.memory_space<vmem_shared>>) target_semaphore(%run_scoped3A : memref<!tpu.dma_semaphore, #tpu.memory_space<semaphore_mem>>)
        %dma_wait3A = arith.constant 0 : i32
        %dma_wait3A_56 = tpu.memref_slice %arg13[%add3A_12, %dma_wait3A] : memref<10240x256xbf16, #tpu.memory_space<vmem_shared>> -> memref<64x256xbf16, #tpu.memory_space<vmem_shared>>
        %dma_wait3A_57 = arith.constant 0 : i32
        %dma_wait3A_58 = tpu.memref_slice %arg13[%add3A_12, %dma_wait3A_57] : memref<10240x256xbf16, #tpu.memory_space<vmem_shared>> -> memref<64x256xbf16, #tpu.memory_space<vmem_shared>>
        tpu.wait_dma2 semaphore(%run_scoped3A : memref<!tpu.dma_semaphore, #tpu.memory_space<semaphore_mem>>) src(%arg12 : memref<64x256xbf16, #tpu.memory_space<vmem>>) dst(%dma_wait3A_58 : memref<64x256xbf16, #tpu.memory_space<vmem_shared>>)
        tpu.yield
      }) : () -> ()
      %add3A_13 = arith.constant 192 : i32
      %add3A_14 = arith.addi %mul3A_0, %add3A_13 : i32
      "tpu.region"() ({
        %run_scoped3A = tpu.sem_alloc : memref<!tpu.dma_semaphore, #tpu.memory_space<semaphore_mem>>
        %dma_start3A = arith.constant 0 : i32
        %dma_start3A_53 = tpu.memref_slice %arg13[%add3A_14, %dma_start3A] : memref<10240x256xbf16, #tpu.memory_space<vmem_shared>> -> memref<64x256xbf16, #tpu.memory_space<vmem_shared>>
        %dma_start3A_54 = arith.constant 0 : i32
        %dma_start3A_55 = tpu.memref_slice %arg13[%add3A_14, %dma_start3A_54] : memref<10240x256xbf16, #tpu.memory_space<vmem_shared>> -> memref<64x256xbf16, #tpu.memory_space<vmem_shared>>
        tpu.enqueue_dma source(%arg12 : memref<64x256xbf16, #tpu.memory_space<vmem>>) target(%dma_start3A_55 : memref<64x256xbf16, #tpu.memory_space<vmem_shared>>) target_semaphore(%run_scoped3A : memref<!tpu.dma_semaphore, #tpu.memory_space<semaphore_mem>>)
        %dma_wait3A = arith.constant 0 : i32
        %dma_wait3A_56 = tpu.memref_slice %arg13[%add3A_14, %dma_wait3A] : memref<10240x256xbf16, #tpu.memory_space<vmem_shared>> -> memref<64x256xbf16, #tpu.memory_space<vmem_shared>>
        %dma_wait3A_57 = arith.constant 0 : i32
        %dma_wait3A_58 = tpu.memref_slice %arg13[%add3A_14, %dma_wait3A_57] : memref<10240x256xbf16, #tpu.memory_space<vmem_shared>> -> memref<64x256xbf16, #tpu.memory_space<vmem_shared>>
        tpu.wait_dma2 semaphore(%run_scoped3A : memref<!tpu.dma_semaphore, #tpu.memory_space<semaphore_mem>>) src(%arg12 : memref<64x256xbf16, #tpu.memory_space<vmem>>) dst(%dma_wait3A_58 : memref<64x256xbf16, #tpu.memory_space<vmem_shared>>)
        tpu.yield
      }) : () -> ()
      %add3A_15 = arith.constant 256 : i32
      %add3A_16 = arith.addi %mul3A_0, %add3A_15 : i32
      "tpu.region"() ({
        %run_scoped3A = tpu.sem_alloc : memref<!tpu.dma_semaphore, #tpu.memory_space<semaphore_mem>>
        %dma_start3A = arith.constant 0 : i32
        %dma_start3A_53 = tpu.memref_slice %arg13[%add3A_16, %dma_start3A] : memref<10240x256xbf16, #tpu.memory_space<vmem_shared>> -> memref<64x256xbf16, #tpu.memory_space<vmem_shared>>
        %dma_start3A_54 = arith.constant 0 : i32
        %dma_start3A_55 = tpu.memref_slice %arg13[%add3A_16, %dma_start3A_54] : memref<10240x256xbf16, #tpu.memory_space<vmem_shared>> -> memref<64x256xbf16, #tpu.memory_space<vmem_shared>>
        tpu.enqueue_dma source(%arg12 : memref<64x256xbf16, #tpu.memory_space<vmem>>) target(%dma_start3A_55 : memref<64x256xbf16, #tpu.memory_space<vmem_shared>>) target_semaphore(%run_scoped3A : memref<!tpu.dma_semaphore, #tpu.memory_space<semaphore_mem>>)
        %dma_wait3A = arith.constant 0 : i32
        %dma_wait3A_56 = tpu.memref_slice %arg13[%add3A_16, %dma_wait3A] : memref<10240x256xbf16, #tpu.memory_space<vmem_shared>> -> memref<64x256xbf16, #tpu.memory_space<vmem_shared>>
        %dma_wait3A_57 = arith.constant 0 : i32
        %dma_wait3A_58 = tpu.memref_slice %arg13[%add3A_16, %dma_wait3A_57] : memref<10240x256xbf16, #tpu.memory_space<vmem_shared>> -> memref<64x256xbf16, #tpu.memory_space<vmem_shared>>
        tpu.wait_dma2 semaphore(%run_scoped3A : memref<!tpu.dma_semaphore, #tpu.memory_space<semaphore_mem>>) src(%arg12 : memref<64x256xbf16, #tpu.memory_space<vmem>>) dst(%dma_wait3A_58 : memref<64x256xbf16, #tpu.memory_space<vmem_shared>>)
        tpu.yield
      }) : () -> ()
      %add3A_17 = arith.constant 320 : i32
      %add3A_18 = arith.addi %mul3A_0, %add3A_17 : i32
      "tpu.region"() ({
        %run_scoped3A = tpu.sem_alloc : memref<!tpu.dma_semaphore, #tpu.memory_space<semaphore_mem>>
        %dma_start3A = arith.constant 0 : i32
        %dma_start3A_53 = tpu.memref_slice %arg13[%add3A_18, %dma_start3A] : memref<10240x256xbf16, #tpu.memory_space<vmem_shared>> -> memref<64x256xbf16, #tpu.memory_space<vmem_shared>>
        %dma_start3A_54 = arith.constant 0 : i32
        %dma_start3A_55 = tpu.memref_slice %arg13[%add3A_18, %dma_start3A_54] : memref<10240x256xbf16, #tpu.memory_space<vmem_shared>> -> memref<64x256xbf16, #tpu.memory_space<vmem_shared>>
        tpu.enqueue_dma source(%arg12 : memref<64x256xbf16, #tpu.memory_space<vmem>>) target(%dma_start3A_55 : memref<64x256xbf16, #tpu.memory_space<vmem_shared>>) target_semaphore(%run_scoped3A : memref<!tpu.dma_semaphore, #tpu.memory_space<semaphore_mem>>)
        %dma_wait3A = arith.constant 0 : i32
        %dma_wait3A_56 = tpu.memref_slice %arg13[%add3A_18, %dma_wait3A] : memref<10240x256xbf16, #tpu.memory_space<vmem_shared>> -> memref<64x256xbf16, #tpu.memory_space<vmem_shared>>
        %dma_wait3A_57 = arith.constant 0 : i32
        %dma_wait3A_58 = tpu.memref_slice %arg13[%add3A_18, %dma_wait3A_57] : memref<10240x256xbf16, #tpu.memory_space<vmem_shared>> -> memref<64x256xbf16, #tpu.memory_space<vmem_shared>>
        tpu.wait_dma2 semaphore(%run_scoped3A : memref<!tpu.dma_semaphore, #tpu.memory_space<semaphore_mem>>) src(%arg12 : memref<64x256xbf16, #tpu.memory_space<vmem>>) dst(%dma_wait3A_58 : memref<64x256xbf16, #tpu.memory_space<vmem_shared>>)
        tpu.yield
      }) : () -> ()
      %add3A_19 = arith.constant 384 : i32
      %add3A_20 = arith.addi %mul3A_0, %add3A_19 : i32
      "tpu.region"() ({
        %run_scoped3A = tpu.sem_alloc : memref<!tpu.dma_semaphore, #tpu.memory_space<semaphore_mem>>
        %dma_start3A = arith.constant 0 : i32
        %dma_start3A_53 = tpu.memref_slice %arg13[%add3A_20, %dma_start3A] : memref<10240x256xbf16, #tpu.memory_space<vmem_shared>> -> memref<64x256xbf16, #tpu.memory_space<vmem_shared>>
        %dma_start3A_54 = arith.constant 0 : i32
        %dma_start3A_55 = tpu.memref_slice %arg13[%add3A_20, %dma_start3A_54] : memref<10240x256xbf16, #tpu.memory_space<vmem_shared>> -> memref<64x256xbf16, #tpu.memory_space<vmem_shared>>
        tpu.enqueue_dma source(%arg12 : memref<64x256xbf16, #tpu.memory_space<vmem>>) target(%dma_start3A_55 : memref<64x256xbf16, #tpu.memory_space<vmem_shared>>) target_semaphore(%run_scoped3A : memref<!tpu.dma_semaphore, #tpu.memory_space<semaphore_mem>>)
        %dma_wait3A = arith.constant 0 : i32
        %dma_wait3A_56 = tpu.memref_slice %arg13[%add3A_20, %dma_wait3A] : memref<10240x256xbf16, #tpu.memory_space<vmem_shared>> -> memref<64x256xbf16, #tpu.memory_space<vmem_shared>>
        %dma_wait3A_57 = arith.constant 0 : i32
        %dma_wait3A_58 = tpu.memref_slice %arg13[%add3A_20, %dma_wait3A_57] : memref<10240x256xbf16, #tpu.memory_space<vmem_shared>> -> memref<64x256xbf16, #tpu.memory_space<vmem_shared>>
        tpu.wait_dma2 semaphore(%run_scoped3A : memref<!tpu.dma_semaphore, #tpu.memory_space<semaphore_mem>>) src(%arg12 : memref<64x256xbf16, #tpu.memory_space<vmem>>) dst(%dma_wait3A_58 : memref<64x256xbf16, #tpu.memory_space<vmem_shared>>)
        tpu.yield
      }) : () -> ()
      %add3A_21 = arith.constant 448 : i32
      %add3A_22 = arith.addi %mul3A_0, %add3A_21 : i32
      "tpu.region"() ({
        %run_scoped3A = tpu.sem_alloc : memref<!tpu.dma_semaphore, #tpu.memory_space<semaphore_mem>>
        %dma_start3A = arith.constant 0 : i32
        %dma_start3A_53 = tpu.memref_slice %arg13[%add3A_22, %dma_start3A] : memref<10240x256xbf16, #tpu.memory_space<vmem_shared>> -> memref<64x256xbf16, #tpu.memory_space<vmem_shared>>
        %dma_start3A_54 = arith.constant 0 : i32
        %dma_start3A_55 = tpu.memref_slice %arg13[%add3A_22, %dma_start3A_54] : memref<10240x256xbf16, #tpu.memory_space<vmem_shared>> -> memref<64x256xbf16, #tpu.memory_space<vmem_shared>>
        tpu.enqueue_dma source(%arg12 : memref<64x256xbf16, #tpu.memory_space<vmem>>) target(%dma_start3A_55 : memref<64x256xbf16, #tpu.memory_space<vmem_shared>>) target_semaphore(%run_scoped3A : memref<!tpu.dma_semaphore, #tpu.memory_space<semaphore_mem>>)
        %dma_wait3A = arith.constant 0 : i32
        %dma_wait3A_56 = tpu.memref_slice %arg13[%add3A_22, %dma_wait3A] : memref<10240x256xbf16, #tpu.memory_space<vmem_shared>> -> memref<64x256xbf16, #tpu.memory_space<vmem_shared>>
        %dma_wait3A_57 = arith.constant 0 : i32
        %dma_wait3A_58 = tpu.memref_slice %arg13[%add3A_22, %dma_wait3A_57] : memref<10240x256xbf16, #tpu.memory_space<vmem_shared>> -> memref<64x256xbf16, #tpu.memory_space<vmem_shared>>
        tpu.wait_dma2 semaphore(%run_scoped3A : memref<!tpu.dma_semaphore, #tpu.memory_space<semaphore_mem>>) src(%arg12 : memref<64x256xbf16, #tpu.memory_space<vmem>>) dst(%dma_wait3A_58 : memref<64x256xbf16, #tpu.memory_space<vmem_shared>>)
        tpu.yield
      }) : () -> ()
      %add3A_23 = arith.constant 512 : i32
      %add3A_24 = arith.addi %mul3A_0, %add3A_23 : i32
      "tpu.region"() ({
        %run_scoped3A = tpu.sem_alloc : memref<!tpu.dma_semaphore, #tpu.memory_space<semaphore_mem>>
        %dma_start3A = arith.constant 0 : i32
        %dma_start3A_53 = tpu.memref_slice %arg13[%add3A_24, %dma_start3A] : memref<10240x256xbf16, #tpu.memory_space<vmem_shared>> -> memref<64x256xbf16, #tpu.memory_space<vmem_shared>>
        %dma_start3A_54 = arith.constant 0 : i32
        %dma_start3A_55 = tpu.memref_slice %arg13[%add3A_24, %dma_start3A_54] : memref<10240x256xbf16, #tpu.memory_space<vmem_shared>> -> memref<64x256xbf16, #tpu.memory_space<vmem_shared>>
        tpu.enqueue_dma source(%arg12 : memref<64x256xbf16, #tpu.memory_space<vmem>>) target(%dma_start3A_55 : memref<64x256xbf16, #tpu.memory_space<vmem_shared>>) target_semaphore(%run_scoped3A : memref<!tpu.dma_semaphore, #tpu.memory_space<semaphore_mem>>)
        %dma_wait3A = arith.constant 0 : i32
        %dma_wait3A_56 = tpu.memref_slice %arg13[%add3A_24, %dma_wait3A] : memref<10240x256xbf16, #tpu.memory_space<vmem_shared>> -> memref<64x256xbf16, #tpu.memory_space<vmem_shared>>
        %dma_wait3A_57 = arith.constant 0 : i32
        %dma_wait3A_58 = tpu.memref_slice %arg13[%add3A_24, %dma_wait3A_57] : memref<10240x256xbf16, #tpu.memory_space<vmem_shared>> -> memref<64x256xbf16, #tpu.memory_space<vmem_shared>>
        tpu.wait_dma2 semaphore(%run_scoped3A : memref<!tpu.dma_semaphore, #tpu.memory_space<semaphore_mem>>) src(%arg12 : memref<64x256xbf16, #tpu.memory_space<vmem>>) dst(%dma_wait3A_58 : memref<64x256xbf16, #tpu.memory_space<vmem_shared>>)
        tpu.yield
      }) : () -> ()
      %add3A_25 = arith.constant 576 : i32
      %add3A_26 = arith.addi %mul3A_0, %add3A_25 : i32
      "tpu.region"() ({
        %run_scoped3A = tpu.sem_alloc : memref<!tpu.dma_semaphore, #tpu.memory_space<semaphore_mem>>
        %dma_start3A = arith.constant 0 : i32
        %dma_start3A_53 = tpu.memref_slice %arg13[%add3A_26, %dma_start3A] : memref<10240x256xbf16, #tpu.memory_space<vmem_shared>> -> memref<64x256xbf16, #tpu.memory_space<vmem_shared>>
        %dma_start3A_54 = arith.constant 0 : i32
        %dma_start3A_55 = tpu.memref_slice %arg13[%add3A_26, %dma_start3A_54] : memref<10240x256xbf16, #tpu.memory_space<vmem_shared>> -> memref<64x256xbf16, #tpu.memory_space<vmem_shared>>
        tpu.enqueue_dma source(%arg12 : memref<64x256xbf16, #tpu.memory_space<vmem>>) target(%dma_start3A_55 : memref<64x256xbf16, #tpu.memory_space<vmem_shared>>) target_semaphore(%run_scoped3A : memref<!tpu.dma_semaphore, #tpu.memory_space<semaphore_mem>>)
        %dma_wait3A = arith.constant 0 : i32
        %dma_wait3A_56 = tpu.memref_slice %arg13[%add3A_26, %dma_wait3A] : memref<10240x256xbf16, #tpu.memory_space<vmem_shared>> -> memref<64x256xbf16, #tpu.memory_space<vmem_shared>>
        %dma_wait3A_57 = arith.constant 0 : i32
        %dma_wait3A_58 = tpu.memref_slice %arg13[%add3A_26, %dma_wait3A_57] : memref<10240x256xbf16, #tpu.memory_space<vmem_shared>> -> memref<64x256xbf16, #tpu.memory_space<vmem_shared>>
        tpu.wait_dma2 semaphore(%run_scoped3A : memref<!tpu.dma_semaphore, #tpu.memory_space<semaphore_mem>>) src(%arg12 : memref<64x256xbf16, #tpu.memory_space<vmem>>) dst(%dma_wait3A_58 : memref<64x256xbf16, #tpu.memory_space<vmem_shared>>)
        tpu.yield
      }) : () -> ()
      %barrier3A = arith.constant 0 : index
      tpu.barrier barrier_id(%barrier3A)
      %scan3A = arith.constant 0 : i32
      %scan3A_27 = arith.constant 0 : i32
      %scan3A_28 = arith.constant 80 : i32
      %scan3A_29 = arith.addi %scan3A_27, %scan3A_28 : i32
      %scan3A_30 = arith.constant 1 : i32
      scf.for %scan3A_53 = %scan3A_27 to %scan3A_29 step %scan3A_30  : i32 {
        %dma_start3A = arith.constant 0 : i32
        %dma_start3A_54 = tpu.memref_slice %arg9[%scan3A_53, %dma_start3A] : memref<80x128xi32, #tpu.memory_space<vmem>> -> memref<1x128xi32, #tpu.memory_space<vmem>>
        %dma_start3A_55 = tpu.memref_squeeze %dma_start3A_54 : memref<1x128xi32, #tpu.memory_space<vmem>> -> memref<128xi32, #tpu.memory_space<vmem>>
        %dma_start3A_56 = arith.constant 0 : i32
        %dma_start3A_57 = arith.constant 0 : i32
        %dma_start3A_58 = tpu.memref_slice %arg3[%dma_start3A_56, %dma_start3A_57] : memref<10240x256xbf16, #tpu.memory_space<hbm>> -> memref<10240x256xbf16, #tpu.memory_space<hbm>>
        tpu.enqueue_indirect_dma source(%dma_start3A_58 : memref<10240x256xbf16, #tpu.memory_space<hbm>>) target(%arg11 : memref<128x256xbf16, #tpu.memory_space<vmem>>) offsets(%dma_start3A_55 : memref<128xi32, #tpu.memory_space<vmem>>) semaphore(%arg14 : memref<!tpu.dma_semaphore, #tpu.memory_space<semaphore_mem>>)
        %dma_wait3A = arith.constant 0 : i32
        %dma_wait3A_59 = tpu.memref_slice %arg9[%scan3A_53, %dma_wait3A] : memref<80x128xi32, #tpu.memory_space<vmem>> -> memref<1x128xi32, #tpu.memory_space<vmem>>
        %dma_wait3A_60 = tpu.memref_squeeze %dma_wait3A_59 : memref<1x128xi32, #tpu.memory_space<vmem>> -> memref<128xi32, #tpu.memory_space<vmem>>
        %dma_wait3A_61 = arith.constant 0 : i32
        %dma_wait3A_62 = arith.constant 0 : i32
        %dma_wait3A_63 = tpu.memref_slice %arg3[%dma_wait3A_61, %dma_wait3A_62] : memref<10240x256xbf16, #tpu.memory_space<hbm>> -> memref<10240x256xbf16, #tpu.memory_space<hbm>>
        tpu.wait_indirect_dma semaphore(%arg14 : memref<!tpu.dma_semaphore, #tpu.memory_space<semaphore_mem>>) src(%dma_wait3A_63 : memref<10240x256xbf16, #tpu.memory_space<hbm>>) dst(%arg11 : memref<128x256xbf16, #tpu.memory_space<vmem>>)
        "tpu.region"() ({
          %run_scoped3A = tpu.sem_alloc : memref<!tpu.dma_semaphore, #tpu.memory_space<semaphore_mem>>
          %dma_start3A_64 = arith.constant 0 : i32
          %dma_start3A_65 = tpu.memref_slice %arg10[%scan3A_53, %dma_start3A_64] : memref<80x128xi32, #tpu.memory_space<vmem>> -> memref<1x128xi32, #tpu.memory_space<vmem>>
          %dma_start3A_66 = tpu.memref_squeeze %dma_start3A_65 : memref<1x128xi32, #tpu.memory_space<vmem>> -> memref<128xi32, #tpu.memory_space<vmem>>
          %dma_start3A_67 = arith.constant 0 : i32
          %dma_start3A_68 = arith.constant 0 : i32
          %dma_start3A_69 = tpu.memref_slice %arg13[%dma_start3A_67, %dma_start3A_68] : memref<10240x256xbf16, #tpu.memory_space<vmem_shared>> -> memref<10240x256xbf16, #tpu.memory_space<vmem_shared>>
          tpu.enqueue_indirect_dma source(%arg11 : memref<128x256xbf16, #tpu.memory_space<vmem>>) target(%dma_start3A_69 : memref<10240x256xbf16, #tpu.memory_space<vmem_shared>>) offsets(%dma_start3A_66 : memref<128xi32, #tpu.memory_space<vmem>>) semaphore(%run_scoped3A : memref<!tpu.dma_semaphore, #tpu.memory_space<semaphore_mem>>) {add = true}
          %dma_wait3A_70 = arith.constant 0 : i32
          %dma_wait3A_71 = tpu.memref_slice %arg10[%scan3A_53, %dma_wait3A_70] : memref<80x128xi32, #tpu.memory_space<vmem>> -> memref<1x128xi32, #tpu.memory_space<vmem>>
          %dma_wait3A_72 = tpu.memref_squeeze %dma_wait3A_71 : memref<1x128xi32, #tpu.memory_space<vmem>> -> memref<128xi32, #tpu.memory_space<vmem>>
          %dma_wait3A_73 = arith.constant 0 : i32
          %dma_wait3A_74 = arith.constant 0 : i32
          %dma_wait3A_75 = tpu.memref_slice %arg13[%dma_wait3A_73, %dma_wait3A_74] : memref<10240x256xbf16, #tpu.memory_space<vmem_shared>> -> memref<10240x256xbf16, #tpu.memory_space<vmem_shared>>
          tpu.wait_indirect_dma semaphore(%run_scoped3A : memref<!tpu.dma_semaphore, #tpu.memory_space<semaphore_mem>>) src(%arg11 : memref<128x256xbf16, #tpu.memory_space<vmem>>) dst(%dma_wait3A_75 : memref<10240x256xbf16, #tpu.memory_space<vmem_shared>>)
          tpu.yield
        }) : () -> ()
      }
      %scan3A_31 = arith.constant 80 : i32
      %barrier3A_32 = arith.constant 0 : index
      tpu.barrier barrier_id(%barrier3A_32)
      %add3A_33 = arith.constant 0 : i32
      %add3A_34 = arith.addi %mul3A_0, %add3A_33 : i32
      "tpu.region"() ({
        %run_scoped3A = tpu.sem_alloc : memref<!tpu.dma_semaphore, #tpu.memory_space<semaphore_mem>>
        %dma_start3A = arith.constant 0 : i32
        %dma_start3A_53 = tpu.memref_slice %arg13[%add3A_34, %dma_start3A] : memref<10240x256xbf16, #tpu.memory_space<vmem_shared>> -> memref<128x256xbf16, #tpu.memory_space<vmem_shared>>
        %dma_start3A_54 = arith.constant 0 : i32
        %dma_start3A_55 = tpu.memref_slice %arg13[%add3A_34, %dma_start3A_54] : memref<10240x256xbf16, #tpu.memory_space<vmem_shared>> -> memref<128x256xbf16, #tpu.memory_space<vmem_shared>>
        tpu.enqueue_dma source(%dma_start3A_55 : memref<128x256xbf16, #tpu.memory_space<vmem_shared>>) target(%arg11 : memref<128x256xbf16, #tpu.memory_space<vmem>>) target_semaphore(%run_scoped3A : memref<!tpu.dma_semaphore, #tpu.memory_space<semaphore_mem>>)
        %dma_wait3A = arith.constant 0 : i32
        %dma_wait3A_56 = tpu.memref_slice %arg13[%add3A_34, %dma_wait3A] : memref<10240x256xbf16, #tpu.memory_space<vmem_shared>> -> memref<128x256xbf16, #tpu.memory_space<vmem_shared>>
        %dma_wait3A_57 = arith.constant 0 : i32
        %dma_wait3A_58 = tpu.memref_slice %arg13[%add3A_34, %dma_wait3A_57] : memref<10240x256xbf16, #tpu.memory_space<vmem_shared>> -> memref<128x256xbf16, #tpu.memory_space<vmem_shared>>
        tpu.wait_dma2 semaphore(%run_scoped3A : memref<!tpu.dma_semaphore, #tpu.memory_space<semaphore_mem>>) src(%dma_wait3A_58 : memref<128x256xbf16, #tpu.memory_space<vmem_shared>>) dst(%arg11 : memref<128x256xbf16, #tpu.memory_space<vmem>>)
        tpu.yield
      }) : () -> ()
      %add3A_35 = arith.constant 0 : i32
      %add3A_36 = arith.addi %mul3A_0, %add3A_35 : i32
      "tpu.region"() ({
        %run_scoped3A = tpu.sem_alloc : memref<!tpu.dma_semaphore, #tpu.memory_space<semaphore_mem>>
        %dma_start3A = arith.constant 0 : i32
        %dma_start3A_53 = tpu.memref_slice %arg8[%add3A_36, %dma_start3A] : memref<10240x256xbf16, #tpu.memory_space<hbm>> -> memref<128x256xbf16, #tpu.memory_space<hbm>>
        %dma_start3A_54 = arith.constant 0 : i32
        %dma_start3A_55 = tpu.memref_slice %arg8[%add3A_36, %dma_start3A_54] : memref<10240x256xbf16, #tpu.memory_space<hbm>> -> memref<128x256xbf16, #tpu.memory_space<hbm>>
        tpu.enqueue_dma source(%arg11 : memref<128x256xbf16, #tpu.memory_space<vmem>>) target(%dma_start3A_55 : memref<128x256xbf16, #tpu.memory_space<hbm>>) target_semaphore(%run_scoped3A : memref<!tpu.dma_semaphore, #tpu.memory_space<semaphore_mem>>)
        %dma_wait3A = arith.constant 0 : i32
        %dma_wait3A_56 = tpu.memref_slice %arg8[%add3A_36, %dma_wait3A] : memref<10240x256xbf16, #tpu.memory_space<hbm>> -> memref<128x256xbf16, #tpu.memory_space<hbm>>
        %dma_wait3A_57 = arith.constant 0 : i32
        %dma_wait3A_58 = tpu.memref_slice %arg8[%add3A_36, %dma_wait3A_57] : memref<10240x256xbf16, #tpu.memory_space<hbm>> -> memref<128x256xbf16, #tpu.memory_space<hbm>>
        tpu.wait_dma2 semaphore(%run_scoped3A : memref<!tpu.dma_semaphore, #tpu.memory_space<semaphore_mem>>) src(%arg11 : memref<128x256xbf16, #tpu.memory_space<vmem>>) dst(%dma_wait3A_58 : memref<128x256xbf16, #tpu.memory_space<hbm>>)
        tpu.yield
      }) : () -> ()
      %add3A_37 = arith.constant 128 : i32
      %add3A_38 = arith.addi %mul3A_0, %add3A_37 : i32
      "tpu.region"() ({
        %run_scoped3A = tpu.sem_alloc : memref<!tpu.dma_semaphore, #tpu.memory_space<semaphore_mem>>
        %dma_start3A = arith.constant 0 : i32
        %dma_start3A_53 = tpu.memref_slice %arg13[%add3A_38, %dma_start3A] : memref<10240x256xbf16, #tpu.memory_space<vmem_shared>> -> memref<128x256xbf16, #tpu.memory_space<vmem_shared>>
        %dma_start3A_54 = arith.constant 0 : i32
        %dma_start3A_55 = tpu.memref_slice %arg13[%add3A_38, %dma_start3A_54] : memref<10240x256xbf16, #tpu.memory_space<vmem_shared>> -> memref<128x256xbf16, #tpu.memory_space<vmem_shared>>
        tpu.enqueue_dma source(%dma_start3A_55 : memref<128x256xbf16, #tpu.memory_space<vmem_shared>>) target(%arg11 : memref<128x256xbf16, #tpu.memory_space<vmem>>) target_semaphore(%run_scoped3A : memref<!tpu.dma_semaphore, #tpu.memory_space<semaphore_mem>>)
        %dma_wait3A = arith.constant 0 : i32
        %dma_wait3A_56 = tpu.memref_slice %arg13[%add3A_38, %dma_wait3A] : memref<10240x256xbf16, #tpu.memory_space<vmem_shared>> -> memref<128x256xbf16, #tpu.memory_space<vmem_shared>>
        %dma_wait3A_57 = arith.constant 0 : i32
        %dma_wait3A_58 = tpu.memref_slice %arg13[%add3A_38, %dma_wait3A_57] : memref<10240x256xbf16, #tpu.memory_space<vmem_shared>> -> memref<128x256xbf16, #tpu.memory_space<vmem_shared>>
        tpu.wait_dma2 semaphore(%run_scoped3A : memref<!tpu.dma_semaphore, #tpu.memory_space<semaphore_mem>>) src(%dma_wait3A_58 : memref<128x256xbf16, #tpu.memory_space<vmem_shared>>) dst(%arg11 : memref<128x256xbf16, #tpu.memory_space<vmem>>)
        tpu.yield
      }) : () -> ()
      %add3A_39 = arith.constant 128 : i32
      %add3A_40 = arith.addi %mul3A_0, %add3A_39 : i32
      "tpu.region"() ({
        %run_scoped3A = tpu.sem_alloc : memref<!tpu.dma_semaphore, #tpu.memory_space<semaphore_mem>>
        %dma_start3A = arith.constant 0 : i32
        %dma_start3A_53 = tpu.memref_slice %arg8[%add3A_40, %dma_start3A] : memref<10240x256xbf16, #tpu.memory_space<hbm>> -> memref<128x256xbf16, #tpu.memory_space<hbm>>
        %dma_start3A_54 = arith.constant 0 : i32
        %dma_start3A_55 = tpu.memref_slice %arg8[%add3A_40, %dma_start3A_54] : memref<10240x256xbf16, #tpu.memory_space<hbm>> -> memref<128x256xbf16, #tpu.memory_space<hbm>>
        tpu.enqueue_dma source(%arg11 : memref<128x256xbf16, #tpu.memory_space<vmem>>) target(%dma_start3A_55 : memref<128x256xbf16, #tpu.memory_space<hbm>>) target_semaphore(%run_scoped3A : memref<!tpu.dma_semaphore, #tpu.memory_space<semaphore_mem>>)
        %dma_wait3A = arith.constant 0 : i32
        %dma_wait3A_56 = tpu.memref_slice %arg8[%add3A_40, %dma_wait3A] : memref<10240x256xbf16, #tpu.memory_space<hbm>> -> memref<128x256xbf16, #tpu.memory_space<hbm>>
        %dma_wait3A_57 = arith.constant 0 : i32
        %dma_wait3A_58 = tpu.memref_slice %arg8[%add3A_40, %dma_wait3A_57] : memref<10240x256xbf16, #tpu.memory_space<hbm>> -> memref<128x256xbf16, #tpu.memory_space<hbm>>
        tpu.wait_dma2 semaphore(%run_scoped3A : memref<!tpu.dma_semaphore, #tpu.memory_space<semaphore_mem>>) src(%arg11 : memref<128x256xbf16, #tpu.memory_space<vmem>>) dst(%dma_wait3A_58 : memref<128x256xbf16, #tpu.memory_space<hbm>>)
        tpu.yield
      }) : () -> ()
      %add3A_41 = arith.constant 256 : i32
      %add3A_42 = arith.addi %mul3A_0, %add3A_41 : i32
      "tpu.region"() ({
        %run_scoped3A = tpu.sem_alloc : memref<!tpu.dma_semaphore, #tpu.memory_space<semaphore_mem>>
        %dma_start3A = arith.constant 0 : i32
        %dma_start3A_53 = tpu.memref_slice %arg13[%add3A_42, %dma_start3A] : memref<10240x256xbf16, #tpu.memory_space<vmem_shared>> -> memref<128x256xbf16, #tpu.memory_space<vmem_shared>>
        %dma_start3A_54 = arith.constant 0 : i32
        %dma_start3A_55 = tpu.memref_slice %arg13[%add3A_42, %dma_start3A_54] : memref<10240x256xbf16, #tpu.memory_space<vmem_shared>> -> memref<128x256xbf16, #tpu.memory_space<vmem_shared>>
        tpu.enqueue_dma source(%dma_start3A_55 : memref<128x256xbf16, #tpu.memory_space<vmem_shared>>) target(%arg11 : memref<128x256xbf16, #tpu.memory_space<vmem>>) target_semaphore(%run_scoped3A : memref<!tpu.dma_semaphore, #tpu.memory_space<semaphore_mem>>)
        %dma_wait3A = arith.constant 0 : i32
        %dma_wait3A_56 = tpu.memref_slice %arg13[%add3A_42, %dma_wait3A] : memref<10240x256xbf16, #tpu.memory_space<vmem_shared>> -> memref<128x256xbf16, #tpu.memory_space<vmem_shared>>
        %dma_wait3A_57 = arith.constant 0 : i32
        %dma_wait3A_58 = tpu.memref_slice %arg13[%add3A_42, %dma_wait3A_57] : memref<10240x256xbf16, #tpu.memory_space<vmem_shared>> -> memref<128x256xbf16, #tpu.memory_space<vmem_shared>>
        tpu.wait_dma2 semaphore(%run_scoped3A : memref<!tpu.dma_semaphore, #tpu.memory_space<semaphore_mem>>) src(%dma_wait3A_58 : memref<128x256xbf16, #tpu.memory_space<vmem_shared>>) dst(%arg11 : memref<128x256xbf16, #tpu.memory_space<vmem>>)
        tpu.yield
      }) : () -> ()
      %add3A_43 = arith.constant 256 : i32
      %add3A_44 = arith.addi %mul3A_0, %add3A_43 : i32
      "tpu.region"() ({
        %run_scoped3A = tpu.sem_alloc : memref<!tpu.dma_semaphore, #tpu.memory_space<semaphore_mem>>
        %dma_start3A = arith.constant 0 : i32
        %dma_start3A_53 = tpu.memref_slice %arg8[%add3A_44, %dma_start3A] : memref<10240x256xbf16, #tpu.memory_space<hbm>> -> memref<128x256xbf16, #tpu.memory_space<hbm>>
        %dma_start3A_54 = arith.constant 0 : i32
        %dma_start3A_55 = tpu.memref_slice %arg8[%add3A_44, %dma_start3A_54] : memref<10240x256xbf16, #tpu.memory_space<hbm>> -> memref<128x256xbf16, #tpu.memory_space<hbm>>
        tpu.enqueue_dma source(%arg11 : memref<128x256xbf16, #tpu.memory_space<vmem>>) target(%dma_start3A_55 : memref<128x256xbf16, #tpu.memory_space<hbm>>) target_semaphore(%run_scoped3A : memref<!tpu.dma_semaphore, #tpu.memory_space<semaphore_mem>>)
        %dma_wait3A = arith.constant 0 : i32
        %dma_wait3A_56 = tpu.memref_slice %arg8[%add3A_44, %dma_wait3A] : memref<10240x256xbf16, #tpu.memory_space<hbm>> -> memref<128x256xbf16, #tpu.memory_space<hbm>>
        %dma_wait3A_57 = arith.constant 0 : i32
        %dma_wait3A_58 = tpu.memref_slice %arg8[%add3A_44, %dma_wait3A_57] : memref<10240x256xbf16, #tpu.memory_space<hbm>> -> memref<128x256xbf16, #tpu.memory_space<hbm>>
        tpu.wait_dma2 semaphore(%run_scoped3A : memref<!tpu.dma_semaphore, #tpu.memory_space<semaphore_mem>>) src(%arg11 : memref<128x256xbf16, #tpu.memory_space<vmem>>) dst(%dma_wait3A_58 : memref<128x256xbf16, #tpu.memory_space<hbm>>)
        tpu.yield
      }) : () -> ()
      %add3A_45 = arith.constant 384 : i32
      %add3A_46 = arith.addi %mul3A_0, %add3A_45 : i32
      "tpu.region"() ({
        %run_scoped3A = tpu.sem_alloc : memref<!tpu.dma_semaphore, #tpu.memory_space<semaphore_mem>>
        %dma_start3A = arith.constant 0 : i32
        %dma_start3A_53 = tpu.memref_slice %arg13[%add3A_46, %dma_start3A] : memref<10240x256xbf16, #tpu.memory_space<vmem_shared>> -> memref<128x256xbf16, #tpu.memory_space<vmem_shared>>
        %dma_start3A_54 = arith.constant 0 : i32
        %dma_start3A_55 = tpu.memref_slice %arg13[%add3A_46, %dma_start3A_54] : memref<10240x256xbf16, #tpu.memory_space<vmem_shared>> -> memref<128x256xbf16, #tpu.memory_space<vmem_shared>>
        tpu.enqueue_dma source(%dma_start3A_55 : memref<128x256xbf16, #tpu.memory_space<vmem_shared>>) target(%arg11 : memref<128x256xbf16, #tpu.memory_space<vmem>>) target_semaphore(%run_scoped3A : memref<!tpu.dma_semaphore, #tpu.memory_space<semaphore_mem>>)
        %dma_wait3A = arith.constant 0 : i32
        %dma_wait3A_56 = tpu.memref_slice %arg13[%add3A_46, %dma_wait3A] : memref<10240x256xbf16, #tpu.memory_space<vmem_shared>> -> memref<128x256xbf16, #tpu.memory_space<vmem_shared>>
        %dma_wait3A_57 = arith.constant 0 : i32
        %dma_wait3A_58 = tpu.memref_slice %arg13[%add3A_46, %dma_wait3A_57] : memref<10240x256xbf16, #tpu.memory_space<vmem_shared>> -> memref<128x256xbf16, #tpu.memory_space<vmem_shared>>
        tpu.wait_dma2 semaphore(%run_scoped3A : memref<!tpu.dma_semaphore, #tpu.memory_space<semaphore_mem>>) src(%dma_wait3A_58 : memref<128x256xbf16, #tpu.memory_space<vmem_shared>>) dst(%arg11 : memref<128x256xbf16, #tpu.memory_space<vmem>>)
        tpu.yield
      }) : () -> ()
      %add3A_47 = arith.constant 384 : i32
      %add3A_48 = arith.addi %mul3A_0, %add3A_47 : i32
      "tpu.region"() ({
        %run_scoped3A = tpu.sem_alloc : memref<!tpu.dma_semaphore, #tpu.memory_space<semaphore_mem>>
        %dma_start3A = arith.constant 0 : i32
        %dma_start3A_53 = tpu.memref_slice %arg8[%add3A_48, %dma_start3A] : memref<10240x256xbf16, #tpu.memory_space<hbm>> -> memref<128x256xbf16, #tpu.memory_space<hbm>>
        %dma_start3A_54 = arith.constant 0 : i32
        %dma_start3A_55 = tpu.memref_slice %arg8[%add3A_48, %dma_start3A_54] : memref<10240x256xbf16, #tpu.memory_space<hbm>> -> memref<128x256xbf16, #tpu.memory_space<hbm>>
        tpu.enqueue_dma source(%arg11 : memref<128x256xbf16, #tpu.memory_space<vmem>>) target(%dma_start3A_55 : memref<128x256xbf16, #tpu.memory_space<hbm>>) target_semaphore(%run_scoped3A : memref<!tpu.dma_semaphore, #tpu.memory_space<semaphore_mem>>)
        %dma_wait3A = arith.constant 0 : i32
        %dma_wait3A_56 = tpu.memref_slice %arg8[%add3A_48, %dma_wait3A] : memref<10240x256xbf16, #tpu.memory_space<hbm>> -> memref<128x256xbf16, #tpu.memory_space<hbm>>
        %dma_wait3A_57 = arith.constant 0 : i32
        %dma_wait3A_58 = tpu.memref_slice %arg8[%add3A_48, %dma_wait3A_57] : memref<10240x256xbf16, #tpu.memory_space<hbm>> -> memref<128x256xbf16, #tpu.memory_space<hbm>>
        tpu.wait_dma2 semaphore(%run_scoped3A : memref<!tpu.dma_semaphore, #tpu.memory_space<semaphore_mem>>) src(%arg11 : memref<128x256xbf16, #tpu.memory_space<vmem>>) dst(%dma_wait3A_58 : memref<128x256xbf16, #tpu.memory_space<hbm>>)
        tpu.yield
      }) : () -> ()
      %add3A_49 = arith.constant 512 : i32
      %add3A_50 = arith.addi %mul3A_0, %add3A_49 : i32
      "tpu.region"() ({
        %run_scoped3A = tpu.sem_alloc : memref<!tpu.dma_semaphore, #tpu.memory_space<semaphore_mem>>
        %dma_start3A = arith.constant 0 : i32
        %dma_start3A_53 = tpu.memref_slice %arg13[%add3A_50, %dma_start3A] : memref<10240x256xbf16, #tpu.memory_space<vmem_shared>> -> memref<128x256xbf16, #tpu.memory_space<vmem_shared>>
        %dma_start3A_54 = arith.constant 0 : i32
        %dma_start3A_55 = tpu.memref_slice %arg13[%add3A_50, %dma_start3A_54] : memref<10240x256xbf16, #tpu.memory_space<vmem_shared>> -> memref<128x256xbf16, #tpu.memory_space<vmem_shared>>
        tpu.enqueue_dma source(%dma_start3A_55 : memref<128x256xbf16, #tpu.memory_space<vmem_shared>>) target(%arg11 : memref<128x256xbf16, #tpu.memory_space<vmem>>) target_semaphore(%run_scoped3A : memref<!tpu.dma_semaphore, #tpu.memory_space<semaphore_mem>>)
        %dma_wait3A = arith.constant 0 : i32
        %dma_wait3A_56 = tpu.memref_slice %arg13[%add3A_50, %dma_wait3A] : memref<10240x256xbf16, #tpu.memory_space<vmem_shared>> -> memref<128x256xbf16, #tpu.memory_space<vmem_shared>>
        %dma_wait3A_57 = arith.constant 0 : i32
        %dma_wait3A_58 = tpu.memref_slice %arg13[%add3A_50, %dma_wait3A_57] : memref<10240x256xbf16, #tpu.memory_space<vmem_shared>> -> memref<128x256xbf16, #tpu.memory_space<vmem_shared>>
        tpu.wait_dma2 semaphore(%run_scoped3A : memref<!tpu.dma_semaphore, #tpu.memory_space<semaphore_mem>>) src(%dma_wait3A_58 : memref<128x256xbf16, #tpu.memory_space<vmem_shared>>) dst(%arg11 : memref<128x256xbf16, #tpu.memory_space<vmem>>)
        tpu.yield
      }) : () -> ()
      %add3A_51 = arith.constant 512 : i32
      %add3A_52 = arith.addi %mul3A_0, %add3A_51 : i32
      "tpu.region"() ({
        %run_scoped3A = tpu.sem_alloc : memref<!tpu.dma_semaphore, #tpu.memory_space<semaphore_mem>>
        %dma_start3A = arith.constant 0 : i32
        %dma_start3A_53 = tpu.memref_slice %arg8[%add3A_52, %dma_start3A] : memref<10240x256xbf16, #tpu.memory_space<hbm>> -> memref<128x256xbf16, #tpu.memory_space<hbm>>
        %dma_start3A_54 = arith.constant 0 : i32
        %dma_start3A_55 = tpu.memref_slice %arg8[%add3A_52, %dma_start3A_54] : memref<10240x256xbf16, #tpu.memory_space<hbm>> -> memref<128x256xbf16, #tpu.memory_space<hbm>>
        tpu.enqueue_dma source(%arg11 : memref<128x256xbf16, #tpu.memory_space<vmem>>) target(%dma_start3A_55 : memref<128x256xbf16, #tpu.memory_space<hbm>>) target_semaphore(%run_scoped3A : memref<!tpu.dma_semaphore, #tpu.memory_space<semaphore_mem>>)
        %dma_wait3A = arith.constant 0 : i32
        %dma_wait3A_56 = tpu.memref_slice %arg8[%add3A_52, %dma_wait3A] : memref<10240x256xbf16, #tpu.memory_space<hbm>> -> memref<128x256xbf16, #tpu.memory_space<hbm>>
        %dma_wait3A_57 = arith.constant 0 : i32
        %dma_wait3A_58 = tpu.memref_slice %arg8[%add3A_52, %dma_wait3A_57] : memref<10240x256xbf16, #tpu.memory_space<hbm>> -> memref<128x256xbf16, #tpu.memory_space<hbm>>
        tpu.wait_dma2 semaphore(%run_scoped3A : memref<!tpu.dma_semaphore, #tpu.memory_space<semaphore_mem>>) src(%arg11 : memref<128x256xbf16, #tpu.memory_space<vmem>>) dst(%dma_wait3A_58 : memref<128x256xbf16, #tpu.memory_space<hbm>>)
        tpu.yield
      }) : () -> ()
    } else {
    }
    return
  }
}

#map = affine_map<(d0, d1) -> (0, 0)>
#map1 = affine_map<(d0, d1) -> (0, 0, 0)>
module attributes {stable_mosaic.version = 14 : i64} {
  func.func @seg(%arg0: i32, %arg1: i32, %arg2: memref<10240x256xbf16, #tpu.memory_space<hbm>>, %arg3: memref<10240x256xbf16, #tpu.memory_space<hbm>>, %arg4: memref<16x80x128xi32, #tpu.memory_space<hbm>>, %arg5: memref<16x80x128xi32, #tpu.memory_space<hbm>>, %arg6: memref<64x256xbf16, #tpu.memory_space<hbm>>, %arg7: memref<10240x256xbf16, #tpu.memory_space<hbm>>, %arg8: memref<10240x256xbf16, #tpu.memory_space<hbm>>, %arg9: memref<80x128xi32, #tpu.memory_space<vmem>>, %arg10: memref<80x128xi32, #tpu.memory_space<vmem>>, %arg11: memref<128x256xbf16, #tpu.memory_space<vmem>>, %arg12: memref<64x256xbf16, #tpu.memory_space<vmem>>, %arg13: memref<10240x256xbf16, #tpu.memory_space<vmem_shared>>, %arg14: memref<!tpu.dma_semaphore, #tpu.memory_space<semaphore_mem>>) attributes {dimension_semantics = [#tpu.dimension_semantics<core_parallel>, #tpu.dimension_semantics<subcore_parallel>], iteration_bounds = array<i64: 2, 16>, scalar_prefetch = 0 : i64, scratch_operands = 6 : i64, tpu.core_type = #tpu.core_type<sc_vector_subcore>, window_params = [{transform_indices = #map}, {transform_indices = #map}, {transform_indices = #map1}, {transform_indices = #map1}, {transform_indices = #map}, {transform_indices = #map}, {transform_indices = #map}]} {
    %mul3A = arith.constant 640 : i32
    %mul3A_0 = arith.muli %arg1, %mul3A : i32
    "tpu.region"() ({
      %run_scoped3A = tpu.sem_alloc : memref<!tpu.dma_semaphore, #tpu.memory_space<semaphore_mem>>
      %dma_start3A = arith.constant 0 : i32
      %dma_start3A_8 = arith.constant 0 : i32
      %dma_start3A_9 = tpu.memref_slice %arg4[%arg1, %dma_start3A, %dma_start3A_8] : memref<16x80x128xi32, #tpu.memory_space<hbm>> -> memref<1x80x128xi32, #tpu.memory_space<hbm>>
      %dma_start3A_10 = tpu.memref_squeeze %dma_start3A_9 : memref<1x80x128xi32, #tpu.memory_space<hbm>> -> memref<80x128xi32, #tpu.memory_space<hbm>>
      %dma_start3A_11 = arith.constant 0 : i32
      %dma_start3A_12 = arith.constant 0 : i32
      %dma_start3A_13 = tpu.memref_slice %arg4[%arg1, %dma_start3A_11, %dma_start3A_12] : memref<16x80x128xi32, #tpu.memory_space<hbm>> -> memref<1x80x128xi32, #tpu.memory_space<hbm>>
      %dma_start3A_14 = tpu.memref_squeeze %dma_start3A_13 : memref<1x80x128xi32, #tpu.memory_space<hbm>> -> memref<80x128xi32, #tpu.memory_space<hbm>>
      tpu.enqueue_dma source(%dma_start3A_14 : memref<80x128xi32, #tpu.memory_space<hbm>>) target(%arg9 : memref<80x128xi32, #tpu.memory_space<vmem>>) target_semaphore(%run_scoped3A : memref<!tpu.dma_semaphore, #tpu.memory_space<semaphore_mem>>)
      %dma_wait3A = arith.constant 0 : i32
      %dma_wait3A_15 = arith.constant 0 : i32
      %dma_wait3A_16 = tpu.memref_slice %arg4[%arg1, %dma_wait3A, %dma_wait3A_15] : memref<16x80x128xi32, #tpu.memory_space<hbm>> -> memref<1x80x128xi32, #tpu.memory_space<hbm>>
      %dma_wait3A_17 = tpu.memref_squeeze %dma_wait3A_16 : memref<1x80x128xi32, #tpu.memory_space<hbm>> -> memref<80x128xi32, #tpu.memory_space<hbm>>
      %dma_wait3A_18 = arith.constant 0 : i32
      %dma_wait3A_19 = arith.constant 0 : i32
      %dma_wait3A_20 = tpu.memref_slice %arg4[%arg1, %dma_wait3A_18, %dma_wait3A_19] : memref<16x80x128xi32, #tpu.memory_space<hbm>> -> memref<1x80x128xi32, #tpu.memory_space<hbm>>
      %dma_wait3A_21 = tpu.memref_squeeze %dma_wait3A_20 : memref<1x80x128xi32, #tpu.memory_space<hbm>> -> memref<80x128xi32, #tpu.memory_space<hbm>>
      tpu.wait_dma2 semaphore(%run_scoped3A : memref<!tpu.dma_semaphore, #tpu.memory_space<semaphore_mem>>) src(%dma_wait3A_21 : memref<80x128xi32, #tpu.memory_space<hbm>>) dst(%arg9 : memref<80x128xi32, #tpu.memory_space<vmem>>)
      tpu.yield
    }) : () -> ()
    "tpu.region"() ({
      %run_scoped3A = tpu.sem_alloc : memref<!tpu.dma_semaphore, #tpu.memory_space<semaphore_mem>>
      %dma_start3A = arith.constant 0 : i32
      %dma_start3A_8 = arith.constant 0 : i32
      %dma_start3A_9 = tpu.memref_slice %arg5[%arg1, %dma_start3A, %dma_start3A_8] : memref<16x80x128xi32, #tpu.memory_space<hbm>> -> memref<1x80x128xi32, #tpu.memory_space<hbm>>
      %dma_start3A_10 = tpu.memref_squeeze %dma_start3A_9 : memref<1x80x128xi32, #tpu.memory_space<hbm>> -> memref<80x128xi32, #tpu.memory_space<hbm>>
      %dma_start3A_11 = arith.constant 0 : i32
      %dma_start3A_12 = arith.constant 0 : i32
      %dma_start3A_13 = tpu.memref_slice %arg5[%arg1, %dma_start3A_11, %dma_start3A_12] : memref<16x80x128xi32, #tpu.memory_space<hbm>> -> memref<1x80x128xi32, #tpu.memory_space<hbm>>
      %dma_start3A_14 = tpu.memref_squeeze %dma_start3A_13 : memref<1x80x128xi32, #tpu.memory_space<hbm>> -> memref<80x128xi32, #tpu.memory_space<hbm>>
      tpu.enqueue_dma source(%dma_start3A_14 : memref<80x128xi32, #tpu.memory_space<hbm>>) target(%arg10 : memref<80x128xi32, #tpu.memory_space<vmem>>) target_semaphore(%run_scoped3A : memref<!tpu.dma_semaphore, #tpu.memory_space<semaphore_mem>>)
      %dma_wait3A = arith.constant 0 : i32
      %dma_wait3A_15 = arith.constant 0 : i32
      %dma_wait3A_16 = tpu.memref_slice %arg5[%arg1, %dma_wait3A, %dma_wait3A_15] : memref<16x80x128xi32, #tpu.memory_space<hbm>> -> memref<1x80x128xi32, #tpu.memory_space<hbm>>
      %dma_wait3A_17 = tpu.memref_squeeze %dma_wait3A_16 : memref<1x80x128xi32, #tpu.memory_space<hbm>> -> memref<80x128xi32, #tpu.memory_space<hbm>>
      %dma_wait3A_18 = arith.constant 0 : i32
      %dma_wait3A_19 = arith.constant 0 : i32
      %dma_wait3A_20 = tpu.memref_slice %arg5[%arg1, %dma_wait3A_18, %dma_wait3A_19] : memref<16x80x128xi32, #tpu.memory_space<hbm>> -> memref<1x80x128xi32, #tpu.memory_space<hbm>>
      %dma_wait3A_21 = tpu.memref_squeeze %dma_wait3A_20 : memref<1x80x128xi32, #tpu.memory_space<hbm>> -> memref<80x128xi32, #tpu.memory_space<hbm>>
      tpu.wait_dma2 semaphore(%run_scoped3A : memref<!tpu.dma_semaphore, #tpu.memory_space<semaphore_mem>>) src(%dma_wait3A_21 : memref<80x128xi32, #tpu.memory_space<hbm>>) dst(%arg10 : memref<80x128xi32, #tpu.memory_space<vmem>>)
      tpu.yield
    }) : () -> ()
    "tpu.region"() ({
      %run_scoped3A = tpu.sem_alloc : memref<!tpu.dma_semaphore, #tpu.memory_space<semaphore_mem>>
      tpu.enqueue_dma source(%arg6 : memref<64x256xbf16, #tpu.memory_space<hbm>>) target(%arg12 : memref<64x256xbf16, #tpu.memory_space<vmem>>) target_semaphore(%run_scoped3A : memref<!tpu.dma_semaphore, #tpu.memory_space<semaphore_mem>>)
      tpu.wait_dma2 semaphore(%run_scoped3A : memref<!tpu.dma_semaphore, #tpu.memory_space<semaphore_mem>>) src(%arg6 : memref<64x256xbf16, #tpu.memory_space<hbm>>) dst(%arg12 : memref<64x256xbf16, #tpu.memory_space<vmem>>)
      tpu.yield
    }) : () -> ()
    %eq3A = arith.constant 0 : i32
    %eq3A_1 = arith.cmpi eq, %arg0, %eq3A : i32
    %convert_element_type3A = arith.extui %eq3A_1 : i1 to i32
    %cond3A = arith.constant 0 : i32
    %cond3A_2 = arith.cmpi ne, %convert_element_type3A, %cond3A : i32
    scf.if %cond3A_2 {
      %add3A = arith.constant 0 : i32
      %add3A_8 = arith.addi %mul3A_0, %add3A : i32
      "tpu.region"() ({
        %run_scoped3A = tpu.sem_alloc : memref<!tpu.dma_semaphore, #tpu.memory_space<semaphore_mem>>
        %dma_start3A = arith.constant 0 : i32
        %dma_start3A_53 = tpu.memref_slice %arg13[%add3A_8, %dma_start3A] : memref<10240x256xbf16, #tpu.memory_space<vmem_shared>> -> memref<64x256xbf16, #tpu.memory_space<vmem_shared>>
        %dma_start3A_54 = arith.constant 0 : i32
        %dma_start3A_55 = tpu.memref_slice %arg13[%add3A_8, %dma_start3A_54] : memref<10240x256xbf16, #tpu.memory_space<vmem_shared>> -> memref<64x256xbf16, #tpu.memory_space<vmem_shared>>
        tpu.enqueue_dma source(%arg12 : memref<64x256xbf16, #tpu.memory_space<vmem>>) target(%dma_start3A_55 : memref<64x256xbf16, #tpu.memory_space<vmem_shared>>) target_semaphore(%run_scoped3A : memref<!tpu.dma_semaphore, #tpu.memory_space<semaphore_mem>>)
        %dma_wait3A = arith.constant 0 : i32
        %dma_wait3A_56 = tpu.memref_slice %arg13[%add3A_8, %dma_wait3A] : memref<10240x256xbf16, #tpu.memory_space<vmem_shared>> -> memref<64x256xbf16, #tpu.memory_space<vmem_shared>>
        %dma_wait3A_57 = arith.constant 0 : i32
        %dma_wait3A_58 = tpu.memref_slice %arg13[%add3A_8, %dma_wait3A_57] : memref<10240x256xbf16, #tpu.memory_space<vmem_shared>> -> memref<64x256xbf16, #tpu.memory_space<vmem_shared>>
        tpu.wait_dma2 semaphore(%run_scoped3A : memref<!tpu.dma_semaphore, #tpu.memory_space<semaphore_mem>>) src(%arg12 : memref<64x256xbf16, #tpu.memory_space<vmem>>) dst(%dma_wait3A_58 : memref<64x256xbf16, #tpu.memory_space<vmem_shared>>)
        tpu.yield
      }) : () -> ()
      %add3A_9 = arith.constant 64 : i32
      %add3A_10 = arith.addi %mul3A_0, %add3A_9 : i32
      "tpu.region"() ({
        %run_scoped3A = tpu.sem_alloc : memref<!tpu.dma_semaphore, #tpu.memory_space<semaphore_mem>>
        %dma_start3A = arith.constant 0 : i32
        %dma_start3A_53 = tpu.memref_slice %arg13[%add3A_10, %dma_start3A] : memref<10240x256xbf16, #tpu.memory_space<vmem_shared>> -> memref<64x256xbf16, #tpu.memory_space<vmem_shared>>
        %dma_start3A_54 = arith.constant 0 : i32
        %dma_start3A_55 = tpu.memref_slice %arg13[%add3A_10, %dma_start3A_54] : memref<10240x256xbf16, #tpu.memory_space<vmem_shared>> -> memref<64x256xbf16, #tpu.memory_space<vmem_shared>>
        tpu.enqueue_dma source(%arg12 : memref<64x256xbf16, #tpu.memory_space<vmem>>) target(%dma_start3A_55 : memref<64x256xbf16, #tpu.memory_space<vmem_shared>>) target_semaphore(%run_scoped3A : memref<!tpu.dma_semaphore, #tpu.memory_space<semaphore_mem>>)
        %dma_wait3A = arith.constant 0 : i32
        %dma_wait3A_56 = tpu.memref_slice %arg13[%add3A_10, %dma_wait3A] : memref<10240x256xbf16, #tpu.memory_space<vmem_shared>> -> memref<64x256xbf16, #tpu.memory_space<vmem_shared>>
        %dma_wait3A_57 = arith.constant 0 : i32
        %dma_wait3A_58 = tpu.memref_slice %arg13[%add3A_10, %dma_wait3A_57] : memref<10240x256xbf16, #tpu.memory_space<vmem_shared>> -> memref<64x256xbf16, #tpu.memory_space<vmem_shared>>
        tpu.wait_dma2 semaphore(%run_scoped3A : memref<!tpu.dma_semaphore, #tpu.memory_space<semaphore_mem>>) src(%arg12 : memref<64x256xbf16, #tpu.memory_space<vmem>>) dst(%dma_wait3A_58 : memref<64x256xbf16, #tpu.memory_space<vmem_shared>>)
        tpu.yield
      }) : () -> ()
      %add3A_11 = arith.constant 128 : i32
      %add3A_12 = arith.addi %mul3A_0, %add3A_11 : i32
      "tpu.region"() ({
        %run_scoped3A = tpu.sem_alloc : memref<!tpu.dma_semaphore, #tpu.memory_space<semaphore_mem>>
        %dma_start3A = arith.constant 0 : i32
        %dma_start3A_53 = tpu.memref_slice %arg13[%add3A_12, %dma_start3A] : memref<10240x256xbf16, #tpu.memory_space<vmem_shared>> -> memref<64x256xbf16, #tpu.memory_space<vmem_shared>>
        %dma_start3A_54 = arith.constant 0 : i32
        %dma_start3A_55 = tpu.memref_slice %arg13[%add3A_12, %dma_start3A_54] : memref<10240x256xbf16, #tpu.memory_space<vmem_shared>> -> memref<64x256xbf16, #tpu.memory_space<vmem_shared>>
        tpu.enqueue_dma source(%arg12 : memref<64x256xbf16, #tpu.memory_space<vmem>>) target(%dma_start3A_55 : memref<64x256xbf16, #tpu.memory_space<vmem_shared>>) target_semaphore(%run_scoped3A : memref<!tpu.dma_semaphore, #tpu.memory_space<semaphore_mem>>)
        %dma_wait3A = arith.constant 0 : i32
        %dma_wait3A_56 = tpu.memref_slice %arg13[%add3A_12, %dma_wait3A] : memref<10240x256xbf16, #tpu.memory_space<vmem_shared>> -> memref<64x256xbf16, #tpu.memory_space<vmem_shared>>
        %dma_wait3A_57 = arith.constant 0 : i32
        %dma_wait3A_58 = tpu.memref_slice %arg13[%add3A_12, %dma_wait3A_57] : memref<10240x256xbf16, #tpu.memory_space<vmem_shared>> -> memref<64x256xbf16, #tpu.memory_space<vmem_shared>>
        tpu.wait_dma2 semaphore(%run_scoped3A : memref<!tpu.dma_semaphore, #tpu.memory_space<semaphore_mem>>) src(%arg12 : memref<64x256xbf16, #tpu.memory_space<vmem>>) dst(%dma_wait3A_58 : memref<64x256xbf16, #tpu.memory_space<vmem_shared>>)
        tpu.yield
      }) : () -> ()
      %add3A_13 = arith.constant 192 : i32
      %add3A_14 = arith.addi %mul3A_0, %add3A_13 : i32
      "tpu.region"() ({
        %run_scoped3A = tpu.sem_alloc : memref<!tpu.dma_semaphore, #tpu.memory_space<semaphore_mem>>
        %dma_start3A = arith.constant 0 : i32
        %dma_start3A_53 = tpu.memref_slice %arg13[%add3A_14, %dma_start3A] : memref<10240x256xbf16, #tpu.memory_space<vmem_shared>> -> memref<64x256xbf16, #tpu.memory_space<vmem_shared>>
        %dma_start3A_54 = arith.constant 0 : i32
        %dma_start3A_55 = tpu.memref_slice %arg13[%add3A_14, %dma_start3A_54] : memref<10240x256xbf16, #tpu.memory_space<vmem_shared>> -> memref<64x256xbf16, #tpu.memory_space<vmem_shared>>
        tpu.enqueue_dma source(%arg12 : memref<64x256xbf16, #tpu.memory_space<vmem>>) target(%dma_start3A_55 : memref<64x256xbf16, #tpu.memory_space<vmem_shared>>) target_semaphore(%run_scoped3A : memref<!tpu.dma_semaphore, #tpu.memory_space<semaphore_mem>>)
        %dma_wait3A = arith.constant 0 : i32
        %dma_wait3A_56 = tpu.memref_slice %arg13[%add3A_14, %dma_wait3A] : memref<10240x256xbf16, #tpu.memory_space<vmem_shared>> -> memref<64x256xbf16, #tpu.memory_space<vmem_shared>>
        %dma_wait3A_57 = arith.constant 0 : i32
        %dma_wait3A_58 = tpu.memref_slice %arg13[%add3A_14, %dma_wait3A_57] : memref<10240x256xbf16, #tpu.memory_space<vmem_shared>> -> memref<64x256xbf16, #tpu.memory_space<vmem_shared>>
        tpu.wait_dma2 semaphore(%run_scoped3A : memref<!tpu.dma_semaphore, #tpu.memory_space<semaphore_mem>>) src(%arg12 : memref<64x256xbf16, #tpu.memory_space<vmem>>) dst(%dma_wait3A_58 : memref<64x256xbf16, #tpu.memory_space<vmem_shared>>)
        tpu.yield
      }) : () -> ()
      %add3A_15 = arith.constant 256 : i32
      %add3A_16 = arith.addi %mul3A_0, %add3A_15 : i32
      "tpu.region"() ({
        %run_scoped3A = tpu.sem_alloc : memref<!tpu.dma_semaphore, #tpu.memory_space<semaphore_mem>>
        %dma_start3A = arith.constant 0 : i32
        %dma_start3A_53 = tpu.memref_slice %arg13[%add3A_16, %dma_start3A] : memref<10240x256xbf16, #tpu.memory_space<vmem_shared>> -> memref<64x256xbf16, #tpu.memory_space<vmem_shared>>
        %dma_start3A_54 = arith.constant 0 : i32
        %dma_start3A_55 = tpu.memref_slice %arg13[%add3A_16, %dma_start3A_54] : memref<10240x256xbf16, #tpu.memory_space<vmem_shared>> -> memref<64x256xbf16, #tpu.memory_space<vmem_shared>>
        tpu.enqueue_dma source(%arg12 : memref<64x256xbf16, #tpu.memory_space<vmem>>) target(%dma_start3A_55 : memref<64x256xbf16, #tpu.memory_space<vmem_shared>>) target_semaphore(%run_scoped3A : memref<!tpu.dma_semaphore, #tpu.memory_space<semaphore_mem>>)
        %dma_wait3A = arith.constant 0 : i32
        %dma_wait3A_56 = tpu.memref_slice %arg13[%add3A_16, %dma_wait3A] : memref<10240x256xbf16, #tpu.memory_space<vmem_shared>> -> memref<64x256xbf16, #tpu.memory_space<vmem_shared>>
        %dma_wait3A_57 = arith.constant 0 : i32
        %dma_wait3A_58 = tpu.memref_slice %arg13[%add3A_16, %dma_wait3A_57] : memref<10240x256xbf16, #tpu.memory_space<vmem_shared>> -> memref<64x256xbf16, #tpu.memory_space<vmem_shared>>
        tpu.wait_dma2 semaphore(%run_scoped3A : memref<!tpu.dma_semaphore, #tpu.memory_space<semaphore_mem>>) src(%arg12 : memref<64x256xbf16, #tpu.memory_space<vmem>>) dst(%dma_wait3A_58 : memref<64x256xbf16, #tpu.memory_space<vmem_shared>>)
        tpu.yield
      }) : () -> ()
      %add3A_17 = arith.constant 320 : i32
      %add3A_18 = arith.addi %mul3A_0, %add3A_17 : i32
      "tpu.region"() ({
        %run_scoped3A = tpu.sem_alloc : memref<!tpu.dma_semaphore, #tpu.memory_space<semaphore_mem>>
        %dma_start3A = arith.constant 0 : i32
        %dma_start3A_53 = tpu.memref_slice %arg13[%add3A_18, %dma_start3A] : memref<10240x256xbf16, #tpu.memory_space<vmem_shared>> -> memref<64x256xbf16, #tpu.memory_space<vmem_shared>>
        %dma_start3A_54 = arith.constant 0 : i32
        %dma_start3A_55 = tpu.memref_slice %arg13[%add3A_18, %dma_start3A_54] : memref<10240x256xbf16, #tpu.memory_space<vmem_shared>> -> memref<64x256xbf16, #tpu.memory_space<vmem_shared>>
        tpu.enqueue_dma source(%arg12 : memref<64x256xbf16, #tpu.memory_space<vmem>>) target(%dma_start3A_55 : memref<64x256xbf16, #tpu.memory_space<vmem_shared>>) target_semaphore(%run_scoped3A : memref<!tpu.dma_semaphore, #tpu.memory_space<semaphore_mem>>)
        %dma_wait3A = arith.constant 0 : i32
        %dma_wait3A_56 = tpu.memref_slice %arg13[%add3A_18, %dma_wait3A] : memref<10240x256xbf16, #tpu.memory_space<vmem_shared>> -> memref<64x256xbf16, #tpu.memory_space<vmem_shared>>
        %dma_wait3A_57 = arith.constant 0 : i32
        %dma_wait3A_58 = tpu.memref_slice %arg13[%add3A_18, %dma_wait3A_57] : memref<10240x256xbf16, #tpu.memory_space<vmem_shared>> -> memref<64x256xbf16, #tpu.memory_space<vmem_shared>>
        tpu.wait_dma2 semaphore(%run_scoped3A : memref<!tpu.dma_semaphore, #tpu.memory_space<semaphore_mem>>) src(%arg12 : memref<64x256xbf16, #tpu.memory_space<vmem>>) dst(%dma_wait3A_58 : memref<64x256xbf16, #tpu.memory_space<vmem_shared>>)
        tpu.yield
      }) : () -> ()
      %add3A_19 = arith.constant 384 : i32
      %add3A_20 = arith.addi %mul3A_0, %add3A_19 : i32
      "tpu.region"() ({
        %run_scoped3A = tpu.sem_alloc : memref<!tpu.dma_semaphore, #tpu.memory_space<semaphore_mem>>
        %dma_start3A = arith.constant 0 : i32
        %dma_start3A_53 = tpu.memref_slice %arg13[%add3A_20, %dma_start3A] : memref<10240x256xbf16, #tpu.memory_space<vmem_shared>> -> memref<64x256xbf16, #tpu.memory_space<vmem_shared>>
        %dma_start3A_54 = arith.constant 0 : i32
        %dma_start3A_55 = tpu.memref_slice %arg13[%add3A_20, %dma_start3A_54] : memref<10240x256xbf16, #tpu.memory_space<vmem_shared>> -> memref<64x256xbf16, #tpu.memory_space<vmem_shared>>
        tpu.enqueue_dma source(%arg12 : memref<64x256xbf16, #tpu.memory_space<vmem>>) target(%dma_start3A_55 : memref<64x256xbf16, #tpu.memory_space<vmem_shared>>) target_semaphore(%run_scoped3A : memref<!tpu.dma_semaphore, #tpu.memory_space<semaphore_mem>>)
        %dma_wait3A = arith.constant 0 : i32
        %dma_wait3A_56 = tpu.memref_slice %arg13[%add3A_20, %dma_wait3A] : memref<10240x256xbf16, #tpu.memory_space<vmem_shared>> -> memref<64x256xbf16, #tpu.memory_space<vmem_shared>>
        %dma_wait3A_57 = arith.constant 0 : i32
        %dma_wait3A_58 = tpu.memref_slice %arg13[%add3A_20, %dma_wait3A_57] : memref<10240x256xbf16, #tpu.memory_space<vmem_shared>> -> memref<64x256xbf16, #tpu.memory_space<vmem_shared>>
        tpu.wait_dma2 semaphore(%run_scoped3A : memref<!tpu.dma_semaphore, #tpu.memory_space<semaphore_mem>>) src(%arg12 : memref<64x256xbf16, #tpu.memory_space<vmem>>) dst(%dma_wait3A_58 : memref<64x256xbf16, #tpu.memory_space<vmem_shared>>)
        tpu.yield
      }) : () -> ()
      %add3A_21 = arith.constant 448 : i32
      %add3A_22 = arith.addi %mul3A_0, %add3A_21 : i32
      "tpu.region"() ({
        %run_scoped3A = tpu.sem_alloc : memref<!tpu.dma_semaphore, #tpu.memory_space<semaphore_mem>>
        %dma_start3A = arith.constant 0 : i32
        %dma_start3A_53 = tpu.memref_slice %arg13[%add3A_22, %dma_start3A] : memref<10240x256xbf16, #tpu.memory_space<vmem_shared>> -> memref<64x256xbf16, #tpu.memory_space<vmem_shared>>
        %dma_start3A_54 = arith.constant 0 : i32
        %dma_start3A_55 = tpu.memref_slice %arg13[%add3A_22, %dma_start3A_54] : memref<10240x256xbf16, #tpu.memory_space<vmem_shared>> -> memref<64x256xbf16, #tpu.memory_space<vmem_shared>>
        tpu.enqueue_dma source(%arg12 : memref<64x256xbf16, #tpu.memory_space<vmem>>) target(%dma_start3A_55 : memref<64x256xbf16, #tpu.memory_space<vmem_shared>>) target_semaphore(%run_scoped3A : memref<!tpu.dma_semaphore, #tpu.memory_space<semaphore_mem>>)
        %dma_wait3A = arith.constant 0 : i32
        %dma_wait3A_56 = tpu.memref_slice %arg13[%add3A_22, %dma_wait3A] : memref<10240x256xbf16, #tpu.memory_space<vmem_shared>> -> memref<64x256xbf16, #tpu.memory_space<vmem_shared>>
        %dma_wait3A_57 = arith.constant 0 : i32
        %dma_wait3A_58 = tpu.memref_slice %arg13[%add3A_22, %dma_wait3A_57] : memref<10240x256xbf16, #tpu.memory_space<vmem_shared>> -> memref<64x256xbf16, #tpu.memory_space<vmem_shared>>
        tpu.wait_dma2 semaphore(%run_scoped3A : memref<!tpu.dma_semaphore, #tpu.memory_space<semaphore_mem>>) src(%arg12 : memref<64x256xbf16, #tpu.memory_space<vmem>>) dst(%dma_wait3A_58 : memref<64x256xbf16, #tpu.memory_space<vmem_shared>>)
        tpu.yield
      }) : () -> ()
      %add3A_23 = arith.constant 512 : i32
      %add3A_24 = arith.addi %mul3A_0, %add3A_23 : i32
      "tpu.region"() ({
        %run_scoped3A = tpu.sem_alloc : memref<!tpu.dma_semaphore, #tpu.memory_space<semaphore_mem>>
        %dma_start3A = arith.constant 0 : i32
        %dma_start3A_53 = tpu.memref_slice %arg13[%add3A_24, %dma_start3A] : memref<10240x256xbf16, #tpu.memory_space<vmem_shared>> -> memref<64x256xbf16, #tpu.memory_space<vmem_shared>>
        %dma_start3A_54 = arith.constant 0 : i32
        %dma_start3A_55 = tpu.memref_slice %arg13[%add3A_24, %dma_start3A_54] : memref<10240x256xbf16, #tpu.memory_space<vmem_shared>> -> memref<64x256xbf16, #tpu.memory_space<vmem_shared>>
        tpu.enqueue_dma source(%arg12 : memref<64x256xbf16, #tpu.memory_space<vmem>>) target(%dma_start3A_55 : memref<64x256xbf16, #tpu.memory_space<vmem_shared>>) target_semaphore(%run_scoped3A : memref<!tpu.dma_semaphore, #tpu.memory_space<semaphore_mem>>)
        %dma_wait3A = arith.constant 0 : i32
        %dma_wait3A_56 = tpu.memref_slice %arg13[%add3A_24, %dma_wait3A] : memref<10240x256xbf16, #tpu.memory_space<vmem_shared>> -> memref<64x256xbf16, #tpu.memory_space<vmem_shared>>
        %dma_wait3A_57 = arith.constant 0 : i32
        %dma_wait3A_58 = tpu.memref_slice %arg13[%add3A_24, %dma_wait3A_57] : memref<10240x256xbf16, #tpu.memory_space<vmem_shared>> -> memref<64x256xbf16, #tpu.memory_space<vmem_shared>>
        tpu.wait_dma2 semaphore(%run_scoped3A : memref<!tpu.dma_semaphore, #tpu.memory_space<semaphore_mem>>) src(%arg12 : memref<64x256xbf16, #tpu.memory_space<vmem>>) dst(%dma_wait3A_58 : memref<64x256xbf16, #tpu.memory_space<vmem_shared>>)
        tpu.yield
      }) : () -> ()
      %add3A_25 = arith.constant 576 : i32
      %add3A_26 = arith.addi %mul3A_0, %add3A_25 : i32
      "tpu.region"() ({
        %run_scoped3A = tpu.sem_alloc : memref<!tpu.dma_semaphore, #tpu.memory_space<semaphore_mem>>
        %dma_start3A = arith.constant 0 : i32
        %dma_start3A_53 = tpu.memref_slice %arg13[%add3A_26, %dma_start3A] : memref<10240x256xbf16, #tpu.memory_space<vmem_shared>> -> memref<64x256xbf16, #tpu.memory_space<vmem_shared>>
        %dma_start3A_54 = arith.constant 0 : i32
        %dma_start3A_55 = tpu.memref_slice %arg13[%add3A_26, %dma_start3A_54] : memref<10240x256xbf16, #tpu.memory_space<vmem_shared>> -> memref<64x256xbf16, #tpu.memory_space<vmem_shared>>
        tpu.enqueue_dma source(%arg12 : memref<64x256xbf16, #tpu.memory_space<vmem>>) target(%dma_start3A_55 : memref<64x256xbf16, #tpu.memory_space<vmem_shared>>) target_semaphore(%run_scoped3A : memref<!tpu.dma_semaphore, #tpu.memory_space<semaphore_mem>>)
        %dma_wait3A = arith.constant 0 : i32
        %dma_wait3A_56 = tpu.memref_slice %arg13[%add3A_26, %dma_wait3A] : memref<10240x256xbf16, #tpu.memory_space<vmem_shared>> -> memref<64x256xbf16, #tpu.memory_space<vmem_shared>>
        %dma_wait3A_57 = arith.constant 0 : i32
        %dma_wait3A_58 = tpu.memref_slice %arg13[%add3A_26, %dma_wait3A_57] : memref<10240x256xbf16, #tpu.memory_space<vmem_shared>> -> memref<64x256xbf16, #tpu.memory_space<vmem_shared>>
        tpu.wait_dma2 semaphore(%run_scoped3A : memref<!tpu.dma_semaphore, #tpu.memory_space<semaphore_mem>>) src(%arg12 : memref<64x256xbf16, #tpu.memory_space<vmem>>) dst(%dma_wait3A_58 : memref<64x256xbf16, #tpu.memory_space<vmem_shared>>)
        tpu.yield
      }) : () -> ()
      %barrier3A = arith.constant 0 : index
      tpu.barrier barrier_id(%barrier3A)
      %scan3A = arith.constant 0 : i32
      %scan3A_27 = arith.constant 0 : i32
      %scan3A_28 = arith.constant 80 : i32
      %scan3A_29 = arith.addi %scan3A_27, %scan3A_28 : i32
      %scan3A_30 = arith.constant 1 : i32
      scf.for %scan3A_53 = %scan3A_27 to %scan3A_29 step %scan3A_30  : i32 {
        %dma_start3A = arith.constant 0 : i32
        %dma_start3A_54 = tpu.memref_slice %arg9[%scan3A_53, %dma_start3A] : memref<80x128xi32, #tpu.memory_space<vmem>> -> memref<1x128xi32, #tpu.memory_space<vmem>>
        %dma_start3A_55 = tpu.memref_squeeze %dma_start3A_54 : memref<1x128xi32, #tpu.memory_space<vmem>> -> memref<128xi32, #tpu.memory_space<vmem>>
        %dma_start3A_56 = arith.constant 0 : i32
        %dma_start3A_57 = arith.constant 0 : i32
        %dma_start3A_58 = tpu.memref_slice %arg2[%dma_start3A_56, %dma_start3A_57] : memref<10240x256xbf16, #tpu.memory_space<hbm>> -> memref<10240x256xbf16, #tpu.memory_space<hbm>>
        tpu.enqueue_indirect_dma source(%dma_start3A_58 : memref<10240x256xbf16, #tpu.memory_space<hbm>>) target(%arg11 : memref<128x256xbf16, #tpu.memory_space<vmem>>) offsets(%dma_start3A_55 : memref<128xi32, #tpu.memory_space<vmem>>) semaphore(%arg14 : memref<!tpu.dma_semaphore, #tpu.memory_space<semaphore_mem>>)
        %dma_wait3A = arith.constant 0 : i32
        %dma_wait3A_59 = tpu.memref_slice %arg9[%scan3A_53, %dma_wait3A] : memref<80x128xi32, #tpu.memory_space<vmem>> -> memref<1x128xi32, #tpu.memory_space<vmem>>
        %dma_wait3A_60 = tpu.memref_squeeze %dma_wait3A_59 : memref<1x128xi32, #tpu.memory_space<vmem>> -> memref<128xi32, #tpu.memory_space<vmem>>
        %dma_wait3A_61 = arith.constant 0 : i32
        %dma_wait3A_62 = arith.constant 0 : i32
        %dma_wait3A_63 = tpu.memref_slice %arg2[%dma_wait3A_61, %dma_wait3A_62] : memref<10240x256xbf16, #tpu.memory_space<hbm>> -> memref<10240x256xbf16, #tpu.memory_space<hbm>>
        tpu.wait_indirect_dma semaphore(%arg14 : memref<!tpu.dma_semaphore, #tpu.memory_space<semaphore_mem>>) src(%dma_wait3A_63 : memref<10240x256xbf16, #tpu.memory_space<hbm>>) dst(%arg11 : memref<128x256xbf16, #tpu.memory_space<vmem>>)
        "tpu.region"() ({
          %run_scoped3A = tpu.sem_alloc : memref<!tpu.dma_semaphore, #tpu.memory_space<semaphore_mem>>
          %dma_start3A_64 = arith.constant 0 : i32
          %dma_start3A_65 = tpu.memref_slice %arg10[%scan3A_53, %dma_start3A_64] : memref<80x128xi32, #tpu.memory_space<vmem>> -> memref<1x128xi32, #tpu.memory_space<vmem>>
          %dma_start3A_66 = tpu.memref_squeeze %dma_start3A_65 : memref<1x128xi32, #tpu.memory_space<vmem>> -> memref<128xi32, #tpu.memory_space<vmem>>
          %dma_start3A_67 = arith.constant 0 : i32
          %dma_start3A_68 = arith.constant 0 : i32
          %dma_start3A_69 = tpu.memref_slice %arg13[%dma_start3A_67, %dma_start3A_68] : memref<10240x256xbf16, #tpu.memory_space<vmem_shared>> -> memref<10240x256xbf16, #tpu.memory_space<vmem_shared>>
          tpu.enqueue_indirect_dma source(%arg11 : memref<128x256xbf16, #tpu.memory_space<vmem>>) target(%dma_start3A_69 : memref<10240x256xbf16, #tpu.memory_space<vmem_shared>>) offsets(%dma_start3A_66 : memref<128xi32, #tpu.memory_space<vmem>>) semaphore(%run_scoped3A : memref<!tpu.dma_semaphore, #tpu.memory_space<semaphore_mem>>) {add = true}
          %dma_wait3A_70 = arith.constant 0 : i32
          %dma_wait3A_71 = tpu.memref_slice %arg10[%scan3A_53, %dma_wait3A_70] : memref<80x128xi32, #tpu.memory_space<vmem>> -> memref<1x128xi32, #tpu.memory_space<vmem>>
          %dma_wait3A_72 = tpu.memref_squeeze %dma_wait3A_71 : memref<1x128xi32, #tpu.memory_space<vmem>> -> memref<128xi32, #tpu.memory_space<vmem>>
          %dma_wait3A_73 = arith.constant 0 : i32
          %dma_wait3A_74 = arith.constant 0 : i32
          %dma_wait3A_75 = tpu.memref_slice %arg13[%dma_wait3A_73, %dma_wait3A_74] : memref<10240x256xbf16, #tpu.memory_space<vmem_shared>> -> memref<10240x256xbf16, #tpu.memory_space<vmem_shared>>
          tpu.wait_indirect_dma semaphore(%run_scoped3A : memref<!tpu.dma_semaphore, #tpu.memory_space<semaphore_mem>>) src(%arg11 : memref<128x256xbf16, #tpu.memory_space<vmem>>) dst(%dma_wait3A_75 : memref<10240x256xbf16, #tpu.memory_space<vmem_shared>>)
          tpu.yield
        }) : () -> ()
      }
      %scan3A_31 = arith.constant 80 : i32
      %barrier3A_32 = arith.constant 0 : index
      tpu.barrier barrier_id(%barrier3A_32)
      %add3A_33 = arith.constant 0 : i32
      %add3A_34 = arith.addi %mul3A_0, %add3A_33 : i32
      "tpu.region"() ({
        %run_scoped3A = tpu.sem_alloc : memref<!tpu.dma_semaphore, #tpu.memory_space<semaphore_mem>>
        %dma_start3A = arith.constant 0 : i32
        %dma_start3A_53 = tpu.memref_slice %arg13[%add3A_34, %dma_start3A] : memref<10240x256xbf16, #tpu.memory_space<vmem_shared>> -> memref<128x256xbf16, #tpu.memory_space<vmem_shared>>
        %dma_start3A_54 = arith.constant 0 : i32
        %dma_start3A_55 = tpu.memref_slice %arg13[%add3A_34, %dma_start3A_54] : memref<10240x256xbf16, #tpu.memory_space<vmem_shared>> -> memref<128x256xbf16, #tpu.memory_space<vmem_shared>>
        tpu.enqueue_dma source(%dma_start3A_55 : memref<128x256xbf16, #tpu.memory_space<vmem_shared>>) target(%arg11 : memref<128x256xbf16, #tpu.memory_space<vmem>>) target_semaphore(%run_scoped3A : memref<!tpu.dma_semaphore, #tpu.memory_space<semaphore_mem>>)
        %dma_wait3A = arith.constant 0 : i32
        %dma_wait3A_56 = tpu.memref_slice %arg13[%add3A_34, %dma_wait3A] : memref<10240x256xbf16, #tpu.memory_space<vmem_shared>> -> memref<128x256xbf16, #tpu.memory_space<vmem_shared>>
        %dma_wait3A_57 = arith.constant 0 : i32
        %dma_wait3A_58 = tpu.memref_slice %arg13[%add3A_34, %dma_wait3A_57] : memref<10240x256xbf16, #tpu.memory_space<vmem_shared>> -> memref<128x256xbf16, #tpu.memory_space<vmem_shared>>
        tpu.wait_dma2 semaphore(%run_scoped3A : memref<!tpu.dma_semaphore, #tpu.memory_space<semaphore_mem>>) src(%dma_wait3A_58 : memref<128x256xbf16, #tpu.memory_space<vmem_shared>>) dst(%arg11 : memref<128x256xbf16, #tpu.memory_space<vmem>>)
        tpu.yield
      }) : () -> ()
      %add3A_35 = arith.constant 0 : i32
      %add3A_36 = arith.addi %mul3A_0, %add3A_35 : i32
      "tpu.region"() ({
        %run_scoped3A = tpu.sem_alloc : memref<!tpu.dma_semaphore, #tpu.memory_space<semaphore_mem>>
        %dma_start3A = arith.constant 0 : i32
        %dma_start3A_53 = tpu.memref_slice %arg7[%add3A_36, %dma_start3A] : memref<10240x256xbf16, #tpu.memory_space<hbm>> -> memref<128x256xbf16, #tpu.memory_space<hbm>>
        %dma_start3A_54 = arith.constant 0 : i32
        %dma_start3A_55 = tpu.memref_slice %arg7[%add3A_36, %dma_start3A_54] : memref<10240x256xbf16, #tpu.memory_space<hbm>> -> memref<128x256xbf16, #tpu.memory_space<hbm>>
        tpu.enqueue_dma source(%arg11 : memref<128x256xbf16, #tpu.memory_space<vmem>>) target(%dma_start3A_55 : memref<128x256xbf16, #tpu.memory_space<hbm>>) target_semaphore(%run_scoped3A : memref<!tpu.dma_semaphore, #tpu.memory_space<semaphore_mem>>)
        %dma_wait3A = arith.constant 0 : i32
        %dma_wait3A_56 = tpu.memref_slice %arg7[%add3A_36, %dma_wait3A] : memref<10240x256xbf16, #tpu.memory_space<hbm>> -> memref<128x256xbf16, #tpu.memory_space<hbm>>
        %dma_wait3A_57 = arith.constant 0 : i32
        %dma_wait3A_58 = tpu.memref_slice %arg7[%add3A_36, %dma_wait3A_57] : memref<10240x256xbf16, #tpu.memory_space<hbm>> -> memref<128x256xbf16, #tpu.memory_space<hbm>>
        tpu.wait_dma2 semaphore(%run_scoped3A : memref<!tpu.dma_semaphore, #tpu.memory_space<semaphore_mem>>) src(%arg11 : memref<128x256xbf16, #tpu.memory_space<vmem>>) dst(%dma_wait3A_58 : memref<128x256xbf16, #tpu.memory_space<hbm>>)
        tpu.yield
      }) : () -> ()
      %add3A_37 = arith.constant 128 : i32
      %add3A_38 = arith.addi %mul3A_0, %add3A_37 : i32
      "tpu.region"() ({
        %run_scoped3A = tpu.sem_alloc : memref<!tpu.dma_semaphore, #tpu.memory_space<semaphore_mem>>
        %dma_start3A = arith.constant 0 : i32
        %dma_start3A_53 = tpu.memref_slice %arg13[%add3A_38, %dma_start3A] : memref<10240x256xbf16, #tpu.memory_space<vmem_shared>> -> memref<128x256xbf16, #tpu.memory_space<vmem_shared>>
        %dma_start3A_54 = arith.constant 0 : i32
        %dma_start3A_55 = tpu.memref_slice %arg13[%add3A_38, %dma_start3A_54] : memref<10240x256xbf16, #tpu.memory_space<vmem_shared>> -> memref<128x256xbf16, #tpu.memory_space<vmem_shared>>
        tpu.enqueue_dma source(%dma_start3A_55 : memref<128x256xbf16, #tpu.memory_space<vmem_shared>>) target(%arg11 : memref<128x256xbf16, #tpu.memory_space<vmem>>) target_semaphore(%run_scoped3A : memref<!tpu.dma_semaphore, #tpu.memory_space<semaphore_mem>>)
        %dma_wait3A = arith.constant 0 : i32
        %dma_wait3A_56 = tpu.memref_slice %arg13[%add3A_38, %dma_wait3A] : memref<10240x256xbf16, #tpu.memory_space<vmem_shared>> -> memref<128x256xbf16, #tpu.memory_space<vmem_shared>>
        %dma_wait3A_57 = arith.constant 0 : i32
        %dma_wait3A_58 = tpu.memref_slice %arg13[%add3A_38, %dma_wait3A_57] : memref<10240x256xbf16, #tpu.memory_space<vmem_shared>> -> memref<128x256xbf16, #tpu.memory_space<vmem_shared>>
        tpu.wait_dma2 semaphore(%run_scoped3A : memref<!tpu.dma_semaphore, #tpu.memory_space<semaphore_mem>>) src(%dma_wait3A_58 : memref<128x256xbf16, #tpu.memory_space<vmem_shared>>) dst(%arg11 : memref<128x256xbf16, #tpu.memory_space<vmem>>)
        tpu.yield
      }) : () -> ()
      %add3A_39 = arith.constant 128 : i32
      %add3A_40 = arith.addi %mul3A_0, %add3A_39 : i32
      "tpu.region"() ({
        %run_scoped3A = tpu.sem_alloc : memref<!tpu.dma_semaphore, #tpu.memory_space<semaphore_mem>>
        %dma_start3A = arith.constant 0 : i32
        %dma_start3A_53 = tpu.memref_slice %arg7[%add3A_40, %dma_start3A] : memref<10240x256xbf16, #tpu.memory_space<hbm>> -> memref<128x256xbf16, #tpu.memory_space<hbm>>
        %dma_start3A_54 = arith.constant 0 : i32
        %dma_start3A_55 = tpu.memref_slice %arg7[%add3A_40, %dma_start3A_54] : memref<10240x256xbf16, #tpu.memory_space<hbm>> -> memref<128x256xbf16, #tpu.memory_space<hbm>>
        tpu.enqueue_dma source(%arg11 : memref<128x256xbf16, #tpu.memory_space<vmem>>) target(%dma_start3A_55 : memref<128x256xbf16, #tpu.memory_space<hbm>>) target_semaphore(%run_scoped3A : memref<!tpu.dma_semaphore, #tpu.memory_space<semaphore_mem>>)
        %dma_wait3A = arith.constant 0 : i32
        %dma_wait3A_56 = tpu.memref_slice %arg7[%add3A_40, %dma_wait3A] : memref<10240x256xbf16, #tpu.memory_space<hbm>> -> memref<128x256xbf16, #tpu.memory_space<hbm>>
        %dma_wait3A_57 = arith.constant 0 : i32
        %dma_wait3A_58 = tpu.memref_slice %arg7[%add3A_40, %dma_wait3A_57] : memref<10240x256xbf16, #tpu.memory_space<hbm>> -> memref<128x256xbf16, #tpu.memory_space<hbm>>
        tpu.wait_dma2 semaphore(%run_scoped3A : memref<!tpu.dma_semaphore, #tpu.memory_space<semaphore_mem>>) src(%arg11 : memref<128x256xbf16, #tpu.memory_space<vmem>>) dst(%dma_wait3A_58 : memref<128x256xbf16, #tpu.memory_space<hbm>>)
        tpu.yield
      }) : () -> ()
      %add3A_41 = arith.constant 256 : i32
      %add3A_42 = arith.addi %mul3A_0, %add3A_41 : i32
      "tpu.region"() ({
        %run_scoped3A = tpu.sem_alloc : memref<!tpu.dma_semaphore, #tpu.memory_space<semaphore_mem>>
        %dma_start3A = arith.constant 0 : i32
        %dma_start3A_53 = tpu.memref_slice %arg13[%add3A_42, %dma_start3A] : memref<10240x256xbf16, #tpu.memory_space<vmem_shared>> -> memref<128x256xbf16, #tpu.memory_space<vmem_shared>>
        %dma_start3A_54 = arith.constant 0 : i32
        %dma_start3A_55 = tpu.memref_slice %arg13[%add3A_42, %dma_start3A_54] : memref<10240x256xbf16, #tpu.memory_space<vmem_shared>> -> memref<128x256xbf16, #tpu.memory_space<vmem_shared>>
        tpu.enqueue_dma source(%dma_start3A_55 : memref<128x256xbf16, #tpu.memory_space<vmem_shared>>) target(%arg11 : memref<128x256xbf16, #tpu.memory_space<vmem>>) target_semaphore(%run_scoped3A : memref<!tpu.dma_semaphore, #tpu.memory_space<semaphore_mem>>)
        %dma_wait3A = arith.constant 0 : i32
        %dma_wait3A_56 = tpu.memref_slice %arg13[%add3A_42, %dma_wait3A] : memref<10240x256xbf16, #tpu.memory_space<vmem_shared>> -> memref<128x256xbf16, #tpu.memory_space<vmem_shared>>
        %dma_wait3A_57 = arith.constant 0 : i32
        %dma_wait3A_58 = tpu.memref_slice %arg13[%add3A_42, %dma_wait3A_57] : memref<10240x256xbf16, #tpu.memory_space<vmem_shared>> -> memref<128x256xbf16, #tpu.memory_space<vmem_shared>>
        tpu.wait_dma2 semaphore(%run_scoped3A : memref<!tpu.dma_semaphore, #tpu.memory_space<semaphore_mem>>) src(%dma_wait3A_58 : memref<128x256xbf16, #tpu.memory_space<vmem_shared>>) dst(%arg11 : memref<128x256xbf16, #tpu.memory_space<vmem>>)
        tpu.yield
      }) : () -> ()
      %add3A_43 = arith.constant 256 : i32
      %add3A_44 = arith.addi %mul3A_0, %add3A_43 : i32
      "tpu.region"() ({
        %run_scoped3A = tpu.sem_alloc : memref<!tpu.dma_semaphore, #tpu.memory_space<semaphore_mem>>
        %dma_start3A = arith.constant 0 : i32
        %dma_start3A_53 = tpu.memref_slice %arg7[%add3A_44, %dma_start3A] : memref<10240x256xbf16, #tpu.memory_space<hbm>> -> memref<128x256xbf16, #tpu.memory_space<hbm>>
        %dma_start3A_54 = arith.constant 0 : i32
        %dma_start3A_55 = tpu.memref_slice %arg7[%add3A_44, %dma_start3A_54] : memref<10240x256xbf16, #tpu.memory_space<hbm>> -> memref<128x256xbf16, #tpu.memory_space<hbm>>
        tpu.enqueue_dma source(%arg11 : memref<128x256xbf16, #tpu.memory_space<vmem>>) target(%dma_start3A_55 : memref<128x256xbf16, #tpu.memory_space<hbm>>) target_semaphore(%run_scoped3A : memref<!tpu.dma_semaphore, #tpu.memory_space<semaphore_mem>>)
        %dma_wait3A = arith.constant 0 : i32
        %dma_wait3A_56 = tpu.memref_slice %arg7[%add3A_44, %dma_wait3A] : memref<10240x256xbf16, #tpu.memory_space<hbm>> -> memref<128x256xbf16, #tpu.memory_space<hbm>>
        %dma_wait3A_57 = arith.constant 0 : i32
        %dma_wait3A_58 = tpu.memref_slice %arg7[%add3A_44, %dma_wait3A_57] : memref<10240x256xbf16, #tpu.memory_space<hbm>> -> memref<128x256xbf16, #tpu.memory_space<hbm>>
        tpu.wait_dma2 semaphore(%run_scoped3A : memref<!tpu.dma_semaphore, #tpu.memory_space<semaphore_mem>>) src(%arg11 : memref<128x256xbf16, #tpu.memory_space<vmem>>) dst(%dma_wait3A_58 : memref<128x256xbf16, #tpu.memory_space<hbm>>)
        tpu.yield
      }) : () -> ()
      %add3A_45 = arith.constant 384 : i32
      %add3A_46 = arith.addi %mul3A_0, %add3A_45 : i32
      "tpu.region"() ({
        %run_scoped3A = tpu.sem_alloc : memref<!tpu.dma_semaphore, #tpu.memory_space<semaphore_mem>>
        %dma_start3A = arith.constant 0 : i32
        %dma_start3A_53 = tpu.memref_slice %arg13[%add3A_46, %dma_start3A] : memref<10240x256xbf16, #tpu.memory_space<vmem_shared>> -> memref<128x256xbf16, #tpu.memory_space<vmem_shared>>
        %dma_start3A_54 = arith.constant 0 : i32
        %dma_start3A_55 = tpu.memref_slice %arg13[%add3A_46, %dma_start3A_54] : memref<10240x256xbf16, #tpu.memory_space<vmem_shared>> -> memref<128x256xbf16, #tpu.memory_space<vmem_shared>>
        tpu.enqueue_dma source(%dma_start3A_55 : memref<128x256xbf16, #tpu.memory_space<vmem_shared>>) target(%arg11 : memref<128x256xbf16, #tpu.memory_space<vmem>>) target_semaphore(%run_scoped3A : memref<!tpu.dma_semaphore, #tpu.memory_space<semaphore_mem>>)
        %dma_wait3A = arith.constant 0 : i32
        %dma_wait3A_56 = tpu.memref_slice %arg13[%add3A_46, %dma_wait3A] : memref<10240x256xbf16, #tpu.memory_space<vmem_shared>> -> memref<128x256xbf16, #tpu.memory_space<vmem_shared>>
        %dma_wait3A_57 = arith.constant 0 : i32
        %dma_wait3A_58 = tpu.memref_slice %arg13[%add3A_46, %dma_wait3A_57] : memref<10240x256xbf16, #tpu.memory_space<vmem_shared>> -> memref<128x256xbf16, #tpu.memory_space<vmem_shared>>
        tpu.wait_dma2 semaphore(%run_scoped3A : memref<!tpu.dma_semaphore, #tpu.memory_space<semaphore_mem>>) src(%dma_wait3A_58 : memref<128x256xbf16, #tpu.memory_space<vmem_shared>>) dst(%arg11 : memref<128x256xbf16, #tpu.memory_space<vmem>>)
        tpu.yield
      }) : () -> ()
      %add3A_47 = arith.constant 384 : i32
      %add3A_48 = arith.addi %mul3A_0, %add3A_47 : i32
      "tpu.region"() ({
        %run_scoped3A = tpu.sem_alloc : memref<!tpu.dma_semaphore, #tpu.memory_space<semaphore_mem>>
        %dma_start3A = arith.constant 0 : i32
        %dma_start3A_53 = tpu.memref_slice %arg7[%add3A_48, %dma_start3A] : memref<10240x256xbf16, #tpu.memory_space<hbm>> -> memref<128x256xbf16, #tpu.memory_space<hbm>>
        %dma_start3A_54 = arith.constant 0 : i32
        %dma_start3A_55 = tpu.memref_slice %arg7[%add3A_48, %dma_start3A_54] : memref<10240x256xbf16, #tpu.memory_space<hbm>> -> memref<128x256xbf16, #tpu.memory_space<hbm>>
        tpu.enqueue_dma source(%arg11 : memref<128x256xbf16, #tpu.memory_space<vmem>>) target(%dma_start3A_55 : memref<128x256xbf16, #tpu.memory_space<hbm>>) target_semaphore(%run_scoped3A : memref<!tpu.dma_semaphore, #tpu.memory_space<semaphore_mem>>)
        %dma_wait3A = arith.constant 0 : i32
        %dma_wait3A_56 = tpu.memref_slice %arg7[%add3A_48, %dma_wait3A] : memref<10240x256xbf16, #tpu.memory_space<hbm>> -> memref<128x256xbf16, #tpu.memory_space<hbm>>
        %dma_wait3A_57 = arith.constant 0 : i32
        %dma_wait3A_58 = tpu.memref_slice %arg7[%add3A_48, %dma_wait3A_57] : memref<10240x256xbf16, #tpu.memory_space<hbm>> -> memref<128x256xbf16, #tpu.memory_space<hbm>>
        tpu.wait_dma2 semaphore(%run_scoped3A : memref<!tpu.dma_semaphore, #tpu.memory_space<semaphore_mem>>) src(%arg11 : memref<128x256xbf16, #tpu.memory_space<vmem>>) dst(%dma_wait3A_58 : memref<128x256xbf16, #tpu.memory_space<hbm>>)
        tpu.yield
      }) : () -> ()
      %add3A_49 = arith.constant 512 : i32
      %add3A_50 = arith.addi %mul3A_0, %add3A_49 : i32
      "tpu.region"() ({
        %run_scoped3A = tpu.sem_alloc : memref<!tpu.dma_semaphore, #tpu.memory_space<semaphore_mem>>
        %dma_start3A = arith.constant 0 : i32
        %dma_start3A_53 = tpu.memref_slice %arg13[%add3A_50, %dma_start3A] : memref<10240x256xbf16, #tpu.memory_space<vmem_shared>> -> memref<128x256xbf16, #tpu.memory_space<vmem_shared>>
        %dma_start3A_54 = arith.constant 0 : i32
        %dma_start3A_55 = tpu.memref_slice %arg13[%add3A_50, %dma_start3A_54] : memref<10240x256xbf16, #tpu.memory_space<vmem_shared>> -> memref<128x256xbf16, #tpu.memory_space<vmem_shared>>
        tpu.enqueue_dma source(%dma_start3A_55 : memref<128x256xbf16, #tpu.memory_space<vmem_shared>>) target(%arg11 : memref<128x256xbf16, #tpu.memory_space<vmem>>) target_semaphore(%run_scoped3A : memref<!tpu.dma_semaphore, #tpu.memory_space<semaphore_mem>>)
        %dma_wait3A = arith.constant 0 : i32
        %dma_wait3A_56 = tpu.memref_slice %arg13[%add3A_50, %dma_wait3A] : memref<10240x256xbf16, #tpu.memory_space<vmem_shared>> -> memref<128x256xbf16, #tpu.memory_space<vmem_shared>>
        %dma_wait3A_57 = arith.constant 0 : i32
        %dma_wait3A_58 = tpu.memref_slice %arg13[%add3A_50, %dma_wait3A_57] : memref<10240x256xbf16, #tpu.memory_space<vmem_shared>> -> memref<128x256xbf16, #tpu.memory_space<vmem_shared>>
        tpu.wait_dma2 semaphore(%run_scoped3A : memref<!tpu.dma_semaphore, #tpu.memory_space<semaphore_mem>>) src(%dma_wait3A_58 : memref<128x256xbf16, #tpu.memory_space<vmem_shared>>) dst(%arg11 : memref<128x256xbf16, #tpu.memory_space<vmem>>)
        tpu.yield
      }) : () -> ()
      %add3A_51 = arith.constant 512 : i32
      %add3A_52 = arith.addi %mul3A_0, %add3A_51 : i32
      "tpu.region"() ({
        %run_scoped3A = tpu.sem_alloc : memref<!tpu.dma_semaphore, #tpu.memory_space<semaphore_mem>>
        %dma_start3A = arith.constant 0 : i32
        %dma_start3A_53 = tpu.memref_slice %arg7[%add3A_52, %dma_start3A] : memref<10240x256xbf16, #tpu.memory_space<hbm>> -> memref<128x256xbf16, #tpu.memory_space<hbm>>
        %dma_start3A_54 = arith.constant 0 : i32
        %dma_start3A_55 = tpu.memref_slice %arg7[%add3A_52, %dma_start3A_54] : memref<10240x256xbf16, #tpu.memory_space<hbm>> -> memref<128x256xbf16, #tpu.memory_space<hbm>>
        tpu.enqueue_dma source(%arg11 : memref<128x256xbf16, #tpu.memory_space<vmem>>) target(%dma_start3A_55 : memref<128x256xbf16, #tpu.memory_space<hbm>>) target_semaphore(%run_scoped3A : memref<!tpu.dma_semaphore, #tpu.memory_space<semaphore_mem>>)
        %dma_wait3A = arith.constant 0 : i32
        %dma_wait3A_56 = tpu.memref_slice %arg7[%add3A_52, %dma_wait3A] : memref<10240x256xbf16, #tpu.memory_space<hbm>> -> memref<128x256xbf16, #tpu.memory_space<hbm>>
        %dma_wait3A_57 = arith.constant 0 : i32
        %dma_wait3A_58 = tpu.memref_slice %arg7[%add3A_52, %dma_wait3A_57] : memref<10240x256xbf16, #tpu.memory_space<hbm>> -> memref<128x256xbf16, #tpu.memory_space<hbm>>
        tpu.wait_dma2 semaphore(%run_scoped3A : memref<!tpu.dma_semaphore, #tpu.memory_space<semaphore_mem>>) src(%arg11 : memref<128x256xbf16, #tpu.memory_space<vmem>>) dst(%dma_wait3A_58 : memref<128x256xbf16, #tpu.memory_space<hbm>>)
        tpu.yield
      }) : () -> ()
    } else {
    }
    %eq3A_3 = arith.constant 1 : i32
    %eq3A_4 = arith.cmpi eq, %arg0, %eq3A_3 : i32
    %convert_element_type3A_5 = arith.extui %eq3A_4 : i1 to i32
    %cond3A_6 = arith.constant 0 : i32
    %cond3A_7 = arith.cmpi ne, %convert_element_type3A_5, %cond3A_6 : i32
    scf.if %cond3A_7 {
      %add3A = arith.constant 0 : i32
      %add3A_8 = arith.addi %mul3A_0, %add3A : i32
      "tpu.region"() ({
        %run_scoped3A = tpu.sem_alloc : memref<!tpu.dma_semaphore, #tpu.memory_space<semaphore_mem>>
        %dma_start3A = arith.constant 0 : i32
        %dma_start3A_53 = tpu.memref_slice %arg13[%add3A_8, %dma_start3A] : memref<10240x256xbf16, #tpu.memory_space<vmem_shared>> -> memref<64x256xbf16, #tpu.memory_space<vmem_shared>>
        %dma_start3A_54 = arith.constant 0 : i32
        %dma_start3A_55 = tpu.memref_slice %arg13[%add3A_8, %dma_start3A_54] : memref<10240x256xbf16, #tpu.memory_space<vmem_shared>> -> memref<64x256xbf16, #tpu.memory_space<vmem_shared>>
        tpu.enqueue_dma source(%arg12 : memref<64x256xbf16, #tpu.memory_space<vmem>>) target(%dma_start3A_55 : memref<64x256xbf16, #tpu.memory_space<vmem_shared>>) target_semaphore(%run_scoped3A : memref<!tpu.dma_semaphore, #tpu.memory_space<semaphore_mem>>)
        %dma_wait3A = arith.constant 0 : i32
        %dma_wait3A_56 = tpu.memref_slice %arg13[%add3A_8, %dma_wait3A] : memref<10240x256xbf16, #tpu.memory_space<vmem_shared>> -> memref<64x256xbf16, #tpu.memory_space<vmem_shared>>
        %dma_wait3A_57 = arith.constant 0 : i32
        %dma_wait3A_58 = tpu.memref_slice %arg13[%add3A_8, %dma_wait3A_57] : memref<10240x256xbf16, #tpu.memory_space<vmem_shared>> -> memref<64x256xbf16, #tpu.memory_space<vmem_shared>>
        tpu.wait_dma2 semaphore(%run_scoped3A : memref<!tpu.dma_semaphore, #tpu.memory_space<semaphore_mem>>) src(%arg12 : memref<64x256xbf16, #tpu.memory_space<vmem>>) dst(%dma_wait3A_58 : memref<64x256xbf16, #tpu.memory_space<vmem_shared>>)
        tpu.yield
      }) : () -> ()
      %add3A_9 = arith.constant 64 : i32
      %add3A_10 = arith.addi %mul3A_0, %add3A_9 : i32
      "tpu.region"() ({
        %run_scoped3A = tpu.sem_alloc : memref<!tpu.dma_semaphore, #tpu.memory_space<semaphore_mem>>
        %dma_start3A = arith.constant 0 : i32
        %dma_start3A_53 = tpu.memref_slice %arg13[%add3A_10, %dma_start3A] : memref<10240x256xbf16, #tpu.memory_space<vmem_shared>> -> memref<64x256xbf16, #tpu.memory_space<vmem_shared>>
        %dma_start3A_54 = arith.constant 0 : i32
        %dma_start3A_55 = tpu.memref_slice %arg13[%add3A_10, %dma_start3A_54] : memref<10240x256xbf16, #tpu.memory_space<vmem_shared>> -> memref<64x256xbf16, #tpu.memory_space<vmem_shared>>
        tpu.enqueue_dma source(%arg12 : memref<64x256xbf16, #tpu.memory_space<vmem>>) target(%dma_start3A_55 : memref<64x256xbf16, #tpu.memory_space<vmem_shared>>) target_semaphore(%run_scoped3A : memref<!tpu.dma_semaphore, #tpu.memory_space<semaphore_mem>>)
        %dma_wait3A = arith.constant 0 : i32
        %dma_wait3A_56 = tpu.memref_slice %arg13[%add3A_10, %dma_wait3A] : memref<10240x256xbf16, #tpu.memory_space<vmem_shared>> -> memref<64x256xbf16, #tpu.memory_space<vmem_shared>>
        %dma_wait3A_57 = arith.constant 0 : i32
        %dma_wait3A_58 = tpu.memref_slice %arg13[%add3A_10, %dma_wait3A_57] : memref<10240x256xbf16, #tpu.memory_space<vmem_shared>> -> memref<64x256xbf16, #tpu.memory_space<vmem_shared>>
        tpu.wait_dma2 semaphore(%run_scoped3A : memref<!tpu.dma_semaphore, #tpu.memory_space<semaphore_mem>>) src(%arg12 : memref<64x256xbf16, #tpu.memory_space<vmem>>) dst(%dma_wait3A_58 : memref<64x256xbf16, #tpu.memory_space<vmem_shared>>)
        tpu.yield
      }) : () -> ()
      %add3A_11 = arith.constant 128 : i32
      %add3A_12 = arith.addi %mul3A_0, %add3A_11 : i32
      "tpu.region"() ({
        %run_scoped3A = tpu.sem_alloc : memref<!tpu.dma_semaphore, #tpu.memory_space<semaphore_mem>>
        %dma_start3A = arith.constant 0 : i32
        %dma_start3A_53 = tpu.memref_slice %arg13[%add3A_12, %dma_start3A] : memref<10240x256xbf16, #tpu.memory_space<vmem_shared>> -> memref<64x256xbf16, #tpu.memory_space<vmem_shared>>
        %dma_start3A_54 = arith.constant 0 : i32
        %dma_start3A_55 = tpu.memref_slice %arg13[%add3A_12, %dma_start3A_54] : memref<10240x256xbf16, #tpu.memory_space<vmem_shared>> -> memref<64x256xbf16, #tpu.memory_space<vmem_shared>>
        tpu.enqueue_dma source(%arg12 : memref<64x256xbf16, #tpu.memory_space<vmem>>) target(%dma_start3A_55 : memref<64x256xbf16, #tpu.memory_space<vmem_shared>>) target_semaphore(%run_scoped3A : memref<!tpu.dma_semaphore, #tpu.memory_space<semaphore_mem>>)
        %dma_wait3A = arith.constant 0 : i32
        %dma_wait3A_56 = tpu.memref_slice %arg13[%add3A_12, %dma_wait3A] : memref<10240x256xbf16, #tpu.memory_space<vmem_shared>> -> memref<64x256xbf16, #tpu.memory_space<vmem_shared>>
        %dma_wait3A_57 = arith.constant 0 : i32
        %dma_wait3A_58 = tpu.memref_slice %arg13[%add3A_12, %dma_wait3A_57] : memref<10240x256xbf16, #tpu.memory_space<vmem_shared>> -> memref<64x256xbf16, #tpu.memory_space<vmem_shared>>
        tpu.wait_dma2 semaphore(%run_scoped3A : memref<!tpu.dma_semaphore, #tpu.memory_space<semaphore_mem>>) src(%arg12 : memref<64x256xbf16, #tpu.memory_space<vmem>>) dst(%dma_wait3A_58 : memref<64x256xbf16, #tpu.memory_space<vmem_shared>>)
        tpu.yield
      }) : () -> ()
      %add3A_13 = arith.constant 192 : i32
      %add3A_14 = arith.addi %mul3A_0, %add3A_13 : i32
      "tpu.region"() ({
        %run_scoped3A = tpu.sem_alloc : memref<!tpu.dma_semaphore, #tpu.memory_space<semaphore_mem>>
        %dma_start3A = arith.constant 0 : i32
        %dma_start3A_53 = tpu.memref_slice %arg13[%add3A_14, %dma_start3A] : memref<10240x256xbf16, #tpu.memory_space<vmem_shared>> -> memref<64x256xbf16, #tpu.memory_space<vmem_shared>>
        %dma_start3A_54 = arith.constant 0 : i32
        %dma_start3A_55 = tpu.memref_slice %arg13[%add3A_14, %dma_start3A_54] : memref<10240x256xbf16, #tpu.memory_space<vmem_shared>> -> memref<64x256xbf16, #tpu.memory_space<vmem_shared>>
        tpu.enqueue_dma source(%arg12 : memref<64x256xbf16, #tpu.memory_space<vmem>>) target(%dma_start3A_55 : memref<64x256xbf16, #tpu.memory_space<vmem_shared>>) target_semaphore(%run_scoped3A : memref<!tpu.dma_semaphore, #tpu.memory_space<semaphore_mem>>)
        %dma_wait3A = arith.constant 0 : i32
        %dma_wait3A_56 = tpu.memref_slice %arg13[%add3A_14, %dma_wait3A] : memref<10240x256xbf16, #tpu.memory_space<vmem_shared>> -> memref<64x256xbf16, #tpu.memory_space<vmem_shared>>
        %dma_wait3A_57 = arith.constant 0 : i32
        %dma_wait3A_58 = tpu.memref_slice %arg13[%add3A_14, %dma_wait3A_57] : memref<10240x256xbf16, #tpu.memory_space<vmem_shared>> -> memref<64x256xbf16, #tpu.memory_space<vmem_shared>>
        tpu.wait_dma2 semaphore(%run_scoped3A : memref<!tpu.dma_semaphore, #tpu.memory_space<semaphore_mem>>) src(%arg12 : memref<64x256xbf16, #tpu.memory_space<vmem>>) dst(%dma_wait3A_58 : memref<64x256xbf16, #tpu.memory_space<vmem_shared>>)
        tpu.yield
      }) : () -> ()
      %add3A_15 = arith.constant 256 : i32
      %add3A_16 = arith.addi %mul3A_0, %add3A_15 : i32
      "tpu.region"() ({
        %run_scoped3A = tpu.sem_alloc : memref<!tpu.dma_semaphore, #tpu.memory_space<semaphore_mem>>
        %dma_start3A = arith.constant 0 : i32
        %dma_start3A_53 = tpu.memref_slice %arg13[%add3A_16, %dma_start3A] : memref<10240x256xbf16, #tpu.memory_space<vmem_shared>> -> memref<64x256xbf16, #tpu.memory_space<vmem_shared>>
        %dma_start3A_54 = arith.constant 0 : i32
        %dma_start3A_55 = tpu.memref_slice %arg13[%add3A_16, %dma_start3A_54] : memref<10240x256xbf16, #tpu.memory_space<vmem_shared>> -> memref<64x256xbf16, #tpu.memory_space<vmem_shared>>
        tpu.enqueue_dma source(%arg12 : memref<64x256xbf16, #tpu.memory_space<vmem>>) target(%dma_start3A_55 : memref<64x256xbf16, #tpu.memory_space<vmem_shared>>) target_semaphore(%run_scoped3A : memref<!tpu.dma_semaphore, #tpu.memory_space<semaphore_mem>>)
        %dma_wait3A = arith.constant 0 : i32
        %dma_wait3A_56 = tpu.memref_slice %arg13[%add3A_16, %dma_wait3A] : memref<10240x256xbf16, #tpu.memory_space<vmem_shared>> -> memref<64x256xbf16, #tpu.memory_space<vmem_shared>>
        %dma_wait3A_57 = arith.constant 0 : i32
        %dma_wait3A_58 = tpu.memref_slice %arg13[%add3A_16, %dma_wait3A_57] : memref<10240x256xbf16, #tpu.memory_space<vmem_shared>> -> memref<64x256xbf16, #tpu.memory_space<vmem_shared>>
        tpu.wait_dma2 semaphore(%run_scoped3A : memref<!tpu.dma_semaphore, #tpu.memory_space<semaphore_mem>>) src(%arg12 : memref<64x256xbf16, #tpu.memory_space<vmem>>) dst(%dma_wait3A_58 : memref<64x256xbf16, #tpu.memory_space<vmem_shared>>)
        tpu.yield
      }) : () -> ()
      %add3A_17 = arith.constant 320 : i32
      %add3A_18 = arith.addi %mul3A_0, %add3A_17 : i32
      "tpu.region"() ({
        %run_scoped3A = tpu.sem_alloc : memref<!tpu.dma_semaphore, #tpu.memory_space<semaphore_mem>>
        %dma_start3A = arith.constant 0 : i32
        %dma_start3A_53 = tpu.memref_slice %arg13[%add3A_18, %dma_start3A] : memref<10240x256xbf16, #tpu.memory_space<vmem_shared>> -> memref<64x256xbf16, #tpu.memory_space<vmem_shared>>
        %dma_start3A_54 = arith.constant 0 : i32
        %dma_start3A_55 = tpu.memref_slice %arg13[%add3A_18, %dma_start3A_54] : memref<10240x256xbf16, #tpu.memory_space<vmem_shared>> -> memref<64x256xbf16, #tpu.memory_space<vmem_shared>>
        tpu.enqueue_dma source(%arg12 : memref<64x256xbf16, #tpu.memory_space<vmem>>) target(%dma_start3A_55 : memref<64x256xbf16, #tpu.memory_space<vmem_shared>>) target_semaphore(%run_scoped3A : memref<!tpu.dma_semaphore, #tpu.memory_space<semaphore_mem>>)
        %dma_wait3A = arith.constant 0 : i32
        %dma_wait3A_56 = tpu.memref_slice %arg13[%add3A_18, %dma_wait3A] : memref<10240x256xbf16, #tpu.memory_space<vmem_shared>> -> memref<64x256xbf16, #tpu.memory_space<vmem_shared>>
        %dma_wait3A_57 = arith.constant 0 : i32
        %dma_wait3A_58 = tpu.memref_slice %arg13[%add3A_18, %dma_wait3A_57] : memref<10240x256xbf16, #tpu.memory_space<vmem_shared>> -> memref<64x256xbf16, #tpu.memory_space<vmem_shared>>
        tpu.wait_dma2 semaphore(%run_scoped3A : memref<!tpu.dma_semaphore, #tpu.memory_space<semaphore_mem>>) src(%arg12 : memref<64x256xbf16, #tpu.memory_space<vmem>>) dst(%dma_wait3A_58 : memref<64x256xbf16, #tpu.memory_space<vmem_shared>>)
        tpu.yield
      }) : () -> ()
      %add3A_19 = arith.constant 384 : i32
      %add3A_20 = arith.addi %mul3A_0, %add3A_19 : i32
      "tpu.region"() ({
        %run_scoped3A = tpu.sem_alloc : memref<!tpu.dma_semaphore, #tpu.memory_space<semaphore_mem>>
        %dma_start3A = arith.constant 0 : i32
        %dma_start3A_53 = tpu.memref_slice %arg13[%add3A_20, %dma_start3A] : memref<10240x256xbf16, #tpu.memory_space<vmem_shared>> -> memref<64x256xbf16, #tpu.memory_space<vmem_shared>>
        %dma_start3A_54 = arith.constant 0 : i32
        %dma_start3A_55 = tpu.memref_slice %arg13[%add3A_20, %dma_start3A_54] : memref<10240x256xbf16, #tpu.memory_space<vmem_shared>> -> memref<64x256xbf16, #tpu.memory_space<vmem_shared>>
        tpu.enqueue_dma source(%arg12 : memref<64x256xbf16, #tpu.memory_space<vmem>>) target(%dma_start3A_55 : memref<64x256xbf16, #tpu.memory_space<vmem_shared>>) target_semaphore(%run_scoped3A : memref<!tpu.dma_semaphore, #tpu.memory_space<semaphore_mem>>)
        %dma_wait3A = arith.constant 0 : i32
        %dma_wait3A_56 = tpu.memref_slice %arg13[%add3A_20, %dma_wait3A] : memref<10240x256xbf16, #tpu.memory_space<vmem_shared>> -> memref<64x256xbf16, #tpu.memory_space<vmem_shared>>
        %dma_wait3A_57 = arith.constant 0 : i32
        %dma_wait3A_58 = tpu.memref_slice %arg13[%add3A_20, %dma_wait3A_57] : memref<10240x256xbf16, #tpu.memory_space<vmem_shared>> -> memref<64x256xbf16, #tpu.memory_space<vmem_shared>>
        tpu.wait_dma2 semaphore(%run_scoped3A : memref<!tpu.dma_semaphore, #tpu.memory_space<semaphore_mem>>) src(%arg12 : memref<64x256xbf16, #tpu.memory_space<vmem>>) dst(%dma_wait3A_58 : memref<64x256xbf16, #tpu.memory_space<vmem_shared>>)
        tpu.yield
      }) : () -> ()
      %add3A_21 = arith.constant 448 : i32
      %add3A_22 = arith.addi %mul3A_0, %add3A_21 : i32
      "tpu.region"() ({
        %run_scoped3A = tpu.sem_alloc : memref<!tpu.dma_semaphore, #tpu.memory_space<semaphore_mem>>
        %dma_start3A = arith.constant 0 : i32
        %dma_start3A_53 = tpu.memref_slice %arg13[%add3A_22, %dma_start3A] : memref<10240x256xbf16, #tpu.memory_space<vmem_shared>> -> memref<64x256xbf16, #tpu.memory_space<vmem_shared>>
        %dma_start3A_54 = arith.constant 0 : i32
        %dma_start3A_55 = tpu.memref_slice %arg13[%add3A_22, %dma_start3A_54] : memref<10240x256xbf16, #tpu.memory_space<vmem_shared>> -> memref<64x256xbf16, #tpu.memory_space<vmem_shared>>
        tpu.enqueue_dma source(%arg12 : memref<64x256xbf16, #tpu.memory_space<vmem>>) target(%dma_start3A_55 : memref<64x256xbf16, #tpu.memory_space<vmem_shared>>) target_semaphore(%run_scoped3A : memref<!tpu.dma_semaphore, #tpu.memory_space<semaphore_mem>>)
        %dma_wait3A = arith.constant 0 : i32
        %dma_wait3A_56 = tpu.memref_slice %arg13[%add3A_22, %dma_wait3A] : memref<10240x256xbf16, #tpu.memory_space<vmem_shared>> -> memref<64x256xbf16, #tpu.memory_space<vmem_shared>>
        %dma_wait3A_57 = arith.constant 0 : i32
        %dma_wait3A_58 = tpu.memref_slice %arg13[%add3A_22, %dma_wait3A_57] : memref<10240x256xbf16, #tpu.memory_space<vmem_shared>> -> memref<64x256xbf16, #tpu.memory_space<vmem_shared>>
        tpu.wait_dma2 semaphore(%run_scoped3A : memref<!tpu.dma_semaphore, #tpu.memory_space<semaphore_mem>>) src(%arg12 : memref<64x256xbf16, #tpu.memory_space<vmem>>) dst(%dma_wait3A_58 : memref<64x256xbf16, #tpu.memory_space<vmem_shared>>)
        tpu.yield
      }) : () -> ()
      %add3A_23 = arith.constant 512 : i32
      %add3A_24 = arith.addi %mul3A_0, %add3A_23 : i32
      "tpu.region"() ({
        %run_scoped3A = tpu.sem_alloc : memref<!tpu.dma_semaphore, #tpu.memory_space<semaphore_mem>>
        %dma_start3A = arith.constant 0 : i32
        %dma_start3A_53 = tpu.memref_slice %arg13[%add3A_24, %dma_start3A] : memref<10240x256xbf16, #tpu.memory_space<vmem_shared>> -> memref<64x256xbf16, #tpu.memory_space<vmem_shared>>
        %dma_start3A_54 = arith.constant 0 : i32
        %dma_start3A_55 = tpu.memref_slice %arg13[%add3A_24, %dma_start3A_54] : memref<10240x256xbf16, #tpu.memory_space<vmem_shared>> -> memref<64x256xbf16, #tpu.memory_space<vmem_shared>>
        tpu.enqueue_dma source(%arg12 : memref<64x256xbf16, #tpu.memory_space<vmem>>) target(%dma_start3A_55 : memref<64x256xbf16, #tpu.memory_space<vmem_shared>>) target_semaphore(%run_scoped3A : memref<!tpu.dma_semaphore, #tpu.memory_space<semaphore_mem>>)
        %dma_wait3A = arith.constant 0 : i32
        %dma_wait3A_56 = tpu.memref_slice %arg13[%add3A_24, %dma_wait3A] : memref<10240x256xbf16, #tpu.memory_space<vmem_shared>> -> memref<64x256xbf16, #tpu.memory_space<vmem_shared>>
        %dma_wait3A_57 = arith.constant 0 : i32
        %dma_wait3A_58 = tpu.memref_slice %arg13[%add3A_24, %dma_wait3A_57] : memref<10240x256xbf16, #tpu.memory_space<vmem_shared>> -> memref<64x256xbf16, #tpu.memory_space<vmem_shared>>
        tpu.wait_dma2 semaphore(%run_scoped3A : memref<!tpu.dma_semaphore, #tpu.memory_space<semaphore_mem>>) src(%arg12 : memref<64x256xbf16, #tpu.memory_space<vmem>>) dst(%dma_wait3A_58 : memref<64x256xbf16, #tpu.memory_space<vmem_shared>>)
        tpu.yield
      }) : () -> ()
      %add3A_25 = arith.constant 576 : i32
      %add3A_26 = arith.addi %mul3A_0, %add3A_25 : i32
      "tpu.region"() ({
        %run_scoped3A = tpu.sem_alloc : memref<!tpu.dma_semaphore, #tpu.memory_space<semaphore_mem>>
        %dma_start3A = arith.constant 0 : i32
        %dma_start3A_53 = tpu.memref_slice %arg13[%add3A_26, %dma_start3A] : memref<10240x256xbf16, #tpu.memory_space<vmem_shared>> -> memref<64x256xbf16, #tpu.memory_space<vmem_shared>>
        %dma_start3A_54 = arith.constant 0 : i32
        %dma_start3A_55 = tpu.memref_slice %arg13[%add3A_26, %dma_start3A_54] : memref<10240x256xbf16, #tpu.memory_space<vmem_shared>> -> memref<64x256xbf16, #tpu.memory_space<vmem_shared>>
        tpu.enqueue_dma source(%arg12 : memref<64x256xbf16, #tpu.memory_space<vmem>>) target(%dma_start3A_55 : memref<64x256xbf16, #tpu.memory_space<vmem_shared>>) target_semaphore(%run_scoped3A : memref<!tpu.dma_semaphore, #tpu.memory_space<semaphore_mem>>)
        %dma_wait3A = arith.constant 0 : i32
        %dma_wait3A_56 = tpu.memref_slice %arg13[%add3A_26, %dma_wait3A] : memref<10240x256xbf16, #tpu.memory_space<vmem_shared>> -> memref<64x256xbf16, #tpu.memory_space<vmem_shared>>
        %dma_wait3A_57 = arith.constant 0 : i32
        %dma_wait3A_58 = tpu.memref_slice %arg13[%add3A_26, %dma_wait3A_57] : memref<10240x256xbf16, #tpu.memory_space<vmem_shared>> -> memref<64x256xbf16, #tpu.memory_space<vmem_shared>>
        tpu.wait_dma2 semaphore(%run_scoped3A : memref<!tpu.dma_semaphore, #tpu.memory_space<semaphore_mem>>) src(%arg12 : memref<64x256xbf16, #tpu.memory_space<vmem>>) dst(%dma_wait3A_58 : memref<64x256xbf16, #tpu.memory_space<vmem_shared>>)
        tpu.yield
      }) : () -> ()
      %barrier3A = arith.constant 0 : index
      tpu.barrier barrier_id(%barrier3A)
      %scan3A = arith.constant 0 : i32
      %scan3A_27 = arith.constant 0 : i32
      %scan3A_28 = arith.constant 80 : i32
      %scan3A_29 = arith.addi %scan3A_27, %scan3A_28 : i32
      %scan3A_30 = arith.constant 1 : i32
      scf.for %scan3A_53 = %scan3A_27 to %scan3A_29 step %scan3A_30  : i32 {
        %dma_start3A = arith.constant 0 : i32
        %dma_start3A_54 = tpu.memref_slice %arg9[%scan3A_53, %dma_start3A] : memref<80x128xi32, #tpu.memory_space<vmem>> -> memref<1x128xi32, #tpu.memory_space<vmem>>
        %dma_start3A_55 = tpu.memref_squeeze %dma_start3A_54 : memref<1x128xi32, #tpu.memory_space<vmem>> -> memref<128xi32, #tpu.memory_space<vmem>>
        %dma_start3A_56 = arith.constant 0 : i32
        %dma_start3A_57 = arith.constant 0 : i32
        %dma_start3A_58 = tpu.memref_slice %arg3[%dma_start3A_56, %dma_start3A_57] : memref<10240x256xbf16, #tpu.memory_space<hbm>> -> memref<10240x256xbf16, #tpu.memory_space<hbm>>
        tpu.enqueue_indirect_dma source(%dma_start3A_58 : memref<10240x256xbf16, #tpu.memory_space<hbm>>) target(%arg11 : memref<128x256xbf16, #tpu.memory_space<vmem>>) offsets(%dma_start3A_55 : memref<128xi32, #tpu.memory_space<vmem>>) semaphore(%arg14 : memref<!tpu.dma_semaphore, #tpu.memory_space<semaphore_mem>>)
        %dma_wait3A = arith.constant 0 : i32
        %dma_wait3A_59 = tpu.memref_slice %arg9[%scan3A_53, %dma_wait3A] : memref<80x128xi32, #tpu.memory_space<vmem>> -> memref<1x128xi32, #tpu.memory_space<vmem>>
        %dma_wait3A_60 = tpu.memref_squeeze %dma_wait3A_59 : memref<1x128xi32, #tpu.memory_space<vmem>> -> memref<128xi32, #tpu.memory_space<vmem>>
        %dma_wait3A_61 = arith.constant 0 : i32
        %dma_wait3A_62 = arith.constant 0 : i32
        %dma_wait3A_63 = tpu.memref_slice %arg3[%dma_wait3A_61, %dma_wait3A_62] : memref<10240x256xbf16, #tpu.memory_space<hbm>> -> memref<10240x256xbf16, #tpu.memory_space<hbm>>
        tpu.wait_indirect_dma semaphore(%arg14 : memref<!tpu.dma_semaphore, #tpu.memory_space<semaphore_mem>>) src(%dma_wait3A_63 : memref<10240x256xbf16, #tpu.memory_space<hbm>>) dst(%arg11 : memref<128x256xbf16, #tpu.memory_space<vmem>>)
        "tpu.region"() ({
          %run_scoped3A = tpu.sem_alloc : memref<!tpu.dma_semaphore, #tpu.memory_space<semaphore_mem>>
          %dma_start3A_64 = arith.constant 0 : i32
          %dma_start3A_65 = tpu.memref_slice %arg10[%scan3A_53, %dma_start3A_64] : memref<80x128xi32, #tpu.memory_space<vmem>> -> memref<1x128xi32, #tpu.memory_space<vmem>>
          %dma_start3A_66 = tpu.memref_squeeze %dma_start3A_65 : memref<1x128xi32, #tpu.memory_space<vmem>> -> memref<128xi32, #tpu.memory_space<vmem>>
          %dma_start3A_67 = arith.constant 0 : i32
          %dma_start3A_68 = arith.constant 0 : i32
          %dma_start3A_69 = tpu.memref_slice %arg13[%dma_start3A_67, %dma_start3A_68] : memref<10240x256xbf16, #tpu.memory_space<vmem_shared>> -> memref<10240x256xbf16, #tpu.memory_space<vmem_shared>>
          tpu.enqueue_indirect_dma source(%arg11 : memref<128x256xbf16, #tpu.memory_space<vmem>>) target(%dma_start3A_69 : memref<10240x256xbf16, #tpu.memory_space<vmem_shared>>) offsets(%dma_start3A_66 : memref<128xi32, #tpu.memory_space<vmem>>) semaphore(%run_scoped3A : memref<!tpu.dma_semaphore, #tpu.memory_space<semaphore_mem>>) {add = true}
          %dma_wait3A_70 = arith.constant 0 : i32
          %dma_wait3A_71 = tpu.memref_slice %arg10[%scan3A_53, %dma_wait3A_70] : memref<80x128xi32, #tpu.memory_space<vmem>> -> memref<1x128xi32, #tpu.memory_space<vmem>>
          %dma_wait3A_72 = tpu.memref_squeeze %dma_wait3A_71 : memref<1x128xi32, #tpu.memory_space<vmem>> -> memref<128xi32, #tpu.memory_space<vmem>>
          %dma_wait3A_73 = arith.constant 0 : i32
          %dma_wait3A_74 = arith.constant 0 : i32
          %dma_wait3A_75 = tpu.memref_slice %arg13[%dma_wait3A_73, %dma_wait3A_74] : memref<10240x256xbf16, #tpu.memory_space<vmem_shared>> -> memref<10240x256xbf16, #tpu.memory_space<vmem_shared>>
          tpu.wait_indirect_dma semaphore(%run_scoped3A : memref<!tpu.dma_semaphore, #tpu.memory_space<semaphore_mem>>) src(%arg11 : memref<128x256xbf16, #tpu.memory_space<vmem>>) dst(%dma_wait3A_75 : memref<10240x256xbf16, #tpu.memory_space<vmem_shared>>)
          tpu.yield
        }) : () -> ()
      }
      %scan3A_31 = arith.constant 80 : i32
      %barrier3A_32 = arith.constant 0 : index
      tpu.barrier barrier_id(%barrier3A_32)
      %add3A_33 = arith.constant 0 : i32
      %add3A_34 = arith.addi %mul3A_0, %add3A_33 : i32
      "tpu.region"() ({
        %run_scoped3A = tpu.sem_alloc : memref<!tpu.dma_semaphore, #tpu.memory_space<semaphore_mem>>
        %dma_start3A = arith.constant 0 : i32
        %dma_start3A_53 = tpu.memref_slice %arg13[%add3A_34, %dma_start3A] : memref<10240x256xbf16, #tpu.memory_space<vmem_shared>> -> memref<128x256xbf16, #tpu.memory_space<vmem_shared>>
        %dma_start3A_54 = arith.constant 0 : i32
        %dma_start3A_55 = tpu.memref_slice %arg13[%add3A_34, %dma_start3A_54] : memref<10240x256xbf16, #tpu.memory_space<vmem_shared>> -> memref<128x256xbf16, #tpu.memory_space<vmem_shared>>
        tpu.enqueue_dma source(%dma_start3A_55 : memref<128x256xbf16, #tpu.memory_space<vmem_shared>>) target(%arg11 : memref<128x256xbf16, #tpu.memory_space<vmem>>) target_semaphore(%run_scoped3A : memref<!tpu.dma_semaphore, #tpu.memory_space<semaphore_mem>>)
        %dma_wait3A = arith.constant 0 : i32
        %dma_wait3A_56 = tpu.memref_slice %arg13[%add3A_34, %dma_wait3A] : memref<10240x256xbf16, #tpu.memory_space<vmem_shared>> -> memref<128x256xbf16, #tpu.memory_space<vmem_shared>>
        %dma_wait3A_57 = arith.constant 0 : i32
        %dma_wait3A_58 = tpu.memref_slice %arg13[%add3A_34, %dma_wait3A_57] : memref<10240x256xbf16, #tpu.memory_space<vmem_shared>> -> memref<128x256xbf16, #tpu.memory_space<vmem_shared>>
        tpu.wait_dma2 semaphore(%run_scoped3A : memref<!tpu.dma_semaphore, #tpu.memory_space<semaphore_mem>>) src(%dma_wait3A_58 : memref<128x256xbf16, #tpu.memory_space<vmem_shared>>) dst(%arg11 : memref<128x256xbf16, #tpu.memory_space<vmem>>)
        tpu.yield
      }) : () -> ()
      %add3A_35 = arith.constant 0 : i32
      %add3A_36 = arith.addi %mul3A_0, %add3A_35 : i32
      "tpu.region"() ({
        %run_scoped3A = tpu.sem_alloc : memref<!tpu.dma_semaphore, #tpu.memory_space<semaphore_mem>>
        %dma_start3A = arith.constant 0 : i32
        %dma_start3A_53 = tpu.memref_slice %arg8[%add3A_36, %dma_start3A] : memref<10240x256xbf16, #tpu.memory_space<hbm>> -> memref<128x256xbf16, #tpu.memory_space<hbm>>
        %dma_start3A_54 = arith.constant 0 : i32
        %dma_start3A_55 = tpu.memref_slice %arg8[%add3A_36, %dma_start3A_54] : memref<10240x256xbf16, #tpu.memory_space<hbm>> -> memref<128x256xbf16, #tpu.memory_space<hbm>>
        tpu.enqueue_dma source(%arg11 : memref<128x256xbf16, #tpu.memory_space<vmem>>) target(%dma_start3A_55 : memref<128x256xbf16, #tpu.memory_space<hbm>>) target_semaphore(%run_scoped3A : memref<!tpu.dma_semaphore, #tpu.memory_space<semaphore_mem>>)
        %dma_wait3A = arith.constant 0 : i32
        %dma_wait3A_56 = tpu.memref_slice %arg8[%add3A_36, %dma_wait3A] : memref<10240x256xbf16, #tpu.memory_space<hbm>> -> memref<128x256xbf16, #tpu.memory_space<hbm>>
        %dma_wait3A_57 = arith.constant 0 : i32
        %dma_wait3A_58 = tpu.memref_slice %arg8[%add3A_36, %dma_wait3A_57] : memref<10240x256xbf16, #tpu.memory_space<hbm>> -> memref<128x256xbf16, #tpu.memory_space<hbm>>
        tpu.wait_dma2 semaphore(%run_scoped3A : memref<!tpu.dma_semaphore, #tpu.memory_space<semaphore_mem>>) src(%arg11 : memref<128x256xbf16, #tpu.memory_space<vmem>>) dst(%dma_wait3A_58 : memref<128x256xbf16, #tpu.memory_space<hbm>>)
        tpu.yield
      }) : () -> ()
      %add3A_37 = arith.constant 128 : i32
      %add3A_38 = arith.addi %mul3A_0, %add3A_37 : i32
      "tpu.region"() ({
        %run_scoped3A = tpu.sem_alloc : memref<!tpu.dma_semaphore, #tpu.memory_space<semaphore_mem>>
        %dma_start3A = arith.constant 0 : i32
        %dma_start3A_53 = tpu.memref_slice %arg13[%add3A_38, %dma_start3A] : memref<10240x256xbf16, #tpu.memory_space<vmem_shared>> -> memref<128x256xbf16, #tpu.memory_space<vmem_shared>>
        %dma_start3A_54 = arith.constant 0 : i32
        %dma_start3A_55 = tpu.memref_slice %arg13[%add3A_38, %dma_start3A_54] : memref<10240x256xbf16, #tpu.memory_space<vmem_shared>> -> memref<128x256xbf16, #tpu.memory_space<vmem_shared>>
        tpu.enqueue_dma source(%dma_start3A_55 : memref<128x256xbf16, #tpu.memory_space<vmem_shared>>) target(%arg11 : memref<128x256xbf16, #tpu.memory_space<vmem>>) target_semaphore(%run_scoped3A : memref<!tpu.dma_semaphore, #tpu.memory_space<semaphore_mem>>)
        %dma_wait3A = arith.constant 0 : i32
        %dma_wait3A_56 = tpu.memref_slice %arg13[%add3A_38, %dma_wait3A] : memref<10240x256xbf16, #tpu.memory_space<vmem_shared>> -> memref<128x256xbf16, #tpu.memory_space<vmem_shared>>
        %dma_wait3A_57 = arith.constant 0 : i32
        %dma_wait3A_58 = tpu.memref_slice %arg13[%add3A_38, %dma_wait3A_57] : memref<10240x256xbf16, #tpu.memory_space<vmem_shared>> -> memref<128x256xbf16, #tpu.memory_space<vmem_shared>>
        tpu.wait_dma2 semaphore(%run_scoped3A : memref<!tpu.dma_semaphore, #tpu.memory_space<semaphore_mem>>) src(%dma_wait3A_58 : memref<128x256xbf16, #tpu.memory_space<vmem_shared>>) dst(%arg11 : memref<128x256xbf16, #tpu.memory_space<vmem>>)
        tpu.yield
      }) : () -> ()
      %add3A_39 = arith.constant 128 : i32
      %add3A_40 = arith.addi %mul3A_0, %add3A_39 : i32
      "tpu.region"() ({
        %run_scoped3A = tpu.sem_alloc : memref<!tpu.dma_semaphore, #tpu.memory_space<semaphore_mem>>
        %dma_start3A = arith.constant 0 : i32
        %dma_start3A_53 = tpu.memref_slice %arg8[%add3A_40, %dma_start3A] : memref<10240x256xbf16, #tpu.memory_space<hbm>> -> memref<128x256xbf16, #tpu.memory_space<hbm>>
        %dma_start3A_54 = arith.constant 0 : i32
        %dma_start3A_55 = tpu.memref_slice %arg8[%add3A_40, %dma_start3A_54] : memref<10240x256xbf16, #tpu.memory_space<hbm>> -> memref<128x256xbf16, #tpu.memory_space<hbm>>
        tpu.enqueue_dma source(%arg11 : memref<128x256xbf16, #tpu.memory_space<vmem>>) target(%dma_start3A_55 : memref<128x256xbf16, #tpu.memory_space<hbm>>) target_semaphore(%run_scoped3A : memref<!tpu.dma_semaphore, #tpu.memory_space<semaphore_mem>>)
        %dma_wait3A = arith.constant 0 : i32
        %dma_wait3A_56 = tpu.memref_slice %arg8[%add3A_40, %dma_wait3A] : memref<10240x256xbf16, #tpu.memory_space<hbm>> -> memref<128x256xbf16, #tpu.memory_space<hbm>>
        %dma_wait3A_57 = arith.constant 0 : i32
        %dma_wait3A_58 = tpu.memref_slice %arg8[%add3A_40, %dma_wait3A_57] : memref<10240x256xbf16, #tpu.memory_space<hbm>> -> memref<128x256xbf16, #tpu.memory_space<hbm>>
        tpu.wait_dma2 semaphore(%run_scoped3A : memref<!tpu.dma_semaphore, #tpu.memory_space<semaphore_mem>>) src(%arg11 : memref<128x256xbf16, #tpu.memory_space<vmem>>) dst(%dma_wait3A_58 : memref<128x256xbf16, #tpu.memory_space<hbm>>)
        tpu.yield
      }) : () -> ()
      %add3A_41 = arith.constant 256 : i32
      %add3A_42 = arith.addi %mul3A_0, %add3A_41 : i32
      "tpu.region"() ({
        %run_scoped3A = tpu.sem_alloc : memref<!tpu.dma_semaphore, #tpu.memory_space<semaphore_mem>>
        %dma_start3A = arith.constant 0 : i32
        %dma_start3A_53 = tpu.memref_slice %arg13[%add3A_42, %dma_start3A] : memref<10240x256xbf16, #tpu.memory_space<vmem_shared>> -> memref<128x256xbf16, #tpu.memory_space<vmem_shared>>
        %dma_start3A_54 = arith.constant 0 : i32
        %dma_start3A_55 = tpu.memref_slice %arg13[%add3A_42, %dma_start3A_54] : memref<10240x256xbf16, #tpu.memory_space<vmem_shared>> -> memref<128x256xbf16, #tpu.memory_space<vmem_shared>>
        tpu.enqueue_dma source(%dma_start3A_55 : memref<128x256xbf16, #tpu.memory_space<vmem_shared>>) target(%arg11 : memref<128x256xbf16, #tpu.memory_space<vmem>>) target_semaphore(%run_scoped3A : memref<!tpu.dma_semaphore, #tpu.memory_space<semaphore_mem>>)
        %dma_wait3A = arith.constant 0 : i32
        %dma_wait3A_56 = tpu.memref_slice %arg13[%add3A_42, %dma_wait3A] : memref<10240x256xbf16, #tpu.memory_space<vmem_shared>> -> memref<128x256xbf16, #tpu.memory_space<vmem_shared>>
        %dma_wait3A_57 = arith.constant 0 : i32
        %dma_wait3A_58 = tpu.memref_slice %arg13[%add3A_42, %dma_wait3A_57] : memref<10240x256xbf16, #tpu.memory_space<vmem_shared>> -> memref<128x256xbf16, #tpu.memory_space<vmem_shared>>
        tpu.wait_dma2 semaphore(%run_scoped3A : memref<!tpu.dma_semaphore, #tpu.memory_space<semaphore_mem>>) src(%dma_wait3A_58 : memref<128x256xbf16, #tpu.memory_space<vmem_shared>>) dst(%arg11 : memref<128x256xbf16, #tpu.memory_space<vmem>>)
        tpu.yield
      }) : () -> ()
      %add3A_43 = arith.constant 256 : i32
      %add3A_44 = arith.addi %mul3A_0, %add3A_43 : i32
      "tpu.region"() ({
        %run_scoped3A = tpu.sem_alloc : memref<!tpu.dma_semaphore, #tpu.memory_space<semaphore_mem>>
        %dma_start3A = arith.constant 0 : i32
        %dma_start3A_53 = tpu.memref_slice %arg8[%add3A_44, %dma_start3A] : memref<10240x256xbf16, #tpu.memory_space<hbm>> -> memref<128x256xbf16, #tpu.memory_space<hbm>>
        %dma_start3A_54 = arith.constant 0 : i32
        %dma_start3A_55 = tpu.memref_slice %arg8[%add3A_44, %dma_start3A_54] : memref<10240x256xbf16, #tpu.memory_space<hbm>> -> memref<128x256xbf16, #tpu.memory_space<hbm>>
        tpu.enqueue_dma source(%arg11 : memref<128x256xbf16, #tpu.memory_space<vmem>>) target(%dma_start3A_55 : memref<128x256xbf16, #tpu.memory_space<hbm>>) target_semaphore(%run_scoped3A : memref<!tpu.dma_semaphore, #tpu.memory_space<semaphore_mem>>)
        %dma_wait3A = arith.constant 0 : i32
        %dma_wait3A_56 = tpu.memref_slice %arg8[%add3A_44, %dma_wait3A] : memref<10240x256xbf16, #tpu.memory_space<hbm>> -> memref<128x256xbf16, #tpu.memory_space<hbm>>
        %dma_wait3A_57 = arith.constant 0 : i32
        %dma_wait3A_58 = tpu.memref_slice %arg8[%add3A_44, %dma_wait3A_57] : memref<10240x256xbf16, #tpu.memory_space<hbm>> -> memref<128x256xbf16, #tpu.memory_space<hbm>>
        tpu.wait_dma2 semaphore(%run_scoped3A : memref<!tpu.dma_semaphore, #tpu.memory_space<semaphore_mem>>) src(%arg11 : memref<128x256xbf16, #tpu.memory_space<vmem>>) dst(%dma_wait3A_58 : memref<128x256xbf16, #tpu.memory_space<hbm>>)
        tpu.yield
      }) : () -> ()
      %add3A_45 = arith.constant 384 : i32
      %add3A_46 = arith.addi %mul3A_0, %add3A_45 : i32
      "tpu.region"() ({
        %run_scoped3A = tpu.sem_alloc : memref<!tpu.dma_semaphore, #tpu.memory_space<semaphore_mem>>
        %dma_start3A = arith.constant 0 : i32
        %dma_start3A_53 = tpu.memref_slice %arg13[%add3A_46, %dma_start3A] : memref<10240x256xbf16, #tpu.memory_space<vmem_shared>> -> memref<128x256xbf16, #tpu.memory_space<vmem_shared>>
        %dma_start3A_54 = arith.constant 0 : i32
        %dma_start3A_55 = tpu.memref_slice %arg13[%add3A_46, %dma_start3A_54] : memref<10240x256xbf16, #tpu.memory_space<vmem_shared>> -> memref<128x256xbf16, #tpu.memory_space<vmem_shared>>
        tpu.enqueue_dma source(%dma_start3A_55 : memref<128x256xbf16, #tpu.memory_space<vmem_shared>>) target(%arg11 : memref<128x256xbf16, #tpu.memory_space<vmem>>) target_semaphore(%run_scoped3A : memref<!tpu.dma_semaphore, #tpu.memory_space<semaphore_mem>>)
        %dma_wait3A = arith.constant 0 : i32
        %dma_wait3A_56 = tpu.memref_slice %arg13[%add3A_46, %dma_wait3A] : memref<10240x256xbf16, #tpu.memory_space<vmem_shared>> -> memref<128x256xbf16, #tpu.memory_space<vmem_shared>>
        %dma_wait3A_57 = arith.constant 0 : i32
        %dma_wait3A_58 = tpu.memref_slice %arg13[%add3A_46, %dma_wait3A_57] : memref<10240x256xbf16, #tpu.memory_space<vmem_shared>> -> memref<128x256xbf16, #tpu.memory_space<vmem_shared>>
        tpu.wait_dma2 semaphore(%run_scoped3A : memref<!tpu.dma_semaphore, #tpu.memory_space<semaphore_mem>>) src(%dma_wait3A_58 : memref<128x256xbf16, #tpu.memory_space<vmem_shared>>) dst(%arg11 : memref<128x256xbf16, #tpu.memory_space<vmem>>)
        tpu.yield
      }) : () -> ()
      %add3A_47 = arith.constant 384 : i32
      %add3A_48 = arith.addi %mul3A_0, %add3A_47 : i32
      "tpu.region"() ({
        %run_scoped3A = tpu.sem_alloc : memref<!tpu.dma_semaphore, #tpu.memory_space<semaphore_mem>>
        %dma_start3A = arith.constant 0 : i32
        %dma_start3A_53 = tpu.memref_slice %arg8[%add3A_48, %dma_start3A] : memref<10240x256xbf16, #tpu.memory_space<hbm>> -> memref<128x256xbf16, #tpu.memory_space<hbm>>
        %dma_start3A_54 = arith.constant 0 : i32
        %dma_start3A_55 = tpu.memref_slice %arg8[%add3A_48, %dma_start3A_54] : memref<10240x256xbf16, #tpu.memory_space<hbm>> -> memref<128x256xbf16, #tpu.memory_space<hbm>>
        tpu.enqueue_dma source(%arg11 : memref<128x256xbf16, #tpu.memory_space<vmem>>) target(%dma_start3A_55 : memref<128x256xbf16, #tpu.memory_space<hbm>>) target_semaphore(%run_scoped3A : memref<!tpu.dma_semaphore, #tpu.memory_space<semaphore_mem>>)
        %dma_wait3A = arith.constant 0 : i32
        %dma_wait3A_56 = tpu.memref_slice %arg8[%add3A_48, %dma_wait3A] : memref<10240x256xbf16, #tpu.memory_space<hbm>> -> memref<128x256xbf16, #tpu.memory_space<hbm>>
        %dma_wait3A_57 = arith.constant 0 : i32
        %dma_wait3A_58 = tpu.memref_slice %arg8[%add3A_48, %dma_wait3A_57] : memref<10240x256xbf16, #tpu.memory_space<hbm>> -> memref<128x256xbf16, #tpu.memory_space<hbm>>
        tpu.wait_dma2 semaphore(%run_scoped3A : memref<!tpu.dma_semaphore, #tpu.memory_space<semaphore_mem>>) src(%arg11 : memref<128x256xbf16, #tpu.memory_space<vmem>>) dst(%dma_wait3A_58 : memref<128x256xbf16, #tpu.memory_space<hbm>>)
        tpu.yield
      }) : () -> ()
      %add3A_49 = arith.constant 512 : i32
      %add3A_50 = arith.addi %mul3A_0, %add3A_49 : i32
      "tpu.region"() ({
        %run_scoped3A = tpu.sem_alloc : memref<!tpu.dma_semaphore, #tpu.memory_space<semaphore_mem>>
        %dma_start3A = arith.constant 0 : i32
        %dma_start3A_53 = tpu.memref_slice %arg13[%add3A_50, %dma_start3A] : memref<10240x256xbf16, #tpu.memory_space<vmem_shared>> -> memref<128x256xbf16, #tpu.memory_space<vmem_shared>>
        %dma_start3A_54 = arith.constant 0 : i32
        %dma_start3A_55 = tpu.memref_slice %arg13[%add3A_50, %dma_start3A_54] : memref<10240x256xbf16, #tpu.memory_space<vmem_shared>> -> memref<128x256xbf16, #tpu.memory_space<vmem_shared>>
        tpu.enqueue_dma source(%dma_start3A_55 : memref<128x256xbf16, #tpu.memory_space<vmem_shared>>) target(%arg11 : memref<128x256xbf16, #tpu.memory_space<vmem>>) target_semaphore(%run_scoped3A : memref<!tpu.dma_semaphore, #tpu.memory_space<semaphore_mem>>)
        %dma_wait3A = arith.constant 0 : i32
        %dma_wait3A_56 = tpu.memref_slice %arg13[%add3A_50, %dma_wait3A] : memref<10240x256xbf16, #tpu.memory_space<vmem_shared>> -> memref<128x256xbf16, #tpu.memory_space<vmem_shared>>
        %dma_wait3A_57 = arith.constant 0 : i32
        %dma_wait3A_58 = tpu.memref_slice %arg13[%add3A_50, %dma_wait3A_57] : memref<10240x256xbf16, #tpu.memory_space<vmem_shared>> -> memref<128x256xbf16, #tpu.memory_space<vmem_shared>>
        tpu.wait_dma2 semaphore(%run_scoped3A : memref<!tpu.dma_semaphore, #tpu.memory_space<semaphore_mem>>) src(%dma_wait3A_58 : memref<128x256xbf16, #tpu.memory_space<vmem_shared>>) dst(%arg11 : memref<128x256xbf16, #tpu.memory_space<vmem>>)
        tpu.yield
      }) : () -> ()
      %add3A_51 = arith.constant 512 : i32
      %add3A_52 = arith.addi %mul3A_0, %add3A_51 : i32
      "tpu.region"() ({
        %run_scoped3A = tpu.sem_alloc : memref<!tpu.dma_semaphore, #tpu.memory_space<semaphore_mem>>
        %dma_start3A = arith.constant 0 : i32
        %dma_start3A_53 = tpu.memref_slice %arg8[%add3A_52, %dma_start3A] : memref<10240x256xbf16, #tpu.memory_space<hbm>> -> memref<128x256xbf16, #tpu.memory_space<hbm>>
        %dma_start3A_54 = arith.constant 0 : i32
        %dma_start3A_55 = tpu.memref_slice %arg8[%add3A_52, %dma_start3A_54] : memref<10240x256xbf16, #tpu.memory_space<hbm>> -> memref<128x256xbf16, #tpu.memory_space<hbm>>
        tpu.enqueue_dma source(%arg11 : memref<128x256xbf16, #tpu.memory_space<vmem>>) target(%dma_start3A_55 : memref<128x256xbf16, #tpu.memory_space<hbm>>) target_semaphore(%run_scoped3A : memref<!tpu.dma_semaphore, #tpu.memory_space<semaphore_mem>>)
        %dma_wait3A = arith.constant 0 : i32
        %dma_wait3A_56 = tpu.memref_slice %arg8[%add3A_52, %dma_wait3A] : memref<10240x256xbf16, #tpu.memory_space<hbm>> -> memref<128x256xbf16, #tpu.memory_space<hbm>>
        %dma_wait3A_57 = arith.constant 0 : i32
        %dma_wait3A_58 = tpu.memref_slice %arg8[%add3A_52, %dma_wait3A_57] : memref<10240x256xbf16, #tpu.memory_space<hbm>> -> memref<128x256xbf16, #tpu.memory_space<hbm>>
        tpu.wait_dma2 semaphore(%run_scoped3A : memref<!tpu.dma_semaphore, #tpu.memory_space<semaphore_mem>>) src(%arg11 : memref<128x256xbf16, #tpu.memory_space<vmem>>) dst(%dma_wait3A_58 : memref<128x256xbf16, #tpu.memory_space<hbm>>)
        tpu.yield
      }) : () -> ()
    } else {
    }
    return
  }
}

#map = affine_map<(d0, d1) -> (0, 0)>
#map1 = affine_map<(d0, d1) -> (0, 0, 0)>
module attributes {stable_mosaic.version = 14 : i64} {
  func.func @seg(%arg0: i32, %arg1: i32, %arg2: memref<10240x128xbf16, #tpu.memory_space<hbm>>, %arg3: memref<10240x128xbf16, #tpu.memory_space<hbm>>, %arg4: memref<16x80x128xi32, #tpu.memory_space<hbm>>, %arg5: memref<16x80x128xi32, #tpu.memory_space<hbm>>, %arg6: memref<64x128xbf16, #tpu.memory_space<hbm>>, %arg7: memref<10240x128xbf16, #tpu.memory_space<hbm>>, %arg8: memref<10240x128xbf16, #tpu.memory_space<hbm>>, %arg9: memref<80x128xi32, #tpu.memory_space<vmem>>, %arg10: memref<80x128xi32, #tpu.memory_space<vmem>>, %arg11: memref<128x128xbf16, #tpu.memory_space<vmem>>, %arg12: memref<64x128xbf16, #tpu.memory_space<vmem>>, %arg13: memref<10240x128xbf16, #tpu.memory_space<vmem_shared>>, %arg14: memref<!tpu.dma_semaphore, #tpu.memory_space<semaphore_mem>>) attributes {dimension_semantics = [#tpu.dimension_semantics<core_parallel>, #tpu.dimension_semantics<subcore_parallel>], iteration_bounds = array<i64: 2, 16>, scalar_prefetch = 0 : i64, scratch_operands = 6 : i64, tpu.core_type = #tpu.core_type<sc_vector_subcore>, window_params = [{transform_indices = #map}, {transform_indices = #map}, {transform_indices = #map1}, {transform_indices = #map1}, {transform_indices = #map}, {transform_indices = #map}, {transform_indices = #map}]} {
    %mul3A = arith.constant 640 : i32
    %mul3A_0 = arith.muli %arg1, %mul3A : i32
    "tpu.region"() ({
      %run_scoped3A = tpu.sem_alloc : memref<!tpu.dma_semaphore, #tpu.memory_space<semaphore_mem>>
      %dma_start3A = arith.constant 0 : i32
      %dma_start3A_8 = arith.constant 0 : i32
      %dma_start3A_9 = tpu.memref_slice %arg4[%arg1, %dma_start3A, %dma_start3A_8] : memref<16x80x128xi32, #tpu.memory_space<hbm>> -> memref<1x80x128xi32, #tpu.memory_space<hbm>>
      %dma_start3A_10 = tpu.memref_squeeze %dma_start3A_9 : memref<1x80x128xi32, #tpu.memory_space<hbm>> -> memref<80x128xi32, #tpu.memory_space<hbm>>
      %dma_start3A_11 = arith.constant 0 : i32
      %dma_start3A_12 = arith.constant 0 : i32
      %dma_start3A_13 = tpu.memref_slice %arg4[%arg1, %dma_start3A_11, %dma_start3A_12] : memref<16x80x128xi32, #tpu.memory_space<hbm>> -> memref<1x80x128xi32, #tpu.memory_space<hbm>>
      %dma_start3A_14 = tpu.memref_squeeze %dma_start3A_13 : memref<1x80x128xi32, #tpu.memory_space<hbm>> -> memref<80x128xi32, #tpu.memory_space<hbm>>
      tpu.enqueue_dma source(%dma_start3A_14 : memref<80x128xi32, #tpu.memory_space<hbm>>) target(%arg9 : memref<80x128xi32, #tpu.memory_space<vmem>>) target_semaphore(%run_scoped3A : memref<!tpu.dma_semaphore, #tpu.memory_space<semaphore_mem>>)
      %dma_wait3A = arith.constant 0 : i32
      %dma_wait3A_15 = arith.constant 0 : i32
      %dma_wait3A_16 = tpu.memref_slice %arg4[%arg1, %dma_wait3A, %dma_wait3A_15] : memref<16x80x128xi32, #tpu.memory_space<hbm>> -> memref<1x80x128xi32, #tpu.memory_space<hbm>>
      %dma_wait3A_17 = tpu.memref_squeeze %dma_wait3A_16 : memref<1x80x128xi32, #tpu.memory_space<hbm>> -> memref<80x128xi32, #tpu.memory_space<hbm>>
      %dma_wait3A_18 = arith.constant 0 : i32
      %dma_wait3A_19 = arith.constant 0 : i32
      %dma_wait3A_20 = tpu.memref_slice %arg4[%arg1, %dma_wait3A_18, %dma_wait3A_19] : memref<16x80x128xi32, #tpu.memory_space<hbm>> -> memref<1x80x128xi32, #tpu.memory_space<hbm>>
      %dma_wait3A_21 = tpu.memref_squeeze %dma_wait3A_20 : memref<1x80x128xi32, #tpu.memory_space<hbm>> -> memref<80x128xi32, #tpu.memory_space<hbm>>
      tpu.wait_dma2 semaphore(%run_scoped3A : memref<!tpu.dma_semaphore, #tpu.memory_space<semaphore_mem>>) src(%dma_wait3A_21 : memref<80x128xi32, #tpu.memory_space<hbm>>) dst(%arg9 : memref<80x128xi32, #tpu.memory_space<vmem>>)
      tpu.yield
    }) : () -> ()
    "tpu.region"() ({
      %run_scoped3A = tpu.sem_alloc : memref<!tpu.dma_semaphore, #tpu.memory_space<semaphore_mem>>
      %dma_start3A = arith.constant 0 : i32
      %dma_start3A_8 = arith.constant 0 : i32
      %dma_start3A_9 = tpu.memref_slice %arg5[%arg1, %dma_start3A, %dma_start3A_8] : memref<16x80x128xi32, #tpu.memory_space<hbm>> -> memref<1x80x128xi32, #tpu.memory_space<hbm>>
      %dma_start3A_10 = tpu.memref_squeeze %dma_start3A_9 : memref<1x80x128xi32, #tpu.memory_space<hbm>> -> memref<80x128xi32, #tpu.memory_space<hbm>>
      %dma_start3A_11 = arith.constant 0 : i32
      %dma_start3A_12 = arith.constant 0 : i32
      %dma_start3A_13 = tpu.memref_slice %arg5[%arg1, %dma_start3A_11, %dma_start3A_12] : memref<16x80x128xi32, #tpu.memory_space<hbm>> -> memref<1x80x128xi32, #tpu.memory_space<hbm>>
      %dma_start3A_14 = tpu.memref_squeeze %dma_start3A_13 : memref<1x80x128xi32, #tpu.memory_space<hbm>> -> memref<80x128xi32, #tpu.memory_space<hbm>>
      tpu.enqueue_dma source(%dma_start3A_14 : memref<80x128xi32, #tpu.memory_space<hbm>>) target(%arg10 : memref<80x128xi32, #tpu.memory_space<vmem>>) target_semaphore(%run_scoped3A : memref<!tpu.dma_semaphore, #tpu.memory_space<semaphore_mem>>)
      %dma_wait3A = arith.constant 0 : i32
      %dma_wait3A_15 = arith.constant 0 : i32
      %dma_wait3A_16 = tpu.memref_slice %arg5[%arg1, %dma_wait3A, %dma_wait3A_15] : memref<16x80x128xi32, #tpu.memory_space<hbm>> -> memref<1x80x128xi32, #tpu.memory_space<hbm>>
      %dma_wait3A_17 = tpu.memref_squeeze %dma_wait3A_16 : memref<1x80x128xi32, #tpu.memory_space<hbm>> -> memref<80x128xi32, #tpu.memory_space<hbm>>
      %dma_wait3A_18 = arith.constant 0 : i32
      %dma_wait3A_19 = arith.constant 0 : i32
      %dma_wait3A_20 = tpu.memref_slice %arg5[%arg1, %dma_wait3A_18, %dma_wait3A_19] : memref<16x80x128xi32, #tpu.memory_space<hbm>> -> memref<1x80x128xi32, #tpu.memory_space<hbm>>
      %dma_wait3A_21 = tpu.memref_squeeze %dma_wait3A_20 : memref<1x80x128xi32, #tpu.memory_space<hbm>> -> memref<80x128xi32, #tpu.memory_space<hbm>>
      tpu.wait_dma2 semaphore(%run_scoped3A : memref<!tpu.dma_semaphore, #tpu.memory_space<semaphore_mem>>) src(%dma_wait3A_21 : memref<80x128xi32, #tpu.memory_space<hbm>>) dst(%arg10 : memref<80x128xi32, #tpu.memory_space<vmem>>)
      tpu.yield
    }) : () -> ()
    "tpu.region"() ({
      %run_scoped3A = tpu.sem_alloc : memref<!tpu.dma_semaphore, #tpu.memory_space<semaphore_mem>>
      tpu.enqueue_dma source(%arg6 : memref<64x128xbf16, #tpu.memory_space<hbm>>) target(%arg12 : memref<64x128xbf16, #tpu.memory_space<vmem>>) target_semaphore(%run_scoped3A : memref<!tpu.dma_semaphore, #tpu.memory_space<semaphore_mem>>)
      tpu.wait_dma2 semaphore(%run_scoped3A : memref<!tpu.dma_semaphore, #tpu.memory_space<semaphore_mem>>) src(%arg6 : memref<64x128xbf16, #tpu.memory_space<hbm>>) dst(%arg12 : memref<64x128xbf16, #tpu.memory_space<vmem>>)
      tpu.yield
    }) : () -> ()
    %eq3A = arith.constant 0 : i32
    %eq3A_1 = arith.cmpi eq, %arg0, %eq3A : i32
    %convert_element_type3A = arith.extui %eq3A_1 : i1 to i32
    %cond3A = arith.constant 0 : i32
    %cond3A_2 = arith.cmpi ne, %convert_element_type3A, %cond3A : i32
    scf.if %cond3A_2 {
      %add3A = arith.constant 0 : i32
      %add3A_8 = arith.addi %mul3A_0, %add3A : i32
      "tpu.region"() ({
        %run_scoped3A = tpu.sem_alloc : memref<!tpu.dma_semaphore, #tpu.memory_space<semaphore_mem>>
        %dma_start3A = arith.constant 0 : i32
        %dma_start3A_53 = tpu.memref_slice %arg13[%add3A_8, %dma_start3A] : memref<10240x128xbf16, #tpu.memory_space<vmem_shared>> -> memref<64x128xbf16, #tpu.memory_space<vmem_shared>>
        %dma_start3A_54 = arith.constant 0 : i32
        %dma_start3A_55 = tpu.memref_slice %arg13[%add3A_8, %dma_start3A_54] : memref<10240x128xbf16, #tpu.memory_space<vmem_shared>> -> memref<64x128xbf16, #tpu.memory_space<vmem_shared>>
        tpu.enqueue_dma source(%arg12 : memref<64x128xbf16, #tpu.memory_space<vmem>>) target(%dma_start3A_55 : memref<64x128xbf16, #tpu.memory_space<vmem_shared>>) target_semaphore(%run_scoped3A : memref<!tpu.dma_semaphore, #tpu.memory_space<semaphore_mem>>)
        %dma_wait3A = arith.constant 0 : i32
        %dma_wait3A_56 = tpu.memref_slice %arg13[%add3A_8, %dma_wait3A] : memref<10240x128xbf16, #tpu.memory_space<vmem_shared>> -> memref<64x128xbf16, #tpu.memory_space<vmem_shared>>
        %dma_wait3A_57 = arith.constant 0 : i32
        %dma_wait3A_58 = tpu.memref_slice %arg13[%add3A_8, %dma_wait3A_57] : memref<10240x128xbf16, #tpu.memory_space<vmem_shared>> -> memref<64x128xbf16, #tpu.memory_space<vmem_shared>>
        tpu.wait_dma2 semaphore(%run_scoped3A : memref<!tpu.dma_semaphore, #tpu.memory_space<semaphore_mem>>) src(%arg12 : memref<64x128xbf16, #tpu.memory_space<vmem>>) dst(%dma_wait3A_58 : memref<64x128xbf16, #tpu.memory_space<vmem_shared>>)
        tpu.yield
      }) : () -> ()
      %add3A_9 = arith.constant 64 : i32
      %add3A_10 = arith.addi %mul3A_0, %add3A_9 : i32
      "tpu.region"() ({
        %run_scoped3A = tpu.sem_alloc : memref<!tpu.dma_semaphore, #tpu.memory_space<semaphore_mem>>
        %dma_start3A = arith.constant 0 : i32
        %dma_start3A_53 = tpu.memref_slice %arg13[%add3A_10, %dma_start3A] : memref<10240x128xbf16, #tpu.memory_space<vmem_shared>> -> memref<64x128xbf16, #tpu.memory_space<vmem_shared>>
        %dma_start3A_54 = arith.constant 0 : i32
        %dma_start3A_55 = tpu.memref_slice %arg13[%add3A_10, %dma_start3A_54] : memref<10240x128xbf16, #tpu.memory_space<vmem_shared>> -> memref<64x128xbf16, #tpu.memory_space<vmem_shared>>
        tpu.enqueue_dma source(%arg12 : memref<64x128xbf16, #tpu.memory_space<vmem>>) target(%dma_start3A_55 : memref<64x128xbf16, #tpu.memory_space<vmem_shared>>) target_semaphore(%run_scoped3A : memref<!tpu.dma_semaphore, #tpu.memory_space<semaphore_mem>>)
        %dma_wait3A = arith.constant 0 : i32
        %dma_wait3A_56 = tpu.memref_slice %arg13[%add3A_10, %dma_wait3A] : memref<10240x128xbf16, #tpu.memory_space<vmem_shared>> -> memref<64x128xbf16, #tpu.memory_space<vmem_shared>>
        %dma_wait3A_57 = arith.constant 0 : i32
        %dma_wait3A_58 = tpu.memref_slice %arg13[%add3A_10, %dma_wait3A_57] : memref<10240x128xbf16, #tpu.memory_space<vmem_shared>> -> memref<64x128xbf16, #tpu.memory_space<vmem_shared>>
        tpu.wait_dma2 semaphore(%run_scoped3A : memref<!tpu.dma_semaphore, #tpu.memory_space<semaphore_mem>>) src(%arg12 : memref<64x128xbf16, #tpu.memory_space<vmem>>) dst(%dma_wait3A_58 : memref<64x128xbf16, #tpu.memory_space<vmem_shared>>)
        tpu.yield
      }) : () -> ()
      %add3A_11 = arith.constant 128 : i32
      %add3A_12 = arith.addi %mul3A_0, %add3A_11 : i32
      "tpu.region"() ({
        %run_scoped3A = tpu.sem_alloc : memref<!tpu.dma_semaphore, #tpu.memory_space<semaphore_mem>>
        %dma_start3A = arith.constant 0 : i32
        %dma_start3A_53 = tpu.memref_slice %arg13[%add3A_12, %dma_start3A] : memref<10240x128xbf16, #tpu.memory_space<vmem_shared>> -> memref<64x128xbf16, #tpu.memory_space<vmem_shared>>
        %dma_start3A_54 = arith.constant 0 : i32
        %dma_start3A_55 = tpu.memref_slice %arg13[%add3A_12, %dma_start3A_54] : memref<10240x128xbf16, #tpu.memory_space<vmem_shared>> -> memref<64x128xbf16, #tpu.memory_space<vmem_shared>>
        tpu.enqueue_dma source(%arg12 : memref<64x128xbf16, #tpu.memory_space<vmem>>) target(%dma_start3A_55 : memref<64x128xbf16, #tpu.memory_space<vmem_shared>>) target_semaphore(%run_scoped3A : memref<!tpu.dma_semaphore, #tpu.memory_space<semaphore_mem>>)
        %dma_wait3A = arith.constant 0 : i32
        %dma_wait3A_56 = tpu.memref_slice %arg13[%add3A_12, %dma_wait3A] : memref<10240x128xbf16, #tpu.memory_space<vmem_shared>> -> memref<64x128xbf16, #tpu.memory_space<vmem_shared>>
        %dma_wait3A_57 = arith.constant 0 : i32
        %dma_wait3A_58 = tpu.memref_slice %arg13[%add3A_12, %dma_wait3A_57] : memref<10240x128xbf16, #tpu.memory_space<vmem_shared>> -> memref<64x128xbf16, #tpu.memory_space<vmem_shared>>
        tpu.wait_dma2 semaphore(%run_scoped3A : memref<!tpu.dma_semaphore, #tpu.memory_space<semaphore_mem>>) src(%arg12 : memref<64x128xbf16, #tpu.memory_space<vmem>>) dst(%dma_wait3A_58 : memref<64x128xbf16, #tpu.memory_space<vmem_shared>>)
        tpu.yield
      }) : () -> ()
      %add3A_13 = arith.constant 192 : i32
      %add3A_14 = arith.addi %mul3A_0, %add3A_13 : i32
      "tpu.region"() ({
        %run_scoped3A = tpu.sem_alloc : memref<!tpu.dma_semaphore, #tpu.memory_space<semaphore_mem>>
        %dma_start3A = arith.constant 0 : i32
        %dma_start3A_53 = tpu.memref_slice %arg13[%add3A_14, %dma_start3A] : memref<10240x128xbf16, #tpu.memory_space<vmem_shared>> -> memref<64x128xbf16, #tpu.memory_space<vmem_shared>>
        %dma_start3A_54 = arith.constant 0 : i32
        %dma_start3A_55 = tpu.memref_slice %arg13[%add3A_14, %dma_start3A_54] : memref<10240x128xbf16, #tpu.memory_space<vmem_shared>> -> memref<64x128xbf16, #tpu.memory_space<vmem_shared>>
        tpu.enqueue_dma source(%arg12 : memref<64x128xbf16, #tpu.memory_space<vmem>>) target(%dma_start3A_55 : memref<64x128xbf16, #tpu.memory_space<vmem_shared>>) target_semaphore(%run_scoped3A : memref<!tpu.dma_semaphore, #tpu.memory_space<semaphore_mem>>)
        %dma_wait3A = arith.constant 0 : i32
        %dma_wait3A_56 = tpu.memref_slice %arg13[%add3A_14, %dma_wait3A] : memref<10240x128xbf16, #tpu.memory_space<vmem_shared>> -> memref<64x128xbf16, #tpu.memory_space<vmem_shared>>
        %dma_wait3A_57 = arith.constant 0 : i32
        %dma_wait3A_58 = tpu.memref_slice %arg13[%add3A_14, %dma_wait3A_57] : memref<10240x128xbf16, #tpu.memory_space<vmem_shared>> -> memref<64x128xbf16, #tpu.memory_space<vmem_shared>>
        tpu.wait_dma2 semaphore(%run_scoped3A : memref<!tpu.dma_semaphore, #tpu.memory_space<semaphore_mem>>) src(%arg12 : memref<64x128xbf16, #tpu.memory_space<vmem>>) dst(%dma_wait3A_58 : memref<64x128xbf16, #tpu.memory_space<vmem_shared>>)
        tpu.yield
      }) : () -> ()
      %add3A_15 = arith.constant 256 : i32
      %add3A_16 = arith.addi %mul3A_0, %add3A_15 : i32
      "tpu.region"() ({
        %run_scoped3A = tpu.sem_alloc : memref<!tpu.dma_semaphore, #tpu.memory_space<semaphore_mem>>
        %dma_start3A = arith.constant 0 : i32
        %dma_start3A_53 = tpu.memref_slice %arg13[%add3A_16, %dma_start3A] : memref<10240x128xbf16, #tpu.memory_space<vmem_shared>> -> memref<64x128xbf16, #tpu.memory_space<vmem_shared>>
        %dma_start3A_54 = arith.constant 0 : i32
        %dma_start3A_55 = tpu.memref_slice %arg13[%add3A_16, %dma_start3A_54] : memref<10240x128xbf16, #tpu.memory_space<vmem_shared>> -> memref<64x128xbf16, #tpu.memory_space<vmem_shared>>
        tpu.enqueue_dma source(%arg12 : memref<64x128xbf16, #tpu.memory_space<vmem>>) target(%dma_start3A_55 : memref<64x128xbf16, #tpu.memory_space<vmem_shared>>) target_semaphore(%run_scoped3A : memref<!tpu.dma_semaphore, #tpu.memory_space<semaphore_mem>>)
        %dma_wait3A = arith.constant 0 : i32
        %dma_wait3A_56 = tpu.memref_slice %arg13[%add3A_16, %dma_wait3A] : memref<10240x128xbf16, #tpu.memory_space<vmem_shared>> -> memref<64x128xbf16, #tpu.memory_space<vmem_shared>>
        %dma_wait3A_57 = arith.constant 0 : i32
        %dma_wait3A_58 = tpu.memref_slice %arg13[%add3A_16, %dma_wait3A_57] : memref<10240x128xbf16, #tpu.memory_space<vmem_shared>> -> memref<64x128xbf16, #tpu.memory_space<vmem_shared>>
        tpu.wait_dma2 semaphore(%run_scoped3A : memref<!tpu.dma_semaphore, #tpu.memory_space<semaphore_mem>>) src(%arg12 : memref<64x128xbf16, #tpu.memory_space<vmem>>) dst(%dma_wait3A_58 : memref<64x128xbf16, #tpu.memory_space<vmem_shared>>)
        tpu.yield
      }) : () -> ()
      %add3A_17 = arith.constant 320 : i32
      %add3A_18 = arith.addi %mul3A_0, %add3A_17 : i32
      "tpu.region"() ({
        %run_scoped3A = tpu.sem_alloc : memref<!tpu.dma_semaphore, #tpu.memory_space<semaphore_mem>>
        %dma_start3A = arith.constant 0 : i32
        %dma_start3A_53 = tpu.memref_slice %arg13[%add3A_18, %dma_start3A] : memref<10240x128xbf16, #tpu.memory_space<vmem_shared>> -> memref<64x128xbf16, #tpu.memory_space<vmem_shared>>
        %dma_start3A_54 = arith.constant 0 : i32
        %dma_start3A_55 = tpu.memref_slice %arg13[%add3A_18, %dma_start3A_54] : memref<10240x128xbf16, #tpu.memory_space<vmem_shared>> -> memref<64x128xbf16, #tpu.memory_space<vmem_shared>>
        tpu.enqueue_dma source(%arg12 : memref<64x128xbf16, #tpu.memory_space<vmem>>) target(%dma_start3A_55 : memref<64x128xbf16, #tpu.memory_space<vmem_shared>>) target_semaphore(%run_scoped3A : memref<!tpu.dma_semaphore, #tpu.memory_space<semaphore_mem>>)
        %dma_wait3A = arith.constant 0 : i32
        %dma_wait3A_56 = tpu.memref_slice %arg13[%add3A_18, %dma_wait3A] : memref<10240x128xbf16, #tpu.memory_space<vmem_shared>> -> memref<64x128xbf16, #tpu.memory_space<vmem_shared>>
        %dma_wait3A_57 = arith.constant 0 : i32
        %dma_wait3A_58 = tpu.memref_slice %arg13[%add3A_18, %dma_wait3A_57] : memref<10240x128xbf16, #tpu.memory_space<vmem_shared>> -> memref<64x128xbf16, #tpu.memory_space<vmem_shared>>
        tpu.wait_dma2 semaphore(%run_scoped3A : memref<!tpu.dma_semaphore, #tpu.memory_space<semaphore_mem>>) src(%arg12 : memref<64x128xbf16, #tpu.memory_space<vmem>>) dst(%dma_wait3A_58 : memref<64x128xbf16, #tpu.memory_space<vmem_shared>>)
        tpu.yield
      }) : () -> ()
      %add3A_19 = arith.constant 384 : i32
      %add3A_20 = arith.addi %mul3A_0, %add3A_19 : i32
      "tpu.region"() ({
        %run_scoped3A = tpu.sem_alloc : memref<!tpu.dma_semaphore, #tpu.memory_space<semaphore_mem>>
        %dma_start3A = arith.constant 0 : i32
        %dma_start3A_53 = tpu.memref_slice %arg13[%add3A_20, %dma_start3A] : memref<10240x128xbf16, #tpu.memory_space<vmem_shared>> -> memref<64x128xbf16, #tpu.memory_space<vmem_shared>>
        %dma_start3A_54 = arith.constant 0 : i32
        %dma_start3A_55 = tpu.memref_slice %arg13[%add3A_20, %dma_start3A_54] : memref<10240x128xbf16, #tpu.memory_space<vmem_shared>> -> memref<64x128xbf16, #tpu.memory_space<vmem_shared>>
        tpu.enqueue_dma source(%arg12 : memref<64x128xbf16, #tpu.memory_space<vmem>>) target(%dma_start3A_55 : memref<64x128xbf16, #tpu.memory_space<vmem_shared>>) target_semaphore(%run_scoped3A : memref<!tpu.dma_semaphore, #tpu.memory_space<semaphore_mem>>)
        %dma_wait3A = arith.constant 0 : i32
        %dma_wait3A_56 = tpu.memref_slice %arg13[%add3A_20, %dma_wait3A] : memref<10240x128xbf16, #tpu.memory_space<vmem_shared>> -> memref<64x128xbf16, #tpu.memory_space<vmem_shared>>
        %dma_wait3A_57 = arith.constant 0 : i32
        %dma_wait3A_58 = tpu.memref_slice %arg13[%add3A_20, %dma_wait3A_57] : memref<10240x128xbf16, #tpu.memory_space<vmem_shared>> -> memref<64x128xbf16, #tpu.memory_space<vmem_shared>>
        tpu.wait_dma2 semaphore(%run_scoped3A : memref<!tpu.dma_semaphore, #tpu.memory_space<semaphore_mem>>) src(%arg12 : memref<64x128xbf16, #tpu.memory_space<vmem>>) dst(%dma_wait3A_58 : memref<64x128xbf16, #tpu.memory_space<vmem_shared>>)
        tpu.yield
      }) : () -> ()
      %add3A_21 = arith.constant 448 : i32
      %add3A_22 = arith.addi %mul3A_0, %add3A_21 : i32
      "tpu.region"() ({
        %run_scoped3A = tpu.sem_alloc : memref<!tpu.dma_semaphore, #tpu.memory_space<semaphore_mem>>
        %dma_start3A = arith.constant 0 : i32
        %dma_start3A_53 = tpu.memref_slice %arg13[%add3A_22, %dma_start3A] : memref<10240x128xbf16, #tpu.memory_space<vmem_shared>> -> memref<64x128xbf16, #tpu.memory_space<vmem_shared>>
        %dma_start3A_54 = arith.constant 0 : i32
        %dma_start3A_55 = tpu.memref_slice %arg13[%add3A_22, %dma_start3A_54] : memref<10240x128xbf16, #tpu.memory_space<vmem_shared>> -> memref<64x128xbf16, #tpu.memory_space<vmem_shared>>
        tpu.enqueue_dma source(%arg12 : memref<64x128xbf16, #tpu.memory_space<vmem>>) target(%dma_start3A_55 : memref<64x128xbf16, #tpu.memory_space<vmem_shared>>) target_semaphore(%run_scoped3A : memref<!tpu.dma_semaphore, #tpu.memory_space<semaphore_mem>>)
        %dma_wait3A = arith.constant 0 : i32
        %dma_wait3A_56 = tpu.memref_slice %arg13[%add3A_22, %dma_wait3A] : memref<10240x128xbf16, #tpu.memory_space<vmem_shared>> -> memref<64x128xbf16, #tpu.memory_space<vmem_shared>>
        %dma_wait3A_57 = arith.constant 0 : i32
        %dma_wait3A_58 = tpu.memref_slice %arg13[%add3A_22, %dma_wait3A_57] : memref<10240x128xbf16, #tpu.memory_space<vmem_shared>> -> memref<64x128xbf16, #tpu.memory_space<vmem_shared>>
        tpu.wait_dma2 semaphore(%run_scoped3A : memref<!tpu.dma_semaphore, #tpu.memory_space<semaphore_mem>>) src(%arg12 : memref<64x128xbf16, #tpu.memory_space<vmem>>) dst(%dma_wait3A_58 : memref<64x128xbf16, #tpu.memory_space<vmem_shared>>)
        tpu.yield
      }) : () -> ()
      %add3A_23 = arith.constant 512 : i32
      %add3A_24 = arith.addi %mul3A_0, %add3A_23 : i32
      "tpu.region"() ({
        %run_scoped3A = tpu.sem_alloc : memref<!tpu.dma_semaphore, #tpu.memory_space<semaphore_mem>>
        %dma_start3A = arith.constant 0 : i32
        %dma_start3A_53 = tpu.memref_slice %arg13[%add3A_24, %dma_start3A] : memref<10240x128xbf16, #tpu.memory_space<vmem_shared>> -> memref<64x128xbf16, #tpu.memory_space<vmem_shared>>
        %dma_start3A_54 = arith.constant 0 : i32
        %dma_start3A_55 = tpu.memref_slice %arg13[%add3A_24, %dma_start3A_54] : memref<10240x128xbf16, #tpu.memory_space<vmem_shared>> -> memref<64x128xbf16, #tpu.memory_space<vmem_shared>>
        tpu.enqueue_dma source(%arg12 : memref<64x128xbf16, #tpu.memory_space<vmem>>) target(%dma_start3A_55 : memref<64x128xbf16, #tpu.memory_space<vmem_shared>>) target_semaphore(%run_scoped3A : memref<!tpu.dma_semaphore, #tpu.memory_space<semaphore_mem>>)
        %dma_wait3A = arith.constant 0 : i32
        %dma_wait3A_56 = tpu.memref_slice %arg13[%add3A_24, %dma_wait3A] : memref<10240x128xbf16, #tpu.memory_space<vmem_shared>> -> memref<64x128xbf16, #tpu.memory_space<vmem_shared>>
        %dma_wait3A_57 = arith.constant 0 : i32
        %dma_wait3A_58 = tpu.memref_slice %arg13[%add3A_24, %dma_wait3A_57] : memref<10240x128xbf16, #tpu.memory_space<vmem_shared>> -> memref<64x128xbf16, #tpu.memory_space<vmem_shared>>
        tpu.wait_dma2 semaphore(%run_scoped3A : memref<!tpu.dma_semaphore, #tpu.memory_space<semaphore_mem>>) src(%arg12 : memref<64x128xbf16, #tpu.memory_space<vmem>>) dst(%dma_wait3A_58 : memref<64x128xbf16, #tpu.memory_space<vmem_shared>>)
        tpu.yield
      }) : () -> ()
      %add3A_25 = arith.constant 576 : i32
      %add3A_26 = arith.addi %mul3A_0, %add3A_25 : i32
      "tpu.region"() ({
        %run_scoped3A = tpu.sem_alloc : memref<!tpu.dma_semaphore, #tpu.memory_space<semaphore_mem>>
        %dma_start3A = arith.constant 0 : i32
        %dma_start3A_53 = tpu.memref_slice %arg13[%add3A_26, %dma_start3A] : memref<10240x128xbf16, #tpu.memory_space<vmem_shared>> -> memref<64x128xbf16, #tpu.memory_space<vmem_shared>>
        %dma_start3A_54 = arith.constant 0 : i32
        %dma_start3A_55 = tpu.memref_slice %arg13[%add3A_26, %dma_start3A_54] : memref<10240x128xbf16, #tpu.memory_space<vmem_shared>> -> memref<64x128xbf16, #tpu.memory_space<vmem_shared>>
        tpu.enqueue_dma source(%arg12 : memref<64x128xbf16, #tpu.memory_space<vmem>>) target(%dma_start3A_55 : memref<64x128xbf16, #tpu.memory_space<vmem_shared>>) target_semaphore(%run_scoped3A : memref<!tpu.dma_semaphore, #tpu.memory_space<semaphore_mem>>)
        %dma_wait3A = arith.constant 0 : i32
        %dma_wait3A_56 = tpu.memref_slice %arg13[%add3A_26, %dma_wait3A] : memref<10240x128xbf16, #tpu.memory_space<vmem_shared>> -> memref<64x128xbf16, #tpu.memory_space<vmem_shared>>
        %dma_wait3A_57 = arith.constant 0 : i32
        %dma_wait3A_58 = tpu.memref_slice %arg13[%add3A_26, %dma_wait3A_57] : memref<10240x128xbf16, #tpu.memory_space<vmem_shared>> -> memref<64x128xbf16, #tpu.memory_space<vmem_shared>>
        tpu.wait_dma2 semaphore(%run_scoped3A : memref<!tpu.dma_semaphore, #tpu.memory_space<semaphore_mem>>) src(%arg12 : memref<64x128xbf16, #tpu.memory_space<vmem>>) dst(%dma_wait3A_58 : memref<64x128xbf16, #tpu.memory_space<vmem_shared>>)
        tpu.yield
      }) : () -> ()
      %barrier3A = arith.constant 0 : index
      tpu.barrier barrier_id(%barrier3A)
      %scan3A = arith.constant 0 : i32
      %scan3A_27 = arith.constant 0 : i32
      %scan3A_28 = arith.constant 80 : i32
      %scan3A_29 = arith.addi %scan3A_27, %scan3A_28 : i32
      %scan3A_30 = arith.constant 1 : i32
      scf.for %scan3A_53 = %scan3A_27 to %scan3A_29 step %scan3A_30  : i32 {
        %dma_start3A = arith.constant 0 : i32
        %dma_start3A_54 = tpu.memref_slice %arg9[%scan3A_53, %dma_start3A] : memref<80x128xi32, #tpu.memory_space<vmem>> -> memref<1x128xi32, #tpu.memory_space<vmem>>
        %dma_start3A_55 = tpu.memref_squeeze %dma_start3A_54 : memref<1x128xi32, #tpu.memory_space<vmem>> -> memref<128xi32, #tpu.memory_space<vmem>>
        %dma_start3A_56 = arith.constant 0 : i32
        %dma_start3A_57 = arith.constant 0 : i32
        %dma_start3A_58 = tpu.memref_slice %arg2[%dma_start3A_56, %dma_start3A_57] : memref<10240x128xbf16, #tpu.memory_space<hbm>> -> memref<10240x128xbf16, #tpu.memory_space<hbm>>
        tpu.enqueue_indirect_dma source(%dma_start3A_58 : memref<10240x128xbf16, #tpu.memory_space<hbm>>) target(%arg11 : memref<128x128xbf16, #tpu.memory_space<vmem>>) offsets(%dma_start3A_55 : memref<128xi32, #tpu.memory_space<vmem>>) semaphore(%arg14 : memref<!tpu.dma_semaphore, #tpu.memory_space<semaphore_mem>>)
        %dma_wait3A = arith.constant 0 : i32
        %dma_wait3A_59 = tpu.memref_slice %arg9[%scan3A_53, %dma_wait3A] : memref<80x128xi32, #tpu.memory_space<vmem>> -> memref<1x128xi32, #tpu.memory_space<vmem>>
        %dma_wait3A_60 = tpu.memref_squeeze %dma_wait3A_59 : memref<1x128xi32, #tpu.memory_space<vmem>> -> memref<128xi32, #tpu.memory_space<vmem>>
        %dma_wait3A_61 = arith.constant 0 : i32
        %dma_wait3A_62 = arith.constant 0 : i32
        %dma_wait3A_63 = tpu.memref_slice %arg2[%dma_wait3A_61, %dma_wait3A_62] : memref<10240x128xbf16, #tpu.memory_space<hbm>> -> memref<10240x128xbf16, #tpu.memory_space<hbm>>
        tpu.wait_indirect_dma semaphore(%arg14 : memref<!tpu.dma_semaphore, #tpu.memory_space<semaphore_mem>>) src(%dma_wait3A_63 : memref<10240x128xbf16, #tpu.memory_space<hbm>>) dst(%arg11 : memref<128x128xbf16, #tpu.memory_space<vmem>>)
        "tpu.region"() ({
          %run_scoped3A = tpu.sem_alloc : memref<!tpu.dma_semaphore, #tpu.memory_space<semaphore_mem>>
          %dma_start3A_64 = arith.constant 0 : i32
          %dma_start3A_65 = tpu.memref_slice %arg10[%scan3A_53, %dma_start3A_64] : memref<80x128xi32, #tpu.memory_space<vmem>> -> memref<1x128xi32, #tpu.memory_space<vmem>>
          %dma_start3A_66 = tpu.memref_squeeze %dma_start3A_65 : memref<1x128xi32, #tpu.memory_space<vmem>> -> memref<128xi32, #tpu.memory_space<vmem>>
          %dma_start3A_67 = arith.constant 0 : i32
          %dma_start3A_68 = arith.constant 0 : i32
          %dma_start3A_69 = tpu.memref_slice %arg13[%dma_start3A_67, %dma_start3A_68] : memref<10240x128xbf16, #tpu.memory_space<vmem_shared>> -> memref<10240x128xbf16, #tpu.memory_space<vmem_shared>>
          tpu.enqueue_indirect_dma source(%arg11 : memref<128x128xbf16, #tpu.memory_space<vmem>>) target(%dma_start3A_69 : memref<10240x128xbf16, #tpu.memory_space<vmem_shared>>) offsets(%dma_start3A_66 : memref<128xi32, #tpu.memory_space<vmem>>) semaphore(%run_scoped3A : memref<!tpu.dma_semaphore, #tpu.memory_space<semaphore_mem>>) {add = true}
          %dma_wait3A_70 = arith.constant 0 : i32
          %dma_wait3A_71 = tpu.memref_slice %arg10[%scan3A_53, %dma_wait3A_70] : memref<80x128xi32, #tpu.memory_space<vmem>> -> memref<1x128xi32, #tpu.memory_space<vmem>>
          %dma_wait3A_72 = tpu.memref_squeeze %dma_wait3A_71 : memref<1x128xi32, #tpu.memory_space<vmem>> -> memref<128xi32, #tpu.memory_space<vmem>>
          %dma_wait3A_73 = arith.constant 0 : i32
          %dma_wait3A_74 = arith.constant 0 : i32
          %dma_wait3A_75 = tpu.memref_slice %arg13[%dma_wait3A_73, %dma_wait3A_74] : memref<10240x128xbf16, #tpu.memory_space<vmem_shared>> -> memref<10240x128xbf16, #tpu.memory_space<vmem_shared>>
          tpu.wait_indirect_dma semaphore(%run_scoped3A : memref<!tpu.dma_semaphore, #tpu.memory_space<semaphore_mem>>) src(%arg11 : memref<128x128xbf16, #tpu.memory_space<vmem>>) dst(%dma_wait3A_75 : memref<10240x128xbf16, #tpu.memory_space<vmem_shared>>)
          tpu.yield
        }) : () -> ()
      }
      %scan3A_31 = arith.constant 80 : i32
      %barrier3A_32 = arith.constant 0 : index
      tpu.barrier barrier_id(%barrier3A_32)
      %add3A_33 = arith.constant 0 : i32
      %add3A_34 = arith.addi %mul3A_0, %add3A_33 : i32
      "tpu.region"() ({
        %run_scoped3A = tpu.sem_alloc : memref<!tpu.dma_semaphore, #tpu.memory_space<semaphore_mem>>
        %dma_start3A = arith.constant 0 : i32
        %dma_start3A_53 = tpu.memref_slice %arg13[%add3A_34, %dma_start3A] : memref<10240x128xbf16, #tpu.memory_space<vmem_shared>> -> memref<128x128xbf16, #tpu.memory_space<vmem_shared>>
        %dma_start3A_54 = arith.constant 0 : i32
        %dma_start3A_55 = tpu.memref_slice %arg13[%add3A_34, %dma_start3A_54] : memref<10240x128xbf16, #tpu.memory_space<vmem_shared>> -> memref<128x128xbf16, #tpu.memory_space<vmem_shared>>
        tpu.enqueue_dma source(%dma_start3A_55 : memref<128x128xbf16, #tpu.memory_space<vmem_shared>>) target(%arg11 : memref<128x128xbf16, #tpu.memory_space<vmem>>) target_semaphore(%run_scoped3A : memref<!tpu.dma_semaphore, #tpu.memory_space<semaphore_mem>>)
        %dma_wait3A = arith.constant 0 : i32
        %dma_wait3A_56 = tpu.memref_slice %arg13[%add3A_34, %dma_wait3A] : memref<10240x128xbf16, #tpu.memory_space<vmem_shared>> -> memref<128x128xbf16, #tpu.memory_space<vmem_shared>>
        %dma_wait3A_57 = arith.constant 0 : i32
        %dma_wait3A_58 = tpu.memref_slice %arg13[%add3A_34, %dma_wait3A_57] : memref<10240x128xbf16, #tpu.memory_space<vmem_shared>> -> memref<128x128xbf16, #tpu.memory_space<vmem_shared>>
        tpu.wait_dma2 semaphore(%run_scoped3A : memref<!tpu.dma_semaphore, #tpu.memory_space<semaphore_mem>>) src(%dma_wait3A_58 : memref<128x128xbf16, #tpu.memory_space<vmem_shared>>) dst(%arg11 : memref<128x128xbf16, #tpu.memory_space<vmem>>)
        tpu.yield
      }) : () -> ()
      %add3A_35 = arith.constant 0 : i32
      %add3A_36 = arith.addi %mul3A_0, %add3A_35 : i32
      "tpu.region"() ({
        %run_scoped3A = tpu.sem_alloc : memref<!tpu.dma_semaphore, #tpu.memory_space<semaphore_mem>>
        %dma_start3A = arith.constant 0 : i32
        %dma_start3A_53 = tpu.memref_slice %arg7[%add3A_36, %dma_start3A] : memref<10240x128xbf16, #tpu.memory_space<hbm>> -> memref<128x128xbf16, #tpu.memory_space<hbm>>
        %dma_start3A_54 = arith.constant 0 : i32
        %dma_start3A_55 = tpu.memref_slice %arg7[%add3A_36, %dma_start3A_54] : memref<10240x128xbf16, #tpu.memory_space<hbm>> -> memref<128x128xbf16, #tpu.memory_space<hbm>>
        tpu.enqueue_dma source(%arg11 : memref<128x128xbf16, #tpu.memory_space<vmem>>) target(%dma_start3A_55 : memref<128x128xbf16, #tpu.memory_space<hbm>>) target_semaphore(%run_scoped3A : memref<!tpu.dma_semaphore, #tpu.memory_space<semaphore_mem>>)
        %dma_wait3A = arith.constant 0 : i32
        %dma_wait3A_56 = tpu.memref_slice %arg7[%add3A_36, %dma_wait3A] : memref<10240x128xbf16, #tpu.memory_space<hbm>> -> memref<128x128xbf16, #tpu.memory_space<hbm>>
        %dma_wait3A_57 = arith.constant 0 : i32
        %dma_wait3A_58 = tpu.memref_slice %arg7[%add3A_36, %dma_wait3A_57] : memref<10240x128xbf16, #tpu.memory_space<hbm>> -> memref<128x128xbf16, #tpu.memory_space<hbm>>
        tpu.wait_dma2 semaphore(%run_scoped3A : memref<!tpu.dma_semaphore, #tpu.memory_space<semaphore_mem>>) src(%arg11 : memref<128x128xbf16, #tpu.memory_space<vmem>>) dst(%dma_wait3A_58 : memref<128x128xbf16, #tpu.memory_space<hbm>>)
        tpu.yield
      }) : () -> ()
      %add3A_37 = arith.constant 128 : i32
      %add3A_38 = arith.addi %mul3A_0, %add3A_37 : i32
      "tpu.region"() ({
        %run_scoped3A = tpu.sem_alloc : memref<!tpu.dma_semaphore, #tpu.memory_space<semaphore_mem>>
        %dma_start3A = arith.constant 0 : i32
        %dma_start3A_53 = tpu.memref_slice %arg13[%add3A_38, %dma_start3A] : memref<10240x128xbf16, #tpu.memory_space<vmem_shared>> -> memref<128x128xbf16, #tpu.memory_space<vmem_shared>>
        %dma_start3A_54 = arith.constant 0 : i32
        %dma_start3A_55 = tpu.memref_slice %arg13[%add3A_38, %dma_start3A_54] : memref<10240x128xbf16, #tpu.memory_space<vmem_shared>> -> memref<128x128xbf16, #tpu.memory_space<vmem_shared>>
        tpu.enqueue_dma source(%dma_start3A_55 : memref<128x128xbf16, #tpu.memory_space<vmem_shared>>) target(%arg11 : memref<128x128xbf16, #tpu.memory_space<vmem>>) target_semaphore(%run_scoped3A : memref<!tpu.dma_semaphore, #tpu.memory_space<semaphore_mem>>)
        %dma_wait3A = arith.constant 0 : i32
        %dma_wait3A_56 = tpu.memref_slice %arg13[%add3A_38, %dma_wait3A] : memref<10240x128xbf16, #tpu.memory_space<vmem_shared>> -> memref<128x128xbf16, #tpu.memory_space<vmem_shared>>
        %dma_wait3A_57 = arith.constant 0 : i32
        %dma_wait3A_58 = tpu.memref_slice %arg13[%add3A_38, %dma_wait3A_57] : memref<10240x128xbf16, #tpu.memory_space<vmem_shared>> -> memref<128x128xbf16, #tpu.memory_space<vmem_shared>>
        tpu.wait_dma2 semaphore(%run_scoped3A : memref<!tpu.dma_semaphore, #tpu.memory_space<semaphore_mem>>) src(%dma_wait3A_58 : memref<128x128xbf16, #tpu.memory_space<vmem_shared>>) dst(%arg11 : memref<128x128xbf16, #tpu.memory_space<vmem>>)
        tpu.yield
      }) : () -> ()
      %add3A_39 = arith.constant 128 : i32
      %add3A_40 = arith.addi %mul3A_0, %add3A_39 : i32
      "tpu.region"() ({
        %run_scoped3A = tpu.sem_alloc : memref<!tpu.dma_semaphore, #tpu.memory_space<semaphore_mem>>
        %dma_start3A = arith.constant 0 : i32
        %dma_start3A_53 = tpu.memref_slice %arg7[%add3A_40, %dma_start3A] : memref<10240x128xbf16, #tpu.memory_space<hbm>> -> memref<128x128xbf16, #tpu.memory_space<hbm>>
        %dma_start3A_54 = arith.constant 0 : i32
        %dma_start3A_55 = tpu.memref_slice %arg7[%add3A_40, %dma_start3A_54] : memref<10240x128xbf16, #tpu.memory_space<hbm>> -> memref<128x128xbf16, #tpu.memory_space<hbm>>
        tpu.enqueue_dma source(%arg11 : memref<128x128xbf16, #tpu.memory_space<vmem>>) target(%dma_start3A_55 : memref<128x128xbf16, #tpu.memory_space<hbm>>) target_semaphore(%run_scoped3A : memref<!tpu.dma_semaphore, #tpu.memory_space<semaphore_mem>>)
        %dma_wait3A = arith.constant 0 : i32
        %dma_wait3A_56 = tpu.memref_slice %arg7[%add3A_40, %dma_wait3A] : memref<10240x128xbf16, #tpu.memory_space<hbm>> -> memref<128x128xbf16, #tpu.memory_space<hbm>>
        %dma_wait3A_57 = arith.constant 0 : i32
        %dma_wait3A_58 = tpu.memref_slice %arg7[%add3A_40, %dma_wait3A_57] : memref<10240x128xbf16, #tpu.memory_space<hbm>> -> memref<128x128xbf16, #tpu.memory_space<hbm>>
        tpu.wait_dma2 semaphore(%run_scoped3A : memref<!tpu.dma_semaphore, #tpu.memory_space<semaphore_mem>>) src(%arg11 : memref<128x128xbf16, #tpu.memory_space<vmem>>) dst(%dma_wait3A_58 : memref<128x128xbf16, #tpu.memory_space<hbm>>)
        tpu.yield
      }) : () -> ()
      %add3A_41 = arith.constant 256 : i32
      %add3A_42 = arith.addi %mul3A_0, %add3A_41 : i32
      "tpu.region"() ({
        %run_scoped3A = tpu.sem_alloc : memref<!tpu.dma_semaphore, #tpu.memory_space<semaphore_mem>>
        %dma_start3A = arith.constant 0 : i32
        %dma_start3A_53 = tpu.memref_slice %arg13[%add3A_42, %dma_start3A] : memref<10240x128xbf16, #tpu.memory_space<vmem_shared>> -> memref<128x128xbf16, #tpu.memory_space<vmem_shared>>
        %dma_start3A_54 = arith.constant 0 : i32
        %dma_start3A_55 = tpu.memref_slice %arg13[%add3A_42, %dma_start3A_54] : memref<10240x128xbf16, #tpu.memory_space<vmem_shared>> -> memref<128x128xbf16, #tpu.memory_space<vmem_shared>>
        tpu.enqueue_dma source(%dma_start3A_55 : memref<128x128xbf16, #tpu.memory_space<vmem_shared>>) target(%arg11 : memref<128x128xbf16, #tpu.memory_space<vmem>>) target_semaphore(%run_scoped3A : memref<!tpu.dma_semaphore, #tpu.memory_space<semaphore_mem>>)
        %dma_wait3A = arith.constant 0 : i32
        %dma_wait3A_56 = tpu.memref_slice %arg13[%add3A_42, %dma_wait3A] : memref<10240x128xbf16, #tpu.memory_space<vmem_shared>> -> memref<128x128xbf16, #tpu.memory_space<vmem_shared>>
        %dma_wait3A_57 = arith.constant 0 : i32
        %dma_wait3A_58 = tpu.memref_slice %arg13[%add3A_42, %dma_wait3A_57] : memref<10240x128xbf16, #tpu.memory_space<vmem_shared>> -> memref<128x128xbf16, #tpu.memory_space<vmem_shared>>
        tpu.wait_dma2 semaphore(%run_scoped3A : memref<!tpu.dma_semaphore, #tpu.memory_space<semaphore_mem>>) src(%dma_wait3A_58 : memref<128x128xbf16, #tpu.memory_space<vmem_shared>>) dst(%arg11 : memref<128x128xbf16, #tpu.memory_space<vmem>>)
        tpu.yield
      }) : () -> ()
      %add3A_43 = arith.constant 256 : i32
      %add3A_44 = arith.addi %mul3A_0, %add3A_43 : i32
      "tpu.region"() ({
        %run_scoped3A = tpu.sem_alloc : memref<!tpu.dma_semaphore, #tpu.memory_space<semaphore_mem>>
        %dma_start3A = arith.constant 0 : i32
        %dma_start3A_53 = tpu.memref_slice %arg7[%add3A_44, %dma_start3A] : memref<10240x128xbf16, #tpu.memory_space<hbm>> -> memref<128x128xbf16, #tpu.memory_space<hbm>>
        %dma_start3A_54 = arith.constant 0 : i32
        %dma_start3A_55 = tpu.memref_slice %arg7[%add3A_44, %dma_start3A_54] : memref<10240x128xbf16, #tpu.memory_space<hbm>> -> memref<128x128xbf16, #tpu.memory_space<hbm>>
        tpu.enqueue_dma source(%arg11 : memref<128x128xbf16, #tpu.memory_space<vmem>>) target(%dma_start3A_55 : memref<128x128xbf16, #tpu.memory_space<hbm>>) target_semaphore(%run_scoped3A : memref<!tpu.dma_semaphore, #tpu.memory_space<semaphore_mem>>)
        %dma_wait3A = arith.constant 0 : i32
        %dma_wait3A_56 = tpu.memref_slice %arg7[%add3A_44, %dma_wait3A] : memref<10240x128xbf16, #tpu.memory_space<hbm>> -> memref<128x128xbf16, #tpu.memory_space<hbm>>
        %dma_wait3A_57 = arith.constant 0 : i32
        %dma_wait3A_58 = tpu.memref_slice %arg7[%add3A_44, %dma_wait3A_57] : memref<10240x128xbf16, #tpu.memory_space<hbm>> -> memref<128x128xbf16, #tpu.memory_space<hbm>>
        tpu.wait_dma2 semaphore(%run_scoped3A : memref<!tpu.dma_semaphore, #tpu.memory_space<semaphore_mem>>) src(%arg11 : memref<128x128xbf16, #tpu.memory_space<vmem>>) dst(%dma_wait3A_58 : memref<128x128xbf16, #tpu.memory_space<hbm>>)
        tpu.yield
      }) : () -> ()
      %add3A_45 = arith.constant 384 : i32
      %add3A_46 = arith.addi %mul3A_0, %add3A_45 : i32
      "tpu.region"() ({
        %run_scoped3A = tpu.sem_alloc : memref<!tpu.dma_semaphore, #tpu.memory_space<semaphore_mem>>
        %dma_start3A = arith.constant 0 : i32
        %dma_start3A_53 = tpu.memref_slice %arg13[%add3A_46, %dma_start3A] : memref<10240x128xbf16, #tpu.memory_space<vmem_shared>> -> memref<128x128xbf16, #tpu.memory_space<vmem_shared>>
        %dma_start3A_54 = arith.constant 0 : i32
        %dma_start3A_55 = tpu.memref_slice %arg13[%add3A_46, %dma_start3A_54] : memref<10240x128xbf16, #tpu.memory_space<vmem_shared>> -> memref<128x128xbf16, #tpu.memory_space<vmem_shared>>
        tpu.enqueue_dma source(%dma_start3A_55 : memref<128x128xbf16, #tpu.memory_space<vmem_shared>>) target(%arg11 : memref<128x128xbf16, #tpu.memory_space<vmem>>) target_semaphore(%run_scoped3A : memref<!tpu.dma_semaphore, #tpu.memory_space<semaphore_mem>>)
        %dma_wait3A = arith.constant 0 : i32
        %dma_wait3A_56 = tpu.memref_slice %arg13[%add3A_46, %dma_wait3A] : memref<10240x128xbf16, #tpu.memory_space<vmem_shared>> -> memref<128x128xbf16, #tpu.memory_space<vmem_shared>>
        %dma_wait3A_57 = arith.constant 0 : i32
        %dma_wait3A_58 = tpu.memref_slice %arg13[%add3A_46, %dma_wait3A_57] : memref<10240x128xbf16, #tpu.memory_space<vmem_shared>> -> memref<128x128xbf16, #tpu.memory_space<vmem_shared>>
        tpu.wait_dma2 semaphore(%run_scoped3A : memref<!tpu.dma_semaphore, #tpu.memory_space<semaphore_mem>>) src(%dma_wait3A_58 : memref<128x128xbf16, #tpu.memory_space<vmem_shared>>) dst(%arg11 : memref<128x128xbf16, #tpu.memory_space<vmem>>)
        tpu.yield
      }) : () -> ()
      %add3A_47 = arith.constant 384 : i32
      %add3A_48 = arith.addi %mul3A_0, %add3A_47 : i32
      "tpu.region"() ({
        %run_scoped3A = tpu.sem_alloc : memref<!tpu.dma_semaphore, #tpu.memory_space<semaphore_mem>>
        %dma_start3A = arith.constant 0 : i32
        %dma_start3A_53 = tpu.memref_slice %arg7[%add3A_48, %dma_start3A] : memref<10240x128xbf16, #tpu.memory_space<hbm>> -> memref<128x128xbf16, #tpu.memory_space<hbm>>
        %dma_start3A_54 = arith.constant 0 : i32
        %dma_start3A_55 = tpu.memref_slice %arg7[%add3A_48, %dma_start3A_54] : memref<10240x128xbf16, #tpu.memory_space<hbm>> -> memref<128x128xbf16, #tpu.memory_space<hbm>>
        tpu.enqueue_dma source(%arg11 : memref<128x128xbf16, #tpu.memory_space<vmem>>) target(%dma_start3A_55 : memref<128x128xbf16, #tpu.memory_space<hbm>>) target_semaphore(%run_scoped3A : memref<!tpu.dma_semaphore, #tpu.memory_space<semaphore_mem>>)
        %dma_wait3A = arith.constant 0 : i32
        %dma_wait3A_56 = tpu.memref_slice %arg7[%add3A_48, %dma_wait3A] : memref<10240x128xbf16, #tpu.memory_space<hbm>> -> memref<128x128xbf16, #tpu.memory_space<hbm>>
        %dma_wait3A_57 = arith.constant 0 : i32
        %dma_wait3A_58 = tpu.memref_slice %arg7[%add3A_48, %dma_wait3A_57] : memref<10240x128xbf16, #tpu.memory_space<hbm>> -> memref<128x128xbf16, #tpu.memory_space<hbm>>
        tpu.wait_dma2 semaphore(%run_scoped3A : memref<!tpu.dma_semaphore, #tpu.memory_space<semaphore_mem>>) src(%arg11 : memref<128x128xbf16, #tpu.memory_space<vmem>>) dst(%dma_wait3A_58 : memref<128x128xbf16, #tpu.memory_space<hbm>>)
        tpu.yield
      }) : () -> ()
      %add3A_49 = arith.constant 512 : i32
      %add3A_50 = arith.addi %mul3A_0, %add3A_49 : i32
      "tpu.region"() ({
        %run_scoped3A = tpu.sem_alloc : memref<!tpu.dma_semaphore, #tpu.memory_space<semaphore_mem>>
        %dma_start3A = arith.constant 0 : i32
        %dma_start3A_53 = tpu.memref_slice %arg13[%add3A_50, %dma_start3A] : memref<10240x128xbf16, #tpu.memory_space<vmem_shared>> -> memref<128x128xbf16, #tpu.memory_space<vmem_shared>>
        %dma_start3A_54 = arith.constant 0 : i32
        %dma_start3A_55 = tpu.memref_slice %arg13[%add3A_50, %dma_start3A_54] : memref<10240x128xbf16, #tpu.memory_space<vmem_shared>> -> memref<128x128xbf16, #tpu.memory_space<vmem_shared>>
        tpu.enqueue_dma source(%dma_start3A_55 : memref<128x128xbf16, #tpu.memory_space<vmem_shared>>) target(%arg11 : memref<128x128xbf16, #tpu.memory_space<vmem>>) target_semaphore(%run_scoped3A : memref<!tpu.dma_semaphore, #tpu.memory_space<semaphore_mem>>)
        %dma_wait3A = arith.constant 0 : i32
        %dma_wait3A_56 = tpu.memref_slice %arg13[%add3A_50, %dma_wait3A] : memref<10240x128xbf16, #tpu.memory_space<vmem_shared>> -> memref<128x128xbf16, #tpu.memory_space<vmem_shared>>
        %dma_wait3A_57 = arith.constant 0 : i32
        %dma_wait3A_58 = tpu.memref_slice %arg13[%add3A_50, %dma_wait3A_57] : memref<10240x128xbf16, #tpu.memory_space<vmem_shared>> -> memref<128x128xbf16, #tpu.memory_space<vmem_shared>>
        tpu.wait_dma2 semaphore(%run_scoped3A : memref<!tpu.dma_semaphore, #tpu.memory_space<semaphore_mem>>) src(%dma_wait3A_58 : memref<128x128xbf16, #tpu.memory_space<vmem_shared>>) dst(%arg11 : memref<128x128xbf16, #tpu.memory_space<vmem>>)
        tpu.yield
      }) : () -> ()
      %add3A_51 = arith.constant 512 : i32
      %add3A_52 = arith.addi %mul3A_0, %add3A_51 : i32
      "tpu.region"() ({
        %run_scoped3A = tpu.sem_alloc : memref<!tpu.dma_semaphore, #tpu.memory_space<semaphore_mem>>
        %dma_start3A = arith.constant 0 : i32
        %dma_start3A_53 = tpu.memref_slice %arg7[%add3A_52, %dma_start3A] : memref<10240x128xbf16, #tpu.memory_space<hbm>> -> memref<128x128xbf16, #tpu.memory_space<hbm>>
        %dma_start3A_54 = arith.constant 0 : i32
        %dma_start3A_55 = tpu.memref_slice %arg7[%add3A_52, %dma_start3A_54] : memref<10240x128xbf16, #tpu.memory_space<hbm>> -> memref<128x128xbf16, #tpu.memory_space<hbm>>
        tpu.enqueue_dma source(%arg11 : memref<128x128xbf16, #tpu.memory_space<vmem>>) target(%dma_start3A_55 : memref<128x128xbf16, #tpu.memory_space<hbm>>) target_semaphore(%run_scoped3A : memref<!tpu.dma_semaphore, #tpu.memory_space<semaphore_mem>>)
        %dma_wait3A = arith.constant 0 : i32
        %dma_wait3A_56 = tpu.memref_slice %arg7[%add3A_52, %dma_wait3A] : memref<10240x128xbf16, #tpu.memory_space<hbm>> -> memref<128x128xbf16, #tpu.memory_space<hbm>>
        %dma_wait3A_57 = arith.constant 0 : i32
        %dma_wait3A_58 = tpu.memref_slice %arg7[%add3A_52, %dma_wait3A_57] : memref<10240x128xbf16, #tpu.memory_space<hbm>> -> memref<128x128xbf16, #tpu.memory_space<hbm>>
        tpu.wait_dma2 semaphore(%run_scoped3A : memref<!tpu.dma_semaphore, #tpu.memory_space<semaphore_mem>>) src(%arg11 : memref<128x128xbf16, #tpu.memory_space<vmem>>) dst(%dma_wait3A_58 : memref<128x128xbf16, #tpu.memory_space<hbm>>)
        tpu.yield
      }) : () -> ()
    } else {
    }
    %eq3A_3 = arith.constant 1 : i32
    %eq3A_4 = arith.cmpi eq, %arg0, %eq3A_3 : i32
    %convert_element_type3A_5 = arith.extui %eq3A_4 : i1 to i32
    %cond3A_6 = arith.constant 0 : i32
    %cond3A_7 = arith.cmpi ne, %convert_element_type3A_5, %cond3A_6 : i32
    scf.if %cond3A_7 {
      %add3A = arith.constant 0 : i32
      %add3A_8 = arith.addi %mul3A_0, %add3A : i32
      "tpu.region"() ({
        %run_scoped3A = tpu.sem_alloc : memref<!tpu.dma_semaphore, #tpu.memory_space<semaphore_mem>>
        %dma_start3A = arith.constant 0 : i32
        %dma_start3A_53 = tpu.memref_slice %arg13[%add3A_8, %dma_start3A] : memref<10240x128xbf16, #tpu.memory_space<vmem_shared>> -> memref<64x128xbf16, #tpu.memory_space<vmem_shared>>
        %dma_start3A_54 = arith.constant 0 : i32
        %dma_start3A_55 = tpu.memref_slice %arg13[%add3A_8, %dma_start3A_54] : memref<10240x128xbf16, #tpu.memory_space<vmem_shared>> -> memref<64x128xbf16, #tpu.memory_space<vmem_shared>>
        tpu.enqueue_dma source(%arg12 : memref<64x128xbf16, #tpu.memory_space<vmem>>) target(%dma_start3A_55 : memref<64x128xbf16, #tpu.memory_space<vmem_shared>>) target_semaphore(%run_scoped3A : memref<!tpu.dma_semaphore, #tpu.memory_space<semaphore_mem>>)
        %dma_wait3A = arith.constant 0 : i32
        %dma_wait3A_56 = tpu.memref_slice %arg13[%add3A_8, %dma_wait3A] : memref<10240x128xbf16, #tpu.memory_space<vmem_shared>> -> memref<64x128xbf16, #tpu.memory_space<vmem_shared>>
        %dma_wait3A_57 = arith.constant 0 : i32
        %dma_wait3A_58 = tpu.memref_slice %arg13[%add3A_8, %dma_wait3A_57] : memref<10240x128xbf16, #tpu.memory_space<vmem_shared>> -> memref<64x128xbf16, #tpu.memory_space<vmem_shared>>
        tpu.wait_dma2 semaphore(%run_scoped3A : memref<!tpu.dma_semaphore, #tpu.memory_space<semaphore_mem>>) src(%arg12 : memref<64x128xbf16, #tpu.memory_space<vmem>>) dst(%dma_wait3A_58 : memref<64x128xbf16, #tpu.memory_space<vmem_shared>>)
        tpu.yield
      }) : () -> ()
      %add3A_9 = arith.constant 64 : i32
      %add3A_10 = arith.addi %mul3A_0, %add3A_9 : i32
      "tpu.region"() ({
        %run_scoped3A = tpu.sem_alloc : memref<!tpu.dma_semaphore, #tpu.memory_space<semaphore_mem>>
        %dma_start3A = arith.constant 0 : i32
        %dma_start3A_53 = tpu.memref_slice %arg13[%add3A_10, %dma_start3A] : memref<10240x128xbf16, #tpu.memory_space<vmem_shared>> -> memref<64x128xbf16, #tpu.memory_space<vmem_shared>>
        %dma_start3A_54 = arith.constant 0 : i32
        %dma_start3A_55 = tpu.memref_slice %arg13[%add3A_10, %dma_start3A_54] : memref<10240x128xbf16, #tpu.memory_space<vmem_shared>> -> memref<64x128xbf16, #tpu.memory_space<vmem_shared>>
        tpu.enqueue_dma source(%arg12 : memref<64x128xbf16, #tpu.memory_space<vmem>>) target(%dma_start3A_55 : memref<64x128xbf16, #tpu.memory_space<vmem_shared>>) target_semaphore(%run_scoped3A : memref<!tpu.dma_semaphore, #tpu.memory_space<semaphore_mem>>)
        %dma_wait3A = arith.constant 0 : i32
        %dma_wait3A_56 = tpu.memref_slice %arg13[%add3A_10, %dma_wait3A] : memref<10240x128xbf16, #tpu.memory_space<vmem_shared>> -> memref<64x128xbf16, #tpu.memory_space<vmem_shared>>
        %dma_wait3A_57 = arith.constant 0 : i32
        %dma_wait3A_58 = tpu.memref_slice %arg13[%add3A_10, %dma_wait3A_57] : memref<10240x128xbf16, #tpu.memory_space<vmem_shared>> -> memref<64x128xbf16, #tpu.memory_space<vmem_shared>>
        tpu.wait_dma2 semaphore(%run_scoped3A : memref<!tpu.dma_semaphore, #tpu.memory_space<semaphore_mem>>) src(%arg12 : memref<64x128xbf16, #tpu.memory_space<vmem>>) dst(%dma_wait3A_58 : memref<64x128xbf16, #tpu.memory_space<vmem_shared>>)
        tpu.yield
      }) : () -> ()
      %add3A_11 = arith.constant 128 : i32
      %add3A_12 = arith.addi %mul3A_0, %add3A_11 : i32
      "tpu.region"() ({
        %run_scoped3A = tpu.sem_alloc : memref<!tpu.dma_semaphore, #tpu.memory_space<semaphore_mem>>
        %dma_start3A = arith.constant 0 : i32
        %dma_start3A_53 = tpu.memref_slice %arg13[%add3A_12, %dma_start3A] : memref<10240x128xbf16, #tpu.memory_space<vmem_shared>> -> memref<64x128xbf16, #tpu.memory_space<vmem_shared>>
        %dma_start3A_54 = arith.constant 0 : i32
        %dma_start3A_55 = tpu.memref_slice %arg13[%add3A_12, %dma_start3A_54] : memref<10240x128xbf16, #tpu.memory_space<vmem_shared>> -> memref<64x128xbf16, #tpu.memory_space<vmem_shared>>
        tpu.enqueue_dma source(%arg12 : memref<64x128xbf16, #tpu.memory_space<vmem>>) target(%dma_start3A_55 : memref<64x128xbf16, #tpu.memory_space<vmem_shared>>) target_semaphore(%run_scoped3A : memref<!tpu.dma_semaphore, #tpu.memory_space<semaphore_mem>>)
        %dma_wait3A = arith.constant 0 : i32
        %dma_wait3A_56 = tpu.memref_slice %arg13[%add3A_12, %dma_wait3A] : memref<10240x128xbf16, #tpu.memory_space<vmem_shared>> -> memref<64x128xbf16, #tpu.memory_space<vmem_shared>>
        %dma_wait3A_57 = arith.constant 0 : i32
        %dma_wait3A_58 = tpu.memref_slice %arg13[%add3A_12, %dma_wait3A_57] : memref<10240x128xbf16, #tpu.memory_space<vmem_shared>> -> memref<64x128xbf16, #tpu.memory_space<vmem_shared>>
        tpu.wait_dma2 semaphore(%run_scoped3A : memref<!tpu.dma_semaphore, #tpu.memory_space<semaphore_mem>>) src(%arg12 : memref<64x128xbf16, #tpu.memory_space<vmem>>) dst(%dma_wait3A_58 : memref<64x128xbf16, #tpu.memory_space<vmem_shared>>)
        tpu.yield
      }) : () -> ()
      %add3A_13 = arith.constant 192 : i32
      %add3A_14 = arith.addi %mul3A_0, %add3A_13 : i32
      "tpu.region"() ({
        %run_scoped3A = tpu.sem_alloc : memref<!tpu.dma_semaphore, #tpu.memory_space<semaphore_mem>>
        %dma_start3A = arith.constant 0 : i32
        %dma_start3A_53 = tpu.memref_slice %arg13[%add3A_14, %dma_start3A] : memref<10240x128xbf16, #tpu.memory_space<vmem_shared>> -> memref<64x128xbf16, #tpu.memory_space<vmem_shared>>
        %dma_start3A_54 = arith.constant 0 : i32
        %dma_start3A_55 = tpu.memref_slice %arg13[%add3A_14, %dma_start3A_54] : memref<10240x128xbf16, #tpu.memory_space<vmem_shared>> -> memref<64x128xbf16, #tpu.memory_space<vmem_shared>>
        tpu.enqueue_dma source(%arg12 : memref<64x128xbf16, #tpu.memory_space<vmem>>) target(%dma_start3A_55 : memref<64x128xbf16, #tpu.memory_space<vmem_shared>>) target_semaphore(%run_scoped3A : memref<!tpu.dma_semaphore, #tpu.memory_space<semaphore_mem>>)
        %dma_wait3A = arith.constant 0 : i32
        %dma_wait3A_56 = tpu.memref_slice %arg13[%add3A_14, %dma_wait3A] : memref<10240x128xbf16, #tpu.memory_space<vmem_shared>> -> memref<64x128xbf16, #tpu.memory_space<vmem_shared>>
        %dma_wait3A_57 = arith.constant 0 : i32
        %dma_wait3A_58 = tpu.memref_slice %arg13[%add3A_14, %dma_wait3A_57] : memref<10240x128xbf16, #tpu.memory_space<vmem_shared>> -> memref<64x128xbf16, #tpu.memory_space<vmem_shared>>
        tpu.wait_dma2 semaphore(%run_scoped3A : memref<!tpu.dma_semaphore, #tpu.memory_space<semaphore_mem>>) src(%arg12 : memref<64x128xbf16, #tpu.memory_space<vmem>>) dst(%dma_wait3A_58 : memref<64x128xbf16, #tpu.memory_space<vmem_shared>>)
        tpu.yield
      }) : () -> ()
      %add3A_15 = arith.constant 256 : i32
      %add3A_16 = arith.addi %mul3A_0, %add3A_15 : i32
      "tpu.region"() ({
        %run_scoped3A = tpu.sem_alloc : memref<!tpu.dma_semaphore, #tpu.memory_space<semaphore_mem>>
        %dma_start3A = arith.constant 0 : i32
        %dma_start3A_53 = tpu.memref_slice %arg13[%add3A_16, %dma_start3A] : memref<10240x128xbf16, #tpu.memory_space<vmem_shared>> -> memref<64x128xbf16, #tpu.memory_space<vmem_shared>>
        %dma_start3A_54 = arith.constant 0 : i32
        %dma_start3A_55 = tpu.memref_slice %arg13[%add3A_16, %dma_start3A_54] : memref<10240x128xbf16, #tpu.memory_space<vmem_shared>> -> memref<64x128xbf16, #tpu.memory_space<vmem_shared>>
        tpu.enqueue_dma source(%arg12 : memref<64x128xbf16, #tpu.memory_space<vmem>>) target(%dma_start3A_55 : memref<64x128xbf16, #tpu.memory_space<vmem_shared>>) target_semaphore(%run_scoped3A : memref<!tpu.dma_semaphore, #tpu.memory_space<semaphore_mem>>)
        %dma_wait3A = arith.constant 0 : i32
        %dma_wait3A_56 = tpu.memref_slice %arg13[%add3A_16, %dma_wait3A] : memref<10240x128xbf16, #tpu.memory_space<vmem_shared>> -> memref<64x128xbf16, #tpu.memory_space<vmem_shared>>
        %dma_wait3A_57 = arith.constant 0 : i32
        %dma_wait3A_58 = tpu.memref_slice %arg13[%add3A_16, %dma_wait3A_57] : memref<10240x128xbf16, #tpu.memory_space<vmem_shared>> -> memref<64x128xbf16, #tpu.memory_space<vmem_shared>>
        tpu.wait_dma2 semaphore(%run_scoped3A : memref<!tpu.dma_semaphore, #tpu.memory_space<semaphore_mem>>) src(%arg12 : memref<64x128xbf16, #tpu.memory_space<vmem>>) dst(%dma_wait3A_58 : memref<64x128xbf16, #tpu.memory_space<vmem_shared>>)
        tpu.yield
      }) : () -> ()
      %add3A_17 = arith.constant 320 : i32
      %add3A_18 = arith.addi %mul3A_0, %add3A_17 : i32
      "tpu.region"() ({
        %run_scoped3A = tpu.sem_alloc : memref<!tpu.dma_semaphore, #tpu.memory_space<semaphore_mem>>
        %dma_start3A = arith.constant 0 : i32
        %dma_start3A_53 = tpu.memref_slice %arg13[%add3A_18, %dma_start3A] : memref<10240x128xbf16, #tpu.memory_space<vmem_shared>> -> memref<64x128xbf16, #tpu.memory_space<vmem_shared>>
        %dma_start3A_54 = arith.constant 0 : i32
        %dma_start3A_55 = tpu.memref_slice %arg13[%add3A_18, %dma_start3A_54] : memref<10240x128xbf16, #tpu.memory_space<vmem_shared>> -> memref<64x128xbf16, #tpu.memory_space<vmem_shared>>
        tpu.enqueue_dma source(%arg12 : memref<64x128xbf16, #tpu.memory_space<vmem>>) target(%dma_start3A_55 : memref<64x128xbf16, #tpu.memory_space<vmem_shared>>) target_semaphore(%run_scoped3A : memref<!tpu.dma_semaphore, #tpu.memory_space<semaphore_mem>>)
        %dma_wait3A = arith.constant 0 : i32
        %dma_wait3A_56 = tpu.memref_slice %arg13[%add3A_18, %dma_wait3A] : memref<10240x128xbf16, #tpu.memory_space<vmem_shared>> -> memref<64x128xbf16, #tpu.memory_space<vmem_shared>>
        %dma_wait3A_57 = arith.constant 0 : i32
        %dma_wait3A_58 = tpu.memref_slice %arg13[%add3A_18, %dma_wait3A_57] : memref<10240x128xbf16, #tpu.memory_space<vmem_shared>> -> memref<64x128xbf16, #tpu.memory_space<vmem_shared>>
        tpu.wait_dma2 semaphore(%run_scoped3A : memref<!tpu.dma_semaphore, #tpu.memory_space<semaphore_mem>>) src(%arg12 : memref<64x128xbf16, #tpu.memory_space<vmem>>) dst(%dma_wait3A_58 : memref<64x128xbf16, #tpu.memory_space<vmem_shared>>)
        tpu.yield
      }) : () -> ()
      %add3A_19 = arith.constant 384 : i32
      %add3A_20 = arith.addi %mul3A_0, %add3A_19 : i32
      "tpu.region"() ({
        %run_scoped3A = tpu.sem_alloc : memref<!tpu.dma_semaphore, #tpu.memory_space<semaphore_mem>>
        %dma_start3A = arith.constant 0 : i32
        %dma_start3A_53 = tpu.memref_slice %arg13[%add3A_20, %dma_start3A] : memref<10240x128xbf16, #tpu.memory_space<vmem_shared>> -> memref<64x128xbf16, #tpu.memory_space<vmem_shared>>
        %dma_start3A_54 = arith.constant 0 : i32
        %dma_start3A_55 = tpu.memref_slice %arg13[%add3A_20, %dma_start3A_54] : memref<10240x128xbf16, #tpu.memory_space<vmem_shared>> -> memref<64x128xbf16, #tpu.memory_space<vmem_shared>>
        tpu.enqueue_dma source(%arg12 : memref<64x128xbf16, #tpu.memory_space<vmem>>) target(%dma_start3A_55 : memref<64x128xbf16, #tpu.memory_space<vmem_shared>>) target_semaphore(%run_scoped3A : memref<!tpu.dma_semaphore, #tpu.memory_space<semaphore_mem>>)
        %dma_wait3A = arith.constant 0 : i32
        %dma_wait3A_56 = tpu.memref_slice %arg13[%add3A_20, %dma_wait3A] : memref<10240x128xbf16, #tpu.memory_space<vmem_shared>> -> memref<64x128xbf16, #tpu.memory_space<vmem_shared>>
        %dma_wait3A_57 = arith.constant 0 : i32
        %dma_wait3A_58 = tpu.memref_slice %arg13[%add3A_20, %dma_wait3A_57] : memref<10240x128xbf16, #tpu.memory_space<vmem_shared>> -> memref<64x128xbf16, #tpu.memory_space<vmem_shared>>
        tpu.wait_dma2 semaphore(%run_scoped3A : memref<!tpu.dma_semaphore, #tpu.memory_space<semaphore_mem>>) src(%arg12 : memref<64x128xbf16, #tpu.memory_space<vmem>>) dst(%dma_wait3A_58 : memref<64x128xbf16, #tpu.memory_space<vmem_shared>>)
        tpu.yield
      }) : () -> ()
      %add3A_21 = arith.constant 448 : i32
      %add3A_22 = arith.addi %mul3A_0, %add3A_21 : i32
      "tpu.region"() ({
        %run_scoped3A = tpu.sem_alloc : memref<!tpu.dma_semaphore, #tpu.memory_space<semaphore_mem>>
        %dma_start3A = arith.constant 0 : i32
        %dma_start3A_53 = tpu.memref_slice %arg13[%add3A_22, %dma_start3A] : memref<10240x128xbf16, #tpu.memory_space<vmem_shared>> -> memref<64x128xbf16, #tpu.memory_space<vmem_shared>>
        %dma_start3A_54 = arith.constant 0 : i32
        %dma_start3A_55 = tpu.memref_slice %arg13[%add3A_22, %dma_start3A_54] : memref<10240x128xbf16, #tpu.memory_space<vmem_shared>> -> memref<64x128xbf16, #tpu.memory_space<vmem_shared>>
        tpu.enqueue_dma source(%arg12 : memref<64x128xbf16, #tpu.memory_space<vmem>>) target(%dma_start3A_55 : memref<64x128xbf16, #tpu.memory_space<vmem_shared>>) target_semaphore(%run_scoped3A : memref<!tpu.dma_semaphore, #tpu.memory_space<semaphore_mem>>)
        %dma_wait3A = arith.constant 0 : i32
        %dma_wait3A_56 = tpu.memref_slice %arg13[%add3A_22, %dma_wait3A] : memref<10240x128xbf16, #tpu.memory_space<vmem_shared>> -> memref<64x128xbf16, #tpu.memory_space<vmem_shared>>
        %dma_wait3A_57 = arith.constant 0 : i32
        %dma_wait3A_58 = tpu.memref_slice %arg13[%add3A_22, %dma_wait3A_57] : memref<10240x128xbf16, #tpu.memory_space<vmem_shared>> -> memref<64x128xbf16, #tpu.memory_space<vmem_shared>>
        tpu.wait_dma2 semaphore(%run_scoped3A : memref<!tpu.dma_semaphore, #tpu.memory_space<semaphore_mem>>) src(%arg12 : memref<64x128xbf16, #tpu.memory_space<vmem>>) dst(%dma_wait3A_58 : memref<64x128xbf16, #tpu.memory_space<vmem_shared>>)
        tpu.yield
      }) : () -> ()
      %add3A_23 = arith.constant 512 : i32
      %add3A_24 = arith.addi %mul3A_0, %add3A_23 : i32
      "tpu.region"() ({
        %run_scoped3A = tpu.sem_alloc : memref<!tpu.dma_semaphore, #tpu.memory_space<semaphore_mem>>
        %dma_start3A = arith.constant 0 : i32
        %dma_start3A_53 = tpu.memref_slice %arg13[%add3A_24, %dma_start3A] : memref<10240x128xbf16, #tpu.memory_space<vmem_shared>> -> memref<64x128xbf16, #tpu.memory_space<vmem_shared>>
        %dma_start3A_54 = arith.constant 0 : i32
        %dma_start3A_55 = tpu.memref_slice %arg13[%add3A_24, %dma_start3A_54] : memref<10240x128xbf16, #tpu.memory_space<vmem_shared>> -> memref<64x128xbf16, #tpu.memory_space<vmem_shared>>
        tpu.enqueue_dma source(%arg12 : memref<64x128xbf16, #tpu.memory_space<vmem>>) target(%dma_start3A_55 : memref<64x128xbf16, #tpu.memory_space<vmem_shared>>) target_semaphore(%run_scoped3A : memref<!tpu.dma_semaphore, #tpu.memory_space<semaphore_mem>>)
        %dma_wait3A = arith.constant 0 : i32
        %dma_wait3A_56 = tpu.memref_slice %arg13[%add3A_24, %dma_wait3A] : memref<10240x128xbf16, #tpu.memory_space<vmem_shared>> -> memref<64x128xbf16, #tpu.memory_space<vmem_shared>>
        %dma_wait3A_57 = arith.constant 0 : i32
        %dma_wait3A_58 = tpu.memref_slice %arg13[%add3A_24, %dma_wait3A_57] : memref<10240x128xbf16, #tpu.memory_space<vmem_shared>> -> memref<64x128xbf16, #tpu.memory_space<vmem_shared>>
        tpu.wait_dma2 semaphore(%run_scoped3A : memref<!tpu.dma_semaphore, #tpu.memory_space<semaphore_mem>>) src(%arg12 : memref<64x128xbf16, #tpu.memory_space<vmem>>) dst(%dma_wait3A_58 : memref<64x128xbf16, #tpu.memory_space<vmem_shared>>)
        tpu.yield
      }) : () -> ()
      %add3A_25 = arith.constant 576 : i32
      %add3A_26 = arith.addi %mul3A_0, %add3A_25 : i32
      "tpu.region"() ({
        %run_scoped3A = tpu.sem_alloc : memref<!tpu.dma_semaphore, #tpu.memory_space<semaphore_mem>>
        %dma_start3A = arith.constant 0 : i32
        %dma_start3A_53 = tpu.memref_slice %arg13[%add3A_26, %dma_start3A] : memref<10240x128xbf16, #tpu.memory_space<vmem_shared>> -> memref<64x128xbf16, #tpu.memory_space<vmem_shared>>
        %dma_start3A_54 = arith.constant 0 : i32
        %dma_start3A_55 = tpu.memref_slice %arg13[%add3A_26, %dma_start3A_54] : memref<10240x128xbf16, #tpu.memory_space<vmem_shared>> -> memref<64x128xbf16, #tpu.memory_space<vmem_shared>>
        tpu.enqueue_dma source(%arg12 : memref<64x128xbf16, #tpu.memory_space<vmem>>) target(%dma_start3A_55 : memref<64x128xbf16, #tpu.memory_space<vmem_shared>>) target_semaphore(%run_scoped3A : memref<!tpu.dma_semaphore, #tpu.memory_space<semaphore_mem>>)
        %dma_wait3A = arith.constant 0 : i32
        %dma_wait3A_56 = tpu.memref_slice %arg13[%add3A_26, %dma_wait3A] : memref<10240x128xbf16, #tpu.memory_space<vmem_shared>> -> memref<64x128xbf16, #tpu.memory_space<vmem_shared>>
        %dma_wait3A_57 = arith.constant 0 : i32
        %dma_wait3A_58 = tpu.memref_slice %arg13[%add3A_26, %dma_wait3A_57] : memref<10240x128xbf16, #tpu.memory_space<vmem_shared>> -> memref<64x128xbf16, #tpu.memory_space<vmem_shared>>
        tpu.wait_dma2 semaphore(%run_scoped3A : memref<!tpu.dma_semaphore, #tpu.memory_space<semaphore_mem>>) src(%arg12 : memref<64x128xbf16, #tpu.memory_space<vmem>>) dst(%dma_wait3A_58 : memref<64x128xbf16, #tpu.memory_space<vmem_shared>>)
        tpu.yield
      }) : () -> ()
      %barrier3A = arith.constant 0 : index
      tpu.barrier barrier_id(%barrier3A)
      %scan3A = arith.constant 0 : i32
      %scan3A_27 = arith.constant 0 : i32
      %scan3A_28 = arith.constant 80 : i32
      %scan3A_29 = arith.addi %scan3A_27, %scan3A_28 : i32
      %scan3A_30 = arith.constant 1 : i32
      scf.for %scan3A_53 = %scan3A_27 to %scan3A_29 step %scan3A_30  : i32 {
        %dma_start3A = arith.constant 0 : i32
        %dma_start3A_54 = tpu.memref_slice %arg9[%scan3A_53, %dma_start3A] : memref<80x128xi32, #tpu.memory_space<vmem>> -> memref<1x128xi32, #tpu.memory_space<vmem>>
        %dma_start3A_55 = tpu.memref_squeeze %dma_start3A_54 : memref<1x128xi32, #tpu.memory_space<vmem>> -> memref<128xi32, #tpu.memory_space<vmem>>
        %dma_start3A_56 = arith.constant 0 : i32
        %dma_start3A_57 = arith.constant 0 : i32
        %dma_start3A_58 = tpu.memref_slice %arg3[%dma_start3A_56, %dma_start3A_57] : memref<10240x128xbf16, #tpu.memory_space<hbm>> -> memref<10240x128xbf16, #tpu.memory_space<hbm>>
        tpu.enqueue_indirect_dma source(%dma_start3A_58 : memref<10240x128xbf16, #tpu.memory_space<hbm>>) target(%arg11 : memref<128x128xbf16, #tpu.memory_space<vmem>>) offsets(%dma_start3A_55 : memref<128xi32, #tpu.memory_space<vmem>>) semaphore(%arg14 : memref<!tpu.dma_semaphore, #tpu.memory_space<semaphore_mem>>)
        %dma_wait3A = arith.constant 0 : i32
        %dma_wait3A_59 = tpu.memref_slice %arg9[%scan3A_53, %dma_wait3A] : memref<80x128xi32, #tpu.memory_space<vmem>> -> memref<1x128xi32, #tpu.memory_space<vmem>>
        %dma_wait3A_60 = tpu.memref_squeeze %dma_wait3A_59 : memref<1x128xi32, #tpu.memory_space<vmem>> -> memref<128xi32, #tpu.memory_space<vmem>>
        %dma_wait3A_61 = arith.constant 0 : i32
        %dma_wait3A_62 = arith.constant 0 : i32
        %dma_wait3A_63 = tpu.memref_slice %arg3[%dma_wait3A_61, %dma_wait3A_62] : memref<10240x128xbf16, #tpu.memory_space<hbm>> -> memref<10240x128xbf16, #tpu.memory_space<hbm>>
        tpu.wait_indirect_dma semaphore(%arg14 : memref<!tpu.dma_semaphore, #tpu.memory_space<semaphore_mem>>) src(%dma_wait3A_63 : memref<10240x128xbf16, #tpu.memory_space<hbm>>) dst(%arg11 : memref<128x128xbf16, #tpu.memory_space<vmem>>)
        "tpu.region"() ({
          %run_scoped3A = tpu.sem_alloc : memref<!tpu.dma_semaphore, #tpu.memory_space<semaphore_mem>>
          %dma_start3A_64 = arith.constant 0 : i32
          %dma_start3A_65 = tpu.memref_slice %arg10[%scan3A_53, %dma_start3A_64] : memref<80x128xi32, #tpu.memory_space<vmem>> -> memref<1x128xi32, #tpu.memory_space<vmem>>
          %dma_start3A_66 = tpu.memref_squeeze %dma_start3A_65 : memref<1x128xi32, #tpu.memory_space<vmem>> -> memref<128xi32, #tpu.memory_space<vmem>>
          %dma_start3A_67 = arith.constant 0 : i32
          %dma_start3A_68 = arith.constant 0 : i32
          %dma_start3A_69 = tpu.memref_slice %arg13[%dma_start3A_67, %dma_start3A_68] : memref<10240x128xbf16, #tpu.memory_space<vmem_shared>> -> memref<10240x128xbf16, #tpu.memory_space<vmem_shared>>
          tpu.enqueue_indirect_dma source(%arg11 : memref<128x128xbf16, #tpu.memory_space<vmem>>) target(%dma_start3A_69 : memref<10240x128xbf16, #tpu.memory_space<vmem_shared>>) offsets(%dma_start3A_66 : memref<128xi32, #tpu.memory_space<vmem>>) semaphore(%run_scoped3A : memref<!tpu.dma_semaphore, #tpu.memory_space<semaphore_mem>>) {add = true}
          %dma_wait3A_70 = arith.constant 0 : i32
          %dma_wait3A_71 = tpu.memref_slice %arg10[%scan3A_53, %dma_wait3A_70] : memref<80x128xi32, #tpu.memory_space<vmem>> -> memref<1x128xi32, #tpu.memory_space<vmem>>
          %dma_wait3A_72 = tpu.memref_squeeze %dma_wait3A_71 : memref<1x128xi32, #tpu.memory_space<vmem>> -> memref<128xi32, #tpu.memory_space<vmem>>
          %dma_wait3A_73 = arith.constant 0 : i32
          %dma_wait3A_74 = arith.constant 0 : i32
          %dma_wait3A_75 = tpu.memref_slice %arg13[%dma_wait3A_73, %dma_wait3A_74] : memref<10240x128xbf16, #tpu.memory_space<vmem_shared>> -> memref<10240x128xbf16, #tpu.memory_space<vmem_shared>>
          tpu.wait_indirect_dma semaphore(%run_scoped3A : memref<!tpu.dma_semaphore, #tpu.memory_space<semaphore_mem>>) src(%arg11 : memref<128x128xbf16, #tpu.memory_space<vmem>>) dst(%dma_wait3A_75 : memref<10240x128xbf16, #tpu.memory_space<vmem_shared>>)
          tpu.yield
        }) : () -> ()
      }
      %scan3A_31 = arith.constant 80 : i32
      %barrier3A_32 = arith.constant 0 : index
      tpu.barrier barrier_id(%barrier3A_32)
      %add3A_33 = arith.constant 0 : i32
      %add3A_34 = arith.addi %mul3A_0, %add3A_33 : i32
      "tpu.region"() ({
        %run_scoped3A = tpu.sem_alloc : memref<!tpu.dma_semaphore, #tpu.memory_space<semaphore_mem>>
        %dma_start3A = arith.constant 0 : i32
        %dma_start3A_53 = tpu.memref_slice %arg13[%add3A_34, %dma_start3A] : memref<10240x128xbf16, #tpu.memory_space<vmem_shared>> -> memref<128x128xbf16, #tpu.memory_space<vmem_shared>>
        %dma_start3A_54 = arith.constant 0 : i32
        %dma_start3A_55 = tpu.memref_slice %arg13[%add3A_34, %dma_start3A_54] : memref<10240x128xbf16, #tpu.memory_space<vmem_shared>> -> memref<128x128xbf16, #tpu.memory_space<vmem_shared>>
        tpu.enqueue_dma source(%dma_start3A_55 : memref<128x128xbf16, #tpu.memory_space<vmem_shared>>) target(%arg11 : memref<128x128xbf16, #tpu.memory_space<vmem>>) target_semaphore(%run_scoped3A : memref<!tpu.dma_semaphore, #tpu.memory_space<semaphore_mem>>)
        %dma_wait3A = arith.constant 0 : i32
        %dma_wait3A_56 = tpu.memref_slice %arg13[%add3A_34, %dma_wait3A] : memref<10240x128xbf16, #tpu.memory_space<vmem_shared>> -> memref<128x128xbf16, #tpu.memory_space<vmem_shared>>
        %dma_wait3A_57 = arith.constant 0 : i32
        %dma_wait3A_58 = tpu.memref_slice %arg13[%add3A_34, %dma_wait3A_57] : memref<10240x128xbf16, #tpu.memory_space<vmem_shared>> -> memref<128x128xbf16, #tpu.memory_space<vmem_shared>>
        tpu.wait_dma2 semaphore(%run_scoped3A : memref<!tpu.dma_semaphore, #tpu.memory_space<semaphore_mem>>) src(%dma_wait3A_58 : memref<128x128xbf16, #tpu.memory_space<vmem_shared>>) dst(%arg11 : memref<128x128xbf16, #tpu.memory_space<vmem>>)
        tpu.yield
      }) : () -> ()
      %add3A_35 = arith.constant 0 : i32
      %add3A_36 = arith.addi %mul3A_0, %add3A_35 : i32
      "tpu.region"() ({
        %run_scoped3A = tpu.sem_alloc : memref<!tpu.dma_semaphore, #tpu.memory_space<semaphore_mem>>
        %dma_start3A = arith.constant 0 : i32
        %dma_start3A_53 = tpu.memref_slice %arg8[%add3A_36, %dma_start3A] : memref<10240x128xbf16, #tpu.memory_space<hbm>> -> memref<128x128xbf16, #tpu.memory_space<hbm>>
        %dma_start3A_54 = arith.constant 0 : i32
        %dma_start3A_55 = tpu.memref_slice %arg8[%add3A_36, %dma_start3A_54] : memref<10240x128xbf16, #tpu.memory_space<hbm>> -> memref<128x128xbf16, #tpu.memory_space<hbm>>
        tpu.enqueue_dma source(%arg11 : memref<128x128xbf16, #tpu.memory_space<vmem>>) target(%dma_start3A_55 : memref<128x128xbf16, #tpu.memory_space<hbm>>) target_semaphore(%run_scoped3A : memref<!tpu.dma_semaphore, #tpu.memory_space<semaphore_mem>>)
        %dma_wait3A = arith.constant 0 : i32
        %dma_wait3A_56 = tpu.memref_slice %arg8[%add3A_36, %dma_wait3A] : memref<10240x128xbf16, #tpu.memory_space<hbm>> -> memref<128x128xbf16, #tpu.memory_space<hbm>>
        %dma_wait3A_57 = arith.constant 0 : i32
        %dma_wait3A_58 = tpu.memref_slice %arg8[%add3A_36, %dma_wait3A_57] : memref<10240x128xbf16, #tpu.memory_space<hbm>> -> memref<128x128xbf16, #tpu.memory_space<hbm>>
        tpu.wait_dma2 semaphore(%run_scoped3A : memref<!tpu.dma_semaphore, #tpu.memory_space<semaphore_mem>>) src(%arg11 : memref<128x128xbf16, #tpu.memory_space<vmem>>) dst(%dma_wait3A_58 : memref<128x128xbf16, #tpu.memory_space<hbm>>)
        tpu.yield
      }) : () -> ()
      %add3A_37 = arith.constant 128 : i32
      %add3A_38 = arith.addi %mul3A_0, %add3A_37 : i32
      "tpu.region"() ({
        %run_scoped3A = tpu.sem_alloc : memref<!tpu.dma_semaphore, #tpu.memory_space<semaphore_mem>>
        %dma_start3A = arith.constant 0 : i32
        %dma_start3A_53 = tpu.memref_slice %arg13[%add3A_38, %dma_start3A] : memref<10240x128xbf16, #tpu.memory_space<vmem_shared>> -> memref<128x128xbf16, #tpu.memory_space<vmem_shared>>
        %dma_start3A_54 = arith.constant 0 : i32
        %dma_start3A_55 = tpu.memref_slice %arg13[%add3A_38, %dma_start3A_54] : memref<10240x128xbf16, #tpu.memory_space<vmem_shared>> -> memref<128x128xbf16, #tpu.memory_space<vmem_shared>>
        tpu.enqueue_dma source(%dma_start3A_55 : memref<128x128xbf16, #tpu.memory_space<vmem_shared>>) target(%arg11 : memref<128x128xbf16, #tpu.memory_space<vmem>>) target_semaphore(%run_scoped3A : memref<!tpu.dma_semaphore, #tpu.memory_space<semaphore_mem>>)
        %dma_wait3A = arith.constant 0 : i32
        %dma_wait3A_56 = tpu.memref_slice %arg13[%add3A_38, %dma_wait3A] : memref<10240x128xbf16, #tpu.memory_space<vmem_shared>> -> memref<128x128xbf16, #tpu.memory_space<vmem_shared>>
        %dma_wait3A_57 = arith.constant 0 : i32
        %dma_wait3A_58 = tpu.memref_slice %arg13[%add3A_38, %dma_wait3A_57] : memref<10240x128xbf16, #tpu.memory_space<vmem_shared>> -> memref<128x128xbf16, #tpu.memory_space<vmem_shared>>
        tpu.wait_dma2 semaphore(%run_scoped3A : memref<!tpu.dma_semaphore, #tpu.memory_space<semaphore_mem>>) src(%dma_wait3A_58 : memref<128x128xbf16, #tpu.memory_space<vmem_shared>>) dst(%arg11 : memref<128x128xbf16, #tpu.memory_space<vmem>>)
        tpu.yield
      }) : () -> ()
      %add3A_39 = arith.constant 128 : i32
      %add3A_40 = arith.addi %mul3A_0, %add3A_39 : i32
      "tpu.region"() ({
        %run_scoped3A = tpu.sem_alloc : memref<!tpu.dma_semaphore, #tpu.memory_space<semaphore_mem>>
        %dma_start3A = arith.constant 0 : i32
        %dma_start3A_53 = tpu.memref_slice %arg8[%add3A_40, %dma_start3A] : memref<10240x128xbf16, #tpu.memory_space<hbm>> -> memref<128x128xbf16, #tpu.memory_space<hbm>>
        %dma_start3A_54 = arith.constant 0 : i32
        %dma_start3A_55 = tpu.memref_slice %arg8[%add3A_40, %dma_start3A_54] : memref<10240x128xbf16, #tpu.memory_space<hbm>> -> memref<128x128xbf16, #tpu.memory_space<hbm>>
        tpu.enqueue_dma source(%arg11 : memref<128x128xbf16, #tpu.memory_space<vmem>>) target(%dma_start3A_55 : memref<128x128xbf16, #tpu.memory_space<hbm>>) target_semaphore(%run_scoped3A : memref<!tpu.dma_semaphore, #tpu.memory_space<semaphore_mem>>)
        %dma_wait3A = arith.constant 0 : i32
        %dma_wait3A_56 = tpu.memref_slice %arg8[%add3A_40, %dma_wait3A] : memref<10240x128xbf16, #tpu.memory_space<hbm>> -> memref<128x128xbf16, #tpu.memory_space<hbm>>
        %dma_wait3A_57 = arith.constant 0 : i32
        %dma_wait3A_58 = tpu.memref_slice %arg8[%add3A_40, %dma_wait3A_57] : memref<10240x128xbf16, #tpu.memory_space<hbm>> -> memref<128x128xbf16, #tpu.memory_space<hbm>>
        tpu.wait_dma2 semaphore(%run_scoped3A : memref<!tpu.dma_semaphore, #tpu.memory_space<semaphore_mem>>) src(%arg11 : memref<128x128xbf16, #tpu.memory_space<vmem>>) dst(%dma_wait3A_58 : memref<128x128xbf16, #tpu.memory_space<hbm>>)
        tpu.yield
      }) : () -> ()
      %add3A_41 = arith.constant 256 : i32
      %add3A_42 = arith.addi %mul3A_0, %add3A_41 : i32
      "tpu.region"() ({
        %run_scoped3A = tpu.sem_alloc : memref<!tpu.dma_semaphore, #tpu.memory_space<semaphore_mem>>
        %dma_start3A = arith.constant 0 : i32
        %dma_start3A_53 = tpu.memref_slice %arg13[%add3A_42, %dma_start3A] : memref<10240x128xbf16, #tpu.memory_space<vmem_shared>> -> memref<128x128xbf16, #tpu.memory_space<vmem_shared>>
        %dma_start3A_54 = arith.constant 0 : i32
        %dma_start3A_55 = tpu.memref_slice %arg13[%add3A_42, %dma_start3A_54] : memref<10240x128xbf16, #tpu.memory_space<vmem_shared>> -> memref<128x128xbf16, #tpu.memory_space<vmem_shared>>
        tpu.enqueue_dma source(%dma_start3A_55 : memref<128x128xbf16, #tpu.memory_space<vmem_shared>>) target(%arg11 : memref<128x128xbf16, #tpu.memory_space<vmem>>) target_semaphore(%run_scoped3A : memref<!tpu.dma_semaphore, #tpu.memory_space<semaphore_mem>>)
        %dma_wait3A = arith.constant 0 : i32
        %dma_wait3A_56 = tpu.memref_slice %arg13[%add3A_42, %dma_wait3A] : memref<10240x128xbf16, #tpu.memory_space<vmem_shared>> -> memref<128x128xbf16, #tpu.memory_space<vmem_shared>>
        %dma_wait3A_57 = arith.constant 0 : i32
        %dma_wait3A_58 = tpu.memref_slice %arg13[%add3A_42, %dma_wait3A_57] : memref<10240x128xbf16, #tpu.memory_space<vmem_shared>> -> memref<128x128xbf16, #tpu.memory_space<vmem_shared>>
        tpu.wait_dma2 semaphore(%run_scoped3A : memref<!tpu.dma_semaphore, #tpu.memory_space<semaphore_mem>>) src(%dma_wait3A_58 : memref<128x128xbf16, #tpu.memory_space<vmem_shared>>) dst(%arg11 : memref<128x128xbf16, #tpu.memory_space<vmem>>)
        tpu.yield
      }) : () -> ()
      %add3A_43 = arith.constant 256 : i32
      %add3A_44 = arith.addi %mul3A_0, %add3A_43 : i32
      "tpu.region"() ({
        %run_scoped3A = tpu.sem_alloc : memref<!tpu.dma_semaphore, #tpu.memory_space<semaphore_mem>>
        %dma_start3A = arith.constant 0 : i32
        %dma_start3A_53 = tpu.memref_slice %arg8[%add3A_44, %dma_start3A] : memref<10240x128xbf16, #tpu.memory_space<hbm>> -> memref<128x128xbf16, #tpu.memory_space<hbm>>
        %dma_start3A_54 = arith.constant 0 : i32
        %dma_start3A_55 = tpu.memref_slice %arg8[%add3A_44, %dma_start3A_54] : memref<10240x128xbf16, #tpu.memory_space<hbm>> -> memref<128x128xbf16, #tpu.memory_space<hbm>>
        tpu.enqueue_dma source(%arg11 : memref<128x128xbf16, #tpu.memory_space<vmem>>) target(%dma_start3A_55 : memref<128x128xbf16, #tpu.memory_space<hbm>>) target_semaphore(%run_scoped3A : memref<!tpu.dma_semaphore, #tpu.memory_space<semaphore_mem>>)
        %dma_wait3A = arith.constant 0 : i32
        %dma_wait3A_56 = tpu.memref_slice %arg8[%add3A_44, %dma_wait3A] : memref<10240x128xbf16, #tpu.memory_space<hbm>> -> memref<128x128xbf16, #tpu.memory_space<hbm>>
        %dma_wait3A_57 = arith.constant 0 : i32
        %dma_wait3A_58 = tpu.memref_slice %arg8[%add3A_44, %dma_wait3A_57] : memref<10240x128xbf16, #tpu.memory_space<hbm>> -> memref<128x128xbf16, #tpu.memory_space<hbm>>
        tpu.wait_dma2 semaphore(%run_scoped3A : memref<!tpu.dma_semaphore, #tpu.memory_space<semaphore_mem>>) src(%arg11 : memref<128x128xbf16, #tpu.memory_space<vmem>>) dst(%dma_wait3A_58 : memref<128x128xbf16, #tpu.memory_space<hbm>>)
        tpu.yield
      }) : () -> ()
      %add3A_45 = arith.constant 384 : i32
      %add3A_46 = arith.addi %mul3A_0, %add3A_45 : i32
      "tpu.region"() ({
        %run_scoped3A = tpu.sem_alloc : memref<!tpu.dma_semaphore, #tpu.memory_space<semaphore_mem>>
        %dma_start3A = arith.constant 0 : i32
        %dma_start3A_53 = tpu.memref_slice %arg13[%add3A_46, %dma_start3A] : memref<10240x128xbf16, #tpu.memory_space<vmem_shared>> -> memref<128x128xbf16, #tpu.memory_space<vmem_shared>>
        %dma_start3A_54 = arith.constant 0 : i32
        %dma_start3A_55 = tpu.memref_slice %arg13[%add3A_46, %dma_start3A_54] : memref<10240x128xbf16, #tpu.memory_space<vmem_shared>> -> memref<128x128xbf16, #tpu.memory_space<vmem_shared>>
        tpu.enqueue_dma source(%dma_start3A_55 : memref<128x128xbf16, #tpu.memory_space<vmem_shared>>) target(%arg11 : memref<128x128xbf16, #tpu.memory_space<vmem>>) target_semaphore(%run_scoped3A : memref<!tpu.dma_semaphore, #tpu.memory_space<semaphore_mem>>)
        %dma_wait3A = arith.constant 0 : i32
        %dma_wait3A_56 = tpu.memref_slice %arg13[%add3A_46, %dma_wait3A] : memref<10240x128xbf16, #tpu.memory_space<vmem_shared>> -> memref<128x128xbf16, #tpu.memory_space<vmem_shared>>
        %dma_wait3A_57 = arith.constant 0 : i32
        %dma_wait3A_58 = tpu.memref_slice %arg13[%add3A_46, %dma_wait3A_57] : memref<10240x128xbf16, #tpu.memory_space<vmem_shared>> -> memref<128x128xbf16, #tpu.memory_space<vmem_shared>>
        tpu.wait_dma2 semaphore(%run_scoped3A : memref<!tpu.dma_semaphore, #tpu.memory_space<semaphore_mem>>) src(%dma_wait3A_58 : memref<128x128xbf16, #tpu.memory_space<vmem_shared>>) dst(%arg11 : memref<128x128xbf16, #tpu.memory_space<vmem>>)
        tpu.yield
      }) : () -> ()
      %add3A_47 = arith.constant 384 : i32
      %add3A_48 = arith.addi %mul3A_0, %add3A_47 : i32
      "tpu.region"() ({
        %run_scoped3A = tpu.sem_alloc : memref<!tpu.dma_semaphore, #tpu.memory_space<semaphore_mem>>
        %dma_start3A = arith.constant 0 : i32
        %dma_start3A_53 = tpu.memref_slice %arg8[%add3A_48, %dma_start3A] : memref<10240x128xbf16, #tpu.memory_space<hbm>> -> memref<128x128xbf16, #tpu.memory_space<hbm>>
        %dma_start3A_54 = arith.constant 0 : i32
        %dma_start3A_55 = tpu.memref_slice %arg8[%add3A_48, %dma_start3A_54] : memref<10240x128xbf16, #tpu.memory_space<hbm>> -> memref<128x128xbf16, #tpu.memory_space<hbm>>
        tpu.enqueue_dma source(%arg11 : memref<128x128xbf16, #tpu.memory_space<vmem>>) target(%dma_start3A_55 : memref<128x128xbf16, #tpu.memory_space<hbm>>) target_semaphore(%run_scoped3A : memref<!tpu.dma_semaphore, #tpu.memory_space<semaphore_mem>>)
        %dma_wait3A = arith.constant 0 : i32
        %dma_wait3A_56 = tpu.memref_slice %arg8[%add3A_48, %dma_wait3A] : memref<10240x128xbf16, #tpu.memory_space<hbm>> -> memref<128x128xbf16, #tpu.memory_space<hbm>>
        %dma_wait3A_57 = arith.constant 0 : i32
        %dma_wait3A_58 = tpu.memref_slice %arg8[%add3A_48, %dma_wait3A_57] : memref<10240x128xbf16, #tpu.memory_space<hbm>> -> memref<128x128xbf16, #tpu.memory_space<hbm>>
        tpu.wait_dma2 semaphore(%run_scoped3A : memref<!tpu.dma_semaphore, #tpu.memory_space<semaphore_mem>>) src(%arg11 : memref<128x128xbf16, #tpu.memory_space<vmem>>) dst(%dma_wait3A_58 : memref<128x128xbf16, #tpu.memory_space<hbm>>)
        tpu.yield
      }) : () -> ()
      %add3A_49 = arith.constant 512 : i32
      %add3A_50 = arith.addi %mul3A_0, %add3A_49 : i32
      "tpu.region"() ({
        %run_scoped3A = tpu.sem_alloc : memref<!tpu.dma_semaphore, #tpu.memory_space<semaphore_mem>>
        %dma_start3A = arith.constant 0 : i32
        %dma_start3A_53 = tpu.memref_slice %arg13[%add3A_50, %dma_start3A] : memref<10240x128xbf16, #tpu.memory_space<vmem_shared>> -> memref<128x128xbf16, #tpu.memory_space<vmem_shared>>
        %dma_start3A_54 = arith.constant 0 : i32
        %dma_start3A_55 = tpu.memref_slice %arg13[%add3A_50, %dma_start3A_54] : memref<10240x128xbf16, #tpu.memory_space<vmem_shared>> -> memref<128x128xbf16, #tpu.memory_space<vmem_shared>>
        tpu.enqueue_dma source(%dma_start3A_55 : memref<128x128xbf16, #tpu.memory_space<vmem_shared>>) target(%arg11 : memref<128x128xbf16, #tpu.memory_space<vmem>>) target_semaphore(%run_scoped3A : memref<!tpu.dma_semaphore, #tpu.memory_space<semaphore_mem>>)
        %dma_wait3A = arith.constant 0 : i32
        %dma_wait3A_56 = tpu.memref_slice %arg13[%add3A_50, %dma_wait3A] : memref<10240x128xbf16, #tpu.memory_space<vmem_shared>> -> memref<128x128xbf16, #tpu.memory_space<vmem_shared>>
        %dma_wait3A_57 = arith.constant 0 : i32
        %dma_wait3A_58 = tpu.memref_slice %arg13[%add3A_50, %dma_wait3A_57] : memref<10240x128xbf16, #tpu.memory_space<vmem_shared>> -> memref<128x128xbf16, #tpu.memory_space<vmem_shared>>
        tpu.wait_dma2 semaphore(%run_scoped3A : memref<!tpu.dma_semaphore, #tpu.memory_space<semaphore_mem>>) src(%dma_wait3A_58 : memref<128x128xbf16, #tpu.memory_space<vmem_shared>>) dst(%arg11 : memref<128x128xbf16, #tpu.memory_space<vmem>>)
        tpu.yield
      }) : () -> ()
      %add3A_51 = arith.constant 512 : i32
      %add3A_52 = arith.addi %mul3A_0, %add3A_51 : i32
      "tpu.region"() ({
        %run_scoped3A = tpu.sem_alloc : memref<!tpu.dma_semaphore, #tpu.memory_space<semaphore_mem>>
        %dma_start3A = arith.constant 0 : i32
        %dma_start3A_53 = tpu.memref_slice %arg8[%add3A_52, %dma_start3A] : memref<10240x128xbf16, #tpu.memory_space<hbm>> -> memref<128x128xbf16, #tpu.memory_space<hbm>>
        %dma_start3A_54 = arith.constant 0 : i32
        %dma_start3A_55 = tpu.memref_slice %arg8[%add3A_52, %dma_start3A_54] : memref<10240x128xbf16, #tpu.memory_space<hbm>> -> memref<128x128xbf16, #tpu.memory_space<hbm>>
        tpu.enqueue_dma source(%arg11 : memref<128x128xbf16, #tpu.memory_space<vmem>>) target(%dma_start3A_55 : memref<128x128xbf16, #tpu.memory_space<hbm>>) target_semaphore(%run_scoped3A : memref<!tpu.dma_semaphore, #tpu.memory_space<semaphore_mem>>)
        %dma_wait3A = arith.constant 0 : i32
        %dma_wait3A_56 = tpu.memref_slice %arg8[%add3A_52, %dma_wait3A] : memref<10240x128xbf16, #tpu.memory_space<hbm>> -> memref<128x128xbf16, #tpu.memory_space<hbm>>
        %dma_wait3A_57 = arith.constant 0 : i32
        %dma_wait3A_58 = tpu.memref_slice %arg8[%add3A_52, %dma_wait3A_57] : memref<10240x128xbf16, #tpu.memory_space<hbm>> -> memref<128x128xbf16, #tpu.memory_space<hbm>>
        tpu.wait_dma2 semaphore(%run_scoped3A : memref<!tpu.dma_semaphore, #tpu.memory_space<semaphore_mem>>) src(%arg11 : memref<128x128xbf16, #tpu.memory_space<vmem>>) dst(%dma_wait3A_58 : memref<128x128xbf16, #tpu.memory_space<hbm>>)
        tpu.yield
      }) : () -> ()
    } else {
    }
    return
  }
}

module attributes {stable_mosaic.version = 14 : i64} {
  func.func @body(%arg0: i32, %arg1: memref<256x128xbf16, #tpu.memory_space<vmem>>, %arg2: memref<256x128xbf16, #tpu.memory_space<vmem>>, %arg3: memref<256x128xbf16, #tpu.memory_space<vmem>>, %arg4: memref<256x128xbf16, #tpu.memory_space<vmem>>, %arg5: memref<256x512xf32, #tpu.memory_space<vmem>>, %arg6: memref<256x512xf32, #tpu.memory_space<vmem>>, %arg7: memref<1x512xf32, #tpu.memory_space<vmem>>, %arg8: memref<1x512xf32, #tpu.memory_space<vmem>>, %arg9: memref<1x512xf32, #tpu.memory_space<vmem>>, %arg10: memref<256x256xbf16, #tpu.memory_space<vmem>>, %arg11: memref<256x256xbf16, #tpu.memory_space<vmem>>) attributes {dimension_semantics = [#tpu.dimension_semantics<parallel>], iteration_bounds = array<i64: 40>, scalar_prefetch = 0 : i64, scratch_operands = 0 : i64, tpu.core_type = #tpu.core_type<tc>, window_params = [{transform_indices = @transform_0, window_bounds = array<i64: 256, 128>}, {transform_indices = @transform_1, window_bounds = array<i64: 256, 128>}, {transform_indices = @transform_2, window_bounds = array<i64: 256, 128>}, {transform_indices = @transform_3, window_bounds = array<i64: 256, 128>}, {pipeline_mode = #tpu.pipeline_mode<synchronous>, transform_indices = @transform_4, window_bounds = array<i64: 256, 512>}, {pipeline_mode = #tpu.pipeline_mode<synchronous>, transform_indices = @transform_5, window_bounds = array<i64: 256, 512>}, {pipeline_mode = #tpu.pipeline_mode<synchronous>, transform_indices = @transform_6, window_bounds = array<i64: 1, 512>}, {pipeline_mode = #tpu.pipeline_mode<synchronous>, transform_indices = @transform_7, window_bounds = array<i64: 1, 512>}, {pipeline_mode = #tpu.pipeline_mode<synchronous>, transform_indices = @transform_8, window_bounds = array<i64: 1, 512>}, {transform_indices = @transform_9, window_bounds = array<i64: 256, 256>}, {transform_indices = @transform_10, window_bounds = array<i64: 256, 256>}]} {
    %get3A = arith.constant 0 : index
    %get3A_0 = arith.constant 0 : index
    %get3A_1 = vector.load %arg1[%get3A, %get3A_0] : memref<256x128xbf16, #tpu.memory_space<vmem>>, vector<256x128xbf16>
    %get3A_2 = arith.constant 0 : index
    %get3A_3 = arith.constant 0 : index
    %get3A_4 = vector.load %arg2[%get3A_2, %get3A_3] : memref<256x128xbf16, #tpu.memory_space<vmem>>, vector<256x128xbf16>
    %concatenate3A = tpu.concatenate %get3A_1, %get3A_4 in 1 : vector<256x128xbf16>, vector<256x128xbf16> -> vector<256x256xbf16>
    %convert_element_type3A = arith.extf %concatenate3A : vector<256x256xbf16> to vector<256x256xf32>
    %get3A_5 = arith.constant 0 : index
    %get3A_6 = arith.constant 0 : index
    %get3A_7 = vector.load %arg3[%get3A_5, %get3A_6] : memref<256x128xbf16, #tpu.memory_space<vmem>>, vector<256x128xbf16>
    %get3A_8 = arith.constant 0 : index
    %get3A_9 = arith.constant 0 : index
    %get3A_10 = vector.load %arg4[%get3A_8, %get3A_9] : memref<256x128xbf16, #tpu.memory_space<vmem>>, vector<256x128xbf16>
    %concatenate3A_11 = tpu.concatenate %get3A_7, %get3A_10 in 1 : vector<256x128xbf16>, vector<256x128xbf16> -> vector<256x256xbf16>
    %convert_element_type3A_12 = arith.extf %concatenate3A_11 : vector<256x256xbf16> to vector<256x256xf32>
    %get3A_13 = arith.constant 0 : index
    %get3A_14 = arith.constant 0 : index
    %get3A_15 = vector.load %arg5[%get3A_13, %get3A_14] : memref<256x512xf32, #tpu.memory_space<vmem>>, vector<256x512xf32>
    %dot_general3A = arith.constant dense<0.000000e+00> : vector<256x512xf32>
    %dot_general3A_16 = tpu.matmul %convert_element_type3A, %get3A_15, %dot_general3A {dimension_numbers = #tpu.dot_dimension_numbers<[1], [0], [0], [1], [0, 0, 1, 1], [], []>, transpose_lhs_hint = false} : vector<256x256xf32>, vector<256x512xf32>, vector<256x512xf32> -> vector<256x512xf32>
    %get3A_17 = arith.constant 0 : index
    %get3A_18 = arith.constant 0 : index
    %get3A_19 = vector.load %arg6[%get3A_17, %get3A_18] : memref<256x512xf32, #tpu.memory_space<vmem>>, vector<256x512xf32>
    %dot_general3A_20 = arith.constant dense<0.000000e+00> : vector<256x512xf32>
    %dot_general3A_21 = tpu.matmul %convert_element_type3A_12, %get3A_19, %dot_general3A_20 {dimension_numbers = #tpu.dot_dimension_numbers<[1], [0], [0], [1], [0, 0, 1, 1], [], []>, transpose_lhs_hint = false} : vector<256x256xf32>, vector<256x512xf32>, vector<256x512xf32> -> vector<256x512xf32>
    %add3A = arith.addf %dot_general3A_16, %dot_general3A_21 : vector<256x512xf32>
    %get3A_22 = arith.constant 0 : index
    %get3A_23 = arith.constant 0 : index
    %get3A_24 = vector.load %arg7[%get3A_22, %get3A_23] : memref<1x512xf32, #tpu.memory_space<vmem>>, vector<1x512xf32>
    %add3A_25 = vector.broadcast %get3A_24 : vector<1x512xf32> to vector<256x512xf32>
    %add3A_26 = arith.addf %add3A, %add3A_25 : vector<256x512xf32>
    %reduce_sum3A = arith.constant dense<0.000000e+00> : vector<256xf32>
    %reduce_sum3A_27 = vector.multi_reduction <add>, %add3A_26, %reduce_sum3A [1] : vector<256x512xf32> to vector<256xf32>
    %broadcast_in_dim3A = vector.shape_cast %reduce_sum3A_27 : vector<256xf32> to vector<256x1xf32>
    %div3A = arith.constant 5.120000e+02 : f32
    %div3A_28 = vector.broadcast %div3A : f32 to vector<256x1xf32>
    %div3A_29 = arith.divf %broadcast_in_dim3A, %div3A_28 : vector<256x1xf32>
    %sub3A = vector.broadcast %div3A_29 : vector<256x1xf32> to vector<256x512xf32>
    %sub3A_30 = arith.subf %add3A_26, %sub3A : vector<256x512xf32>
    %mul3A = arith.mulf %sub3A_30, %sub3A_30 : vector<256x512xf32>
    %reduce_sum3A_31 = arith.constant dense<0.000000e+00> : vector<256xf32>
    %reduce_sum3A_32 = vector.multi_reduction <add>, %mul3A, %reduce_sum3A_31 [1] : vector<256x512xf32> to vector<256xf32>
    %broadcast_in_dim3A_33 = vector.shape_cast %reduce_sum3A_32 : vector<256xf32> to vector<256x1xf32>
    %div3A_34 = arith.constant 5.120000e+02 : f32
    %div3A_35 = vector.broadcast %div3A_34 : f32 to vector<256x1xf32>
    %div3A_36 = arith.divf %broadcast_in_dim3A_33, %div3A_35 : vector<256x1xf32>
    %add3A_37 = arith.constant 9.99999974E-6 : f32
    %add3A_38 = vector.broadcast %add3A_37 : f32 to vector<256x1xf32>
    %add3A_39 = arith.addf %div3A_36, %add3A_38 : vector<256x1xf32>
    %rsqrt3A = math.rsqrt %add3A_39 : vector<256x1xf32>
    %mul3A_40 = vector.broadcast %rsqrt3A : vector<256x1xf32> to vector<256x512xf32>
    %mul3A_41 = arith.mulf %sub3A_30, %mul3A_40 : vector<256x512xf32>
    %get3A_42 = arith.constant 0 : index
    %get3A_43 = arith.constant 0 : index
    %get3A_44 = vector.load %arg8[%get3A_42, %get3A_43] : memref<1x512xf32, #tpu.memory_space<vmem>>, vector<1x512xf32>
    %mul3A_45 = vector.broadcast %get3A_44 : vector<1x512xf32> to vector<256x512xf32>
    %mul3A_46 = arith.mulf %mul3A_41, %mul3A_45 : vector<256x512xf32>
    %get3A_47 = arith.constant 0 : index
    %get3A_48 = arith.constant 0 : index
    %get3A_49 = vector.load %arg9[%get3A_47, %get3A_48] : memref<1x512xf32, #tpu.memory_space<vmem>>, vector<1x512xf32>
    %add3A_50 = vector.broadcast %get3A_49 : vector<1x512xf32> to vector<256x512xf32>
    %add3A_51 = arith.addf %mul3A_46, %add3A_50 : vector<256x512xf32>
    %max3A = arith.constant 0.000000e+00 : f32
    %max3A_52 = vector.broadcast %max3A : f32 to vector<256x512xf32>
    %max3A_53 = arith.maximumf %add3A_51, %max3A_52 : vector<256x512xf32>
    %convert_element_type3A_54 = arith.truncf %max3A_53 : vector<256x512xf32> to vector<256x512xbf16>
    %slice3A = vector.extract_strided_slice %convert_element_type3A_54 {offsets = [0, 0], sizes = [256, 256], strides = [1, 1]} : vector<256x512xbf16> to vector<256x256xbf16>
    %swap3A = arith.constant 0 : index
    %swap3A_55 = arith.constant 0 : index
    %swap3A_56 = vector.load %arg10[%swap3A, %swap3A_55] : memref<256x256xbf16, #tpu.memory_space<vmem>>, vector<256x256xbf16>
    tpu.vector_store %arg10[%swap3A, %swap3A_55], %slice3A {strides = array<i32>} : memref<256x256xbf16, #tpu.memory_space<vmem>>, vector<256x256xbf16>,
    %slice3A_57 = vector.extract_strided_slice %convert_element_type3A_54 {offsets = [0, 256], sizes = [256, 256], strides = [1, 1]} : vector<256x512xbf16> to vector<256x256xbf16>
    %swap3A_58 = arith.constant 0 : index
    %swap3A_59 = arith.constant 0 : index
    %swap3A_60 = vector.load %arg11[%swap3A_58, %swap3A_59] : memref<256x256xbf16, #tpu.memory_space<vmem>>, vector<256x256xbf16>
    tpu.vector_store %arg11[%swap3A_58, %swap3A_59], %slice3A_57 {strides = array<i32>} : memref<256x256xbf16, #tpu.memory_space<vmem>>, vector<256x256xbf16>,
    return
  }
  func.func @transform_0(%arg0: i32) -> (i32, i32) {
    %c0_i32 = arith.constant 0 : i32
    %c0_i32_0 = arith.constant 0 : i32
    return %arg0, %c0_i32 : i32, i32
  }
  func.func @transform_1(%arg0: i32) -> (i32, i32) {
    %c0_i32 = arith.constant 0 : i32
    %c0_i32_0 = arith.constant 0 : i32
    return %arg0, %c0_i32 : i32, i32
  }
  func.func @transform_2(%arg0: i32) -> (i32, i32) {
    %c0_i32 = arith.constant 0 : i32
    %c0_i32_0 = arith.constant 0 : i32
    return %arg0, %c0_i32 : i32, i32
  }
  func.func @transform_3(%arg0: i32) -> (i32, i32) {
    %c0_i32 = arith.constant 0 : i32
    %c0_i32_0 = arith.constant 0 : i32
    return %arg0, %c0_i32 : i32, i32
  }
  func.func @transform_4(%arg0: i32) -> (i32, i32) {
    %c0_i32 = arith.constant 0 : i32
    %c0_i32_0 = arith.constant 0 : i32
    %c0_i32_1 = arith.constant 0 : i32
    return %c0_i32, %c0_i32_0 : i32, i32
  }
  func.func @transform_5(%arg0: i32) -> (i32, i32) {
    %c0_i32 = arith.constant 0 : i32
    %c0_i32_0 = arith.constant 0 : i32
    %c0_i32_1 = arith.constant 0 : i32
    return %c0_i32, %c0_i32_0 : i32, i32
  }
  func.func @transform_6(%arg0: i32) -> (i32, i32) {
    %c0_i32 = arith.constant 0 : i32
    %c0_i32_0 = arith.constant 0 : i32
    %c0_i32_1 = arith.constant 0 : i32
    return %c0_i32, %c0_i32_0 : i32, i32
  }
  func.func @transform_7(%arg0: i32) -> (i32, i32) {
    %c0_i32 = arith.constant 0 : i32
    %c0_i32_0 = arith.constant 0 : i32
    %c0_i32_1 = arith.constant 0 : i32
    return %c0_i32, %c0_i32_0 : i32, i32
  }
  func.func @transform_8(%arg0: i32) -> (i32, i32) {
    %c0_i32 = arith.constant 0 : i32
    %c0_i32_0 = arith.constant 0 : i32
    %c0_i32_1 = arith.constant 0 : i32
    return %c0_i32, %c0_i32_0 : i32, i32
  }
  func.func @transform_9(%arg0: i32) -> (i32, i32) {
    %c0_i32 = arith.constant 0 : i32
    %c0_i32_0 = arith.constant 0 : i32
    return %arg0, %c0_i32 : i32, i32
  }
  func.func @transform_10(%arg0: i32) -> (i32, i32) {
    %c0_i32 = arith.constant 0 : i32
    %c0_i32_0 = arith.constant 0 : i32
    return %arg0, %c0_i32 : i32, i32
  }
}

module attributes {stable_mosaic.version = 14 : i64} {
  func.func @body(%arg0: i32, %arg1: memref<256x256xbf16, #tpu.memory_space<vmem>>, %arg2: memref<256x256xbf16, #tpu.memory_space<vmem>>, %arg3: memref<256x256xbf16, #tpu.memory_space<vmem>>, %arg4: memref<256x256xbf16, #tpu.memory_space<vmem>>, %arg5: memref<512x512xf32, #tpu.memory_space<vmem>>, %arg6: memref<512x512xf32, #tpu.memory_space<vmem>>, %arg7: memref<1x512xf32, #tpu.memory_space<vmem>>, %arg8: memref<1x512xf32, #tpu.memory_space<vmem>>, %arg9: memref<1x512xf32, #tpu.memory_space<vmem>>, %arg10: memref<256x256xbf16, #tpu.memory_space<vmem>>, %arg11: memref<256x256xbf16, #tpu.memory_space<vmem>>) attributes {dimension_semantics = [#tpu.dimension_semantics<parallel>], iteration_bounds = array<i64: 40>, scalar_prefetch = 0 : i64, scratch_operands = 0 : i64, tpu.core_type = #tpu.core_type<tc>, window_params = [{transform_indices = @transform_0, window_bounds = array<i64: 256, 256>}, {transform_indices = @transform_1, window_bounds = array<i64: 256, 256>}, {transform_indices = @transform_2, window_bounds = array<i64: 256, 256>}, {transform_indices = @transform_3, window_bounds = array<i64: 256, 256>}, {pipeline_mode = #tpu.pipeline_mode<synchronous>, transform_indices = @transform_4, window_bounds = array<i64: 512, 512>}, {pipeline_mode = #tpu.pipeline_mode<synchronous>, transform_indices = @transform_5, window_bounds = array<i64: 512, 512>}, {pipeline_mode = #tpu.pipeline_mode<synchronous>, transform_indices = @transform_6, window_bounds = array<i64: 1, 512>}, {pipeline_mode = #tpu.pipeline_mode<synchronous>, transform_indices = @transform_7, window_bounds = array<i64: 1, 512>}, {pipeline_mode = #tpu.pipeline_mode<synchronous>, transform_indices = @transform_8, window_bounds = array<i64: 1, 512>}, {transform_indices = @transform_9, window_bounds = array<i64: 256, 256>}, {transform_indices = @transform_10, window_bounds = array<i64: 256, 256>}]} {
    %get3A = arith.constant 0 : index
    %get3A_0 = arith.constant 0 : index
    %get3A_1 = vector.load %arg1[%get3A, %get3A_0] : memref<256x256xbf16, #tpu.memory_space<vmem>>, vector<256x256xbf16>
    %get3A_2 = arith.constant 0 : index
    %get3A_3 = arith.constant 0 : index
    %get3A_4 = vector.load %arg2[%get3A_2, %get3A_3] : memref<256x256xbf16, #tpu.memory_space<vmem>>, vector<256x256xbf16>
    %concatenate3A = tpu.concatenate %get3A_1, %get3A_4 in 1 : vector<256x256xbf16>, vector<256x256xbf16> -> vector<256x512xbf16>
    %convert_element_type3A = arith.extf %concatenate3A : vector<256x512xbf16> to vector<256x512xf32>
    %get3A_5 = arith.constant 0 : index
    %get3A_6 = arith.constant 0 : index
    %get3A_7 = vector.load %arg3[%get3A_5, %get3A_6] : memref<256x256xbf16, #tpu.memory_space<vmem>>, vector<256x256xbf16>
    %get3A_8 = arith.constant 0 : index
    %get3A_9 = arith.constant 0 : index
    %get3A_10 = vector.load %arg4[%get3A_8, %get3A_9] : memref<256x256xbf16, #tpu.memory_space<vmem>>, vector<256x256xbf16>
    %concatenate3A_11 = tpu.concatenate %get3A_7, %get3A_10 in 1 : vector<256x256xbf16>, vector<256x256xbf16> -> vector<256x512xbf16>
    %convert_element_type3A_12 = arith.extf %concatenate3A_11 : vector<256x512xbf16> to vector<256x512xf32>
    %get3A_13 = arith.constant 0 : index
    %get3A_14 = arith.constant 0 : index
    %get3A_15 = vector.load %arg5[%get3A_13, %get3A_14] : memref<512x512xf32, #tpu.memory_space<vmem>>, vector<512x512xf32>
    %dot_general3A = arith.constant dense<0.000000e+00> : vector<256x512xf32>
    %dot_general3A_16 = tpu.matmul %convert_element_type3A, %get3A_15, %dot_general3A {dimension_numbers = #tpu.dot_dimension_numbers<[1], [0], [0], [1], [0, 0, 1, 1], [], []>, transpose_lhs_hint = false} : vector<256x512xf32>, vector<512x512xf32>, vector<256x512xf32> -> vector<256x512xf32>
    %get3A_17 = arith.constant 0 : index
    %get3A_18 = arith.constant 0 : index
    %get3A_19 = vector.load %arg6[%get3A_17, %get3A_18] : memref<512x512xf32, #tpu.memory_space<vmem>>, vector<512x512xf32>
    %dot_general3A_20 = arith.constant dense<0.000000e+00> : vector<256x512xf32>
    %dot_general3A_21 = tpu.matmul %convert_element_type3A_12, %get3A_19, %dot_general3A_20 {dimension_numbers = #tpu.dot_dimension_numbers<[1], [0], [0], [1], [0, 0, 1, 1], [], []>, transpose_lhs_hint = false} : vector<256x512xf32>, vector<512x512xf32>, vector<256x512xf32> -> vector<256x512xf32>
    %add3A = arith.addf %dot_general3A_16, %dot_general3A_21 : vector<256x512xf32>
    %get3A_22 = arith.constant 0 : index
    %get3A_23 = arith.constant 0 : index
    %get3A_24 = vector.load %arg7[%get3A_22, %get3A_23] : memref<1x512xf32, #tpu.memory_space<vmem>>, vector<1x512xf32>
    %add3A_25 = vector.broadcast %get3A_24 : vector<1x512xf32> to vector<256x512xf32>
    %add3A_26 = arith.addf %add3A, %add3A_25 : vector<256x512xf32>
    %reduce_sum3A = arith.constant dense<0.000000e+00> : vector<256xf32>
    %reduce_sum3A_27 = vector.multi_reduction <add>, %add3A_26, %reduce_sum3A [1] : vector<256x512xf32> to vector<256xf32>
    %broadcast_in_dim3A = vector.shape_cast %reduce_sum3A_27 : vector<256xf32> to vector<256x1xf32>
    %div3A = arith.constant 5.120000e+02 : f32
    %div3A_28 = vector.broadcast %div3A : f32 to vector<256x1xf32>
    %div3A_29 = arith.divf %broadcast_in_dim3A, %div3A_28 : vector<256x1xf32>
    %sub3A = vector.broadcast %div3A_29 : vector<256x1xf32> to vector<256x512xf32>
    %sub3A_30 = arith.subf %add3A_26, %sub3A : vector<256x512xf32>
    %mul3A = arith.mulf %sub3A_30, %sub3A_30 : vector<256x512xf32>
    %reduce_sum3A_31 = arith.constant dense<0.000000e+00> : vector<256xf32>
    %reduce_sum3A_32 = vector.multi_reduction <add>, %mul3A, %reduce_sum3A_31 [1] : vector<256x512xf32> to vector<256xf32>
    %broadcast_in_dim3A_33 = vector.shape_cast %reduce_sum3A_32 : vector<256xf32> to vector<256x1xf32>
    %div3A_34 = arith.constant 5.120000e+02 : f32
    %div3A_35 = vector.broadcast %div3A_34 : f32 to vector<256x1xf32>
    %div3A_36 = arith.divf %broadcast_in_dim3A_33, %div3A_35 : vector<256x1xf32>
    %add3A_37 = arith.constant 9.99999974E-6 : f32
    %add3A_38 = vector.broadcast %add3A_37 : f32 to vector<256x1xf32>
    %add3A_39 = arith.addf %div3A_36, %add3A_38 : vector<256x1xf32>
    %rsqrt3A = math.rsqrt %add3A_39 : vector<256x1xf32>
    %mul3A_40 = vector.broadcast %rsqrt3A : vector<256x1xf32> to vector<256x512xf32>
    %mul3A_41 = arith.mulf %sub3A_30, %mul3A_40 : vector<256x512xf32>
    %get3A_42 = arith.constant 0 : index
    %get3A_43 = arith.constant 0 : index
    %get3A_44 = vector.load %arg8[%get3A_42, %get3A_43] : memref<1x512xf32, #tpu.memory_space<vmem>>, vector<1x512xf32>
    %mul3A_45 = vector.broadcast %get3A_44 : vector<1x512xf32> to vector<256x512xf32>
    %mul3A_46 = arith.mulf %mul3A_41, %mul3A_45 : vector<256x512xf32>
    %get3A_47 = arith.constant 0 : index
    %get3A_48 = arith.constant 0 : index
    %get3A_49 = vector.load %arg9[%get3A_47, %get3A_48] : memref<1x512xf32, #tpu.memory_space<vmem>>, vector<1x512xf32>
    %add3A_50 = vector.broadcast %get3A_49 : vector<1x512xf32> to vector<256x512xf32>
    %add3A_51 = arith.addf %mul3A_46, %add3A_50 : vector<256x512xf32>
    %max3A = arith.constant 0.000000e+00 : f32
    %max3A_52 = vector.broadcast %max3A : f32 to vector<256x512xf32>
    %max3A_53 = arith.maximumf %add3A_51, %max3A_52 : vector<256x512xf32>
    %convert_element_type3A_54 = arith.truncf %max3A_53 : vector<256x512xf32> to vector<256x512xbf16>
    %slice3A = vector.extract_strided_slice %convert_element_type3A_54 {offsets = [0, 0], sizes = [256, 256], strides = [1, 1]} : vector<256x512xbf16> to vector<256x256xbf16>
    %swap3A = arith.constant 0 : index
    %swap3A_55 = arith.constant 0 : index
    %swap3A_56 = vector.load %arg10[%swap3A, %swap3A_55] : memref<256x256xbf16, #tpu.memory_space<vmem>>, vector<256x256xbf16>
    tpu.vector_store %arg10[%swap3A, %swap3A_55], %slice3A {strides = array<i32>} : memref<256x256xbf16, #tpu.memory_space<vmem>>, vector<256x256xbf16>,
    %slice3A_57 = vector.extract_strided_slice %convert_element_type3A_54 {offsets = [0, 256], sizes = [256, 256], strides = [1, 1]} : vector<256x512xbf16> to vector<256x256xbf16>
    %swap3A_58 = arith.constant 0 : index
    %swap3A_59 = arith.constant 0 : index
    %swap3A_60 = vector.load %arg11[%swap3A_58, %swap3A_59] : memref<256x256xbf16, #tpu.memory_space<vmem>>, vector<256x256xbf16>
    tpu.vector_store %arg11[%swap3A_58, %swap3A_59], %slice3A_57 {strides = array<i32>} : memref<256x256xbf16, #tpu.memory_space<vmem>>, vector<256x256xbf16>,
    return
  }
  func.func @transform_0(%arg0: i32) -> (i32, i32) {
    %c0_i32 = arith.constant 0 : i32
    %c0_i32_0 = arith.constant 0 : i32
    return %arg0, %c0_i32 : i32, i32
  }
  func.func @transform_1(%arg0: i32) -> (i32, i32) {
    %c0_i32 = arith.constant 0 : i32
    %c0_i32_0 = arith.constant 0 : i32
    return %arg0, %c0_i32 : i32, i32
  }
  func.func @transform_2(%arg0: i32) -> (i32, i32) {
    %c0_i32 = arith.constant 0 : i32
    %c0_i32_0 = arith.constant 0 : i32
    return %arg0, %c0_i32 : i32, i32
  }
  func.func @transform_3(%arg0: i32) -> (i32, i32) {
    %c0_i32 = arith.constant 0 : i32
    %c0_i32_0 = arith.constant 0 : i32
    return %arg0, %c0_i32 : i32, i32
  }
  func.func @transform_4(%arg0: i32) -> (i32, i32) {
    %c0_i32 = arith.constant 0 : i32
    %c0_i32_0 = arith.constant 0 : i32
    %c0_i32_1 = arith.constant 0 : i32
    return %c0_i32, %c0_i32_0 : i32, i32
  }
  func.func @transform_5(%arg0: i32) -> (i32, i32) {
    %c0_i32 = arith.constant 0 : i32
    %c0_i32_0 = arith.constant 0 : i32
    %c0_i32_1 = arith.constant 0 : i32
    return %c0_i32, %c0_i32_0 : i32, i32
  }
  func.func @transform_6(%arg0: i32) -> (i32, i32) {
    %c0_i32 = arith.constant 0 : i32
    %c0_i32_0 = arith.constant 0 : i32
    %c0_i32_1 = arith.constant 0 : i32
    return %c0_i32, %c0_i32_0 : i32, i32
  }
  func.func @transform_7(%arg0: i32) -> (i32, i32) {
    %c0_i32 = arith.constant 0 : i32
    %c0_i32_0 = arith.constant 0 : i32
    %c0_i32_1 = arith.constant 0 : i32
    return %c0_i32, %c0_i32_0 : i32, i32
  }
  func.func @transform_8(%arg0: i32) -> (i32, i32) {
    %c0_i32 = arith.constant 0 : i32
    %c0_i32_0 = arith.constant 0 : i32
    %c0_i32_1 = arith.constant 0 : i32
    return %c0_i32, %c0_i32_0 : i32, i32
  }
  func.func @transform_9(%arg0: i32) -> (i32, i32) {
    %c0_i32 = arith.constant 0 : i32
    %c0_i32_0 = arith.constant 0 : i32
    return %arg0, %c0_i32 : i32, i32
  }
  func.func @transform_10(%arg0: i32) -> (i32, i32) {
    %c0_i32 = arith.constant 0 : i32
    %c0_i32_0 = arith.constant 0 : i32
    return %arg0, %c0_i32 : i32, i32
  }
}

module attributes {stable_mosaic.version = 14 : i64} {
  func.func @body(%arg0: i32, %arg1: memref<256x256xbf16, #tpu.memory_space<vmem>>, %arg2: memref<256x256xbf16, #tpu.memory_space<vmem>>, %arg3: memref<256x256xbf16, #tpu.memory_space<vmem>>, %arg4: memref<256x256xbf16, #tpu.memory_space<vmem>>, %arg5: memref<512x512xf32, #tpu.memory_space<vmem>>, %arg6: memref<512x512xf32, #tpu.memory_space<vmem>>, %arg7: memref<1x512xf32, #tpu.memory_space<vmem>>, %arg8: memref<1x512xf32, #tpu.memory_space<vmem>>, %arg9: memref<1x512xf32, #tpu.memory_space<vmem>>, %arg10: memref<1x1x256xi32, #tpu.memory_space<vmem>>, %arg11: memref<512x128xf32, #tpu.memory_space<vmem>>, %arg12: memref<64x128xf32, #tpu.memory_space<vmem>>, %arg13: memref<64x512xf32, #tpu.memory_space<vmem>>, %arg14: memref<64x128xf32, #tpu.memory_space<vmem>>) attributes {dimension_semantics = [#tpu.dimension_semantics<arbitrary>], iteration_bounds = array<i64: 40>, scalar_prefetch = 0 : i64, scratch_operands = 2 : i64, tpu.core_type = #tpu.core_type<tc>, window_params = [{transform_indices = @transform_0, window_bounds = array<i64: 256, 256>}, {transform_indices = @transform_1, window_bounds = array<i64: 256, 256>}, {transform_indices = @transform_2, window_bounds = array<i64: 256, 256>}, {transform_indices = @transform_3, window_bounds = array<i64: 256, 256>}, {pipeline_mode = #tpu.pipeline_mode<synchronous>, transform_indices = @transform_4, window_bounds = array<i64: 512, 512>}, {pipeline_mode = #tpu.pipeline_mode<synchronous>, transform_indices = @transform_5, window_bounds = array<i64: 512, 512>}, {pipeline_mode = #tpu.pipeline_mode<synchronous>, transform_indices = @transform_6, window_bounds = array<i64: 1, 512>}, {pipeline_mode = #tpu.pipeline_mode<synchronous>, transform_indices = @transform_7, window_bounds = array<i64: 1, 512>}, {pipeline_mode = #tpu.pipeline_mode<synchronous>, transform_indices = @transform_8, window_bounds = array<i64: 1, 512>}, {transform_indices = @transform_9, window_bounds = array<i64: 1, 1, 256>}, {pipeline_mode = #tpu.pipeline_mode<synchronous>, transform_indices = @transform_10, window_bounds = array<i64: 512, 128>}, {pipeline_mode = #tpu.pipeline_mode<synchronous>, transform_indices = @transform_11, window_bounds = array<i64: 64, 128>}]} {
    %get3A = arith.constant 0 : index
    %get3A_0 = arith.constant 0 : index
    %get3A_1 = vector.load %arg1[%get3A, %get3A_0] : memref<256x256xbf16, #tpu.memory_space<vmem>>, vector<256x256xbf16>
    %get3A_2 = arith.constant 0 : index
    %get3A_3 = arith.constant 0 : index
    %get3A_4 = vector.load %arg2[%get3A_2, %get3A_3] : memref<256x256xbf16, #tpu.memory_space<vmem>>, vector<256x256xbf16>
    %concatenate3A = tpu.concatenate %get3A_1, %get3A_4 in 1 : vector<256x256xbf16>, vector<256x256xbf16> -> vector<256x512xbf16>
    %convert_element_type3A = arith.extf %concatenate3A : vector<256x512xbf16> to vector<256x512xf32>
    %get3A_5 = arith.constant 0 : index
    %get3A_6 = arith.constant 0 : index
    %get3A_7 = vector.load %arg3[%get3A_5, %get3A_6] : memref<256x256xbf16, #tpu.memory_space<vmem>>, vector<256x256xbf16>
    %get3A_8 = arith.constant 0 : index
    %get3A_9 = arith.constant 0 : index
    %get3A_10 = vector.load %arg4[%get3A_8, %get3A_9] : memref<256x256xbf16, #tpu.memory_space<vmem>>, vector<256x256xbf16>
    %concatenate3A_11 = tpu.concatenate %get3A_7, %get3A_10 in 1 : vector<256x256xbf16>, vector<256x256xbf16> -> vector<256x512xbf16>
    %convert_element_type3A_12 = arith.extf %concatenate3A_11 : vector<256x512xbf16> to vector<256x512xf32>
    %get3A_13 = arith.constant 0 : index
    %get3A_14 = arith.constant 0 : index
    %get3A_15 = vector.load %arg5[%get3A_13, %get3A_14] : memref<512x512xf32, #tpu.memory_space<vmem>>, vector<512x512xf32>
    %dot_general3A = arith.constant dense<0.000000e+00> : vector<256x512xf32>
    %dot_general3A_16 = tpu.matmul %convert_element_type3A, %get3A_15, %dot_general3A {dimension_numbers = #tpu.dot_dimension_numbers<[1], [0], [0], [1], [0, 0, 1, 1], [], []>, transpose_lhs_hint = false} : vector<256x512xf32>, vector<512x512xf32>, vector<256x512xf32> -> vector<256x512xf32>
    %get3A_17 = arith.constant 0 : index
    %get3A_18 = arith.constant 0 : index
    %get3A_19 = vector.load %arg6[%get3A_17, %get3A_18] : memref<512x512xf32, #tpu.memory_space<vmem>>, vector<512x512xf32>
    %dot_general3A_20 = arith.constant dense<0.000000e+00> : vector<256x512xf32>
    %dot_general3A_21 = tpu.matmul %convert_element_type3A_12, %get3A_19, %dot_general3A_20 {dimension_numbers = #tpu.dot_dimension_numbers<[1], [0], [0], [1], [0, 0, 1, 1], [], []>, transpose_lhs_hint = false} : vector<256x512xf32>, vector<512x512xf32>, vector<256x512xf32> -> vector<256x512xf32>
    %add3A = arith.addf %dot_general3A_16, %dot_general3A_21 : vector<256x512xf32>
    %get3A_22 = arith.constant 0 : index
    %get3A_23 = arith.constant 0 : index
    %get3A_24 = vector.load %arg7[%get3A_22, %get3A_23] : memref<1x512xf32, #tpu.memory_space<vmem>>, vector<1x512xf32>
    %add3A_25 = vector.broadcast %get3A_24 : vector<1x512xf32> to vector<256x512xf32>
    %add3A_26 = arith.addf %add3A, %add3A_25 : vector<256x512xf32>
    %reduce_sum3A = arith.constant dense<0.000000e+00> : vector<256xf32>
    %reduce_sum3A_27 = vector.multi_reduction <add>, %add3A_26, %reduce_sum3A [1] : vector<256x512xf32> to vector<256xf32>
    %broadcast_in_dim3A = vector.shape_cast %reduce_sum3A_27 : vector<256xf32> to vector<256x1xf32>
    %div3A = arith.constant 5.120000e+02 : f32
    %div3A_28 = vector.broadcast %div3A : f32 to vector<256x1xf32>
    %div3A_29 = arith.divf %broadcast_in_dim3A, %div3A_28 : vector<256x1xf32>
    %sub3A = vector.broadcast %div3A_29 : vector<256x1xf32> to vector<256x512xf32>
    %sub3A_30 = arith.subf %add3A_26, %sub3A : vector<256x512xf32>
    %mul3A = arith.mulf %sub3A_30, %sub3A_30 : vector<256x512xf32>
    %reduce_sum3A_31 = arith.constant dense<0.000000e+00> : vector<256xf32>
    %reduce_sum3A_32 = vector.multi_reduction <add>, %mul3A, %reduce_sum3A_31 [1] : vector<256x512xf32> to vector<256xf32>
    %broadcast_in_dim3A_33 = vector.shape_cast %reduce_sum3A_32 : vector<256xf32> to vector<256x1xf32>
    %div3A_34 = arith.constant 5.120000e+02 : f32
    %div3A_35 = vector.broadcast %div3A_34 : f32 to vector<256x1xf32>
    %div3A_36 = arith.divf %broadcast_in_dim3A_33, %div3A_35 : vector<256x1xf32>
    %add3A_37 = arith.constant 9.99999974E-6 : f32
    %add3A_38 = vector.broadcast %add3A_37 : f32 to vector<256x1xf32>
    %add3A_39 = arith.addf %div3A_36, %add3A_38 : vector<256x1xf32>
    %rsqrt3A = math.rsqrt %add3A_39 : vector<256x1xf32>
    %mul3A_40 = vector.broadcast %rsqrt3A : vector<256x1xf32> to vector<256x512xf32>
    %mul3A_41 = arith.mulf %sub3A_30, %mul3A_40 : vector<256x512xf32>
    %get3A_42 = arith.constant 0 : index
    %get3A_43 = arith.constant 0 : index
    %get3A_44 = vector.load %arg8[%get3A_42, %get3A_43] : memref<1x512xf32, #tpu.memory_space<vmem>>, vector<1x512xf32>
    %mul3A_45 = vector.broadcast %get3A_44 : vector<1x512xf32> to vector<256x512xf32>
    %mul3A_46 = arith.mulf %mul3A_41, %mul3A_45 : vector<256x512xf32>
    %get3A_47 = arith.constant 0 : index
    %get3A_48 = arith.constant 0 : index
    %get3A_49 = vector.load %arg9[%get3A_47, %get3A_48] : memref<1x512xf32, #tpu.memory_space<vmem>>, vector<1x512xf32>
    %add3A_50 = vector.broadcast %get3A_49 : vector<1x512xf32> to vector<256x512xf32>
    %add3A_51 = arith.addf %mul3A_46, %add3A_50 : vector<256x512xf32>
    %max3A = arith.constant 0.000000e+00 : f32
    %max3A_52 = vector.broadcast %max3A : f32 to vector<256x512xf32>
    %max3A_53 = arith.maximumf %add3A_51, %max3A_52 : vector<256x512xf32>
    %get3A_54 = arith.constant 0 : index
    %get3A_55 = arith.constant 0 : index
    %get3A_56 = arith.constant 0 : index
    %get3A_57 = vector.load %arg10[%get3A_54, %get3A_55, %get3A_56] : memref<1x1x256xi32, #tpu.memory_space<vmem>>, vector<1x1x256xi32>
    %reshape3A = vector.shape_cast %get3A_57 : vector<1x1x256xi32> to vector<1x256xi32>
    %iota3A = tpu.iota {dimensions = array<i32: 0>} : vector<64x256xi32>
    %eq3A = vector.broadcast %reshape3A : vector<1x256xi32> to vector<64x256xi32>
    %eq3A_58 = arith.cmpi eq, %iota3A, %eq3A : vector<64x256xi32>
    %convert_element_type3A_59 = arith.extui %eq3A_58 : vector<64x256xi1> to vector<64x256xi32>
    %convert_element_type3A_60 = arith.sitofp %convert_element_type3A_59 : vector<64x256xi32> to vector<64x256xf32>
    %dot_general3A_61 = arith.constant dense<0.000000e+00> : vector<64x512xf32>
    %dot_general3A_62 = tpu.matmul %convert_element_type3A_60, %max3A_53, %dot_general3A_61 {dimension_numbers = #tpu.dot_dimension_numbers<[1], [0], [0], [1], [0, 0, 1, 1], [], []>, transpose_lhs_hint = false} : vector<64x256xf32>, vector<256x512xf32>, vector<64x512xf32> -> vector<64x512xf32>
    %reduce_sum3A_63 = arith.constant dense<0.000000e+00> : vector<64xf32>
    %reduce_sum3A_64 = vector.multi_reduction <add>, %convert_element_type3A_60, %reduce_sum3A_63 [1] : vector<64x256xf32> to vector<64xf32>
    %broadcast_in_dim3A_65 = vector.shape_cast %reduce_sum3A_64 : vector<64xf32> to vector<64x1xf32>
    %eq3A_66 = arith.constant 0 : i32
    %eq3A_67 = arith.cmpi eq, %arg0, %eq3A_66 : i32
    %convert_element_type3A_68 = arith.extui %eq3A_67 : i1 to i32
    %cond3A = arith.constant 0 : i32
    %cond3A_69 = arith.cmpi ne, %convert_element_type3A_68, %cond3A : i32
    scf.if %cond3A_69 {
      %broadcast_in_dim3A_90 = arith.constant 0.000000e+00 : f32
      %broadcast_in_dim3A_91 = vector.broadcast %broadcast_in_dim3A_90 : f32 to vector<64x512xf32>
      %swap3A_92 = arith.constant 0 : index
      %swap3A_93 = arith.constant 0 : index
      %swap3A_94 = vector.load %arg13[%swap3A_92, %swap3A_93] : memref<64x512xf32, #tpu.memory_space<vmem>>, vector<64x512xf32>
      tpu.vector_store %arg13[%swap3A_92, %swap3A_93], %broadcast_in_dim3A_91 {strides = array<i32>} : memref<64x512xf32, #tpu.memory_space<vmem>>, vector<64x512xf32>,
      %broadcast_in_dim3A_95 = arith.constant 0.000000e+00 : f32
      %broadcast_in_dim3A_96 = vector.broadcast %broadcast_in_dim3A_95 : f32 to vector<64x128xf32>
      %swap3A_97 = arith.constant 0 : index
      %swap3A_98 = arith.constant 0 : index
      %swap3A_99 = vector.load %arg14[%swap3A_97, %swap3A_98] : memref<64x128xf32, #tpu.memory_space<vmem>>, vector<64x128xf32>
      tpu.vector_store %arg14[%swap3A_97, %swap3A_98], %broadcast_in_dim3A_96 {strides = array<i32>} : memref<64x128xf32, #tpu.memory_space<vmem>>, vector<64x128xf32>,
    } else {
    }
    %get3A_70 = arith.constant 0 : index
    %get3A_71 = arith.constant 0 : index
    %get3A_72 = vector.load %arg13[%get3A_70, %get3A_71] : memref<64x512xf32, #tpu.memory_space<vmem>>, vector<64x512xf32>
    %add3A_73 = arith.addf %get3A_72, %dot_general3A_62 : vector<64x512xf32>
    %swap3A = arith.constant 0 : index
    %swap3A_74 = arith.constant 0 : index
    %swap3A_75 = vector.load %arg13[%swap3A, %swap3A_74] : memref<64x512xf32, #tpu.memory_space<vmem>>, vector<64x512xf32>
    tpu.vector_store %arg13[%swap3A, %swap3A_74], %add3A_73 {strides = array<i32>} : memref<64x512xf32, #tpu.memory_space<vmem>>, vector<64x512xf32>,
    %get3A_76 = arith.constant 0 : index
    %get3A_77 = arith.constant 0 : index
    %get3A_78 = vector.load %arg14[%get3A_76, %get3A_77] : memref<64x128xf32, #tpu.memory_space<vmem>>, vector<64x128xf32>
    %broadcast_in_dim3A_79 = vector.shape_cast %broadcast_in_dim3A_65 : vector<64x1xf32> to vector<64x1xf32>
    %broadcast_in_dim3A_80 = vector.broadcast %broadcast_in_dim3A_79 : vector<64x1xf32> to vector<64x128xf32>
    %add3A_81 = arith.addf %get3A_78, %broadcast_in_dim3A_80 : vector<64x128xf32>
    %swap3A_82 = arith.constant 0 : index
    %swap3A_83 = arith.constant 0 : index
    %swap3A_84 = vector.load %arg14[%swap3A_82, %swap3A_83] : memref<64x128xf32, #tpu.memory_space<vmem>>, vector<64x128xf32>
    tpu.vector_store %arg14[%swap3A_82, %swap3A_83], %add3A_81 {strides = array<i32>} : memref<64x128xf32, #tpu.memory_space<vmem>>, vector<64x128xf32>,
    %eq3A_85 = arith.constant 39 : i32
    %eq3A_86 = arith.cmpi eq, %arg0, %eq3A_85 : i32
    %convert_element_type3A_87 = arith.extui %eq3A_86 : i1 to i32
    %cond3A_88 = arith.constant 0 : i32
    %cond3A_89 = arith.cmpi ne, %convert_element_type3A_87, %cond3A_88 : i32
    scf.if %cond3A_89 {
      %get3A_90 = arith.constant 0 : index
      %get3A_91 = arith.constant 0 : index
      %get3A_92 = vector.load %arg13[%get3A_90, %get3A_91] : memref<64x512xf32, #tpu.memory_space<vmem>>, vector<64x512xf32>
      %get3A_93 = arith.constant 0 : index
      %get3A_94 = arith.constant 0 : index
      %get3A_95 = vector.load %arg14[%get3A_93, %get3A_94] : memref<64x128xf32, #tpu.memory_space<vmem>>, vector<64x128xf32>
      %slice3A = vector.extract_strided_slice %get3A_95 {offsets = [0, 0], sizes = [64, 1], strides = [1, 1]} : vector<64x128xf32> to vector<64x1xf32>
      %max3A_96 = arith.constant 1.000000e+00 : f32
      %max3A_97 = vector.broadcast %max3A_96 : f32 to vector<64x1xf32>
      %max3A_98 = arith.maximumf %slice3A, %max3A_97 : vector<64x1xf32>
      %div3A_99 = vector.broadcast %max3A_98 : vector<64x1xf32> to vector<64x512xf32>
      %div3A_100 = arith.divf %get3A_92, %div3A_99 : vector<64x512xf32>
      %get3A_101 = arith.constant 0 : index
      %get3A_102 = arith.constant 0 : index
      %get3A_103 = vector.load %arg11[%get3A_101, %get3A_102] : memref<512x128xf32, #tpu.memory_space<vmem>>, vector<512x128xf32>
      %dot_general3A_104 = arith.constant dense<0.000000e+00> : vector<64x128xf32>
      %dot_general3A_105 = tpu.matmul %div3A_100, %get3A_103, %dot_general3A_104 {dimension_numbers = #tpu.dot_dimension_numbers<[1], [0], [0], [1], [0, 0, 1, 1], [], []>, transpose_lhs_hint = false} : vector<64x512xf32>, vector<512x128xf32>, vector<64x128xf32> -> vector<64x128xf32>
      %swap3A_106 = arith.constant 0 : index
      %swap3A_107 = arith.constant 0 : index
      %swap3A_108 = vector.load %arg12[%swap3A_106, %swap3A_107] : memref<64x128xf32, #tpu.memory_space<vmem>>, vector<64x128xf32>
      tpu.vector_store %arg12[%swap3A_106, %swap3A_107], %dot_general3A_105 {strides = array<i32>} : memref<64x128xf32, #tpu.memory_space<vmem>>, vector<64x128xf32>,
    } else {
    }
    return
  }
  func.func @transform_0(%arg0: i32) -> (i32, i32) {
    %c0_i32 = arith.constant 0 : i32
    %c0_i32_0 = arith.constant 0 : i32
    return %arg0, %c0_i32 : i32, i32
  }
  func.func @transform_1(%arg0: i32) -> (i32, i32) {
    %c0_i32 = arith.constant 0 : i32
    %c0_i32_0 = arith.constant 0 : i32
    return %arg0, %c0_i32 : i32, i32
  }
  func.func @transform_2(%arg0: i32) -> (i32, i32) {
    %c0_i32 = arith.constant 0 : i32
    %c0_i32_0 = arith.constant 0 : i32
    return %arg0, %c0_i32 : i32, i32
  }
  func.func @transform_3(%arg0: i32) -> (i32, i32) {
    %c0_i32 = arith.constant 0 : i32
    %c0_i32_0 = arith.constant 0 : i32
    return %arg0, %c0_i32 : i32, i32
  }
  func.func @transform_4(%arg0: i32) -> (i32, i32) {
    %c0_i32 = arith.constant 0 : i32
    %c0_i32_0 = arith.constant 0 : i32
    %c0_i32_1 = arith.constant 0 : i32
    return %c0_i32, %c0_i32_0 : i32, i32
  }
  func.func @transform_5(%arg0: i32) -> (i32, i32) {
    %c0_i32 = arith.constant 0 : i32
    %c0_i32_0 = arith.constant 0 : i32
    %c0_i32_1 = arith.constant 0 : i32
    return %c0_i32, %c0_i32_0 : i32, i32
  }
  func.func @transform_6(%arg0: i32) -> (i32, i32) {
    %c0_i32 = arith.constant 0 : i32
    %c0_i32_0 = arith.constant 0 : i32
    %c0_i32_1 = arith.constant 0 : i32
    return %c0_i32, %c0_i32_0 : i32, i32
  }
  func.func @transform_7(%arg0: i32) -> (i32, i32) {
    %c0_i32 = arith.constant 0 : i32
    %c0_i32_0 = arith.constant 0 : i32
    %c0_i32_1 = arith.constant 0 : i32
    return %c0_i32, %c0_i32_0 : i32, i32
  }
  func.func @transform_8(%arg0: i32) -> (i32, i32) {
    %c0_i32 = arith.constant 0 : i32
    %c0_i32_0 = arith.constant 0 : i32
    %c0_i32_1 = arith.constant 0 : i32
    return %c0_i32, %c0_i32_0 : i32, i32
  }
  func.func @transform_9(%arg0: i32) -> (i32, i32, i32) {
    %c0_i32 = arith.constant 0 : i32
    %c0_i32_0 = arith.constant 0 : i32
    %c0_i32_1 = arith.constant 0 : i32
    return %arg0, %c0_i32, %c0_i32_0 : i32, i32, i32
  }
  func.func @transform_10(%arg0: i32) -> (i32, i32) {
    %c0_i32 = arith.constant 0 : i32
    %c0_i32_0 = arith.constant 0 : i32
    %c0_i32_1 = arith.constant 0 : i32
    return %c0_i32, %c0_i32_0 : i32, i32
  }
  func.func @transform_11(%arg0: i32) -> (i32, i32) {
    %c0_i32 = arith.constant 0 : i32
    %c0_i32_0 = arith.constant 0 : i32
    %c0_i32_1 = arith.constant 0 : i32
    return %c0_i32, %c0_i32_0 : i32, i32
  }
}

</mosaic_0001>

<sc_bundles>
// kernel: kernel.11.cloned.1.call-start
scs
__scs_entry_jumppad:
0x0: {  	(pc) =	sbr.rel $0x88, $3  }
0x1: {  	(tag) =	ssettag $0x0;
	lr =	simm.s32 $0x1  }
0x2: {  	[smem:$0x3F88] =	sst lr;
	_ =	strace $0xD0000000  }
0x3: {  	_ = 	snop  }
0x4: {  	_ = 	snop  }
0x5: {  	_ = 	snop  }
0x6: {  	_ = 	snop  }
0x7: {  	_ = 	snop  }
__scs_overlays_trampoline_lowered:
0x8: {  	[smem:$0x3F97] =	sst s0  }
0x9: {  	[smem:$0x3F98] =	sst s1  }
0xa: {  	[smem:$0x3F99] =	sst s2  }
0xb: {  	[smem:$0x3F9A] =	sst s3  }
0xc: {  	[smem:$0x3F9B] =	sst s4  }
0xd: {  	[smem:$0x3F9C] =	sst s5  }
0xe: {  	[smem:$0x3F9D] =	sst s6  }
0xf: {  	[smem:$0x3F9E] =	sst s7  }
0x10: {  	[smem:$0x3F9F] =	sst s8  }
0x11: {  	[smem:$0x3FA0] =	sst s9;
	s0 =	simm.s32 @!p0 $0x0  }
0x12: {  	s1 =	sld [smem:$0x3F86];
	s0 =	simm.s32 @p0 $0x1  }
0x13: {  	[smem:$0x3FA1] =	sst s0;
	s0 =	simm.s32 @!p1 $0x0  }
0x14: {  	s2 =	sld [smem:$0x3F85];
	s0 =	simm.s32 @p1 $0x1  }
0x15: {  	[smem:$0x3FA2] =	sst s0;
	s0 =	simm.s32 @!p2 $0x0  }
0x16: {  	s3 =	sld [smem:$0x3FDB];
	s0 =	simm.s32 @p2 $0x1  }
0x17: {  	s4 =	simm.s32 $0x1BF5;
	[smem:$0x3FA4] =	sst s0  }
0x18: {  	s0 =	sld [smem:$0x3F87];
	_ =	swait.ge [sflag:s4], $0x0  }
0x19: {  	s7 =	sld [smem:$0x3F88]  }
0x1a: {  	s8 =	sadd.s32 $0xFFFFE003, lr  }
0x1b: {  	s9 =	sadd.s32 $0xFFFFFEF7, lr;
	s5 =	simm.s32 $0xFFFFFFFF;
	p2 =	slt.u32 s8, $0xFFFFF086  }
0x1c: {  	p1 =	slt.u32 s9, $0xF7A;
	s5 =	simm.s32 @!p2 $0x0  }
0x1d: {  	s5 =	simm.s32 @p1 $0x1;
	p0 =	seq.s32 s7, s2  }
0x1e: {  	s7 =	smul.u32 @!p0 $0xF7A, s2;
	p2 =	seq.s32 @!p0 s5, $0x0  }
0x1f: {  	s9 =	smul.u32 $0xF7A, s1;
	s8 =	simm.s32 @!p0 $0x1BF5;
	p2 =	por !p2, p0  }
0x20: {  	[sflag:s8] =	ssyncset.s32 @!p0 $0xFFFFF086;
	s6 =	sadd.s32 @!p0 s3, s7;
	s7 =	simm.s32 @!p0 $0x108  }
0x21: {  	s3 =	sadd.s32 s3, s9;
	s6 =	sadd.s32 @!p0 $0x88, s6;
	s7 =	simm.s32 @p2 $0x1082  }
0x22: {  	[simem:s7], [sflag:s8] =	dma.local @!p0 [hbm:s6], $0xF7A  }
0x23: {  	s9 =	sor.u32 $0xD0000000, s2;
	s6 =	simm.s32 $0x108;
	_ =	swait.ge @!p0 [sflag:s8], $0x0  }
0x24: {  	s3 =	sadd.s32 $0x88, s3;
	s6 =	simm.s32 @!p1 $0x1082;
	[sflag:s4] =	ssyncset.s32 $0xFFFFF086  }
0x25: {  	[simem:s6], [sflag:s4] =	dma.local [hbm:s3], $0xF7A  }
0x26: {  	[smem:$0x3F88] =	sst s1;
	(tag) =	ssettag s2;
	_ =	strace s9  }
0x27: {  	s1 =	sld [smem:$0x3F98]  }
0x28: {  	s2 =	sld [smem:$0x3F99]  }
0x29: {  	s4 =	sld [smem:$0x3F9B]  }
0x2a: {  	p0 =	seq.s32 s5, $0x0;
	s5 =	sld [smem:$0x3F9C]  }
0x2b: {  	s6 =	sld [smem:$0x3F9D]  }
0x2c: {  	s7 =	sld [smem:$0x3F9E]  }
0x2d: {  	s3 =	simm.s32 $0x108;
	s8 =	sld [smem:$0x3F9F]  }
0x2e: {  	s3 =	simm.s32 @!p0 $0x1082;
	s9 =	sld [smem:$0x3FA0]  }
0x2f: {  	lr =	sadd.s32 s0, s3;
	s0 =	sld [smem:$0x3F97]  }
0x30: {  	s3 =	sld [smem:$0x3F9A]  }
0x31: {  	[smem:$0x3FA3] =	sst s10  }
0x32: {  	s10 =	sld [smem:$0x3FA1];
	_ =	sdelay $0x3  }
0x33: {  	p0 =	seq.s32 s10, $0x1;
	s10 =	sld [smem:$0x3FA3];
	_ =	sdelay $0x3  }
0x34: {  	[smem:$0x3FA3] =	sst s10  }
0x35: {  	s10 =	sld [smem:$0x3FA2];
	_ =	sdelay $0x3  }
0x36: {  	p1 =	seq.s32 s10, $0x1;
	s10 =	sld [smem:$0x3FA3];
	_ =	sdelay $0x3  }
0x37: {  	[smem:$0x3FA3] =	sst s10  }
0x38: {  	s10 =	sld [smem:$0x3FA4]  }
0x39: {  	_ = 	snop;
	(pc) =	sbr.ind lr, $3  }
0x3a: {  	_ = 	snop  }
0x3b: {  	_ = 	snop  }
0x3c: {  	p2 =	seq.s32 s10, $0x1;
	s10 =	sld [smem:$0x3FA3]  }
0x3d: {  	_ =	shalt  }
0x3e: {  	_ =	shalt  }
0x3f: {  	_ =	shalt  }
0x40: {  	_ =	shalt  }
0x41: {  	_ =	shalt  }
0x42: {  	_ =	shalt  }
0x43: {  	_ =	shalt  }
0x44: {  	_ =	shalt  }
0x45: {  	_ =	shalt  }
0x46: {  	_ =	shalt  }
0x47: {  	_ =	shalt  }
0x48: {  	_ =	shalt  }
0x49: {  	_ =	shalt  }
0x4a: {  	_ =	shalt  }
0x4b: {  	_ =	shalt  }
0x4c: {  	_ =	shalt  }
0x4d: {  	_ =	shalt  }
0x4e: {  	_ =	shalt  }
0x4f: {  	_ =	shalt  }
0x50: {  	_ =	shalt  }
0x51: {  	_ =	shalt  }
0x52: {  	_ =	shalt  }
0x53: {  	_ =	shalt  }
0x54: {  	_ =	shalt  }
0x55: {  	_ =	shalt  }
0x56: {  	_ =	shalt  }
0x57: {  	_ =	shalt  }
0x58: {  	_ =	shalt  }
0x59: {  	_ =	shalt  }
0x5a: {  	_ =	shalt  }
0x5b: {  	_ =	shalt  }
0x5c: {  	_ =	shalt  }
0x5d: {  	_ =	shalt  }
0x5e: {  	_ =	shalt  }
0x5f: {  	_ =	shalt  }
0x60: {  	_ =	shalt  }
0x61: {  	_ =	shalt  }
0x62: {  	_ =	shalt  }
0x63: {  	_ =	shalt  }
0x64: {  	_ =	shalt  }
0x65: {  	_ =	shalt  }
0x66: {  	_ =	shalt  }
0x67: {  	_ =	shalt  }
0x68: {  	_ =	shalt  }
0x69: {  	_ =	shalt  }
0x6a: {  	_ =	shalt  }
0x6b: {  	_ =	shalt  }
0x6c: {  	_ =	shalt  }
0x6d: {  	_ =	shalt  }
0x6e: {  	_ =	shalt  }
0x6f: {  	_ =	shalt  }
0x70: {  	_ =	shalt  }
0x71: {  	_ =	shalt  }
0x72: {  	_ =	shalt  }
0x73: {  	_ =	shalt  }
0x74: {  	_ =	shalt  }
0x75: {  	_ =	shalt  }
0x76: {  	_ =	shalt  }
0x77: {  	_ =	shalt  }
0x78: {  	_ =	shalt  }
0x79: {  	_ =	shalt  }
0x7a: {  	_ =	shalt  }
0x7b: {  	_ =	shalt  }
0x7c: {  	_ =	shalt  }
0x7d: {  	_ =	shalt  }
0x7e: {  	_ =	shalt  }
0x7f: {  	_ =	shalt  }
0x80: {  	_ =	shalt  }
0x81: {  	_ =	shalt  }
0x82: {  	_ =	shalt  }
0x83: {  	_ =	shalt  }
0x84: {  	_ =	shalt  }
0x85: {  	_ =	shalt  }
0x86: {  	_ =	shalt  }
0x87: {  	_ =	shalt  }
.Lfunc_end0:
.L_simem_size_0:
called_computation.1_lowered:
.L_overlay_start_0:
0x88: {  	s2 =	sld [smem:$0x3FD9]  }
0x89: {  	s3 =	sld [smem:$0x3FFE];
	_ =	sdelay $0x1  }
0x8a: {  	s1 =	srdreg.scid  }
0x8b: {  	s0 =	sand.u32 $0x1, s1  }
0x8c: {  	s17 =	sshll.u32 s0, $0xA;
	s2 =	sadd.s32 s3, s2  }
0x8d: {  	s2 =	sadd.s32 s2, s17  }
0x8e: {  	[smem:$0x3FAF] =	sst s2  }
0x8f: {  	_ = 	snop  }
0x90: {  	s2 =	sld [smem:$0x3FD0];
	(tm) =	ssettm $0x1  }
0x91: {  	s18 =	sld [smem:$0x3FFB];
	_ =	sdelay $0x3  }
0x92: {  	_ =	strace s18  }
0x93: {  	s3 =	sld [smem:$0x3FFC];
	_ =	sdelay $0x3  }
0x94: {  	_ =	strace s3  }
0x95: {  	s3 =	sld [smem:$0x3FFD];
	_ =	sdelay $0x3  }
0x96: {  	_ =	strace s3  }
0x97: {  	_ =	strace $0x8FFFFFFF  }
0x98: {  	s19 =	sld [smem:$0x3FDB];
	_ =	sdelay $0x1  }
0x99: {  	s4 =	simm.s32 $_scs_section_size  }
0x9a: {  	s5 =	simm.s32 $_size__tile_overlayer_lowered;
	s6 =	simm.s32 $_tile_overlayer_lowered  }
0x9b: {  	s22 =	simm.s32 $0x1BFF;
	s21 =	sshll.u32 s6, $0x1;
	s3 =	sadd.s32 s4, s19  }
0x9c: {  	s7 =	simm.s32 $0x0;
	s20 =	sshll.u32 s5, $0x1;
	s5 =	sadd.s32 s21, s3  }
0x9d: {  	[timem:s7], [sflag:s22] =	dma.local [hbm:s5], s20  }
0x9e: {  	_ =	swait.ge [sflag:s22], s20  }
0x9f: {  	s4 =	ssub.s32 $0x0, s20;
	[sflag:s22] =	ssyncset.done $0x0  }
0xa0: {  	[sflag:s22] =	ssyncadd.s32 s4;
	_ =	sdelay $0x1  }
0xa1: {  	s23 =	simm.s32 $0x1B8B  }
0xa2: {  	_ =	swait.ge [sflag:s23], $0x1  }
0xa3: {  	[sflag:s23] =	ssyncset.done $0x0  }
0xa4: {  	s25 =	simm.s32 $0x1B8E;
	s24 =	sld [smem:$0x3FFE];
	[sflag:s23] =	ssyncadd.s32 $0xFFFFFFFF  }
0xa5: {  	s26 =	simm.s32 $execute0_lowered;
	[smem:$0x3FD2] =	sst s25  }
0xa6: {  	s5 =	sshll.u32 s26, $0x1;
	_ =	strace $0x80000049;
	[dreg:$0x1] =	wrdreg $0xFFFFFFFF  }
0xa7: {  	s28 =	simm.s32 $_size_execute0_lowered;
	s3 =	sadd.s32 s3, s5;
	[dreg:$0x0] =	wrdreg $0x0  }
0xa8: {  	s5 =	sshll.u32 s28, $0x1;
	[dreg:$0x2] =	wrdreg s3  }
0xa9: {  	[dreg:$0x3] =	wrdreg s5  }
0xaa: {  	[dreg:$0x4] =	wrdreg $0xC0  }
0xab: {  	_ =	task [dreg:s7], $0x5FFFF  }
0xac: {  	[dreg:$0x1] =	wrdreg $0xFFFFFFFF  }
0xad: {  	[dreg:$0x0] =	wrdreg $0x60  }
0xae: {  	[dreg:$0x2] =	wrdreg s24  }
0xaf: {  	[dreg:$0x3] =	wrdreg s2  }
0xb0: {  	[dreg:$0x4] =	wrdreg $0xB0000  }
0xb1: {  	[dreg:$0x5] =	wrdreg $0x9  }
0xb2: {  	_ =	task.clear_ibuf [dreg:s7], $0x6FFFF;
	_ =	strace $0x90000049  }
0xb3: {  	s29 =	simm.s32 $0x9;
	_ =	strace $0x8000004B  }
0xb4: {  	_ =	swait.ge [sflag:s29], $0x1  }
0xb5: {  	[sflag:s29] =	ssyncadd.s32 $0xFFFFFFFF  }
0xb6: {  	_ =	strace $0x9000004B  }
0xb7: {  	_ =	sfence  }
0xb8: {  	s30 =	sld [smem:$0x0];
	_ =	sdelay $0x2  }
0xb9: {  	s31 =	sshll.u32 s1, $0xD;
	s1 =	sshrl.u32 s1, $0x2  }
0xba: {  	s3 =	sand.u32 $0x4000, s31;
	s1 =	sadd.s32 s1, s30  }
0xbb: {  	s0 =	sor.u32 s3, s0;
	s1 =	sshll.u32 s1, $0x11  }
0xbc: {  	s0 =	sor.u32 s1, s0  }
0xbd: {  	s0 =	sadd.s32 $0x8F2B, s0  }
0xbe: {  	[sflag:s0] =	ssyncadd.remote.s32 $0x1  }
0xbf: {  	_ =	sfence.sel $0xFFFF  }
0xc0: {  	[dreg:$0x0] =	wrdreg $0xFFFFFFFF;
	(pc) =	sbr.abs _section_cstart, $3  }
0xc1: {  	[dreg:$0x1] =	wrdreg $0xFFFFFFFF  }
0xc2: {  	_ =	task.clear_ibuf [dreg:s7], $0x2FFFF;
	_ =	strace $0x9FFFFFFF  }
0xc3: {  	(tm) =	ssettm $0x7FFFFFFF  }
tec
execute0_lowered:
.L_overlay_start_1:
0x0: {  	(tag) =	ssettag $0x1  }
0x1: {  	s0 =	rddreg [dreg:$0x0]  }
0x2: {  	s3 =	rddreg [dreg:$0x2]  }
0x3: {  	s4 =	simm.s32 $0x0;
	s9 =	stileid.u32;
	s2 =	srdreg.scid  }
0x4: {  	s28 =	simm.s32 $0x2;
	s30 =	simm.s32 $0x9000;
	s31 =	simm.s32 $0x80  }
0x5: {  	[smem:$0x7FF] =	sst s4;
	s1 =	smul.u32 $0x500, s9;
	s5 =	sadd.s32 $0x36E00, s0  }
0x6: {  	s6 =	sadd.s32 $0x4C00, s0;
	s2 =	sand.u32 $0x1, s2;
	s8 =	smul.u32 $0x50000, s9  }
0x7: {  	s7 =	sadd.s32 $0x5EE00, s0;
	s9 =	smul.u32 $0x28000, s9;
	_ =	strace $0x8000004A  }
0x8: {  	[dreg:$0x4] =	wrdreg s7;
	s25 =	ssub.s32 $0x2, s2;
	p0 =	seq.s32 s2, $0x1  }
0x9: {  	s2 =	simm.s32 $0x1;
	s1 =	sadd.s32 s1, s0;
	s0 =	sadd.s32 $0x86E00, s0  }
0xa: {  	s26 =	sshrl.u32 s25, $0x1;
	s21 =	sshrl.u32 s8, $0x2;
	s22 =	sshrl.u32 s9, $0x1  }
0xb: {  	s23 =	sadd.s32 $0x8000, s9;
	s24 =	sadd.s32 $0x18000, s9;
	[dreg:$0x5] =	wrdreg s0  }
0xc: {  	s0 =	ssub.s32 s25, s26;
	s29 =	sadd.s32 $0x31E00, s1;
	s10 =	sadd.s32 $0x2CE00, s1  }
0xd: {  	s1 =	sadd.s32 s21, s3;
	s11 =	sadd.s32 s22, s3;
	s26 =	sshrl.u32 s23, $0x1  }
0xe: {  	s25 =	sadd.s32 $0x20000, s9;
	s17 =	sshrl.u32 s24, $0x1;
	s21 =	sshrl.u32 s9, $0x4  }
0xf: {  	s22 =	sshrl.u32 s23, $0x4;
	s24 =	sshrl.u32 s24, $0x4;
	[dreg:$0x6] =	wrdreg s29  }
0x10: {  	s12 =	sadd.s32 $0x2000, s1;
	s13 =	sadd.s32 s26, s3;
	s14 =	sadd.s32 $0x6000, s1  }
.Ltmp0:
0x11: {  	s29 =	sadd.s32 $0x10000, s9;
	s18 =	sshrl.u32 s25, $0x1;
	(pc) =	sbr.rel .LBB2_1-.Ltmp0, $4  }
0x12: {  	s16 =	sadd.s32 $0xA000, s1;
	s17 =	sadd.s32 s17, s3;
	s19 =	sadd.s32 $0xE000, s1  }
0x13: {  	s20 =	sadd.s32 $0x12000, s1;
	s25 =	sshrl.u32 s25, $0x4;
	s26 =	smax.u32 s0, $0x1  }
0x14: {  	s0 =	simm.s32 $0x5000;
	s1 =	simm.s32 $0x0;
	s15 =	sshrl.u32 s29, $0x1  }
0x15: {  	s18 =	sadd.s32 s18, s3;
	s23 =	sshrl.u32 s29, $0x4;
	s15 =	sadd.s32 s15, s3  }
.LBB2_7:
0x16: {  	s7 =	sshra.s32 s7, $0x2;
	[sflag:s28] =	ssyncadd.s32 $0xFFFFC000  }
0x17: {  	[tilespmem:s0], [sflag:$0x1] =	stream.indirect.gather [hbm4b:s6+s31], $0x80, s7, s31, $0xb8;
	[tilespmem:$0x1F000] =	vst v63  }
0x18: {  	_ =	swait.ge [sflag:s2], $0x4000  }
0x19: {  	[sflag:s2] =	ssyncset.done $0x0  }
0x1a: {  	s7 =	sadd.s32 $0x2800, s7;
	[sflag:s2] =	ssyncadd.s32 $0xFFFFC000  }
0x1b: {  	[spmem:s3] =	stream.indirect.scatter.add.bf16 [tilespmem:s0], [sflag:$0x2], $0x80, s7, s31, $0xb8;
	[tilespmem:$0x1F000] =	vst v63  }
0x1c: {  	_ =	swait.ge [sflag:s28], $0x4000  }
0x1d: {  	[sflag:s28] =	ssyncset.done $0x0  }
0x1e: {  	s7 =	rddreg [dreg:$0x5];
	[sflag:s28] =	ssyncadd.s32 $0xFFFFC000  }
.LBB2_8:
0x1f: {  	[bflag:$0x0] =	sbarrier.arrive $0xFFFF  }
0x20: {  	[tilespmem:s0], [sflag:$0x2] =	stream.linear.gather [spmem:s11], $0x4000, $0x38;
	[tilespmem:$0x1F000] =	vst v63  }
0x21: {  	_ =	swait.ge [sflag:s28], $0x4000  }
0x22: {  	[sflag:s28] =	ssyncset.done $0x0  }
0x23: {  	s8 =	sadd.s32 s7, s21;
	[sflag:s28] =	ssyncadd.s32 $0xFFFFC000  }
0x24: {  	[hbm4b:s8+s4] =	stream.linear.scatter [tilespmem:s0], [sflag:$0x2], $0x4000, $0x38;
	[tilespmem:$0x1F000] =	vst v63  }
0x25: {  	_ =	swait.ge [sflag:s28], $0x4000  }
0x26: {  	[sflag:s28] =	ssyncset.done $0x0  }
0x27: {  	[sflag:s28] =	ssyncadd.s32 $0xFFFFC000  }
0x28: {  	[tilespmem:s0], [sflag:$0x2] =	stream.linear.gather [spmem:s13], $0x4000, $0x38;
	[tilespmem:$0x1F000] =	vst v63  }
0x29: {  	_ =	swait.ge [sflag:s28], $0x4000  }
0x2a: {  	[sflag:s28] =	ssyncset.done $0x0  }
0x2b: {  	s9 =	sadd.s32 s7, s22;
	[sflag:s28] =	ssyncadd.s32 $0xFFFFC000  }
0x2c: {  	[hbm4b:s9+s4] =	stream.linear.scatter [tilespmem:s0], [sflag:$0x2], $0x4000, $0x38;
	[tilespmem:$0x1F000] =	vst v63  }
0x2d: {  	_ =	swait.ge [sflag:s28], $0x4000  }
0x2e: {  	[sflag:s28] =	ssyncset.done $0x0  }
0x2f: {  	[sflag:s28] =	ssyncadd.s32 $0xFFFFC000  }
0x30: {  	[tilespmem:s0], [sflag:$0x2] =	stream.linear.gather [spmem:s15], $0x4000, $0x38;
	[tilespmem:$0x1F000] =	vst v63  }
0x31: {  	_ =	swait.ge [sflag:s28], $0x4000  }
0x32: {  	[sflag:s28] =	ssyncset.done $0x0  }
0x33: {  	s29 =	sadd.s32 s7, s23;
	[sflag:s28] =	ssyncadd.s32 $0xFFFFC000  }
0x34: {  	[hbm4b:s29+s4] =	stream.linear.scatter [tilespmem:s0], [sflag:$0x2], $0x4000, $0x38;
	[tilespmem:$0x1F000] =	vst v63  }
0x35: {  	_ =	swait.ge [sflag:s28], $0x4000  }
0x36: {  	[sflag:s28] =	ssyncset.done $0x0  }
0x37: {  	[sflag:s28] =	ssyncadd.s32 $0xFFFFC000  }
0x38: {  	[tilespmem:s0], [sflag:$0x2] =	stream.linear.gather [spmem:s17], $0x4000, $0x38;
	[tilespmem:$0x1F000] =	vst v63  }
0x39: {  	_ =	swait.ge [sflag:s28], $0x4000  }
0x3a: {  	[sflag:s28] =	ssyncset.done $0x0  }
0x3b: {  	s9 =	sadd.s32 s7, s24;
	[sflag:s28] =	ssyncadd.s32 $0xFFFFC000  }
0x3c: {  	[hbm4b:s9+s4] =	stream.linear.scatter [tilespmem:s0], [sflag:$0x2], $0x4000, $0x38;
	[tilespmem:$0x1F000] =	vst v63  }
0x3d: {  	_ =	swait.ge [sflag:s28], $0x4000  }
0x3e: {  	[sflag:s28] =	ssyncset.done $0x0  }
0x3f: {  	[sflag:s28] =	ssyncadd.s32 $0xFFFFC000  }
0x40: {  	[tilespmem:s0], [sflag:$0x2] =	stream.linear.gather [spmem:s18], $0x4000, $0x38;
	[tilespmem:$0x1F000] =	vst v63  }
0x41: {  	s1 =	sadd.s32 $0x1, s1;
	_ =	swait.ge [sflag:s28], $0x4000  }
0x42: {  	p1 =	sne.s32 s1, s26;
	[sflag:s28] =	ssyncset.done $0x0  }
.Ltmp1:
0x43: {  	s29 =	sadd.s32 s7, s25;
	[sflag:s28] =	ssyncadd.s32 $0xFFFFC000;
	(pc) =	sbr.rel @!p1 .LBB2_9-.Ltmp1, $4  }
0x44: {  	[hbm4b:s29+s4] =	stream.linear.scatter [tilespmem:s0], [sflag:$0x2], $0x4000, $0x38;
	[tilespmem:$0x1F000] =	vst v63  }
0x45: {  	_ =	swait.ge [sflag:s28], $0x4000  }
0x46: {  	[sflag:s28] =	ssyncset.done $0x0  }
0x47: {  	[sflag:s28] =	ssyncadd.s32 $0xFFFFC000  }
.LBB2_1:
0x48: {  	s7 =	rddreg [dreg:$0x6]  }
0x49: {  	[tilespmem:s4], [sflag:$0x2] =	stream.linear.gather [hbm4b:s7+s4], $0x2800, $0x38;
	[tilespmem:$0x1F000] =	vst v63  }
0x4a: {  	_ =	swait.ge [sflag:s28], $0x2800  }
0x4b: {  	[sflag:s28] =	ssyncset.done $0x0  }
0x4c: {  	s9 =	simm.s32 $0x2800;
	[sflag:s28] =	ssyncadd.s32 $0xFFFFD800  }
0x4d: {  	[tilespmem:s9], [sflag:$0x2] =	stream.linear.gather [hbm4b:s10+s4], $0x2800, $0x38;
	[tilespmem:$0x1F000] =	vst v63  }
0x4e: {  	_ =	swait.ge [sflag:s28], $0x2800  }
0x4f: {  	[sflag:s28] =	ssyncset.done $0x0  }
0x50: {  	[sflag:s28] =	ssyncadd.s32 $0xFFFFD800  }
0x51: {  	s29 =	rddreg [dreg:$0x1]  }
0x52: {  	[tilespmem:s30], [sflag:$0x2] =	stream.linear.gather [hbm4b:s29+s4], $0x2000, $0x38;
	[tilespmem:$0x1F000] =	vst v63  }
0x53: {  	_ =	swait.ge [sflag:s28], $0x2000  }
0x54: {  	[sflag:s28] =	ssyncset.done $0x0  }
0x55: {  	[sflag:s28] =	ssyncadd.s32 $0xFFFFE000  }
0x56: {  	[spmem:s11] =	stream.linear.scatter [tilespmem:s30], [sflag:$0x2], $0x2000, $0x38;
	[tilespmem:$0x1F000] =	vst v63  }
0x57: {  	_ =	swait.ge [sflag:s28], $0x2000  }
0x58: {  	[sflag:s28] =	ssyncset.done $0x0  }
0x59: {  	[sflag:s28] =	ssyncadd.s32 $0xFFFFE000  }
0x5a: {  	[spmem:s12] =	stream.linear.scatter [tilespmem:s30], [sflag:$0x2], $0x2000, $0x38;
	[tilespmem:$0x1F000] =	vst v63  }
0x5b: {  	_ =	swait.ge [sflag:s28], $0x2000  }
0x5c: {  	[sflag:s28] =	ssyncset.done $0x0  }
0x5d: {  	[sflag:s28] =	ssyncadd.s32 $0xFFFFE000  }
0x5e: {  	[spmem:s13] =	stream.linear.scatter [tilespmem:s30], [sflag:$0x2], $0x2000, $0x38;
	[tilespmem:$0x1F000] =	vst v63  }
0x5f: {  	_ =	swait.ge [sflag:s28], $0x2000  }
0x60: {  	[sflag:s28] =	ssyncset.done $0x0  }
0x61: {  	[sflag:s28] =	ssyncadd.s32 $0xFFFFE000  }
0x62: {  	[spmem:s14] =	stream.linear.scatter [tilespmem:s30], [sflag:$0x2], $0x2000, $0x38;
	[tilespmem:$0x1F000] =	vst v63  }
0x63: {  	_ =	swait.ge [sflag:s28], $0x2000  }
0x64: {  	[sflag:s28] =	ssyncset.done $0x0  }
0x65: {  	[sflag:s28] =	ssyncadd.s32 $0xFFFFE000  }
0x66: {  	[spmem:s15] =	stream.linear.scatter [tilespmem:s30], [sflag:$0x2], $0x2000, $0x38;
	[tilespmem:$0x1F000] =	vst v63  }
0x67: {  	_ =	swait.ge [sflag:s28], $0x2000  }
0x68: {  	[sflag:s28] =	ssyncset.done $0x0  }
0x69: {  	[sflag:s28] =	ssyncadd.s32 $0xFFFFE000  }
0x6a: {  	[spmem:s16] =	stream.linear.scatter [tilespmem:s30], [sflag:$0x2], $0x2000, $0x38;
	[tilespmem:$0x1F000] =	vst v63  }
0x6b: {  	_ =	swait.ge [sflag:s28], $0x2000  }
0x6c: {  	[sflag:s28] =	ssyncset.done $0x0  }
0x6d: {  	[sflag:s28] =	ssyncadd.s32 $0xFFFFE000  }
0x6e: {  	[spmem:s17] =	stream.linear.scatter [tilespmem:s30], [sflag:$0x2], $0x2000, $0x38;
	[tilespmem:$0x1F000] =	vst v63  }
0x6f: {  	_ =	swait.ge [sflag:s28], $0x2000  }
0x70: {  	[sflag:s28] =	ssyncset.done $0x0  }
0x71: {  	[sflag:s28] =	ssyncadd.s32 $0xFFFFE000  }
0x72: {  	[spmem:s19] =	stream.linear.scatter [tilespmem:s30], [sflag:$0x2], $0x2000, $0x38;
	[tilespmem:$0x1F000] =	vst v63  }
0x73: {  	_ =	swait.ge [sflag:s28], $0x2000  }
0x74: {  	[sflag:s28] =	ssyncset.done $0x0  }
0x75: {  	[sflag:s28] =	ssyncadd.s32 $0xFFFFE000  }
0x76: {  	[spmem:s18] =	stream.linear.scatter [tilespmem:s30], [sflag:$0x2], $0x2000, $0x38;
	[tilespmem:$0x1F000] =	vst v63  }
0x77: {  	_ =	swait.ge [sflag:s28], $0x2000  }
0x78: {  	[sflag:s28] =	ssyncset.done $0x0  }
0x79: {  	[sflag:s28] =	ssyncadd.s32 $0xFFFFE000  }
0x7a: {  	[spmem:s20] =	stream.linear.scatter [tilespmem:s30], [sflag:$0x2], $0x2000, $0x38;
	[tilespmem:$0x1F000] =	vst v63  }
.Ltmp2:
0x7b: {  	_ =	swait.ge [sflag:s28], $0x2000;
	(pc) =	sbr.rel @!p0 .LBB2_2-.Ltmp2, $4  }
0x7c: {  	[sflag:s28] =	ssyncset.done $0x0  }
0x7d: {  	[sflag:s28] =	ssyncadd.s32 $0xFFFFE000  }
0x7e: {  	[bflag:$0x0] =	sbarrier.arrive $0xFFFF  }
0x7f: {  	s7 =	simm.s32 $0x0  }
0x80: {  	[tilespmem:s0], [sflag:$0x1] =	stream.indirect.gather [hbm4b:s6+s31], $0x80, s7, s31, $0xb8;
	[tilespmem:$0x1F000] =	vst v63  }
0x81: {  	_ =	swait.ge [sflag:s2], $0x4000  }
0x82: {  	[sflag:s2] =	ssyncset.done $0x0  }
0x83: {  	s29 =	simm.s32 $0x2800;
	[sflag:s2] =	ssyncadd.s32 $0xFFFFC000  }
0x84: {  	[spmem:s3] =	stream.indirect.scatter.add.bf16 [tilespmem:s0], [sflag:$0x2], $0x80, s29, s31, $0xb8;
	[tilespmem:$0x1F000] =	vst v63  }
0x85: {  	_ =	swait.ge [sflag:s28], $0x4000  }
0x86: {  	s7 =	simm.s32 $0x200;
	s8 =	simm.s32 $0x400;
	[sflag:s28] =	ssyncset.done $0x0  }
.LBB2_6:
0x87: {  	s9 =	sshra.s32 s7, $0x2  }
0x88: {  	[sflag:s28] =	ssyncadd.s32 $0xFFFFC000;
	s7 =	smov.u32 s8;
	s29 =	sadd.s32 $0x200, s8  }
0x89: {  	[tilespmem:s0], [sflag:$0x1] =	stream.indirect.gather [hbm4b:s6+s31], $0x80, s9, s31, $0xb8;
	[tilespmem:$0x1F000] =	vst v63  }
0x8a: {  	p1 =	sne.s32 s8, $0x9E00;
	_ =	swait.ge [sflag:s2], $0x4000  }
.Ltmp3:
0x8b: {  	[sflag:s2] =	ssyncset.done $0x0;
	(pc) =	sbr.rel @p1 .LBB2_6-.Ltmp3, $4  }
0x8c: {  	s8 =	sadd.s32 $0x2800, s9;
	[sflag:s2] =	ssyncadd.s32 $0xFFFFC000  }
0x8d: {  	[spmem:s3] =	stream.indirect.scatter.add.bf16 [tilespmem:s0], [sflag:$0x2], $0x80, s8, s31, $0xb8;
	[tilespmem:$0x1F000] =	vst v63  }
0x8e: {  	_ =	swait.ge [sflag:s28], $0x4000  }
0x8f: {  	s8 =	smov.u32 s29;
	[sflag:s28] =	ssyncset.done $0x0  }
.Ltmp4:
0x90: {  	_ = 	snop;
	(pc) =	sbr.rel .LBB2_7-.Ltmp4, $1  }
0x91: {  	_ =	sdelay $0x3  }
.LBB2_2:
0x92: {  	[tilespmem:s0], [sflag:$0x1] =	stream.indirect.gather [hbm4b:s5+s31], $0x80, s7, s31, $0xb8;
	[tilespmem:$0x1F000] =	vst v63  }
0x93: {  	_ =	swait.ge [sflag:s2], $0x4000  }
0x94: {  	[sflag:s2] =	ssyncset.done $0x0  }
0x95: {  	s29 =	simm.s32 $0x2800;
	[sflag:s2] =	ssyncadd.s32 $0xFFFFC000  }
0x96: {  	[spmem:s3] =	stream.indirect.scatter.add.bf16 [tilespmem:s0], [sflag:$0x2], $0x80, s29, s31, $0xb8;
	[tilespmem:$0x1F000] =	vst v63  }
0x97: {  	_ =	swait.ge [sflag:s28], $0x4000  }
0x98: {  	s7 =	simm.s32 $0x200;
	s8 =	simm.s32 $0x400;
	[sflag:s28] =	ssyncset.done $0x0  }
.LBB2_3:
0x99: {  	s29 =	sshra.s32 s7, $0x2  }
0x9a: {  	[sflag:s28] =	ssyncadd.s32 $0xFFFFC000;
	s7 =	smov.u32 s8;
	s9 =	sadd.s32 $0x200, s8  }
0x9b: {  	[tilespmem:s0], [sflag:$0x1] =	stream.indirect.gather [hbm4b:s5+s31], $0x80, s29, s31, $0xb8;
	[tilespmem:$0x1F000] =	vst v63  }
0x9c: {  	p1 =	seq.s32 s8, $0x9E00;
	_ =	swait.ge [sflag:s2], $0x4000  }
.Ltmp5:
0x9d: {  	[sflag:s2] =	ssyncset.done $0x0;
	(pc) =	sbr.rel @!p1 .LBB2_3-.Ltmp5, $4  }
0x9e: {  	s8 =	sadd.s32 $0x2800, s29;
	[sflag:s2] =	ssyncadd.s32 $0xFFFFC000  }
0x9f: {  	[spmem:s3] =	stream.indirect.scatter.add.bf16 [tilespmem:s0], [sflag:$0x2], $0x80, s8, s31, $0xb8;
	[tilespmem:$0x1F000] =	vst v63  }
0xa0: {  	_ =	swait.ge [sflag:s28], $0x4000  }
0xa1: {  	s8 =	smov.u32 s9;
	[sflag:s28] =	ssyncset.done $0x0  }
0xa2: {  	s7 =	sshra.s32 s7, $0x2;
	[sflag:s28] =	ssyncadd.s32 $0xFFFFC000  }
0xa3: {  	[tilespmem:s0], [sflag:$0x1] =	stream.indirect.gather [hbm4b:s5+s31], $0x80, s7, s31, $0xb8;
	[tilespmem:$0x1F000] =	vst v63  }
0xa4: {  	_ =	swait.ge [sflag:s2], $0x4000  }
0xa5: {  	[sflag:s2] =	ssyncset.done $0x0  }
.Ltmp6:
0xa6: {  	s7 =	sadd.s32 $0x2800, s7;
	[sflag:s2] =	ssyncadd.s32 $0xFFFFC000;
	(pc) =	sbr.rel .LBB2_8-.Ltmp6, $4  }
0xa7: {  	[spmem:s3] =	stream.indirect.scatter.add.bf16 [tilespmem:s0], [sflag:$0x2], $0x80, s7, s31, $0xb8;
	[tilespmem:$0x1F000] =	vst v63  }
0xa8: {  	_ =	swait.ge [sflag:s28], $0x4000  }
0xa9: {  	[sflag:s28] =	ssyncset.done $0x0  }
0xaa: {  	s7 =	rddreg [dreg:$0x4];
	[sflag:s28] =	ssyncadd.s32 $0xFFFFC000  }
.LBB2_9:
0xab: {  	_ =	sfence.sel $0x180000  }
0xac: {  	[bflag:$0x0] =	sbarrier.arrive $0xFFFF  }
0xad: {  	_ =	strace $0x9000004A  }
0xae: {  	s0 =	stileid.u32;
	[bflag:$0x2] =	sbarrier.arrive $0xFFFF  }
0xaf: {  	p0 =	sne.s32 s0, $0x0;
	s0 =	rddreg [dreg:$0x3]  }
0xb0: {  	s0 =	sadd.s32 @!p0 $0x100000, s0  }
0xb1: {  	[sflag:s0] =	ssyncadd.tile.s32 @!p0 $0x1;
	_ =	shalt  }
.Lfunc_end2:
_tile_overlayer_lowered:
.L_overlay_start_2:
0xb2: {  	(tag) =	ssettag $0x2  }
0xb3: {  	s0 =	rddreg [dreg:$0x0];
	s2 =	stileid.u32  }
0xb4: {  	s1 =	rddreg [dreg:$0x1];
	p0 =	sne.s32 s2, $0x0  }
0xb5: {  	s3 =	rddreg [dreg:$0x2];
	[bflag:$0x3] =	sbarrier.arrive $0xFFFF;
	s2 =	simm.s32 @!p0 $0x1C02  }
0xb6: {  	[timem:s3], [sflag:s2] =	dma.local @!p0 [hbm:s0], s1  }
0xb7: {  	s0 =	simm.s32 @!p0 $0x2  }
0xb8: {  	_ =	swait.ge @!p0 [sflag:s0], s1  }
0xb9: {  	s1 =	ssub.s32 @!p0 $0x0, s1;
	[sflag:s0] =	ssyncset.done @!p0 $0x0  }
0xba: {  	[sflag:s0] =	ssyncadd.s32 @!p0 s1  }
0xbb: {  	[bflag:$0x3] =	sbarrier.arrive $0xFFFF  }
0xbc: {  	_ =	shalt  }

// kernel: kernel.14.cloned.1.call-start
scs
__scs_entry_jumppad:
0x0: {  	(pc) =	sbr.rel $0x88, $3  }
0x1: {  	(tag) =	ssettag $0x0;
	lr =	simm.s32 $0x1  }
0x2: {  	[smem:$0x3F88] =	sst lr;
	_ =	strace $0xD0000000  }
0x3: {  	_ = 	snop  }
0x4: {  	_ = 	snop  }
0x5: {  	_ = 	snop  }
0x6: {  	_ = 	snop  }
0x7: {  	_ = 	snop  }
__scs_overlays_trampoline_lowered:
0x8: {  	[smem:$0x3F97] =	sst s0  }
0x9: {  	[smem:$0x3F98] =	sst s1  }
0xa: {  	[smem:$0x3F99] =	sst s2  }
0xb: {  	[smem:$0x3F9A] =	sst s3  }
0xc: {  	[smem:$0x3F9B] =	sst s4  }
0xd: {  	[smem:$0x3F9C] =	sst s5  }
0xe: {  	[smem:$0x3F9D] =	sst s6  }
0xf: {  	[smem:$0x3F9E] =	sst s7  }
0x10: {  	[smem:$0x3F9F] =	sst s8  }
0x11: {  	[smem:$0x3FA0] =	sst s9;
	s0 =	simm.s32 @!p0 $0x0  }
0x12: {  	s1 =	sld [smem:$0x3F86];
	s0 =	simm.s32 @p0 $0x1  }
0x13: {  	[smem:$0x3FA1] =	sst s0;
	s0 =	simm.s32 @!p1 $0x0  }
0x14: {  	s2 =	sld [smem:$0x3F85];
	s0 =	simm.s32 @p1 $0x1  }
0x15: {  	[smem:$0x3FA2] =	sst s0;
	s0 =	simm.s32 @!p2 $0x0  }
0x16: {  	s3 =	sld [smem:$0x3FDB];
	s0 =	simm.s32 @p2 $0x1  }
0x17: {  	s4 =	simm.s32 $0x1BF5;
	[smem:$0x3FA4] =	sst s0  }
0x18: {  	s0 =	sld [smem:$0x3F87];
	_ =	swait.ge [sflag:s4], $0x0  }
0x19: {  	s7 =	sld [smem:$0x3F88]  }
0x1a: {  	s8 =	sadd.s32 $0xFFFFE003, lr  }
0x1b: {  	s9 =	sadd.s32 $0xFFFFFEF7, lr;
	s5 =	simm.s32 $0xFFFFFFFF;
	p2 =	slt.u32 s8, $0xFFFFF086  }
0x1c: {  	p1 =	slt.u32 s9, $0xF7A;
	s5 =	simm.s32 @!p2 $0x0  }
0x1d: {  	s5 =	simm.s32 @p1 $0x1;
	p0 =	seq.s32 s7, s2  }
0x1e: {  	s7 =	smul.u32 @!p0 $0xF7A, s2;
	p2 =	seq.s32 @!p0 s5, $0x0  }
0x1f: {  	s9 =	smul.u32 $0xF7A, s1;
	s8 =	simm.s32 @!p0 $0x1BF5;
	p2 =	por !p2, p0  }
0x20: {  	[sflag:s8] =	ssyncset.s32 @!p0 $0xFFFFF086;
	s6 =	sadd.s32 @!p0 s3, s7;
	s7 =	simm.s32 @!p0 $0x108  }
0x21: {  	s3 =	sadd.s32 s3, s9;
	s6 =	sadd.s32 @!p0 $0x88, s6;
	s7 =	simm.s32 @p2 $0x1082  }
0x22: {  	[simem:s7], [sflag:s8] =	dma.local @!p0 [hbm:s6], $0xF7A  }
0x23: {  	s9 =	sor.u32 $0xD0000000, s2;
	s6 =	simm.s32 $0x108;
	_ =	swait.ge @!p0 [sflag:s8], $0x0  }
0x24: {  	s3 =	sadd.s32 $0x88, s3;
	s6 =	simm.s32 @!p1 $0x1082;
	[sflag:s4] =	ssyncset.s32 $0xFFFFF086  }
0x25: {  	[simem:s6], [sflag:s4] =	dma.local [hbm:s3], $0xF7A  }
0x26: {  	[smem:$0x3F88] =	sst s1;
	(tag) =	ssettag s2;
	_ =	strace s9  }
0x27: {  	s1 =	sld [smem:$0x3F98]  }
0x28: {  	s2 =	sld [smem:$0x3F99]  }
0x29: {  	s4 =	sld [smem:$0x3F9B]  }
0x2a: {  	p0 =	seq.s32 s5, $0x0;
	s5 =	sld [smem:$0x3F9C]  }
0x2b: {  	s6 =	sld [smem:$0x3F9D]  }
0x2c: {  	s7 =	sld [smem:$0x3F9E]  }
0x2d: {  	s3 =	simm.s32 $0x108;
	s8 =	sld [smem:$0x3F9F]  }
0x2e: {  	s3 =	simm.s32 @!p0 $0x1082;
	s9 =	sld [smem:$0x3FA0]  }
0x2f: {  	lr =	sadd.s32 s0, s3;
	s0 =	sld [smem:$0x3F97]  }
0x30: {  	s3 =	sld [smem:$0x3F9A]  }
0x31: {  	[smem:$0x3FA3] =	sst s10  }
0x32: {  	s10 =	sld [smem:$0x3FA1];
	_ =	sdelay $0x3  }
0x33: {  	p0 =	seq.s32 s10, $0x1;
	s10 =	sld [smem:$0x3FA3];
	_ =	sdelay $0x3  }
0x34: {  	[smem:$0x3FA3] =	sst s10  }
0x35: {  	s10 =	sld [smem:$0x3FA2];
	_ =	sdelay $0x3  }
0x36: {  	p1 =	seq.s32 s10, $0x1;
	s10 =	sld [smem:$0x3FA3];
	_ =	sdelay $0x3  }
0x37: {  	[smem:$0x3FA3] =	sst s10  }
0x38: {  	s10 =	sld [smem:$0x3FA4]  }
0x39: {  	_ = 	snop;
	(pc) =	sbr.ind lr, $3  }
0x3a: {  	_ = 	snop  }
0x3b: {  	_ = 	snop  }
0x3c: {  	p2 =	seq.s32 s10, $0x1;
	s10 =	sld [smem:$0x3FA3]  }
0x3d: {  	_ =	shalt  }
0x3e: {  	_ =	shalt  }
0x3f: {  	_ =	shalt  }
0x40: {  	_ =	shalt  }
0x41: {  	_ =	shalt  }
0x42: {  	_ =	shalt  }
0x43: {  	_ =	shalt  }
0x44: {  	_ =	shalt  }
0x45: {  	_ =	shalt  }
0x46: {  	_ =	shalt  }
0x47: {  	_ =	shalt  }
0x48: {  	_ =	shalt  }
0x49: {  	_ =	shalt  }
0x4a: {  	_ =	shalt  }
0x4b: {  	_ =	shalt  }
0x4c: {  	_ =	shalt  }
0x4d: {  	_ =	shalt  }
0x4e: {  	_ =	shalt  }
0x4f: {  	_ =	shalt  }
0x50: {  	_ =	shalt  }
0x51: {  	_ =	shalt  }
0x52: {  	_ =	shalt  }
0x53: {  	_ =	shalt  }
0x54: {  	_ =	shalt  }
0x55: {  	_ =	shalt  }
0x56: {  	_ =	shalt  }
0x57: {  	_ =	shalt  }
0x58: {  	_ =	shalt  }
0x59: {  	_ =	shalt  }
0x5a: {  	_ =	shalt  }
0x5b: {  	_ =	shalt  }
0x5c: {  	_ =	shalt  }
0x5d: {  	_ =	shalt  }
0x5e: {  	_ =	shalt  }
0x5f: {  	_ =	shalt  }
0x60: {  	_ =	shalt  }
0x61: {  	_ =	shalt  }
0x62: {  	_ =	shalt  }
0x63: {  	_ =	shalt  }
0x64: {  	_ =	shalt  }
0x65: {  	_ =	shalt  }
0x66: {  	_ =	shalt  }
0x67: {  	_ =	shalt  }
0x68: {  	_ =	shalt  }
0x69: {  	_ =	shalt  }
0x6a: {  	_ =	shalt  }
0x6b: {  	_ =	shalt  }
0x6c: {  	_ =	shalt  }
0x6d: {  	_ =	shalt  }
0x6e: {  	_ =	shalt  }
0x6f: {  	_ =	shalt  }
0x70: {  	_ =	shalt  }
0x71: {  	_ =	shalt  }
0x72: {  	_ =	shalt  }
0x73: {  	_ =	shalt  }
0x74: {  	_ =	shalt  }
0x75: {  	_ =	shalt  }
0x76: {  	_ =	shalt  }
0x77: {  	_ =	shalt  }
0x78: {  	_ =	shalt  }
0x79: {  	_ =	shalt  }
0x7a: {  	_ =	shalt  }
0x7b: {  	_ =	shalt  }
0x7c: {  	_ =	shalt  }
0x7d: {  	_ =	shalt  }
0x7e: {  	_ =	shalt  }
0x7f: {  	_ =	shalt  }
0x80: {  	_ =	shalt  }
0x81: {  	_ =	shalt  }
0x82: {  	_ =	shalt  }
0x83: {  	_ =	shalt  }
0x84: {  	_ =	shalt  }
0x85: {  	_ =	shalt  }
0x86: {  	_ =	shalt  }
0x87: {  	_ =	shalt  }
.Lfunc_end0:
.L_simem_size_0:
called_computation.2_lowered:
.L_overlay_start_0:
0x88: {  	s2 =	sld [smem:$0x3FD9]  }
0x89: {  	s3 =	sld [smem:$0x3FFE];
	_ =	sdelay $0x1  }
0x8a: {  	s1 =	srdreg.scid  }
0x8b: {  	s0 =	sand.u32 $0x1, s1  }
0x8c: {  	s17 =	sshll.u32 s0, $0xA;
	s2 =	sadd.s32 s3, s2  }
0x8d: {  	s2 =	sadd.s32 s2, s17  }
0x8e: {  	[smem:$0x3FAF] =	sst s2  }
0x8f: {  	_ = 	snop  }
0x90: {  	s2 =	sld [smem:$0x3FD0];
	(tm) =	ssettm $0x1  }
0x91: {  	s18 =	sld [smem:$0x3FFB];
	_ =	sdelay $0x3  }
0x92: {  	_ =	strace s18  }
0x93: {  	s3 =	sld [smem:$0x3FFC];
	_ =	sdelay $0x3  }
0x94: {  	_ =	strace s3  }
0x95: {  	s3 =	sld [smem:$0x3FFD];
	_ =	sdelay $0x3  }
0x96: {  	_ =	strace s3  }
0x97: {  	_ =	strace $0x8FFFFFFF  }
0x98: {  	s19 =	sld [smem:$0x3FDB];
	_ =	sdelay $0x1  }
0x99: {  	s4 =	simm.s32 $_scs_section_size  }
0x9a: {  	s5 =	simm.s32 $_size__tile_overlayer_lowered;
	s6 =	simm.s32 $_tile_overlayer_lowered  }
0x9b: {  	s22 =	simm.s32 $0x1BFF;
	s21 =	sshll.u32 s6, $0x1;
	s3 =	sadd.s32 s4, s19  }
0x9c: {  	s7 =	simm.s32 $0x0;
	s20 =	sshll.u32 s5, $0x1;
	s5 =	sadd.s32 s21, s3  }
0x9d: {  	[timem:s7], [sflag:s22] =	dma.local [hbm:s5], s20  }
0x9e: {  	_ =	swait.ge [sflag:s22], s20  }
0x9f: {  	s4 =	ssub.s32 $0x0, s20;
	[sflag:s22] =	ssyncset.done $0x0  }
0xa0: {  	[sflag:s22] =	ssyncadd.s32 s4;
	_ =	sdelay $0x1  }
0xa1: {  	s23 =	simm.s32 $0x1B8B  }
0xa2: {  	_ =	swait.ge [sflag:s23], $0x1  }
0xa3: {  	[sflag:s23] =	ssyncset.done $0x0  }
0xa4: {  	s25 =	simm.s32 $0x1B8E;
	s24 =	sld [smem:$0x3FFE];
	[sflag:s23] =	ssyncadd.s32 $0xFFFFFFFF  }
0xa5: {  	s26 =	simm.s32 $execute0_lowered;
	[smem:$0x3FD2] =	sst s25  }
0xa6: {  	s5 =	sshll.u32 s26, $0x1;
	_ =	strace $0x8000004C;
	[dreg:$0x1] =	wrdreg $0xFFFFFFFF  }
0xa7: {  	s28 =	simm.s32 $_size_execute0_lowered;
	s3 =	sadd.s32 s3, s5;
	[dreg:$0x0] =	wrdreg $0x0  }
0xa8: {  	s5 =	sshll.u32 s28, $0x1;
	[dreg:$0x2] =	wrdreg s3  }
0xa9: {  	[dreg:$0x3] =	wrdreg s5  }
0xaa: {  	[dreg:$0x4] =	wrdreg $0xC0  }
0xab: {  	_ =	task [dreg:s7], $0x5FFFF  }
0xac: {  	[dreg:$0x1] =	wrdreg $0xFFFFFFFF  }
0xad: {  	[dreg:$0x0] =	wrdreg $0x60  }
0xae: {  	[dreg:$0x2] =	wrdreg s24  }
0xaf: {  	[dreg:$0x3] =	wrdreg s2  }
0xb0: {  	[dreg:$0x4] =	wrdreg $0xB0000  }
0xb1: {  	[dreg:$0x5] =	wrdreg $0x9  }
0xb2: {  	_ =	task.clear_ibuf [dreg:s7], $0x6FFFF;
	_ =	strace $0x9000004C  }
0xb3: {  	s29 =	simm.s32 $0x9;
	_ =	strace $0x8000004E  }
0xb4: {  	_ =	swait.ge [sflag:s29], $0x1  }
0xb5: {  	[sflag:s29] =	ssyncadd.s32 $0xFFFFFFFF  }
0xb6: {  	_ =	strace $0x9000004E  }
0xb7: {  	_ =	sfence  }
0xb8: {  	s30 =	sld [smem:$0x0];
	_ =	sdelay $0x2  }
0xb9: {  	s31 =	sshll.u32 s1, $0xD;
	s1 =	sshrl.u32 s1, $0x2  }
0xba: {  	s3 =	sand.u32 $0x4000, s31;
	s1 =	sadd.s32 s1, s30  }
0xbb: {  	s0 =	sor.u32 s3, s0;
	s1 =	sshll.u32 s1, $0x11  }
0xbc: {  	s0 =	sor.u32 s1, s0  }
0xbd: {  	s0 =	sadd.s32 $0x8F2B, s0  }
0xbe: {  	[sflag:s0] =	ssyncadd.remote.s32 $0x1  }
0xbf: {  	_ =	sfence.sel $0xFFFF  }
0xc0: {  	[dreg:$0x0] =	wrdreg $0xFFFFFFFF;
	(pc) =	sbr.abs _section_cstart, $3  }
0xc1: {  	[dreg:$0x1] =	wrdreg $0xFFFFFFFF  }
0xc2: {  	_ =	task.clear_ibuf [dreg:s7], $0x2FFFF;
	_ =	strace $0x9FFFFFFF  }
0xc3: {  	(tm) =	ssettm $0x7FFFFFFF  }
tec
execute0_lowered:
.L_overlay_start_1:
0x0: {  	(tag) =	ssettag $0x1  }
0x1: {  	s0 =	rddreg [dreg:$0x0]  }
0x2: {  	s3 =	rddreg [dreg:$0x2]  }
0x3: {  	s4 =	simm.s32 $0x0;
	s9 =	stileid.u32;
	s2 =	srdreg.scid  }
0x4: {  	s28 =	simm.s32 $0x2;
	s30 =	simm.s32 $0x9000;
	s31 =	simm.s32 $0x80  }
0x5: {  	[smem:$0x7FF] =	sst s4;
	s1 =	smul.u32 $0x500, s9;
	s5 =	sadd.s32 $0x36E00, s0  }
0x6: {  	s6 =	sadd.s32 $0x4C00, s0;
	s2 =	sand.u32 $0x1, s2;
	s8 =	smul.u32 $0x50000, s9  }
0x7: {  	s7 =	sadd.s32 $0x5EE00, s0;
	s9 =	smul.u32 $0x28000, s9;
	_ =	strace $0x8000004D  }
0x8: {  	[dreg:$0x4] =	wrdreg s7;
	s25 =	ssub.s32 $0x2, s2;
	p0 =	seq.s32 s2, $0x1  }
0x9: {  	s2 =	simm.s32 $0x1;
	s1 =	sadd.s32 s1, s0;
	s0 =	sadd.s32 $0x86E00, s0  }
0xa: {  	s26 =	sshrl.u32 s25, $0x1;
	s21 =	sshrl.u32 s8, $0x2;
	s22 =	sshrl.u32 s9, $0x1  }
0xb: {  	s23 =	sadd.s32 $0x8000, s9;
	s24 =	sadd.s32 $0x18000, s9;
	[dreg:$0x5] =	wrdreg s0  }
0xc: {  	s0 =	ssub.s32 s25, s26;
	s29 =	sadd.s32 $0x31E00, s1;
	s10 =	sadd.s32 $0x2CE00, s1  }
0xd: {  	s1 =	sadd.s32 s21, s3;
	s11 =	sadd.s32 s22, s3;
	s26 =	sshrl.u32 s23, $0x1  }
0xe: {  	s25 =	sadd.s32 $0x20000, s9;
	s17 =	sshrl.u32 s24, $0x1;
	s21 =	sshrl.u32 s9, $0x4  }
0xf: {  	s22 =	sshrl.u32 s23, $0x4;
	s24 =	sshrl.u32 s24, $0x4;
	[dreg:$0x6] =	wrdreg s29  }
0x10: {  	s12 =	sadd.s32 $0x2000, s1;
	s13 =	sadd.s32 s26, s3;
	s14 =	sadd.s32 $0x6000, s1  }
.Ltmp0:
0x11: {  	s29 =	sadd.s32 $0x10000, s9;
	s18 =	sshrl.u32 s25, $0x1;
	(pc) =	sbr.rel .LBB2_1-.Ltmp0, $4  }
0x12: {  	s16 =	sadd.s32 $0xA000, s1;
	s17 =	sadd.s32 s17, s3;
	s19 =	sadd.s32 $0xE000, s1  }
0x13: {  	s20 =	sadd.s32 $0x12000, s1;
	s25 =	sshrl.u32 s25, $0x4;
	s26 =	smax.u32 s0, $0x1  }
0x14: {  	s0 =	simm.s32 $0x5000;
	s1 =	simm.s32 $0x0;
	s15 =	sshrl.u32 s29, $0x1  }
0x15: {  	s18 =	sadd.s32 s18, s3;
	s23 =	sshrl.u32 s29, $0x4;
	s15 =	sadd.s32 s15, s3  }
.LBB2_7:
0x16: {  	s7 =	sshra.s32 s7, $0x2;
	[sflag:s28] =	ssyncadd.s32 $0xFFFFC000  }
0x17: {  	[tilespmem:s0], [sflag:$0x1] =	stream.indirect.gather [hbm4b:s6+s31], $0x80, s7, s31, $0xb8;
	[tilespmem:$0x1F000] =	vst v63  }
0x18: {  	_ =	swait.ge [sflag:s2], $0x4000  }
0x19: {  	[sflag:s2] =	ssyncset.done $0x0  }
0x1a: {  	s7 =	sadd.s32 $0x2800, s7;
	[sflag:s2] =	ssyncadd.s32 $0xFFFFC000  }
0x1b: {  	[spmem:s3] =	stream.indirect.scatter.add.bf16 [tilespmem:s0], [sflag:$0x2], $0x80, s7, s31, $0xb8;
	[tilespmem:$0x1F000] =	vst v63  }
0x1c: {  	_ =	swait.ge [sflag:s28], $0x4000  }
0x1d: {  	[sflag:s28] =	ssyncset.done $0x0  }
0x1e: {  	s7 =	rddreg [dreg:$0x5];
	[sflag:s28] =	ssyncadd.s32 $0xFFFFC000  }
.LBB2_8:
0x1f: {  	[bflag:$0x0] =	sbarrier.arrive $0xFFFF  }
0x20: {  	[tilespmem:s0], [sflag:$0x2] =	stream.linear.gather [spmem:s11], $0x4000, $0x38;
	[tilespmem:$0x1F000] =	vst v63  }
0x21: {  	_ =	swait.ge [sflag:s28], $0x4000  }
0x22: {  	[sflag:s28] =	ssyncset.done $0x0  }
0x23: {  	s8 =	sadd.s32 s7, s21;
	[sflag:s28] =	ssyncadd.s32 $0xFFFFC000  }
0x24: {  	[hbm4b:s8+s4] =	stream.linear.scatter [tilespmem:s0], [sflag:$0x2], $0x4000, $0x38;
	[tilespmem:$0x1F000] =	vst v63  }
0x25: {  	_ =	swait.ge [sflag:s28], $0x4000  }
0x26: {  	[sflag:s28] =	ssyncset.done $0x0  }
0x27: {  	[sflag:s28] =	ssyncadd.s32 $0xFFFFC000  }
0x28: {  	[tilespmem:s0], [sflag:$0x2] =	stream.linear.gather [spmem:s13], $0x4000, $0x38;
	[tilespmem:$0x1F000] =	vst v63  }
0x29: {  	_ =	swait.ge [sflag:s28], $0x4000  }
0x2a: {  	[sflag:s28] =	ssyncset.done $0x0  }
0x2b: {  	s9 =	sadd.s32 s7, s22;
	[sflag:s28] =	ssyncadd.s32 $0xFFFFC000  }
0x2c: {  	[hbm4b:s9+s4] =	stream.linear.scatter [tilespmem:s0], [sflag:$0x2], $0x4000, $0x38;
	[tilespmem:$0x1F000] =	vst v63  }
0x2d: {  	_ =	swait.ge [sflag:s28], $0x4000  }
0x2e: {  	[sflag:s28] =	ssyncset.done $0x0  }
0x2f: {  	[sflag:s28] =	ssyncadd.s32 $0xFFFFC000  }
0x30: {  	[tilespmem:s0], [sflag:$0x2] =	stream.linear.gather [spmem:s15], $0x4000, $0x38;
	[tilespmem:$0x1F000] =	vst v63  }
0x31: {  	_ =	swait.ge [sflag:s28], $0x4000  }
0x32: {  	[sflag:s28] =	ssyncset.done $0x0  }
0x33: {  	s29 =	sadd.s32 s7, s23;
	[sflag:s28] =	ssyncadd.s32 $0xFFFFC000  }
0x34: {  	[hbm4b:s29+s4] =	stream.linear.scatter [tilespmem:s0], [sflag:$0x2], $0x4000, $0x38;
	[tilespmem:$0x1F000] =	vst v63  }
0x35: {  	_ =	swait.ge [sflag:s28], $0x4000  }
0x36: {  	[sflag:s28] =	ssyncset.done $0x0  }
0x37: {  	[sflag:s28] =	ssyncadd.s32 $0xFFFFC000  }
0x38: {  	[tilespmem:s0], [sflag:$0x2] =	stream.linear.gather [spmem:s17], $0x4000, $0x38;
	[tilespmem:$0x1F000] =	vst v63  }
0x39: {  	_ =	swait.ge [sflag:s28], $0x4000  }
0x3a: {  	[sflag:s28] =	ssyncset.done $0x0  }
0x3b: {  	s9 =	sadd.s32 s7, s24;
	[sflag:s28] =	ssyncadd.s32 $0xFFFFC000  }
0x3c: {  	[hbm4b:s9+s4] =	stream.linear.scatter [tilespmem:s0], [sflag:$0x2], $0x4000, $0x38;
	[tilespmem:$0x1F000] =	vst v63  }
0x3d: {  	_ =	swait.ge [sflag:s28], $0x4000  }
0x3e: {  	[sflag:s28] =	ssyncset.done $0x0  }
0x3f: {  	[sflag:s28] =	ssyncadd.s32 $0xFFFFC000  }
0x40: {  	[tilespmem:s0], [sflag:$0x2] =	stream.linear.gather [spmem:s18], $0x4000, $0x38;
	[tilespmem:$0x1F000] =	vst v63  }
0x41: {  	s1 =	sadd.s32 $0x1, s1;
	_ =	swait.ge [sflag:s28], $0x4000  }
0x42: {  	p1 =	sne.s32 s1, s26;
	[sflag:s28] =	ssyncset.done $0x0  }
.Ltmp1:
0x43: {  	s29 =	sadd.s32 s7, s25;
	[sflag:s28] =	ssyncadd.s32 $0xFFFFC000;
	(pc) =	sbr.rel @!p1 .LBB2_9-.Ltmp1, $4  }
0x44: {  	[hbm4b:s29+s4] =	stream.linear.scatter [tilespmem:s0], [sflag:$0x2], $0x4000, $0x38;
	[tilespmem:$0x1F000] =	vst v63  }
0x45: {  	_ =	swait.ge [sflag:s28], $0x4000  }
0x46: {  	[sflag:s28] =	ssyncset.done $0x0  }
0x47: {  	[sflag:s28] =	ssyncadd.s32 $0xFFFFC000  }
.LBB2_1:
0x48: {  	s7 =	rddreg [dreg:$0x6]  }
0x49: {  	[tilespmem:s4], [sflag:$0x2] =	stream.linear.gather [hbm4b:s7+s4], $0x2800, $0x38;
	[tilespmem:$0x1F000] =	vst v63  }
0x4a: {  	_ =	swait.ge [sflag:s28], $0x2800  }
0x4b: {  	[sflag:s28] =	ssyncset.done $0x0  }
0x4c: {  	s9 =	simm.s32 $0x2800;
	[sflag:s28] =	ssyncadd.s32 $0xFFFFD800  }
0x4d: {  	[tilespmem:s9], [sflag:$0x2] =	stream.linear.gather [hbm4b:s10+s4], $0x2800, $0x38;
	[tilespmem:$0x1F000] =	vst v63  }
0x4e: {  	_ =	swait.ge [sflag:s28], $0x2800  }
0x4f: {  	[sflag:s28] =	ssyncset.done $0x0  }
0x50: {  	[sflag:s28] =	ssyncadd.s32 $0xFFFFD800  }
0x51: {  	s29 =	rddreg [dreg:$0x1]  }
0x52: {  	[tilespmem:s30], [sflag:$0x2] =	stream.linear.gather [hbm4b:s29+s4], $0x2000, $0x38;
	[tilespmem:$0x1F000] =	vst v63  }
0x53: {  	_ =	swait.ge [sflag:s28], $0x2000  }
0x54: {  	[sflag:s28] =	ssyncset.done $0x0  }
0x55: {  	[sflag:s28] =	ssyncadd.s32 $0xFFFFE000  }
0x56: {  	[spmem:s11] =	stream.linear.scatter [tilespmem:s30], [sflag:$0x2], $0x2000, $0x38;
	[tilespmem:$0x1F000] =	vst v63  }
0x57: {  	_ =	swait.ge [sflag:s28], $0x2000  }
0x58: {  	[sflag:s28] =	ssyncset.done $0x0  }
0x59: {  	[sflag:s28] =	ssyncadd.s32 $0xFFFFE000  }
0x5a: {  	[spmem:s12] =	stream.linear.scatter [tilespmem:s30], [sflag:$0x2], $0x2000, $0x38;
	[tilespmem:$0x1F000] =	vst v63  }
0x5b: {  	_ =	swait.ge [sflag:s28], $0x2000  }
0x5c: {  	[sflag:s28] =	ssyncset.done $0x0  }
0x5d: {  	[sflag:s28] =	ssyncadd.s32 $0xFFFFE000  }
0x5e: {  	[spmem:s13] =	stream.linear.scatter [tilespmem:s30], [sflag:$0x2], $0x2000, $0x38;
	[tilespmem:$0x1F000] =	vst v63  }
0x5f: {  	_ =	swait.ge [sflag:s28], $0x2000  }
0x60: {  	[sflag:s28] =	ssyncset.done $0x0  }
0x61: {  	[sflag:s28] =	ssyncadd.s32 $0xFFFFE000  }
0x62: {  	[spmem:s14] =	stream.linear.scatter [tilespmem:s30], [sflag:$0x2], $0x2000, $0x38;
	[tilespmem:$0x1F000] =	vst v63  }
0x63: {  	_ =	swait.ge [sflag:s28], $0x2000  }
0x64: {  	[sflag:s28] =	ssyncset.done $0x0  }
0x65: {  	[sflag:s28] =	ssyncadd.s32 $0xFFFFE000  }
0x66: {  	[spmem:s15] =	stream.linear.scatter [tilespmem:s30], [sflag:$0x2], $0x2000, $0x38;
	[tilespmem:$0x1F000] =	vst v63  }
0x67: {  	_ =	swait.ge [sflag:s28], $0x2000  }
0x68: {  	[sflag:s28] =	ssyncset.done $0x0  }
0x69: {  	[sflag:s28] =	ssyncadd.s32 $0xFFFFE000  }
0x6a: {  	[spmem:s16] =	stream.linear.scatter [tilespmem:s30], [sflag:$0x2], $0x2000, $0x38;
	[tilespmem:$0x1F000] =	vst v63  }
0x6b: {  	_ =	swait.ge [sflag:s28], $0x2000  }
0x6c: {  	[sflag:s28] =	ssyncset.done $0x0  }
0x6d: {  	[sflag:s28] =	ssyncadd.s32 $0xFFFFE000  }
0x6e: {  	[spmem:s17] =	stream.linear.scatter [tilespmem:s30], [sflag:$0x2], $0x2000, $0x38;
	[tilespmem:$0x1F000] =	vst v63  }
0x6f: {  	_ =	swait.ge [sflag:s28], $0x2000  }
0x70: {  	[sflag:s28] =	ssyncset.done $0x0  }
0x71: {  	[sflag:s28] =	ssyncadd.s32 $0xFFFFE000  }
0x72: {  	[spmem:s19] =	stream.linear.scatter [tilespmem:s30], [sflag:$0x2], $0x2000, $0x38;
	[tilespmem:$0x1F000] =	vst v63  }
0x73: {  	_ =	swait.ge [sflag:s28], $0x2000  }
0x74: {  	[sflag:s28] =	ssyncset.done $0x0  }
0x75: {  	[sflag:s28] =	ssyncadd.s32 $0xFFFFE000  }
0x76: {  	[spmem:s18] =	stream.linear.scatter [tilespmem:s30], [sflag:$0x2], $0x2000, $0x38;
	[tilespmem:$0x1F000] =	vst v63  }
0x77: {  	_ =	swait.ge [sflag:s28], $0x2000  }
0x78: {  	[sflag:s28] =	ssyncset.done $0x0  }
0x79: {  	[sflag:s28] =	ssyncadd.s32 $0xFFFFE000  }
0x7a: {  	[spmem:s20] =	stream.linear.scatter [tilespmem:s30], [sflag:$0x2], $0x2000, $0x38;
	[tilespmem:$0x1F000] =	vst v63  }
.Ltmp2:
0x7b: {  	_ =	swait.ge [sflag:s28], $0x2000;
	(pc) =	sbr.rel @!p0 .LBB2_2-.Ltmp2, $4  }
0x7c: {  	[sflag:s28] =	ssyncset.done $0x0  }
0x7d: {  	[sflag:s28] =	ssyncadd.s32 $0xFFFFE000  }
0x7e: {  	[bflag:$0x0] =	sbarrier.arrive $0xFFFF  }
0x7f: {  	s7 =	simm.s32 $0x0  }
0x80: {  	[tilespmem:s0], [sflag:$0x1] =	stream.indirect.gather [hbm4b:s6+s31], $0x80, s7, s31, $0xb8;
	[tilespmem:$0x1F000] =	vst v63  }
0x81: {  	_ =	swait.ge [sflag:s2], $0x4000  }
0x82: {  	[sflag:s2] =	ssyncset.done $0x0  }
0x83: {  	s29 =	simm.s32 $0x2800;
	[sflag:s2] =	ssyncadd.s32 $0xFFFFC000  }
0x84: {  	[spmem:s3] =	stream.indirect.scatter.add.bf16 [tilespmem:s0], [sflag:$0x2], $0x80, s29, s31, $0xb8;
	[tilespmem:$0x1F000] =	vst v63  }
0x85: {  	_ =	swait.ge [sflag:s28], $0x4000  }
0x86: {  	s7 =	simm.s32 $0x200;
	s8 =	simm.s32 $0x400;
	[sflag:s28] =	ssyncset.done $0x0  }
.LBB2_6:
0x87: {  	s9 =	sshra.s32 s7, $0x2  }
0x88: {  	[sflag:s28] =	ssyncadd.s32 $0xFFFFC000;
	s7 =	smov.u32 s8;
	s29 =	sadd.s32 $0x200, s8  }
0x89: {  	[tilespmem:s0], [sflag:$0x1] =	stream.indirect.gather [hbm4b:s6+s31], $0x80, s9, s31, $0xb8;
	[tilespmem:$0x1F000] =	vst v63  }
0x8a: {  	p1 =	sne.s32 s8, $0x9E00;
	_ =	swait.ge [sflag:s2], $0x4000  }
.Ltmp3:
0x8b: {  	[sflag:s2] =	ssyncset.done $0x0;
	(pc) =	sbr.rel @p1 .LBB2_6-.Ltmp3, $4  }
0x8c: {  	s8 =	sadd.s32 $0x2800, s9;
	[sflag:s2] =	ssyncadd.s32 $0xFFFFC000  }
0x8d: {  	[spmem:s3] =	stream.indirect.scatter.add.bf16 [tilespmem:s0], [sflag:$0x2], $0x80, s8, s31, $0xb8;
	[tilespmem:$0x1F000] =	vst v63  }
0x8e: {  	_ =	swait.ge [sflag:s28], $0x4000  }
0x8f: {  	s8 =	smov.u32 s29;
	[sflag:s28] =	ssyncset.done $0x0  }
.Ltmp4:
0x90: {  	_ = 	snop;
	(pc) =	sbr.rel .LBB2_7-.Ltmp4, $1  }
0x91: {  	_ =	sdelay $0x3  }
.LBB2_2:
0x92: {  	[tilespmem:s0], [sflag:$0x1] =	stream.indirect.gather [hbm4b:s5+s31], $0x80, s7, s31, $0xb8;
	[tilespmem:$0x1F000] =	vst v63  }
0x93: {  	_ =	swait.ge [sflag:s2], $0x4000  }
0x94: {  	[sflag:s2] =	ssyncset.done $0x0  }
0x95: {  	s29 =	simm.s32 $0x2800;
	[sflag:s2] =	ssyncadd.s32 $0xFFFFC000  }
0x96: {  	[spmem:s3] =	stream.indirect.scatter.add.bf16 [tilespmem:s0], [sflag:$0x2], $0x80, s29, s31, $0xb8;
	[tilespmem:$0x1F000] =	vst v63  }
0x97: {  	_ =	swait.ge [sflag:s28], $0x4000  }
0x98: {  	s7 =	simm.s32 $0x200;
	s8 =	simm.s32 $0x400;
	[sflag:s28] =	ssyncset.done $0x0  }
.LBB2_3:
0x99: {  	s29 =	sshra.s32 s7, $0x2  }
0x9a: {  	[sflag:s28] =	ssyncadd.s32 $0xFFFFC000;
	s7 =	smov.u32 s8;
	s9 =	sadd.s32 $0x200, s8  }
0x9b: {  	[tilespmem:s0], [sflag:$0x1] =	stream.indirect.gather [hbm4b:s5+s31], $0x80, s29, s31, $0xb8;
	[tilespmem:$0x1F000] =	vst v63  }
0x9c: {  	p1 =	seq.s32 s8, $0x9E00;
	_ =	swait.ge [sflag:s2], $0x4000  }
.Ltmp5:
0x9d: {  	[sflag:s2] =	ssyncset.done $0x0;
	(pc) =	sbr.rel @!p1 .LBB2_3-.Ltmp5, $4  }
0x9e: {  	s8 =	sadd.s32 $0x2800, s29;
	[sflag:s2] =	ssyncadd.s32 $0xFFFFC000  }
0x9f: {  	[spmem:s3] =	stream.indirect.scatter.add.bf16 [tilespmem:s0], [sflag:$0x2], $0x80, s8, s31, $0xb8;
	[tilespmem:$0x1F000] =	vst v63  }
0xa0: {  	_ =	swait.ge [sflag:s28], $0x4000  }
0xa1: {  	s8 =	smov.u32 s9;
	[sflag:s28] =	ssyncset.done $0x0  }
0xa2: {  	s7 =	sshra.s32 s7, $0x2;
	[sflag:s28] =	ssyncadd.s32 $0xFFFFC000  }
0xa3: {  	[tilespmem:s0], [sflag:$0x1] =	stream.indirect.gather [hbm4b:s5+s31], $0x80, s7, s31, $0xb8;
	[tilespmem:$0x1F000] =	vst v63  }
0xa4: {  	_ =	swait.ge [sflag:s2], $0x4000  }
0xa5: {  	[sflag:s2] =	ssyncset.done $0x0  }
.Ltmp6:
0xa6: {  	s7 =	sadd.s32 $0x2800, s7;
	[sflag:s2] =	ssyncadd.s32 $0xFFFFC000;
	(pc) =	sbr.rel .LBB2_8-.Ltmp6, $4  }
0xa7: {  	[spmem:s3] =	stream.indirect.scatter.add.bf16 [tilespmem:s0], [sflag:$0x2], $0x80, s7, s31, $0xb8;
	[tilespmem:$0x1F000] =	vst v63  }
0xa8: {  	_ =	swait.ge [sflag:s28], $0x4000  }
0xa9: {  	[sflag:s28] =	ssyncset.done $0x0  }
0xaa: {  	s7 =	rddreg [dreg:$0x4];
	[sflag:s28] =	ssyncadd.s32 $0xFFFFC000  }
.LBB2_9:
0xab: {  	_ =	sfence.sel $0x180000  }
0xac: {  	[bflag:$0x0] =	sbarrier.arrive $0xFFFF  }
0xad: {  	_ =	strace $0x9000004D  }
0xae: {  	s0 =	stileid.u32;
	[bflag:$0x2] =	sbarrier.arrive $0xFFFF  }
0xaf: {  	p0 =	sne.s32 s0, $0x0;
	s0 =	rddreg [dreg:$0x3]  }
0xb0: {  	s0 =	sadd.s32 @!p0 $0x100000, s0  }
0xb1: {  	[sflag:s0] =	ssyncadd.tile.s32 @!p0 $0x1;
	_ =	shalt  }
.Lfunc_end2:
_tile_overlayer_lowered:
.L_overlay_start_2:
0xb2: {  	(tag) =	ssettag $0x2  }
0xb3: {  	s0 =	rddreg [dreg:$0x0];
	s2 =	stileid.u32  }
0xb4: {  	s1 =	rddreg [dreg:$0x1];
	p0 =	sne.s32 s2, $0x0  }
0xb5: {  	s3 =	rddreg [dreg:$0x2];
	[bflag:$0x3] =	sbarrier.arrive $0xFFFF;
	s2 =	simm.s32 @!p0 $0x1C02  }
0xb6: {  	[timem:s3], [sflag:s2] =	dma.local @!p0 [hbm:s0], s1  }
0xb7: {  	s0 =	simm.s32 @!p0 $0x2  }
0xb8: {  	_ =	swait.ge @!p0 [sflag:s0], s1  }
0xb9: {  	s1 =	ssub.s32 @!p0 $0x0, s1;
	[sflag:s0] =	ssyncset.done @!p0 $0x0  }
0xba: {  	[sflag:s0] =	ssyncadd.s32 @!p0 s1  }
0xbb: {  	[bflag:$0x3] =	sbarrier.arrive $0xFFFF  }
0xbc: {  	_ =	shalt  }

// kernel: kernel.8.cloned.1.call-start
scs
__scs_entry_jumppad:
0x0: {  	(pc) =	sbr.rel $0x88, $3  }
0x1: {  	(tag) =	ssettag $0x0;
	lr =	simm.s32 $0x1  }
0x2: {  	[smem:$0x3F88] =	sst lr;
	_ =	strace $0xD0000000  }
0x3: {  	_ = 	snop  }
0x4: {  	_ = 	snop  }
0x5: {  	_ = 	snop  }
0x6: {  	_ = 	snop  }
0x7: {  	_ = 	snop  }
__scs_overlays_trampoline_lowered:
0x8: {  	[smem:$0x3F97] =	sst s0  }
0x9: {  	[smem:$0x3F98] =	sst s1  }
0xa: {  	[smem:$0x3F99] =	sst s2  }
0xb: {  	[smem:$0x3F9A] =	sst s3  }
0xc: {  	[smem:$0x3F9B] =	sst s4  }
0xd: {  	[smem:$0x3F9C] =	sst s5  }
0xe: {  	[smem:$0x3F9D] =	sst s6  }
0xf: {  	[smem:$0x3F9E] =	sst s7  }
0x10: {  	[smem:$0x3F9F] =	sst s8  }
0x11: {  	[smem:$0x3FA0] =	sst s9;
	s0 =	simm.s32 @!p0 $0x0  }
0x12: {  	s1 =	sld [smem:$0x3F86];
	s0 =	simm.s32 @p0 $0x1  }
0x13: {  	[smem:$0x3FA1] =	sst s0;
	s0 =	simm.s32 @!p1 $0x0  }
0x14: {  	s2 =	sld [smem:$0x3F85];
	s0 =	simm.s32 @p1 $0x1  }
0x15: {  	[smem:$0x3FA2] =	sst s0;
	s0 =	simm.s32 @!p2 $0x0  }
0x16: {  	s3 =	sld [smem:$0x3FDB];
	s0 =	simm.s32 @p2 $0x1  }
0x17: {  	s4 =	simm.s32 $0x1BF5;
	[smem:$0x3FA4] =	sst s0  }
0x18: {  	s0 =	sld [smem:$0x3F87];
	_ =	swait.ge [sflag:s4], $0x0  }
0x19: {  	s7 =	sld [smem:$0x3F88]  }
0x1a: {  	s8 =	sadd.s32 $0xFFFFE003, lr  }
0x1b: {  	s9 =	sadd.s32 $0xFFFFFEF7, lr;
	s5 =	simm.s32 $0xFFFFFFFF;
	p2 =	slt.u32 s8, $0xFFFFF086  }
0x1c: {  	p1 =	slt.u32 s9, $0xF7A;
	s5 =	simm.s32 @!p2 $0x0  }
0x1d: {  	s5 =	simm.s32 @p1 $0x1;
	p0 =	seq.s32 s7, s2  }
0x1e: {  	s7 =	smul.u32 @!p0 $0xF7A, s2;
	p2 =	seq.s32 @!p0 s5, $0x0  }
0x1f: {  	s9 =	smul.u32 $0xF7A, s1;
	s8 =	simm.s32 @!p0 $0x1BF5;
	p2 =	por !p2, p0  }
0x20: {  	[sflag:s8] =	ssyncset.s32 @!p0 $0xFFFFF086;
	s6 =	sadd.s32 @!p0 s3, s7;
	s7 =	simm.s32 @!p0 $0x108  }
0x21: {  	s3 =	sadd.s32 s3, s9;
	s6 =	sadd.s32 @!p0 $0x88, s6;
	s7 =	simm.s32 @p2 $0x1082  }
0x22: {  	[simem:s7], [sflag:s8] =	dma.local @!p0 [hbm:s6], $0xF7A  }
0x23: {  	s9 =	sor.u32 $0xD0000000, s2;
	s6 =	simm.s32 $0x108;
	_ =	swait.ge @!p0 [sflag:s8], $0x0  }
0x24: {  	s3 =	sadd.s32 $0x88, s3;
	s6 =	simm.s32 @!p1 $0x1082;
	[sflag:s4] =	ssyncset.s32 $0xFFFFF086  }
0x25: {  	[simem:s6], [sflag:s4] =	dma.local [hbm:s3], $0xF7A  }
0x26: {  	[smem:$0x3F88] =	sst s1;
	(tag) =	ssettag s2;
	_ =	strace s9  }
0x27: {  	s1 =	sld [smem:$0x3F98]  }
0x28: {  	s2 =	sld [smem:$0x3F99]  }
0x29: {  	s4 =	sld [smem:$0x3F9B]  }
0x2a: {  	p0 =	seq.s32 s5, $0x0;
	s5 =	sld [smem:$0x3F9C]  }
0x2b: {  	s6 =	sld [smem:$0x3F9D]  }
0x2c: {  	s7 =	sld [smem:$0x3F9E]  }
0x2d: {  	s3 =	simm.s32 $0x108;
	s8 =	sld [smem:$0x3F9F]  }
0x2e: {  	s3 =	simm.s32 @!p0 $0x1082;
	s9 =	sld [smem:$0x3FA0]  }
0x2f: {  	lr =	sadd.s32 s0, s3;
	s0 =	sld [smem:$0x3F97]  }
0x30: {  	s3 =	sld [smem:$0x3F9A]  }
0x31: {  	[smem:$0x3FA3] =	sst s10  }
0x32: {  	s10 =	sld [smem:$0x3FA1];
	_ =	sdelay $0x3  }
0x33: {  	p0 =	seq.s32 s10, $0x1;
	s10 =	sld [smem:$0x3FA3];
	_ =	sdelay $0x3  }
0x34: {  	[smem:$0x3FA3] =	sst s10  }
0x35: {  	s10 =	sld [smem:$0x3FA2];
	_ =	sdelay $0x3  }
0x36: {  	p1 =	seq.s32 s10, $0x1;
	s10 =	sld [smem:$0x3FA3];
	_ =	sdelay $0x3  }
0x37: {  	[smem:$0x3FA3] =	sst s10  }
0x38: {  	s10 =	sld [smem:$0x3FA4]  }
0x39: {  	_ = 	snop;
	(pc) =	sbr.ind lr, $3  }
0x3a: {  	_ = 	snop  }
0x3b: {  	_ = 	snop  }
0x3c: {  	p2 =	seq.s32 s10, $0x1;
	s10 =	sld [smem:$0x3FA3]  }
0x3d: {  	_ =	shalt  }
0x3e: {  	_ =	shalt  }
0x3f: {  	_ =	shalt  }
0x40: {  	_ =	shalt  }
0x41: {  	_ =	shalt  }
0x42: {  	_ =	shalt  }
0x43: {  	_ =	shalt  }
0x44: {  	_ =	shalt  }
0x45: {  	_ =	shalt  }
0x46: {  	_ =	shalt  }
0x47: {  	_ =	shalt  }
0x48: {  	_ =	shalt  }
0x49: {  	_ =	shalt  }
0x4a: {  	_ =	shalt  }
0x4b: {  	_ =	shalt  }
0x4c: {  	_ =	shalt  }
0x4d: {  	_ =	shalt  }
0x4e: {  	_ =	shalt  }
0x4f: {  	_ =	shalt  }
0x50: {  	_ =	shalt  }
0x51: {  	_ =	shalt  }
0x52: {  	_ =	shalt  }
0x53: {  	_ =	shalt  }
0x54: {  	_ =	shalt  }
0x55: {  	_ =	shalt  }
0x56: {  	_ =	shalt  }
0x57: {  	_ =	shalt  }
0x58: {  	_ =	shalt  }
0x59: {  	_ =	shalt  }
0x5a: {  	_ =	shalt  }
0x5b: {  	_ =	shalt  }
0x5c: {  	_ =	shalt  }
0x5d: {  	_ =	shalt  }
0x5e: {  	_ =	shalt  }
0x5f: {  	_ =	shalt  }
0x60: {  	_ =	shalt  }
0x61: {  	_ =	shalt  }
0x62: {  	_ =	shalt  }
0x63: {  	_ =	shalt  }
0x64: {  	_ =	shalt  }
0x65: {  	_ =	shalt  }
0x66: {  	_ =	shalt  }
0x67: {  	_ =	shalt  }
0x68: {  	_ =	shalt  }
0x69: {  	_ =	shalt  }
0x6a: {  	_ =	shalt  }
0x6b: {  	_ =	shalt  }
0x6c: {  	_ =	shalt  }
0x6d: {  	_ =	shalt  }
0x6e: {  	_ =	shalt  }
0x6f: {  	_ =	shalt  }
0x70: {  	_ =	shalt  }
0x71: {  	_ =	shalt  }
0x72: {  	_ =	shalt  }
0x73: {  	_ =	shalt  }
0x74: {  	_ =	shalt  }
0x75: {  	_ =	shalt  }
0x76: {  	_ =	shalt  }
0x77: {  	_ =	shalt  }
0x78: {  	_ =	shalt  }
0x79: {  	_ =	shalt  }
0x7a: {  	_ =	shalt  }
0x7b: {  	_ =	shalt  }
0x7c: {  	_ =	shalt  }
0x7d: {  	_ =	shalt  }
0x7e: {  	_ =	shalt  }
0x7f: {  	_ =	shalt  }
0x80: {  	_ =	shalt  }
0x81: {  	_ =	shalt  }
0x82: {  	_ =	shalt  }
0x83: {  	_ =	shalt  }
0x84: {  	_ =	shalt  }
0x85: {  	_ =	shalt  }
0x86: {  	_ =	shalt  }
0x87: {  	_ =	shalt  }
.Lfunc_end0:
.L_simem_size_0:
called_computation_lowered:
.L_overlay_start_0:
0x88: {  	s2 =	sld [smem:$0x3FD9]  }
0x89: {  	s3 =	sld [smem:$0x3FFE];
	_ =	sdelay $0x1  }
0x8a: {  	s1 =	srdreg.scid  }
0x8b: {  	s0 =	sand.u32 $0x1, s1  }
0x8c: {  	s16 =	sshll.u32 s0, $0xA;
	s2 =	sadd.s32 s3, s2  }
0x8d: {  	s2 =	sadd.s32 s2, s16  }
0x8e: {  	[smem:$0x3FAF] =	sst s2  }
0x8f: {  	_ = 	snop  }
0x90: {  	(tm) =	ssettm $0x1  }
0x91: {  	s17 =	sld [smem:$0x3FFB];
	_ =	sdelay $0x3  }
0x92: {  	_ =	strace s17  }
0x93: {  	s2 =	sld [smem:$0x3FFC];
	_ =	sdelay $0x3  }
0x94: {  	_ =	strace s2  }
0x95: {  	s2 =	sld [smem:$0x3FFD];
	_ =	sdelay $0x3  }
0x96: {  	_ =	strace s2  }
0x97: {  	_ =	strace $0x8FFFFFFF  }
0x98: {  	s18 =	sld [smem:$0x3FDB];
	_ =	sdelay $0x1  }
0x99: {  	s19 =	simm.s32 $_scs_section_size  }
0x9a: {  	s4 =	simm.s32 $_size__tile_overlayer_lowered;
	s5 =	simm.s32 $_tile_overlayer_lowered  }
0x9b: {  	s22 =	simm.s32 $0x1BFF;
	s21 =	sshll.u32 s5, $0x1;
	s2 =	sadd.s32 s19, s18  }
0x9c: {  	s6 =	simm.s32 $0x0;
	s20 =	sshll.u32 s4, $0x1;
	s4 =	sadd.s32 s21, s2  }
0x9d: {  	[timem:s6], [sflag:s22] =	dma.local [hbm:s4], s20  }
0x9e: {  	_ =	swait.ge [sflag:s22], s20  }
0x9f: {  	s3 =	ssub.s32 $0x0, s20;
	[sflag:s22] =	ssyncset.done $0x0  }
0xa0: {  	[sflag:s22] =	ssyncadd.s32 s3;
	_ =	sdelay $0x1  }
0xa1: {  	s23 =	simm.s32 $0x1B8B  }
0xa2: {  	_ =	swait.ge [sflag:s23], $0x1  }
0xa3: {  	[sflag:s23] =	ssyncset.done $0x0  }
0xa4: {  	s25 =	simm.s32 $0x1B8E;
	s24 =	sld [smem:$0x3FFE];
	[sflag:s23] =	ssyncadd.s32 $0xFFFFFFFF  }
0xa5: {  	s26 =	simm.s32 $execute0_lowered;
	[smem:$0x3FD2] =	sst s25  }
0xa6: {  	s4 =	sshll.u32 s26, $0x1;
	_ =	strace $0x80000046;
	[dreg:$0x1] =	wrdreg $0xFFFFFFFF  }
0xa7: {  	s28 =	simm.s32 $_size_execute0_lowered;
	s2 =	sadd.s32 s2, s4;
	[dreg:$0x0] =	wrdreg $0x0  }
0xa8: {  	s4 =	sshll.u32 s28, $0x1;
	[dreg:$0x2] =	wrdreg s2  }
0xa9: {  	[dreg:$0x3] =	wrdreg s4  }
0xaa: {  	[dreg:$0x4] =	wrdreg $0xC0  }
0xab: {  	_ =	task [dreg:s6], $0x5FFFF  }
0xac: {  	[dreg:$0x1] =	wrdreg $0xFFFFFFFF  }
0xad: {  	[dreg:$0x0] =	wrdreg $0x60  }
0xae: {  	[dreg:$0x2] =	wrdreg s24  }
0xaf: {  	[dreg:$0x3] =	wrdreg $0x80000  }
0xb0: {  	[dreg:$0x4] =	wrdreg $0x9  }
0xb1: {  	_ =	task.clear_ibuf [dreg:s6], $0x5FFFF;
	_ =	strace $0x90000046  }
0xb2: {  	s29 =	simm.s32 $0x9;
	_ =	strace $0x80000048  }
0xb3: {  	_ =	swait.ge [sflag:s29], $0x1  }
0xb4: {  	[sflag:s29] =	ssyncadd.s32 $0xFFFFFFFF  }
0xb5: {  	_ =	strace $0x90000048  }
0xb6: {  	_ =	sfence  }
0xb7: {  	s30 =	sld [smem:$0x0];
	_ =	sdelay $0x2  }
0xb8: {  	s31 =	sshll.u32 s1, $0xD;
	s1 =	sshrl.u32 s1, $0x2  }
0xb9: {  	s3 =	sand.u32 $0x4000, s31;
	s1 =	sadd.s32 s1, s30  }
0xba: {  	s0 =	sor.u32 s3, s0;
	s1 =	sshll.u32 s1, $0x11  }
0xbb: {  	s0 =	sor.u32 s1, s0  }
0xbc: {  	s0 =	sadd.s32 $0x8F2B, s0  }
0xbd: {  	[sflag:s0] =	ssyncadd.remote.s32 $0x1  }
0xbe: {  	_ =	sfence.sel $0xFFFF  }
0xbf: {  	[dreg:$0x0] =	wrdreg $0xFFFFFFFF;
	(pc) =	sbr.abs _section_cstart, $3  }
0xc0: {  	[dreg:$0x1] =	wrdreg $0xFFFFFFFF  }
0xc1: {  	_ =	task.clear_ibuf [dreg:s6], $0x2FFFF;
	_ =	strace $0x9FFFFFFF  }
0xc2: {  	(tm) =	ssettm $0x7FFFFFFF  }
0xc3: {  	_ =	shalt  }
tec
execute0_lowered:
.L_overlay_start_1:
0x0: {  	(tag) =	ssettag $0x1  }
0x1: {  	s0 =	rddreg [dreg:$0x0]  }
0x2: {  	s2 =	rddreg [dreg:$0x1];
	s3 =	simm.s32 $0x0;
	s9 =	stileid.u32  }
0x3: {  	s6 =	srdreg.scid;
	s28 =	simm.s32 $0x2;
	s30 =	simm.s32 $0x7000  }
0x4: {  	s31 =	simm.s32 $0x80;
	[smem:$0x7FF] =	sst s3;
	s1 =	smul.u32 $0x500, s9  }
0x5: {  	s4 =	sadd.s32 $0x18C00, s0;
	s5 =	sadd.s32 $0x4C00, s0;
	s7 =	sand.u32 $0x1, s6  }
0x6: {  	s19 =	sadd.s32 $0x2CC00, s0;
	s20 =	sadd.s32 $0x4AE00, s0;
	s11 =	smul.u32 $0x28000, s9  }
0x7: {  	s23 =	smul.u32 $0x14000, s9;
	_ =	strace $0x80000047;
	[dreg:$0x3] =	wrdreg s19  }
0x8: {  	[dreg:$0x4] =	wrdreg s20;
	s8 =	ssub.s32 $0x2, s7;
	p0 =	seq.s32 s7, $0x1  }
0x9: {  	s7 =	simm.s32 $0x0;
	s1 =	sadd.s32 s1, s0;
	s0 =	sadd.s32 $0x36E00, s0  }
0xa: {  	s21 =	sshrl.u32 s8, $0x1;
	s24 =	sshrl.u32 s11, $0x2;
	s25 =	sshrl.u32 s23, $0x1  }
0xb: {  	s29 =	sadd.s32 $0x8000, s23;
	[dreg:$0x5] =	wrdreg s0;
	s0 =	ssub.s32 s8, s21  }
0xc: {  	s22 =	sadd.s32 $0x31E00, s1;
	s10 =	sadd.s32 $0x2CE00, s1;
	s1 =	sadd.s32 s24, s2  }
0xd: {  	s11 =	sadd.s32 s25, s2;
	s15 =	sshrl.u32 s29, $0x1;
	s24 =	sadd.s32 $0xC000, s23  }
0xe: {  	s25 =	sadd.s32 $0x10000, s23;
	s21 =	sshrl.u32 s23, $0x4;
	[dreg:$0x6] =	wrdreg s22  }
0xf: {  	s22 =	sadd.s32 $0x4000, s23;
	s12 =	sadd.s32 $0x1000, s1;
	s14 =	sadd.s32 $0x3000, s1  }
0x10: {  	s15 =	sadd.s32 s15, s2;
	s17 =	sshrl.u32 s24, $0x1;
	s18 =	sshrl.u32 s25, $0x1  }
.Ltmp0:
0x11: {  	s16 =	sadd.s32 $0x5000, s1;
	s19 =	sadd.s32 $0x7000, s1;
	(pc) =	sbr.rel .LBB2_1-.Ltmp0, $4  }
0x12: {  	s20 =	sadd.s32 $0x9000, s1;
	s23 =	sshrl.u32 s29, $0x4;
	s24 =	sshrl.u32 s24, $0x4  }
0x13: {  	s25 =	sshrl.u32 s25, $0x4;
	s1 =	simm.s32 $0x1;
	s26 =	sshrl.u32 s22, $0x1  }
0x14: {  	s17 =	sadd.s32 s17, s2;
	s18 =	sadd.s32 s18, s2;
	s22 =	sshrl.u32 s22, $0x4  }
0x15: {  	s13 =	sadd.s32 s26, s2;
	s26 =	smax.u32 s0, $0x1;
	s0 =	simm.s32 $0x5000  }
.LBB2_7:
0x16: {  	s6 =	sshra.s32 s8, $0x2;
	[sflag:s28] =	ssyncadd.s32 $0xFFFFE000  }
0x17: {  	[tilespmem:s0], [sflag:$0x1] =	stream.indirect.gather [hbm4b:s5+s31], $0x40, s6, s31, $0xb8;
	[tilespmem:$0x12000] =	vst v63  }
0x18: {  	_ =	swait.ge [sflag:s1], $0x2000  }
0x19: {  	[sflag:s1] =	ssyncset.done $0x0  }
0x1a: {  	s6 =	sadd.s32 $0x2800, s6;
	[sflag:s1] =	ssyncadd.s32 $0xFFFFE000  }
0x1b: {  	[spmem:s2] =	stream.indirect.scatter.add.bf16 [tilespmem:s0], [sflag:$0x2], $0x40, s6, s31, $0xb8;
	[tilespmem:$0x12000] =	vst v63  }
0x1c: {  	_ =	swait.ge [sflag:s28], $0x2000  }
0x1d: {  	[sflag:s28] =	ssyncset.done $0x0  }
0x1e: {  	s8 =	rddreg [dreg:$0x5];
	[sflag:s28] =	ssyncadd.s32 $0xFFFFE000  }
.LBB2_8:
0x1f: {  	[bflag:$0x0] =	sbarrier.arrive $0xFFFF  }
0x20: {  	[tilespmem:s0], [sflag:$0x2] =	stream.linear.gather [spmem:s11], $0x2000, $0x38;
	[tilespmem:$0x12000] =	vst v63  }
0x21: {  	_ =	swait.ge [sflag:s28], $0x2000  }
0x22: {  	[sflag:s28] =	ssyncset.done $0x0  }
0x23: {  	s6 =	sadd.s32 s8, s21;
	[sflag:s28] =	ssyncadd.s32 $0xFFFFE000  }
0x24: {  	[hbm4b:s6+s3] =	stream.linear.scatter [tilespmem:s0], [sflag:$0x2], $0x2000, $0x38;
	[tilespmem:$0x12000] =	vst v63  }
0x25: {  	_ =	swait.ge [sflag:s28], $0x2000  }
0x26: {  	[sflag:s28] =	ssyncset.done $0x0  }
0x27: {  	[sflag:s28] =	ssyncadd.s32 $0xFFFFE000  }
0x28: {  	[tilespmem:s0], [sflag:$0x2] =	stream.linear.gather [spmem:s13], $0x2000, $0x38;
	[tilespmem:$0x12000] =	vst v63  }
0x29: {  	_ =	swait.ge [sflag:s28], $0x2000  }
0x2a: {  	[sflag:s28] =	ssyncset.done $0x0  }
0x2b: {  	s9 =	sadd.s32 s8, s22;
	[sflag:s28] =	ssyncadd.s32 $0xFFFFE000  }
0x2c: {  	[hbm4b:s9+s3] =	stream.linear.scatter [tilespmem:s0], [sflag:$0x2], $0x2000, $0x38;
	[tilespmem:$0x12000] =	vst v63  }
0x2d: {  	_ =	swait.ge [sflag:s28], $0x2000  }
0x2e: {  	[sflag:s28] =	ssyncset.done $0x0  }
0x2f: {  	[sflag:s28] =	ssyncadd.s32 $0xFFFFE000  }
0x30: {  	[tilespmem:s0], [sflag:$0x2] =	stream.linear.gather [spmem:s15], $0x2000, $0x38;
	[tilespmem:$0x12000] =	vst v63  }
0x31: {  	_ =	swait.ge [sflag:s28], $0x2000  }
0x32: {  	[sflag:s28] =	ssyncset.done $0x0  }
0x33: {  	s29 =	sadd.s32 s8, s23;
	[sflag:s28] =	ssyncadd.s32 $0xFFFFE000  }
0x34: {  	[hbm4b:s29+s3] =	stream.linear.scatter [tilespmem:s0], [sflag:$0x2], $0x2000, $0x38;
	[tilespmem:$0x12000] =	vst v63  }
0x35: {  	_ =	swait.ge [sflag:s28], $0x2000  }
0x36: {  	[sflag:s28] =	ssyncset.done $0x0  }
0x37: {  	[sflag:s28] =	ssyncadd.s32 $0xFFFFE000  }
0x38: {  	[tilespmem:s0], [sflag:$0x2] =	stream.linear.gather [spmem:s17], $0x2000, $0x38;
	[tilespmem:$0x12000] =	vst v63  }
0x39: {  	_ =	swait.ge [sflag:s28], $0x2000  }
0x3a: {  	[sflag:s28] =	ssyncset.done $0x0  }
0x3b: {  	s9 =	sadd.s32 s8, s24;
	[sflag:s28] =	ssyncadd.s32 $0xFFFFE000  }
0x3c: {  	[hbm4b:s9+s3] =	stream.linear.scatter [tilespmem:s0], [sflag:$0x2], $0x2000, $0x38;
	[tilespmem:$0x12000] =	vst v63  }
0x3d: {  	_ =	swait.ge [sflag:s28], $0x2000  }
0x3e: {  	[sflag:s28] =	ssyncset.done $0x0  }
0x3f: {  	[sflag:s28] =	ssyncadd.s32 $0xFFFFE000  }
0x40: {  	[tilespmem:s0], [sflag:$0x2] =	stream.linear.gather [spmem:s18], $0x2000, $0x38;
	[tilespmem:$0x12000] =	vst v63  }
0x41: {  	s7 =	sadd.s32 $0x1, s7;
	_ =	swait.ge [sflag:s28], $0x2000  }
0x42: {  	p1 =	sne.s32 s7, s26;
	[sflag:s28] =	ssyncset.done $0x0  }
.Ltmp1:
0x43: {  	s29 =	sadd.s32 s8, s25;
	[sflag:s28] =	ssyncadd.s32 $0xFFFFE000;
	(pc) =	sbr.rel @!p1 .LBB2_9-.Ltmp1, $4  }
0x44: {  	[hbm4b:s29+s3] =	stream.linear.scatter [tilespmem:s0], [sflag:$0x2], $0x2000, $0x38;
	[tilespmem:$0x12000] =	vst v63  }
0x45: {  	_ =	swait.ge [sflag:s28], $0x2000  }
0x46: {  	[sflag:s28] =	ssyncset.done $0x0  }
0x47: {  	[sflag:s28] =	ssyncadd.s32 $0xFFFFE000  }
.LBB2_1:
0x48: {  	s6 =	rddreg [dreg:$0x6]  }
0x49: {  	[tilespmem:s3], [sflag:$0x2] =	stream.linear.gather [hbm4b:s6+s3], $0x2800, $0x38;
	[tilespmem:$0x12000] =	vst v63  }
0x4a: {  	_ =	swait.ge [sflag:s28], $0x2800  }
0x4b: {  	[sflag:s28] =	ssyncset.done $0x0  }
0x4c: {  	s9 =	simm.s32 $0x2800;
	[sflag:s28] =	ssyncadd.s32 $0xFFFFD800  }
0x4d: {  	[tilespmem:s9], [sflag:$0x2] =	stream.linear.gather [hbm4b:s10+s3], $0x2800, $0x38;
	[tilespmem:$0x12000] =	vst v63  }
0x4e: {  	_ =	swait.ge [sflag:s28], $0x2800  }
0x4f: {  	[sflag:s28] =	ssyncset.done $0x0  }
0x50: {  	s29 =	rddreg [dreg:$0x3];
	[sflag:s28] =	ssyncadd.s32 $0xFFFFD800  }
0x51: {  	[tilespmem:s30], [sflag:$0x2] =	stream.linear.gather [hbm4b:s29+s3], $0x1000, $0x38;
	[tilespmem:$0x12000] =	vst v63  }
0x52: {  	_ =	swait.ge [sflag:s28], $0x1000  }
0x53: {  	[sflag:s28] =	ssyncset.done $0x0  }
0x54: {  	[sflag:s28] =	ssyncadd.s32 $0xFFFFF000  }
0x55: {  	[spmem:s11] =	stream.linear.scatter [tilespmem:s30], [sflag:$0x2], $0x1000, $0x38;
	[tilespmem:$0x12000] =	vst v63  }
0x56: {  	_ =	swait.ge [sflag:s28], $0x1000  }
0x57: {  	[sflag:s28] =	ssyncset.done $0x0  }
0x58: {  	[sflag:s28] =	ssyncadd.s32 $0xFFFFF000  }
0x59: {  	[spmem:s12] =	stream.linear.scatter [tilespmem:s30], [sflag:$0x2], $0x1000, $0x38;
	[tilespmem:$0x12000] =	vst v63  }
0x5a: {  	_ =	swait.ge [sflag:s28], $0x1000  }
0x5b: {  	[sflag:s28] =	ssyncset.done $0x0  }
0x5c: {  	[sflag:s28] =	ssyncadd.s32 $0xFFFFF000  }
0x5d: {  	[spmem:s13] =	stream.linear.scatter [tilespmem:s30], [sflag:$0x2], $0x1000, $0x38;
	[tilespmem:$0x12000] =	vst v63  }
0x5e: {  	_ =	swait.ge [sflag:s28], $0x1000  }
0x5f: {  	[sflag:s28] =	ssyncset.done $0x0  }
0x60: {  	[sflag:s28] =	ssyncadd.s32 $0xFFFFF000  }
0x61: {  	[spmem:s14] =	stream.linear.scatter [tilespmem:s30], [sflag:$0x2], $0x1000, $0x38;
	[tilespmem:$0x12000] =	vst v63  }
0x62: {  	_ =	swait.ge [sflag:s28], $0x1000  }
0x63: {  	[sflag:s28] =	ssyncset.done $0x0  }
0x64: {  	[sflag:s28] =	ssyncadd.s32 $0xFFFFF000  }
0x65: {  	[spmem:s15] =	stream.linear.scatter [tilespmem:s30], [sflag:$0x2], $0x1000, $0x38;
	[tilespmem:$0x12000] =	vst v63  }
0x66: {  	_ =	swait.ge [sflag:s28], $0x1000  }
0x67: {  	[sflag:s28] =	ssyncset.done $0x0  }
0x68: {  	[sflag:s28] =	ssyncadd.s32 $0xFFFFF000  }
0x69: {  	[spmem:s16] =	stream.linear.scatter [tilespmem:s30], [sflag:$0x2], $0x1000, $0x38;
	[tilespmem:$0x12000] =	vst v63  }
0x6a: {  	_ =	swait.ge [sflag:s28], $0x1000  }
0x6b: {  	[sflag:s28] =	ssyncset.done $0x0  }
0x6c: {  	[sflag:s28] =	ssyncadd.s32 $0xFFFFF000  }
0x6d: {  	[spmem:s17] =	stream.linear.scatter [tilespmem:s30], [sflag:$0x2], $0x1000, $0x38;
	[tilespmem:$0x12000] =	vst v63  }
0x6e: {  	_ =	swait.ge [sflag:s28], $0x1000  }
0x6f: {  	[sflag:s28] =	ssyncset.done $0x0  }
0x70: {  	[sflag:s28] =	ssyncadd.s32 $0xFFFFF000  }
0x71: {  	[spmem:s19] =	stream.linear.scatter [tilespmem:s30], [sflag:$0x2], $0x1000, $0x38;
	[tilespmem:$0x12000] =	vst v63  }
0x72: {  	_ =	swait.ge [sflag:s28], $0x1000  }
0x73: {  	[sflag:s28] =	ssyncset.done $0x0  }
0x74: {  	[sflag:s28] =	ssyncadd.s32 $0xFFFFF000  }
0x75: {  	[spmem:s18] =	stream.linear.scatter [tilespmem:s30], [sflag:$0x2], $0x1000, $0x38;
	[tilespmem:$0x12000] =	vst v63  }
0x76: {  	_ =	swait.ge [sflag:s28], $0x1000  }
0x77: {  	[sflag:s28] =	ssyncset.done $0x0  }
0x78: {  	[sflag:s28] =	ssyncadd.s32 $0xFFFFF000  }
0x79: {  	[spmem:s20] =	stream.linear.scatter [tilespmem:s30], [sflag:$0x2], $0x1000, $0x38;
	[tilespmem:$0x12000] =	vst v63  }
.Ltmp2:
0x7a: {  	_ =	swait.ge [sflag:s28], $0x1000;
	(pc) =	sbr.rel @!p0 .LBB2_2-.Ltmp2, $3  }
0x7b: {  	[sflag:s28] =	ssyncset.done $0x0  }
0x7c: {  	[sflag:s28] =	ssyncadd.s32 $0xFFFFF000  }
0x7d: {  	[bflag:$0x0] =	sbarrier.arrive $0xFFFF;
	_ =	sdelay $0x1  }
0x7e: {  	s6 =	simm.s32 $0x0  }
0x7f: {  	[tilespmem:s0], [sflag:$0x1] =	stream.indirect.gather [hbm4b:s5+s31], $0x40, s6, s31, $0xb8;
	[tilespmem:$0x12000] =	vst v63  }
0x80: {  	_ =	swait.ge [sflag:s1], $0x2000  }
0x81: {  	[sflag:s1] =	ssyncset.done $0x0  }
0x82: {  	s9 =	simm.s32 $0x2800;
	[sflag:s1] =	ssyncadd.s32 $0xFFFFE000  }
0x83: {  	[spmem:s2] =	stream.indirect.scatter.add.bf16 [tilespmem:s0], [sflag:$0x2], $0x40, s9, s31, $0xb8;
	[tilespmem:$0x12000] =	vst v63  }
0x84: {  	_ =	swait.ge [sflag:s28], $0x2000  }
0x85: {  	s8 =	simm.s32 $0x200;
	s29 =	simm.s32 $0x400;
	[sflag:s28] =	ssyncset.done $0x0  }
.LBB2_6:
0x86: {  	s6 =	sshra.s32 s8, $0x2  }
0x87: {  	[sflag:s28] =	ssyncadd.s32 $0xFFFFE000;
	s8 =	smov.u32 s29;
	s9 =	sadd.s32 $0x200, s29  }
0x88: {  	[tilespmem:s0], [sflag:$0x1] =	stream.indirect.gather [hbm4b:s5+s31], $0x40, s6, s31, $0xb8;
	[tilespmem:$0x12000] =	vst v63  }
0x89: {  	p1 =	sne.s32 s29, $0x9E00;
	_ =	swait.ge [sflag:s1], $0x2000  }
.Ltmp3:
0x8a: {  	[sflag:s1] =	ssyncset.done $0x0;
	(pc) =	sbr.rel @p1 .LBB2_6-.Ltmp3, $4  }
0x8b: {  	s6 =	sadd.s32 $0x2800, s6;
	[sflag:s1] =	ssyncadd.s32 $0xFFFFE000  }
0x8c: {  	[spmem:s2] =	stream.indirect.scatter.add.bf16 [tilespmem:s0], [sflag:$0x2], $0x40, s6, s31, $0xb8;
	[tilespmem:$0x12000] =	vst v63  }
0x8d: {  	_ =	swait.ge [sflag:s28], $0x2000  }
0x8e: {  	s29 =	smov.u32 s9;
	[sflag:s28] =	ssyncset.done $0x0  }
.Ltmp4:
0x8f: {  	_ = 	snop;
	(pc) =	sbr.rel .LBB2_7-.Ltmp4, $1  }
0x90: {  	_ =	sdelay $0x3  }
.LBB2_2:
0x91: {  	s8 =	simm.s32 $0x0  }
0x92: {  	[tilespmem:s0], [sflag:$0x1] =	stream.indirect.gather [hbm4b:s4+s31], $0x40, s8, s31, $0xb8;
	[tilespmem:$0x12000] =	vst v63  }
0x93: {  	_ =	swait.ge [sflag:s1], $0x2000  }
0x94: {  	[sflag:s1] =	ssyncset.done $0x0  }
0x95: {  	s9 =	simm.s32 $0x2800;
	[sflag:s1] =	ssyncadd.s32 $0xFFFFE000  }
0x96: {  	[spmem:s2] =	stream.indirect.scatter.add.bf16 [tilespmem:s0], [sflag:$0x2], $0x40, s9, s31, $0xb8;
	[tilespmem:$0x12000] =	vst v63  }
0x97: {  	_ =	swait.ge [sflag:s28], $0x2000  }
0x98: {  	s29 =	simm.s32 $0x400;
	s8 =	simm.s32 $0x200;
	[sflag:s28] =	ssyncset.done $0x0  }
.LBB2_3:
0x99: {  	s6 =	sshra.s32 s8, $0x2  }
0x9a: {  	[sflag:s28] =	ssyncadd.s32 $0xFFFFE000;
	s8 =	smov.u32 s29;
	s9 =	sadd.s32 $0x200, s29  }
0x9b: {  	[tilespmem:s0], [sflag:$0x1] =	stream.indirect.gather [hbm4b:s4+s31], $0x40, s6, s31, $0xb8;
	[tilespmem:$0x12000] =	vst v63  }
0x9c: {  	p1 =	seq.s32 s29, $0x9E00;
	_ =	swait.ge [sflag:s1], $0x2000  }
.Ltmp5:
0x9d: {  	[sflag:s1] =	ssyncset.done $0x0;
	(pc) =	sbr.rel @!p1 .LBB2_3-.Ltmp5, $4  }
0x9e: {  	s6 =	sadd.s32 $0x2800, s6;
	[sflag:s1] =	ssyncadd.s32 $0xFFFFE000  }
0x9f: {  	[spmem:s2] =	stream.indirect.scatter.add.bf16 [tilespmem:s0], [sflag:$0x2], $0x40, s6, s31, $0xb8;
	[tilespmem:$0x12000] =	vst v63  }
0xa0: {  	_ =	swait.ge [sflag:s28], $0x2000  }
0xa1: {  	s29 =	smov.u32 s9;
	[sflag:s28] =	ssyncset.done $0x0  }
0xa2: {  	s6 =	sshra.s32 s8, $0x2;
	[sflag:s28] =	ssyncadd.s32 $0xFFFFE000  }
0xa3: {  	[tilespmem:s0], [sflag:$0x1] =	stream.indirect.gather [hbm4b:s4+s31], $0x40, s6, s31, $0xb8;
	[tilespmem:$0x12000] =	vst v63  }
0xa4: {  	_ =	swait.ge [sflag:s1], $0x2000  }
0xa5: {  	[sflag:s1] =	ssyncset.done $0x0  }
.Ltmp6:
0xa6: {  	s6 =	sadd.s32 $0x2800, s6;
	[sflag:s1] =	ssyncadd.s32 $0xFFFFE000;
	(pc) =	sbr.rel .LBB2_8-.Ltmp6, $4  }
0xa7: {  	[spmem:s2] =	stream.indirect.scatter.add.bf16 [tilespmem:s0], [sflag:$0x2], $0x40, s6, s31, $0xb8;
	[tilespmem:$0x12000] =	vst v63  }
0xa8: {  	_ =	swait.ge [sflag:s28], $0x2000  }
0xa9: {  	[sflag:s28] =	ssyncset.done $0x0  }
0xaa: {  	s8 =	rddreg [dreg:$0x4];
	[sflag:s28] =	ssyncadd.s32 $0xFFFFE000  }
.LBB2_9:
0xab: {  	_ =	sfence.sel $0x180000  }
0xac: {  	[bflag:$0x0] =	sbarrier.arrive $0xFFFF  }
0xad: {  	_ =	strace $0x90000047  }
0xae: {  	s0 =	stileid.u32;
	[bflag:$0x2] =	sbarrier.arrive $0xFFFF  }
0xaf: {  	p0 =	sne.s32 s0, $0x0;
	s0 =	rddreg [dreg:$0x2]  }
0xb0: {  	s0 =	sadd.s32 @!p0 $0x100000, s0  }
0xb1: {  	[sflag:s0] =	ssyncadd.tile.s32 @!p0 $0x1;
	_ =	shalt  }
.Lfunc_end2:
_tile_overlayer_lowered:
.L_overlay_start_2:
0xb2: {  	(tag) =	ssettag $0x2  }
0xb3: {  	s0 =	rddreg [dreg:$0x0];
	s2 =	stileid.u32  }
0xb4: {  	s1 =	rddreg [dreg:$0x1];
	p0 =	sne.s32 s2, $0x0  }
0xb5: {  	s3 =	rddreg [dreg:$0x2];
	[bflag:$0x3] =	sbarrier.arrive $0xFFFF;
	s2 =	simm.s32 @!p0 $0x1C02  }
0xb6: {  	[timem:s3], [sflag:s2] =	dma.local @!p0 [hbm:s0], s1  }
0xb7: {  	s0 =	simm.s32 @!p0 $0x2  }
0xb8: {  	_ =	swait.ge @!p0 [sflag:s0], s1  }
0xb9: {  	s1 =	ssub.s32 @!p0 $0x0, s1;
	[sflag:s0] =	ssyncset.done @!p0 $0x0  }
0xba: {  	[sflag:s0] =	ssyncadd.s32 @!p0 s1  }
0xbb: {  	[bflag:$0x3] =	sbarrier.arrive $0xFFFF  }
0xbc: {  	_ =	shalt  }

</sc_bundles>
